<compile_context>
chip_gen: v7x
topology: tpu7x:2x2x1
jax: 0.10.2.dev20260603
libtpu: 0.0.44.dev20260713+nightly
codegen_flags: <defaults>
</compile_context>

<pallas_src>
import jax
import jax.numpy as jnp
from jax import lax
from jax.experimental import pallas as pl
from jax.experimental.pallas import tpu as pltpu
from jax.experimental.pallas import tpu_sc as plsc

N = 4096
MOL = 16
CUT2 = 0.0625

NW = 32
DPW = N // NW
ECAP = 10240
E_ALL = NW * ECAP
FCH = 128
FEAT = 48
ET = 2048


def _fsqrt(x):
    y = plsc.bitcast(
        jax.lax.shift_right_logical(plsc.bitcast(x, jnp.int32), 1)
        + jnp.int32(0x1FBD1DF5),
        jnp.float32,
    )
    for _ in range(3):
        y = 0.5 * (y + x / y)
    return y


def _sincos(t):
    t2 = t * t
    s = t * (1.0 + t2 * (-1.0 / 6.0 + t2 * (1.0 / 120.0 - t2 * (1.0 / 5040.0))))
    c = 1.0 + t2 * (-0.5 + t2 * (1.0 / 24.0 - t2 * (1.0 / 720.0)))
    return s, c


def _edge_kernel(x0_h, x1_h, sa_h, ca_h, mol_h,
                 feat_h, edst_h, cnt_h,
                 x0t, x1t, sat, cat, molt, esrc, edst, fstage, cbuf):
    wid = lax.axis_index("s") * 2 + lax.axis_index("c")
    base = wid * DPW

    pltpu.sync_copy(x0_h, x0t.at[pl.ds(0, N)])
    pltpu.sync_copy(x1_h, x1t.at[pl.ds(0, N)])
    pltpu.sync_copy(sa_h, sat)
    pltpu.sync_copy(ca_h, cat)
    pltpu.sync_copy(mol_h, molt)

    lanes = lax.iota(jnp.int32, 16)

    def dst_body(di, off):
        d = base + di
        dvec = jnp.full((16,), d, jnp.int32)
        xd0 = plsc.load_gather(x0t, [dvec])
        xd1 = plsc.load_gather(x1t, [dvec])

        off = jnp.minimum(off, ECAP - 16)

        def chunk_body(c, carry):
            off, cx0, cx1 = carry
            for u in range(8):
                c0 = c * 128 + u * 16
                nx0 = x0t[pl.ds(c0 + 16, 16)]
                nx1 = x1t[pl.ds(c0 + 16, 16)]
                sidx = lanes + c0
                dx = cx0 - xd0
                dy = cx1 - xd1
                d2 = dx * dx + dy * dy
                m = jnp.logical_and(d2 <= CUT2, sidx != d)
                plsc.store_compressed(esrc.at[pl.ds(off, 16)], sidx, mask=m)
                plsc.store_compressed(edst.at[pl.ds(off, 16)], dvec, mask=m)
                off = off + plsc.all_reduce_population_count(m)[0]
                cx0, cx1 = nx0, nx1
            return off, cx0, cx1

        off, _, _ = lax.fori_loop(
            0, N // 128, chunk_body,
            (off, x0t[pl.ds(0, 16)], x1t[pl.ds(0, 16)]))
        return off

    off_s = lax.fori_loop(0, DPW, dst_body, jnp.int32(0))
    cnt = jnp.minimum(off_s, ECAP - 16)

    neg1 = jnp.full((16,), -1, jnp.int32)

    def fill_body(g, _):
        idx = g * 16 + lanes
        plsc.store_scatter(edst, [idx], neg1, mask=idx >= cnt)
        return 0

    lax.fori_loop(lax.div(cnt, 16), ECAP // 16, fill_body, 0)

    z = jnp.zeros((16,), jnp.float32)
    for rr in range(41, FEAT):
        for cc in range(0, FCH, 16):
            fstage[rr, pl.ds(cc, 16)] = z

    col0 = wid * ECAP
    gpb = FCH // 16
    ngroups = (cnt + 15) // 16

    def g_body(g, _):
        e0 = g * 16
        fo = lax.rem(g, gpb) * 16
        s = jnp.clip(esrc[pl.ds(e0, 16)], 0, N - 1)
        dcl = jnp.clip(edst[pl.ds(e0, 16)], 0, N - 1)
        xj0 = plsc.load_gather(x0t, [s])
        xj1 = plsc.load_gather(x1t, [s])
        xi0 = plsc.load_gather(x0t, [dcl])
        xi1 = plsc.load_gather(x1t, [dcl])
        dx = xj0 - xi0
        dy = xj1 - xi1
        d2 = jnp.maximum(dx * dx + dy * dy, 1e-12)
        r = _fsqrt(d2)
        sr, cr = _sincos(r)
        s2r, c2r = _sincos(2.0 * r)
        saj = plsc.load_gather(sat, [s])
        caj = plsc.load_gather(cat, [s])
        sai = plsc.load_gather(sat, [dcl])
        cai = plsc.load_gather(cat, [dcl])
        sda = saj * cai - caj * sai
        cda = caj * cai + saj * sai
        fstage[0, pl.ds(fo, 16)] = dx
        fstage[1, pl.ds(fo, 16)] = dy
        fstage[2, pl.ds(fo, 16)] = r
        fstage[3, pl.ds(fo, 16)] = sr
        fstage[4, pl.ds(fo, 16)] = cr
        fstage[5, pl.ds(fo, 16)] = s2r
        fstage[6, pl.ds(fo, 16)] = c2r
        fstage[7, pl.ds(fo, 16)] = sda
        fstage[8, pl.ds(fo, 16)] = cda
        dbase = dcl * MOL
        sbase = s * MOL
        for k in range(MOL):
            mik = plsc.load_gather(molt, [dbase + k])
            mjk = plsc.load_gather(molt, [sbase + k])
            fstage[9 + k, pl.ds(fo, 16)] = mjk - mik
            fstage[25 + k, pl.ds(fo, 16)] = mik

        @pl.when(jnp.logical_or(fo == FCH - 16, g == ngroups - 1))
        def _flush():
            b = lax.div(g, gpb)
            pltpu.sync_copy(fstage,
                            feat_h.at[:, pl.ds(col0 + b * FCH, FCH)])

        return 0

    lax.fori_loop(0, ngroups, g_body, 0)

    for rr in range(0, 41):
        for cc in range(0, FCH, 16):
            fstage[rr, pl.ds(cc, 16)] = z

    def zf_body(b, _):
        pltpu.sync_copy(fstage, feat_h.at[:, pl.ds(col0 + b * FCH, FCH)])
        return 0

    lax.fori_loop((cnt + FCH - 1) // FCH, ECAP // FCH, zf_body, 0)

    pltpu.sync_copy(edst.at[pl.ds(0, ECAP)], edst_h.at[wid])
    cbuf[pl.ds(0, 16)] = jnp.full((16,), cnt, jnp.int32)
    pltpu.sync_copy(cbuf, cnt_h.at[wid])


TPW = ECAP // ET


def _tc_body(feat_ref, dst_ref, ang_ref, mol_ref, gen_ref,
             w1_ref, b1_ref, w2_ref, b2_ref, w3_ref, b3_ref,
             w1a_ref, w1s_ref, w1c_ref, w1m_ref, w1g_ref, ub1_ref,
             uw2_ref, ub2_ref, uw3_ref, ub3_ref, uw4_ref, ub4_ref,
             uw5_ref, ub5_ref, upd_ref, aggs):
    i = pl.program_id(0)
    j = pl.program_id(1)
    ft = feat_ref[...]
    h = jnp.maximum(
        jnp.dot(w1_ref[...], ft, preferred_element_type=jnp.float32)
        + b1_ref[...], 0.0)
    h = jnp.maximum(
        jnp.dot(w2_ref[...], h, preferred_element_type=jnp.float32)
        + b2_ref[...], 0.0)
    h = jnp.maximum(
        jnp.dot(w3_ref[...], h, preferred_element_type=jnp.float32)
        + b3_ref[...], 0.0)
    dlocT = jnp.transpose(
        (dst_ref[0] - i * DPW).astype(jnp.bfloat16))
    rowsT = lax.broadcasted_iota(jnp.int32, (ET, DPW), 1).astype(jnp.bfloat16)
    ohT = (rowsT == dlocT).astype(jnp.bfloat16)
    contrib = jnp.dot(h.astype(jnp.bfloat16), ohT,
                      preferred_element_type=jnp.float32)

    @pl.when(j == 0)
    def _init():
        aggs[...] = contrib

    @pl.when(j > 0)
    def _acc():
        aggs[...] += contrib

    @pl.when(j == TPW - 1)
    def _update_mlp():
        sa = jnp.sin(ang_ref[...])
        ca = jnp.cos(ang_ref[...])
        u = (jnp.dot(jnp.transpose(aggs[...]), w1a_ref[...],
                     preferred_element_type=jnp.float32)
             + sa * w1s_ref[...] + ca * w1c_ref[...]
             + jnp.dot(mol_ref[...], w1m_ref[...],
                       preferred_element_type=jnp.float32)
             + gen_ref[...] * w1g_ref[...] + ub1_ref[...])
        u = jnp.maximum(u, 0.0)
        u = jnp.maximum(
            jnp.dot(u, uw2_ref[...], preferred_element_type=jnp.float32)
            + ub2_ref[...], 0.0)
        u = jnp.maximum(
            jnp.dot(u, uw3_ref[...], preferred_element_type=jnp.float32)
            + ub3_ref[...], 0.0)
        u = jnp.maximum(
            jnp.dot(u, uw4_ref[...], preferred_element_type=jnp.float32)
            + ub4_ref[...], 0.0)
        upd_ref[...] = (
            jnp.dot(u, uw5_ref[...], preferred_element_type=jnp.float32)
            + ub5_ref[...])


@jax.jit
def kernel(x, angle, molecules, generation, Wm1, bm1, Wm2, bm2, Wm3, bm3,
           Wu1, bu1, Wu2, bu2, Wu3, bu3, Wu4, bu4, Wu5, bu5):
    x0 = x[:, 0]
    x1 = x[:, 1]
    sa = jnp.sin(angle[:, 0])
    ca = jnp.cos(angle[:, 0])

    mesh = plsc.VectorSubcoreMesh(core_axis_name="c", subcore_axis_name="s")

    sc_params = pltpu.CompilerParams(needs_layout_passes=False)
    edge_fn = pl.kernel(
        _edge_kernel,
        compiler_params=sc_params,
        out_type=(
            jax.ShapeDtypeStruct((FEAT, E_ALL), jnp.float32),
            jax.ShapeDtypeStruct((NW, ECAP), jnp.int32),
            jax.ShapeDtypeStruct((NW, 16), jnp.int32),
        ),
        mesh=mesh,
        scratch_types=[
            pltpu.VMEM((N + 16,), jnp.float32),
            pltpu.VMEM((N + 16,), jnp.float32),
            pltpu.VMEM((N,), jnp.float32),
            pltpu.VMEM((N,), jnp.float32),
            pltpu.VMEM((N * MOL,), jnp.float32),
            pltpu.VMEM((ECAP + N,), jnp.int32),
            pltpu.VMEM((ECAP + N,), jnp.int32),
            pltpu.VMEM((FEAT, FCH), jnp.float32),
            pltpu.VMEM((16,), jnp.int32),
        ],
    )
    featT, edst_all, counts = edge_fn(x0, x1, sa, ca, molecules.reshape(-1))

    w1t = jnp.zeros((64, FEAT), jnp.float32).at[:, :41].set(Wm1.T)
    edst3 = edst_all.reshape(NW * TPW, 1, ET)
    cw = lambda i, j: (0, 0)
    upd = pl.pallas_call(
        _tc_body,
        grid=(NW, TPW),
        in_specs=[
            pl.BlockSpec((FEAT, ET), lambda i, j: (0, i * TPW + j)),
            pl.BlockSpec((1, 1, ET), lambda i, j: (i * TPW + j, 0, 0)),
            pl.BlockSpec((DPW, 1), lambda i, j: (i, 0)),
            pl.BlockSpec((DPW, MOL), lambda i, j: (i, 0)),
            pl.BlockSpec((DPW, 1), lambda i, j: (i, 0)),
            pl.BlockSpec((64, FEAT), cw),
            pl.BlockSpec((64, 1), cw),
            pl.BlockSpec((64, 64), cw),
            pl.BlockSpec((64, 1), cw),
            pl.BlockSpec((64, 64), cw),
            pl.BlockSpec((64, 1), cw),
            pl.BlockSpec((64, 64), cw),
            pl.BlockSpec((1, 64), cw),
            pl.BlockSpec((1, 64), cw),
            pl.BlockSpec((MOL, 64), cw),
            pl.BlockSpec((1, 64), cw),
            pl.BlockSpec((1, 64), cw),
            pl.BlockSpec((64, 64), cw),
            pl.BlockSpec((1, 64), cw),
            pl.BlockSpec((64, 64), cw),
            pl.BlockSpec((1, 64), cw),
            pl.BlockSpec((64, 64), cw),
            pl.BlockSpec((1, 64), cw),
            pl.BlockSpec((64, 20), cw),
            pl.BlockSpec((1, 20), cw),
        ],
        out_specs=pl.BlockSpec((DPW, 20), lambda i, j: (i, 0)),
        out_shape=jax.ShapeDtypeStruct((N, 20), jnp.float32),
        scratch_shapes=[pltpu.VMEM((64, DPW), jnp.float32)],
    )(featT, edst3, angle, molecules, generation,
      w1t, bm1[:, None], Wm2.T, bm2[:, None], Wm3.T, bm3[:, None],
      Wu1[:64], Wu1[64:65], Wu1[65:66], Wu1[66:82], Wu1[82:83], bu1[None, :],
      Wu2, bu2[None, :], Wu3, bu3[None, :], Wu4, bu4[None, :],
      Wu5, bu5[None, :])

    return (upd[:, 0:2], upd[:, 2:3], upd[:, 3:3 + MOL],
            upd[:, 3 + MOL:4 + MOL])

# --- scband reference (transcript-rebuilt; emitter-appended) ---
"""Pipeline reference for scband-particle-nca-30683246363201 (READ-ONLY COPY).

The authoritative reference and input builder live on the scoring server;
editing this copy changes nothing except your own understanding.
"""

import jax, jax.numpy as jnp
import numpy as np

N = 4096
MOL = 16
CUTOFF = 0.25


def _linear(key, fi, fo):
    k1, k2 = jax.random.split(key)
    lim = 1.0 / np.sqrt(fi)
    W = jax.random.uniform(k1, (fi, fo), minval=-lim, maxval=lim, dtype=jnp.float32)
    b = jax.random.uniform(k2, (fo,), minval=-lim, maxval=lim, dtype=jnp.float32)
    return W, b


def setup_inputs(seed: int = 0):
    key = jax.random.key(seed)
    ks = jax.random.split(key, 11)
    x = jax.random.normal(ks[0], (N, 2), dtype=jnp.float32)
    angle = jax.random.normal(ks[1], (N, 1), dtype=jnp.float32)
    molecules = jax.random.normal(ks[2], (N, MOL), dtype=jnp.float32)
    generation = jnp.zeros((N, 1), dtype=jnp.float32)
    Wm1, bm1 = _linear(ks[3], 41, 64)
    Wm2, bm2 = _linear(ks[4], 64, 64)
    Wm3, bm3 = _linear(ks[5], 64, 64)
    Wu1, bu1 = _linear(ks[6], 83, 64)
    Wu2, bu2 = _linear(ks[7], 64, 64)
    Wu3, bu3 = _linear(ks[8], 64, 64)
    Wu4, bu4 = _linear(ks[9], 64, 64)
    Wu5, bu5 = _linear(ks[10], 64, 20)
    return {"x": x, "angle": angle, "molecules": molecules, "generation": generation,
            "Wm1": Wm1, "bm1": bm1, "Wm2": Wm2, "bm2": bm2, "Wm3": Wm3, "bm3": bm3,
            "Wu1": Wu1, "bu1": bu1, "Wu2": Wu2, "bu2": bu2, "Wu3": Wu3, "bu3": bu3,
            "Wu4": Wu4, "bu4": bu4, "Wu5": Wu5, "bu5": bu5}


def _neighbors(x):
    diff = x[:, None, :] - x[None, :, :]
    dist = jnp.sqrt(jnp.clip((diff ** 2).sum(-1), 1e-12))
    dist = dist + jnp.eye(x.shape[0], dtype=dist.dtype) * 1000000.0
    mask = dist <= CUTOFF
    dst, src = jnp.nonzero(mask, size=(x.shape[0] * x.shape[0]) // 8, fill_value=x.shape[0])
    return src, dst


def _forward(x, angle, molecules, generation, src, dst, Wm1, bm1, Wm2, bm2, Wm3, bm3, Wu1, bu1, Wu2, bu2, Wu3, bu3, Wu4, bu4, Wu5, bu5):
    Np = x.shape[0]
    x_i = x[dst]
    x_j = x[src]
    angle_i = angle[dst]
    angle_j = angle[src]
    mol_i = molecules[dst]
    mol_j = molecules[src]
    dxdy = x_j - x_i
    r = jnp.sqrt(jnp.clip((dxdy ** 2).sum(-1, keepdims=True), 1e-12))
    d_angle = angle_j - angle_i
    ang_feat = jnp.concatenate([jnp.sin(d_angle), jnp.cos(d_angle)], axis=-1)
    d_mol = mol_j - mol_i
    r_pe = jnp.concatenate([jnp.sin(r), jnp.cos(r), jnp.sin(2.0 * r), jnp.cos(2.0 * r)], axis=-1)
    rel_geom = jnp.concatenate([dxdy, r, r_pe], axis=-1)
    rel_in = jnp.concatenate([rel_geom, ang_feat, d_mol, mol_i], axis=-1)
    h = jax.nn.relu(rel_in @ Wm1 + bm1)
    h = jax.nn.relu(h @ Wm2 + bm2)
    msg = jax.nn.relu(h @ Wm3 + bm3)
    agg = jnp.zeros((Np, msg.shape[-1]), dtype=msg.dtype).at[dst].add(msg)
    self_ang = jnp.concatenate([jnp.sin(angle), jnp.cos(angle)], axis=-1)
    self_feat = jnp.concatenate([self_ang, molecules, generation], axis=-1)
    u = jnp.concatenate([agg, self_feat], axis=-1)
    u = jax.nn.relu(u @ Wu1 + bu1)
    u = jax.nn.relu(u @ Wu2 + bu2)
    u = jax.nn.relu(u @ Wu3 + bu3)
    u = jax.nn.relu(u @ Wu4 + bu4)
    upd = u @ Wu5 + bu5
    return (upd[:, 0:2], upd[:, 2:3], upd[:, 3:3 + MOL], upd[:, 3 + MOL:4 + MOL])


def reference(x, angle, molecules, generation, Wm1, bm1, Wm2, bm2, Wm3, bm3, Wu1, bu1, Wu2, bu2, Wu3, bu3, Wu4, bu4, Wu5, bu5):
    src, dst = _neighbors(x)
    return _forward(x, angle, molecules, generation, src, dst, Wm1, bm1, Wm2, bm2, Wm3, bm3, Wu1, bu1, Wu2, bu2, Wu3, bu3, Wu4, bu4, Wu5, bu5)

if __name__ == "__main__":
    import jax
    _d = setup_inputs()
    print(jax.jit(kernel)(*tuple(_d.values())))

</pallas_src>

<mosaic_0001>
#map = affine_map<(d0, d1) -> (0)>
#map1 = affine_map<(d0, d1) -> (0, 0)>
module attributes {stable_mosaic.version = 14 : i64} {
  func.func @_edge_kernel(%arg0: i32, %arg1: i32, %arg2: memref<4096xf32, #tpu.memory_space<hbm>>, %arg3: memref<4096xf32, #tpu.memory_space<hbm>>, %arg4: memref<4096xf32, #tpu.memory_space<hbm>>, %arg5: memref<4096xf32, #tpu.memory_space<hbm>>, %arg6: memref<65536xf32, #tpu.memory_space<hbm>>, %arg7: memref<48x327680xf32, #tpu.memory_space<hbm>>, %arg8: memref<32x10240xi32, #tpu.memory_space<hbm>>, %arg9: memref<32x16xi32, #tpu.memory_space<hbm>>, %arg10: memref<4112xf32, #tpu.memory_space<vmem>>, %arg11: memref<4112xf32, #tpu.memory_space<vmem>>, %arg12: memref<4096xf32, #tpu.memory_space<vmem>>, %arg13: memref<4096xf32, #tpu.memory_space<vmem>>, %arg14: memref<65536xf32, #tpu.memory_space<vmem>>, %arg15: memref<14336xi32, #tpu.memory_space<vmem>>, %arg16: memref<14336xi32, #tpu.memory_space<vmem>>, %arg17: memref<48x128xf32, #tpu.memory_space<vmem>>, %arg18: memref<16xi32, #tpu.memory_space<vmem>>) attributes {dimension_semantics = [#tpu.dimension_semantics<core_parallel>, #tpu.dimension_semantics<subcore_parallel>], iteration_bounds = array<i64: 2, 16>, scalar_prefetch = 0 : i64, scratch_operands = 9 : i64, tpu.core_type = #tpu.core_type<sc_vector_subcore>, window_params = [{transform_indices = #map}, {transform_indices = #map}, {transform_indices = #map}, {transform_indices = #map}, {transform_indices = #map}, {transform_indices = #map1}, {transform_indices = #map1}, {transform_indices = #map1}]} {
    %mul3A = arith.constant 2 : i32
    %mul3A_0 = arith.muli %arg1, %mul3A : i32
    %add3A = arith.addi %mul3A_0, %arg0 : i32
    %mul3A_1 = arith.constant 128 : i32
    %mul3A_2 = arith.muli %add3A, %mul3A_1 : i32
    "tpu.region"() ({
      %run_scoped3A = tpu.sem_alloc : memref<!tpu.dma_semaphore, #tpu.memory_space<semaphore_mem>>
      %dma_start3A = arith.constant 0 : i32
      %dma_start3A_1636 = tpu.memref_slice %arg10[%dma_start3A] : memref<4112xf32, #tpu.memory_space<vmem>> -> memref<4096xf32, #tpu.memory_space<vmem>>
      %dma_start3A_1637 = arith.constant 0 : i32
      %dma_start3A_1638 = tpu.memref_slice %arg10[%dma_start3A_1637] : memref<4112xf32, #tpu.memory_space<vmem>> -> memref<4096xf32, #tpu.memory_space<vmem>>
      tpu.enqueue_dma source(%arg2 : memref<4096xf32, #tpu.memory_space<hbm>>) target(%dma_start3A_1638 : memref<4096xf32, #tpu.memory_space<vmem>>) target_semaphore(%run_scoped3A : memref<!tpu.dma_semaphore, #tpu.memory_space<semaphore_mem>>)
      %dma_wait3A = arith.constant 0 : i32
      %dma_wait3A_1639 = tpu.memref_slice %arg10[%dma_wait3A] : memref<4112xf32, #tpu.memory_space<vmem>> -> memref<4096xf32, #tpu.memory_space<vmem>>
      %dma_wait3A_1640 = arith.constant 0 : i32
      %dma_wait3A_1641 = tpu.memref_slice %arg10[%dma_wait3A_1640] : memref<4112xf32, #tpu.memory_space<vmem>> -> memref<4096xf32, #tpu.memory_space<vmem>>
      tpu.wait_dma2 semaphore(%run_scoped3A : memref<!tpu.dma_semaphore, #tpu.memory_space<semaphore_mem>>) src(%arg2 : memref<4096xf32, #tpu.memory_space<hbm>>) dst(%dma_wait3A_1641 : memref<4096xf32, #tpu.memory_space<vmem>>)
      tpu.yield
    }) : () -> ()
    "tpu.region"() ({
      %run_scoped3A = tpu.sem_alloc : memref<!tpu.dma_semaphore, #tpu.memory_space<semaphore_mem>>
      %dma_start3A = arith.constant 0 : i32
      %dma_start3A_1636 = tpu.memref_slice %arg11[%dma_start3A] : memref<4112xf32, #tpu.memory_space<vmem>> -> memref<4096xf32, #tpu.memory_space<vmem>>
      %dma_start3A_1637 = arith.constant 0 : i32
      %dma_start3A_1638 = tpu.memref_slice %arg11[%dma_start3A_1637] : memref<4112xf32, #tpu.memory_space<vmem>> -> memref<4096xf32, #tpu.memory_space<vmem>>
      tpu.enqueue_dma source(%arg3 : memref<4096xf32, #tpu.memory_space<hbm>>) target(%dma_start3A_1638 : memref<4096xf32, #tpu.memory_space<vmem>>) target_semaphore(%run_scoped3A : memref<!tpu.dma_semaphore, #tpu.memory_space<semaphore_mem>>)
      %dma_wait3A = arith.constant 0 : i32
      %dma_wait3A_1639 = tpu.memref_slice %arg11[%dma_wait3A] : memref<4112xf32, #tpu.memory_space<vmem>> -> memref<4096xf32, #tpu.memory_space<vmem>>
      %dma_wait3A_1640 = arith.constant 0 : i32
      %dma_wait3A_1641 = tpu.memref_slice %arg11[%dma_wait3A_1640] : memref<4112xf32, #tpu.memory_space<vmem>> -> memref<4096xf32, #tpu.memory_space<vmem>>
      tpu.wait_dma2 semaphore(%run_scoped3A : memref<!tpu.dma_semaphore, #tpu.memory_space<semaphore_mem>>) src(%arg3 : memref<4096xf32, #tpu.memory_space<hbm>>) dst(%dma_wait3A_1641 : memref<4096xf32, #tpu.memory_space<vmem>>)
      tpu.yield
    }) : () -> ()
    "tpu.region"() ({
      %run_scoped3A = tpu.sem_alloc : memref<!tpu.dma_semaphore, #tpu.memory_space<semaphore_mem>>
      tpu.enqueue_dma source(%arg4 : memref<4096xf32, #tpu.memory_space<hbm>>) target(%arg12 : memref<4096xf32, #tpu.memory_space<vmem>>) target_semaphore(%run_scoped3A : memref<!tpu.dma_semaphore, #tpu.memory_space<semaphore_mem>>)
      tpu.wait_dma2 semaphore(%run_scoped3A : memref<!tpu.dma_semaphore, #tpu.memory_space<semaphore_mem>>) src(%arg4 : memref<4096xf32, #tpu.memory_space<hbm>>) dst(%arg12 : memref<4096xf32, #tpu.memory_space<vmem>>)
      tpu.yield
    }) : () -> ()
    "tpu.region"() ({
      %run_scoped3A = tpu.sem_alloc : memref<!tpu.dma_semaphore, #tpu.memory_space<semaphore_mem>>
      tpu.enqueue_dma source(%arg5 : memref<4096xf32, #tpu.memory_space<hbm>>) target(%arg13 : memref<4096xf32, #tpu.memory_space<vmem>>) target_semaphore(%run_scoped3A : memref<!tpu.dma_semaphore, #tpu.memory_space<semaphore_mem>>)
      tpu.wait_dma2 semaphore(%run_scoped3A : memref<!tpu.dma_semaphore, #tpu.memory_space<semaphore_mem>>) src(%arg5 : memref<4096xf32, #tpu.memory_space<hbm>>) dst(%arg13 : memref<4096xf32, #tpu.memory_space<vmem>>)
      tpu.yield
    }) : () -> ()
    "tpu.region"() ({
      %run_scoped3A = tpu.sem_alloc : memref<!tpu.dma_semaphore, #tpu.memory_space<semaphore_mem>>
      tpu.enqueue_dma source(%arg6 : memref<65536xf32, #tpu.memory_space<hbm>>) target(%arg14 : memref<65536xf32, #tpu.memory_space<vmem>>) target_semaphore(%run_scoped3A : memref<!tpu.dma_semaphore, #tpu.memory_space<semaphore_mem>>)
      tpu.wait_dma2 semaphore(%run_scoped3A : memref<!tpu.dma_semaphore, #tpu.memory_space<semaphore_mem>>) src(%arg6 : memref<65536xf32, #tpu.memory_space<hbm>>) dst(%arg14 : memref<65536xf32, #tpu.memory_space<vmem>>)
      tpu.yield
    }) : () -> ()
    %iota3A = tpu.iota {dimensions = array<i32: 0>} : vector<16xi32>
    %scan3A = arith.constant 0 : i32
    %scan3A_3 = arith.constant 0 : i32
    %scan3A_4 = arith.constant 128 : i32
    %scan3A_5 = arith.addi %scan3A_3, %scan3A_4 : i32
    %scan3A_6 = arith.constant 1 : i32
    %scan3A_7 = scf.for %scan3A_1636 = %scan3A_3 to %scan3A_5 step %scan3A_6 iter_args(%scan3A_1637 = %scan3A) -> (i32)  : i32 {
      %add3A_1638 = arith.addi %mul3A_2, %scan3A_1636 : i32
      %broadcast_in_dim3A_1639 = vector.broadcast %add3A_1638 : i32 to vector<16xi32>
      %gather3A = tpu.vector_load_idx %arg10[%broadcast_in_dim3A_1639] : memref<4112xf32, #tpu.memory_space<vmem>>[vector<16xi32>], vector<16xf32>,
      %gather3A_1640 = tpu.vector_load_idx %arg11[%broadcast_in_dim3A_1639] : memref<4112xf32, #tpu.memory_space<vmem>>[vector<16xi32>], vector<16xf32>,
      %min3A_1641 = arith.constant 10224 : i32
      %min3A_1642 = arith.minsi %scan3A_1637, %min3A_1641 : i32
      %get3A = arith.constant 0 : index
      %get3A_1643 = tpu.vector_load %arg10[%get3A] {strides = array<i32>} : memref<4112xf32, #tpu.memory_space<vmem>>, vector<16xf32>,
      %get3A_1644 = arith.constant 0 : index
      %get3A_1645 = tpu.vector_load %arg11[%get3A_1644] {strides = array<i32>} : memref<4112xf32, #tpu.memory_space<vmem>>, vector<16xf32>,
      %scan3A_1646 = arith.constant 0 : i32
      %scan3A_1647 = arith.constant 32 : i32
      %scan3A_1648 = arith.addi %scan3A_1646, %scan3A_1647 : i32
      %scan3A_1649 = arith.constant 1 : i32
      %scan3A_1650:3 = scf.for %scan3A_1652 = %scan3A_1646 to %scan3A_1648 step %scan3A_1649 iter_args(%scan3A_1653 = %min3A_1642, %scan3A_1654 = %get3A_1643, %scan3A_1655 = %get3A_1645) -> (i32, vector<16xf32>, vector<16xf32>)  : i32 {
        %mul3A_1656 = arith.constant 128 : i32
        %mul3A_1657 = arith.muli %scan3A_1652, %mul3A_1656 : i32
        %add3A_1658 = arith.constant 0 : i32
        %add3A_1659 = arith.addi %mul3A_1657, %add3A_1658 : i32
        %add3A_1660 = arith.constant 16 : i32
        %add3A_1661 = arith.addi %add3A_1659, %add3A_1660 : i32
        %get3A_1662 = arith.index_cast %add3A_1661 : i32 to index
        %get3A_1663 = tpu.vector_load %arg10[%get3A_1662] {strides = array<i32>} : memref<4112xf32, #tpu.memory_space<vmem>>, vector<16xf32>,
        %add3A_1664 = arith.constant 16 : i32
        %add3A_1665 = arith.addi %add3A_1659, %add3A_1664 : i32
        %get3A_1666 = arith.index_cast %add3A_1665 : i32 to index
        %get3A_1667 = tpu.vector_load %arg11[%get3A_1666] {strides = array<i32>} : memref<4112xf32, #tpu.memory_space<vmem>>, vector<16xf32>,
        %add3A_1668 = vector.broadcast %add3A_1659 : i32 to vector<16xi32>
        %add3A_1669 = arith.addi %iota3A, %add3A_1668 : vector<16xi32>
        %sub3A_1670 = arith.subf %scan3A_1654, %gather3A : vector<16xf32>
        %sub3A_1671 = arith.subf %scan3A_1655, %gather3A_1640 : vector<16xf32>
        %mul3A_1672 = arith.mulf %sub3A_1670, %sub3A_1670 : vector<16xf32>
        %mul3A_1673 = arith.mulf %sub3A_1671, %sub3A_1671 : vector<16xf32>
        %add3A_1674 = arith.addf %mul3A_1672, %mul3A_1673 : vector<16xf32>
        %le3A = arith.constant 6.250000e-02 : f32
        %le3A_1675 = vector.broadcast %le3A : f32 to vector<16xf32>
        %le3A_1676 = arith.cmpf ole, %add3A_1674, %le3A_1675 : vector<16xf32>
        %ne3A_1677 = vector.broadcast %add3A_1638 : i32 to vector<16xi32>
        %ne3A_1678 = arith.cmpi ne, %add3A_1669, %ne3A_1677 : vector<16xi32>
        %and3A_1679 = arith.andi %le3A_1676, %ne3A_1678 : vector<16xi1>
        %swap3A_1680 = arith.index_cast %scan3A_1653 : i32 to index
        %swap3A_1681 = tpu.vector_load %arg15[%swap3A_1680] masked %and3A_1679 {strides = array<i32>} : memref<14336xi32, #tpu.memory_space<vmem>>, vector<16xi32>, vector<16xi1>
        tpu.vector_store %arg15[%swap3A_1680], %add3A_1669 masked %and3A_1679 {strides = array<i32>} : memref<14336xi32, #tpu.memory_space<vmem>>, vector<16xi32>, vector<16xi1>
        %swap3A_1682 = arith.index_cast %scan3A_1653 : i32 to index
        %swap3A_1683 = tpu.vector_load %arg16[%swap3A_1682] masked %and3A_1679 {strides = array<i32>} : memref<14336xi32, #tpu.memory_space<vmem>>, vector<16xi32>, vector<16xi1>
        tpu.vector_store %arg16[%swap3A_1682], %broadcast_in_dim3A_1639 masked %and3A_1679 {strides = array<i32>} : memref<14336xi32, #tpu.memory_space<vmem>>, vector<16xi32>, vector<16xi1>
        %all_reduce_population_count3A = tpu.all_reduce %and3A_1679 {dim = 0 : i64, kind = #tpu.reduction_kind<sum>} : vector<16xi1> -> vector<16xi32>
        %slice3A = vector.extract_strided_slice %all_reduce_population_count3A {offsets = [0], sizes = [1], strides = [1]} : vector<16xi32> to vector<1xi32>
        %squeeze3A = vector.extract %slice3A[0] : i32 from vector<1xi32>
        %add3A_1684 = arith.addi %scan3A_1653, %squeeze3A : i32
        %mul3A_1685 = arith.constant 128 : i32
        %mul3A_1686 = arith.muli %scan3A_1652, %mul3A_1685 : i32
        %add3A_1687 = arith.constant 16 : i32
        %add3A_1688 = arith.addi %mul3A_1686, %add3A_1687 : i32
        %add3A_1689 = arith.constant 16 : i32
        %add3A_1690 = arith.addi %add3A_1688, %add3A_1689 : i32
        %get3A_1691 = arith.index_cast %add3A_1690 : i32 to index
        %get3A_1692 = tpu.vector_load %arg10[%get3A_1691] {strides = array<i32>} : memref<4112xf32, #tpu.memory_space<vmem>>, vector<16xf32>,
        %add3A_1693 = arith.constant 16 : i32
        %add3A_1694 = arith.addi %add3A_1688, %add3A_1693 : i32
        %get3A_1695 = arith.index_cast %add3A_1694 : i32 to index
        %get3A_1696 = tpu.vector_load %arg11[%get3A_1695] {strides = array<i32>} : memref<4112xf32, #tpu.memory_space<vmem>>, vector<16xf32>,
        %add3A_1697 = vector.broadcast %add3A_1688 : i32 to vector<16xi32>
        %add3A_1698 = arith.addi %iota3A, %add3A_1697 : vector<16xi32>
        %sub3A_1699 = arith.subf %get3A_1663, %gather3A : vector<16xf32>
        %sub3A_1700 = arith.subf %get3A_1667, %gather3A_1640 : vector<16xf32>
        %mul3A_1701 = arith.mulf %sub3A_1699, %sub3A_1699 : vector<16xf32>
        %mul3A_1702 = arith.mulf %sub3A_1700, %sub3A_1700 : vector<16xf32>
        %add3A_1703 = arith.addf %mul3A_1701, %mul3A_1702 : vector<16xf32>
        %le3A_1704 = arith.constant 6.250000e-02 : f32
        %le3A_1705 = vector.broadcast %le3A_1704 : f32 to vector<16xf32>
        %le3A_1706 = arith.cmpf ole, %add3A_1703, %le3A_1705 : vector<16xf32>
        %ne3A_1707 = vector.broadcast %add3A_1638 : i32 to vector<16xi32>
        %ne3A_1708 = arith.cmpi ne, %add3A_1698, %ne3A_1707 : vector<16xi32>
        %and3A_1709 = arith.andi %le3A_1706, %ne3A_1708 : vector<16xi1>
        %swap3A_1710 = arith.index_cast %add3A_1684 : i32 to index
        %swap3A_1711 = tpu.vector_load %arg15[%swap3A_1710] masked %and3A_1709 {strides = array<i32>} : memref<14336xi32, #tpu.memory_space<vmem>>, vector<16xi32>, vector<16xi1>
        tpu.vector_store %arg15[%swap3A_1710], %add3A_1698 masked %and3A_1709 {strides = array<i32>} : memref<14336xi32, #tpu.memory_space<vmem>>, vector<16xi32>, vector<16xi1>
        %swap3A_1712 = arith.index_cast %add3A_1684 : i32 to index
        %swap3A_1713 = tpu.vector_load %arg16[%swap3A_1712] masked %and3A_1709 {strides = array<i32>} : memref<14336xi32, #tpu.memory_space<vmem>>, vector<16xi32>, vector<16xi1>
        tpu.vector_store %arg16[%swap3A_1712], %broadcast_in_dim3A_1639 masked %and3A_1709 {strides = array<i32>} : memref<14336xi32, #tpu.memory_space<vmem>>, vector<16xi32>, vector<16xi1>
        %all_reduce_population_count3A_1714 = tpu.all_reduce %and3A_1709 {dim = 0 : i64, kind = #tpu.reduction_kind<sum>} : vector<16xi1> -> vector<16xi32>
        %slice3A_1715 = vector.extract_strided_slice %all_reduce_population_count3A_1714 {offsets = [0], sizes = [1], strides = [1]} : vector<16xi32> to vector<1xi32>
        %squeeze3A_1716 = vector.extract %slice3A_1715[0] : i32 from vector<1xi32>
        %add3A_1717 = arith.addi %add3A_1684, %squeeze3A_1716 : i32
        %mul3A_1718 = arith.constant 128 : i32
        %mul3A_1719 = arith.muli %scan3A_1652, %mul3A_1718 : i32
        %add3A_1720 = arith.constant 32 : i32
        %add3A_1721 = arith.addi %mul3A_1719, %add3A_1720 : i32
        %add3A_1722 = arith.constant 16 : i32
        %add3A_1723 = arith.addi %add3A_1721, %add3A_1722 : i32
        %get3A_1724 = arith.index_cast %add3A_1723 : i32 to index
        %get3A_1725 = tpu.vector_load %arg10[%get3A_1724] {strides = array<i32>} : memref<4112xf32, #tpu.memory_space<vmem>>, vector<16xf32>,
        %add3A_1726 = arith.constant 16 : i32
        %add3A_1727 = arith.addi %add3A_1721, %add3A_1726 : i32
        %get3A_1728 = arith.index_cast %add3A_1727 : i32 to index
        %get3A_1729 = tpu.vector_load %arg11[%get3A_1728] {strides = array<i32>} : memref<4112xf32, #tpu.memory_space<vmem>>, vector<16xf32>,
        %add3A_1730 = vector.broadcast %add3A_1721 : i32 to vector<16xi32>
        %add3A_1731 = arith.addi %iota3A, %add3A_1730 : vector<16xi32>
        %sub3A_1732 = arith.subf %get3A_1692, %gather3A : vector<16xf32>
        %sub3A_1733 = arith.subf %get3A_1696, %gather3A_1640 : vector<16xf32>
        %mul3A_1734 = arith.mulf %sub3A_1732, %sub3A_1732 : vector<16xf32>
        %mul3A_1735 = arith.mulf %sub3A_1733, %sub3A_1733 : vector<16xf32>
        %add3A_1736 = arith.addf %mul3A_1734, %mul3A_1735 : vector<16xf32>
        %le3A_1737 = arith.constant 6.250000e-02 : f32
        %le3A_1738 = vector.broadcast %le3A_1737 : f32 to vector<16xf32>
        %le3A_1739 = arith.cmpf ole, %add3A_1736, %le3A_1738 : vector<16xf32>
        %ne3A_1740 = vector.broadcast %add3A_1638 : i32 to vector<16xi32>
        %ne3A_1741 = arith.cmpi ne, %add3A_1731, %ne3A_1740 : vector<16xi32>
        %and3A_1742 = arith.andi %le3A_1739, %ne3A_1741 : vector<16xi1>
        %swap3A_1743 = arith.index_cast %add3A_1717 : i32 to index
        %swap3A_1744 = tpu.vector_load %arg15[%swap3A_1743] masked %and3A_1742 {strides = array<i32>} : memref<14336xi32, #tpu.memory_space<vmem>>, vector<16xi32>, vector<16xi1>
        tpu.vector_store %arg15[%swap3A_1743], %add3A_1731 masked %and3A_1742 {strides = array<i32>} : memref<14336xi32, #tpu.memory_space<vmem>>, vector<16xi32>, vector<16xi1>
        %swap3A_1745 = arith.index_cast %add3A_1717 : i32 to index
        %swap3A_1746 = tpu.vector_load %arg16[%swap3A_1745] masked %and3A_1742 {strides = array<i32>} : memref<14336xi32, #tpu.memory_space<vmem>>, vector<16xi32>, vector<16xi1>
        tpu.vector_store %arg16[%swap3A_1745], %broadcast_in_dim3A_1639 masked %and3A_1742 {strides = array<i32>} : memref<14336xi32, #tpu.memory_space<vmem>>, vector<16xi32>, vector<16xi1>
        %all_reduce_population_count3A_1747 = tpu.all_reduce %and3A_1742 {dim = 0 : i64, kind = #tpu.reduction_kind<sum>} : vector<16xi1> -> vector<16xi32>
        %slice3A_1748 = vector.extract_strided_slice %all_reduce_population_count3A_1747 {offsets = [0], sizes = [1], strides = [1]} : vector<16xi32> to vector<1xi32>
        %squeeze3A_1749 = vector.extract %slice3A_1748[0] : i32 from vector<1xi32>
        %add3A_1750 = arith.addi %add3A_1717, %squeeze3A_1749 : i32
        %mul3A_1751 = arith.constant 128 : i32
        %mul3A_1752 = arith.muli %scan3A_1652, %mul3A_1751 : i32
        %add3A_1753 = arith.constant 48 : i32
        %add3A_1754 = arith.addi %mul3A_1752, %add3A_1753 : i32
        %add3A_1755 = arith.constant 16 : i32
        %add3A_1756 = arith.addi %add3A_1754, %add3A_1755 : i32
        %get3A_1757 = arith.index_cast %add3A_1756 : i32 to index
        %get3A_1758 = tpu.vector_load %arg10[%get3A_1757] {strides = array<i32>} : memref<4112xf32, #tpu.memory_space<vmem>>, vector<16xf32>,
        %add3A_1759 = arith.constant 16 : i32
        %add3A_1760 = arith.addi %add3A_1754, %add3A_1759 : i32
        %get3A_1761 = arith.index_cast %add3A_1760 : i32 to index
        %get3A_1762 = tpu.vector_load %arg11[%get3A_1761] {strides = array<i32>} : memref<4112xf32, #tpu.memory_space<vmem>>, vector<16xf32>,
        %add3A_1763 = vector.broadcast %add3A_1754 : i32 to vector<16xi32>
        %add3A_1764 = arith.addi %iota3A, %add3A_1763 : vector<16xi32>
        %sub3A_1765 = arith.subf %get3A_1725, %gather3A : vector<16xf32>
        %sub3A_1766 = arith.subf %get3A_1729, %gather3A_1640 : vector<16xf32>
        %mul3A_1767 = arith.mulf %sub3A_1765, %sub3A_1765 : vector<16xf32>
        %mul3A_1768 = arith.mulf %sub3A_1766, %sub3A_1766 : vector<16xf32>
        %add3A_1769 = arith.addf %mul3A_1767, %mul3A_1768 : vector<16xf32>
        %le3A_1770 = arith.constant 6.250000e-02 : f32
        %le3A_1771 = vector.broadcast %le3A_1770 : f32 to vector<16xf32>
        %le3A_1772 = arith.cmpf ole, %add3A_1769, %le3A_1771 : vector<16xf32>
        %ne3A_1773 = vector.broadcast %add3A_1638 : i32 to vector<16xi32>
        %ne3A_1774 = arith.cmpi ne, %add3A_1764, %ne3A_1773 : vector<16xi32>
        %and3A_1775 = arith.andi %le3A_1772, %ne3A_1774 : vector<16xi1>
        %swap3A_1776 = arith.index_cast %add3A_1750 : i32 to index
        %swap3A_1777 = tpu.vector_load %arg15[%swap3A_1776] masked %and3A_1775 {strides = array<i32>} : memref<14336xi32, #tpu.memory_space<vmem>>, vector<16xi32>, vector<16xi1>
        tpu.vector_store %arg15[%swap3A_1776], %add3A_1764 masked %and3A_1775 {strides = array<i32>} : memref<14336xi32, #tpu.memory_space<vmem>>, vector<16xi32>, vector<16xi1>
        %swap3A_1778 = arith.index_cast %add3A_1750 : i32 to index
        %swap3A_1779 = tpu.vector_load %arg16[%swap3A_1778] masked %and3A_1775 {strides = array<i32>} : memref<14336xi32, #tpu.memory_space<vmem>>, vector<16xi32>, vector<16xi1>
        tpu.vector_store %arg16[%swap3A_1778], %broadcast_in_dim3A_1639 masked %and3A_1775 {strides = array<i32>} : memref<14336xi32, #tpu.memory_space<vmem>>, vector<16xi32>, vector<16xi1>
        %all_reduce_population_count3A_1780 = tpu.all_reduce %and3A_1775 {dim = 0 : i64, kind = #tpu.reduction_kind<sum>} : vector<16xi1> -> vector<16xi32>
        %slice3A_1781 = vector.extract_strided_slice %all_reduce_population_count3A_1780 {offsets = [0], sizes = [1], strides = [1]} : vector<16xi32> to vector<1xi32>
        %squeeze3A_1782 = vector.extract %slice3A_1781[0] : i32 from vector<1xi32>
        %add3A_1783 = arith.addi %add3A_1750, %squeeze3A_1782 : i32
        %mul3A_1784 = arith.constant 128 : i32
        %mul3A_1785 = arith.muli %scan3A_1652, %mul3A_1784 : i32
        %add3A_1786 = arith.constant 64 : i32
        %add3A_1787 = arith.addi %mul3A_1785, %add3A_1786 : i32
        %add3A_1788 = arith.constant 16 : i32
        %add3A_1789 = arith.addi %add3A_1787, %add3A_1788 : i32
        %get3A_1790 = arith.index_cast %add3A_1789 : i32 to index
        %get3A_1791 = tpu.vector_load %arg10[%get3A_1790] {strides = array<i32>} : memref<4112xf32, #tpu.memory_space<vmem>>, vector<16xf32>,
        %add3A_1792 = arith.constant 16 : i32
        %add3A_1793 = arith.addi %add3A_1787, %add3A_1792 : i32
        %get3A_1794 = arith.index_cast %add3A_1793 : i32 to index
        %get3A_1795 = tpu.vector_load %arg11[%get3A_1794] {strides = array<i32>} : memref<4112xf32, #tpu.memory_space<vmem>>, vector<16xf32>,
        %add3A_1796 = vector.broadcast %add3A_1787 : i32 to vector<16xi32>
        %add3A_1797 = arith.addi %iota3A, %add3A_1796 : vector<16xi32>
        %sub3A_1798 = arith.subf %get3A_1758, %gather3A : vector<16xf32>
        %sub3A_1799 = arith.subf %get3A_1762, %gather3A_1640 : vector<16xf32>
        %mul3A_1800 = arith.mulf %sub3A_1798, %sub3A_1798 : vector<16xf32>
        %mul3A_1801 = arith.mulf %sub3A_1799, %sub3A_1799 : vector<16xf32>
        %add3A_1802 = arith.addf %mul3A_1800, %mul3A_1801 : vector<16xf32>
        %le3A_1803 = arith.constant 6.250000e-02 : f32
        %le3A_1804 = vector.broadcast %le3A_1803 : f32 to vector<16xf32>
        %le3A_1805 = arith.cmpf ole, %add3A_1802, %le3A_1804 : vector<16xf32>
        %ne3A_1806 = vector.broadcast %add3A_1638 : i32 to vector<16xi32>
        %ne3A_1807 = arith.cmpi ne, %add3A_1797, %ne3A_1806 : vector<16xi32>
        %and3A_1808 = arith.andi %le3A_1805, %ne3A_1807 : vector<16xi1>
        %swap3A_1809 = arith.index_cast %add3A_1783 : i32 to index
        %swap3A_1810 = tpu.vector_load %arg15[%swap3A_1809] masked %and3A_1808 {strides = array<i32>} : memref<14336xi32, #tpu.memory_space<vmem>>, vector<16xi32>, vector<16xi1>
        tpu.vector_store %arg15[%swap3A_1809], %add3A_1797 masked %and3A_1808 {strides = array<i32>} : memref<14336xi32, #tpu.memory_space<vmem>>, vector<16xi32>, vector<16xi1>
        %swap3A_1811 = arith.index_cast %add3A_1783 : i32 to index
        %swap3A_1812 = tpu.vector_load %arg16[%swap3A_1811] masked %and3A_1808 {strides = array<i32>} : memref<14336xi32, #tpu.memory_space<vmem>>, vector<16xi32>, vector<16xi1>
        tpu.vector_store %arg16[%swap3A_1811], %broadcast_in_dim3A_1639 masked %and3A_1808 {strides = array<i32>} : memref<14336xi32, #tpu.memory_space<vmem>>, vector<16xi32>, vector<16xi1>
        %all_reduce_population_count3A_1813 = tpu.all_reduce %and3A_1808 {dim = 0 : i64, kind = #tpu.reduction_kind<sum>} : vector<16xi1> -> vector<16xi32>
        %slice3A_1814 = vector.extract_strided_slice %all_reduce_population_count3A_1813 {offsets = [0], sizes = [1], strides = [1]} : vector<16xi32> to vector<1xi32>
        %squeeze3A_1815 = vector.extract %slice3A_1814[0] : i32 from vector<1xi32>
        %add3A_1816 = arith.addi %add3A_1783, %squeeze3A_1815 : i32
        %mul3A_1817 = arith.constant 128 : i32
        %mul3A_1818 = arith.muli %scan3A_1652, %mul3A_1817 : i32
        %add3A_1819 = arith.constant 80 : i32
        %add3A_1820 = arith.addi %mul3A_1818, %add3A_1819 : i32
        %add3A_1821 = arith.constant 16 : i32
        %add3A_1822 = arith.addi %add3A_1820, %add3A_1821 : i32
        %get3A_1823 = arith.index_cast %add3A_1822 : i32 to index
        %get3A_1824 = tpu.vector_load %arg10[%get3A_1823] {strides = array<i32>} : memref<4112xf32, #tpu.memory_space<vmem>>, vector<16xf32>,
        %add3A_1825 = arith.constant 16 : i32
        %add3A_1826 = arith.addi %add3A_1820, %add3A_1825 : i32
        %get3A_1827 = arith.index_cast %add3A_1826 : i32 to index
        %get3A_1828 = tpu.vector_load %arg11[%get3A_1827] {strides = array<i32>} : memref<4112xf32, #tpu.memory_space<vmem>>, vector<16xf32>,
        %add3A_1829 = vector.broadcast %add3A_1820 : i32 to vector<16xi32>
        %add3A_1830 = arith.addi %iota3A, %add3A_1829 : vector<16xi32>
        %sub3A_1831 = arith.subf %get3A_1791, %gather3A : vector<16xf32>
        %sub3A_1832 = arith.subf %get3A_1795, %gather3A_1640 : vector<16xf32>
        %mul3A_1833 = arith.mulf %sub3A_1831, %sub3A_1831 : vector<16xf32>
        %mul3A_1834 = arith.mulf %sub3A_1832, %sub3A_1832 : vector<16xf32>
        %add3A_1835 = arith.addf %mul3A_1833, %mul3A_1834 : vector<16xf32>
        %le3A_1836 = arith.constant 6.250000e-02 : f32
        %le3A_1837 = vector.broadcast %le3A_1836 : f32 to vector<16xf32>
        %le3A_1838 = arith.cmpf ole, %add3A_1835, %le3A_1837 : vector<16xf32>
        %ne3A_1839 = vector.broadcast %add3A_1638 : i32 to vector<16xi32>
        %ne3A_1840 = arith.cmpi ne, %add3A_1830, %ne3A_1839 : vector<16xi32>
        %and3A_1841 = arith.andi %le3A_1838, %ne3A_1840 : vector<16xi1>
        %swap3A_1842 = arith.index_cast %add3A_1816 : i32 to index
        %swap3A_1843 = tpu.vector_load %arg15[%swap3A_1842] masked %and3A_1841 {strides = array<i32>} : memref<14336xi32, #tpu.memory_space<vmem>>, vector<16xi32>, vector<16xi1>
        tpu.vector_store %arg15[%swap3A_1842], %add3A_1830 masked %and3A_1841 {strides = array<i32>} : memref<14336xi32, #tpu.memory_space<vmem>>, vector<16xi32>, vector<16xi1>
        %swap3A_1844 = arith.index_cast %add3A_1816 : i32 to index
        %swap3A_1845 = tpu.vector_load %arg16[%swap3A_1844] masked %and3A_1841 {strides = array<i32>} : memref<14336xi32, #tpu.memory_space<vmem>>, vector<16xi32>, vector<16xi1>
        tpu.vector_store %arg16[%swap3A_1844], %broadcast_in_dim3A_1639 masked %and3A_1841 {strides = array<i32>} : memref<14336xi32, #tpu.memory_space<vmem>>, vector<16xi32>, vector<16xi1>
        %all_reduce_population_count3A_1846 = tpu.all_reduce %and3A_1841 {dim = 0 : i64, kind = #tpu.reduction_kind<sum>} : vector<16xi1> -> vector<16xi32>
        %slice3A_1847 = vector.extract_strided_slice %all_reduce_population_count3A_1846 {offsets = [0], sizes = [1], strides = [1]} : vector<16xi32> to vector<1xi32>
        %squeeze3A_1848 = vector.extract %slice3A_1847[0] : i32 from vector<1xi32>
        %add3A_1849 = arith.addi %add3A_1816, %squeeze3A_1848 : i32
        %mul3A_1850 = arith.constant 128 : i32
        %mul3A_1851 = arith.muli %scan3A_1652, %mul3A_1850 : i32
        %add3A_1852 = arith.constant 96 : i32
        %add3A_1853 = arith.addi %mul3A_1851, %add3A_1852 : i32
        %add3A_1854 = arith.constant 16 : i32
        %add3A_1855 = arith.addi %add3A_1853, %add3A_1854 : i32
        %get3A_1856 = arith.index_cast %add3A_1855 : i32 to index
        %get3A_1857 = tpu.vector_load %arg10[%get3A_1856] {strides = array<i32>} : memref<4112xf32, #tpu.memory_space<vmem>>, vector<16xf32>,
        %add3A_1858 = arith.constant 16 : i32
        %add3A_1859 = arith.addi %add3A_1853, %add3A_1858 : i32
        %get3A_1860 = arith.index_cast %add3A_1859 : i32 to index
        %get3A_1861 = tpu.vector_load %arg11[%get3A_1860] {strides = array<i32>} : memref<4112xf32, #tpu.memory_space<vmem>>, vector<16xf32>,
        %add3A_1862 = vector.broadcast %add3A_1853 : i32 to vector<16xi32>
        %add3A_1863 = arith.addi %iota3A, %add3A_1862 : vector<16xi32>
        %sub3A_1864 = arith.subf %get3A_1824, %gather3A : vector<16xf32>
        %sub3A_1865 = arith.subf %get3A_1828, %gather3A_1640 : vector<16xf32>
        %mul3A_1866 = arith.mulf %sub3A_1864, %sub3A_1864 : vector<16xf32>
        %mul3A_1867 = arith.mulf %sub3A_1865, %sub3A_1865 : vector<16xf32>
        %add3A_1868 = arith.addf %mul3A_1866, %mul3A_1867 : vector<16xf32>
        %le3A_1869 = arith.constant 6.250000e-02 : f32
        %le3A_1870 = vector.broadcast %le3A_1869 : f32 to vector<16xf32>
        %le3A_1871 = arith.cmpf ole, %add3A_1868, %le3A_1870 : vector<16xf32>
        %ne3A_1872 = vector.broadcast %add3A_1638 : i32 to vector<16xi32>
        %ne3A_1873 = arith.cmpi ne, %add3A_1863, %ne3A_1872 : vector<16xi32>
        %and3A_1874 = arith.andi %le3A_1871, %ne3A_1873 : vector<16xi1>
        %swap3A_1875 = arith.index_cast %add3A_1849 : i32 to index
        %swap3A_1876 = tpu.vector_load %arg15[%swap3A_1875] masked %and3A_1874 {strides = array<i32>} : memref<14336xi32, #tpu.memory_space<vmem>>, vector<16xi32>, vector<16xi1>
        tpu.vector_store %arg15[%swap3A_1875], %add3A_1863 masked %and3A_1874 {strides = array<i32>} : memref<14336xi32, #tpu.memory_space<vmem>>, vector<16xi32>, vector<16xi1>
        %swap3A_1877 = arith.index_cast %add3A_1849 : i32 to index
        %swap3A_1878 = tpu.vector_load %arg16[%swap3A_1877] masked %and3A_1874 {strides = array<i32>} : memref<14336xi32, #tpu.memory_space<vmem>>, vector<16xi32>, vector<16xi1>
        tpu.vector_store %arg16[%swap3A_1877], %broadcast_in_dim3A_1639 masked %and3A_1874 {strides = array<i32>} : memref<14336xi32, #tpu.memory_space<vmem>>, vector<16xi32>, vector<16xi1>
        %all_reduce_population_count3A_1879 = tpu.all_reduce %and3A_1874 {dim = 0 : i64, kind = #tpu.reduction_kind<sum>} : vector<16xi1> -> vector<16xi32>
        %slice3A_1880 = vector.extract_strided_slice %all_reduce_population_count3A_1879 {offsets = [0], sizes = [1], strides = [1]} : vector<16xi32> to vector<1xi32>
        %squeeze3A_1881 = vector.extract %slice3A_1880[0] : i32 from vector<1xi32>
        %add3A_1882 = arith.addi %add3A_1849, %squeeze3A_1881 : i32
        %mul3A_1883 = arith.constant 128 : i32
        %mul3A_1884 = arith.muli %scan3A_1652, %mul3A_1883 : i32
        %add3A_1885 = arith.constant 112 : i32
        %add3A_1886 = arith.addi %mul3A_1884, %add3A_1885 : i32
        %add3A_1887 = arith.constant 16 : i32
        %add3A_1888 = arith.addi %add3A_1886, %add3A_1887 : i32
        %get3A_1889 = arith.index_cast %add3A_1888 : i32 to index
        %get3A_1890 = tpu.vector_load %arg10[%get3A_1889] {strides = array<i32>} : memref<4112xf32, #tpu.memory_space<vmem>>, vector<16xf32>,
        %add3A_1891 = arith.constant 16 : i32
        %add3A_1892 = arith.addi %add3A_1886, %add3A_1891 : i32
        %get3A_1893 = arith.index_cast %add3A_1892 : i32 to index
        %get3A_1894 = tpu.vector_load %arg11[%get3A_1893] {strides = array<i32>} : memref<4112xf32, #tpu.memory_space<vmem>>, vector<16xf32>,
        %add3A_1895 = vector.broadcast %add3A_1886 : i32 to vector<16xi32>
        %add3A_1896 = arith.addi %iota3A, %add3A_1895 : vector<16xi32>
        %sub3A_1897 = arith.subf %get3A_1857, %gather3A : vector<16xf32>
        %sub3A_1898 = arith.subf %get3A_1861, %gather3A_1640 : vector<16xf32>
        %mul3A_1899 = arith.mulf %sub3A_1897, %sub3A_1897 : vector<16xf32>
        %mul3A_1900 = arith.mulf %sub3A_1898, %sub3A_1898 : vector<16xf32>
        %add3A_1901 = arith.addf %mul3A_1899, %mul3A_1900 : vector<16xf32>
        %le3A_1902 = arith.constant 6.250000e-02 : f32
        %le3A_1903 = vector.broadcast %le3A_1902 : f32 to vector<16xf32>
        %le3A_1904 = arith.cmpf ole, %add3A_1901, %le3A_1903 : vector<16xf32>
        %ne3A_1905 = vector.broadcast %add3A_1638 : i32 to vector<16xi32>
        %ne3A_1906 = arith.cmpi ne, %add3A_1896, %ne3A_1905 : vector<16xi32>
        %and3A_1907 = arith.andi %le3A_1904, %ne3A_1906 : vector<16xi1>
        %swap3A_1908 = arith.index_cast %add3A_1882 : i32 to index
        %swap3A_1909 = tpu.vector_load %arg15[%swap3A_1908] masked %and3A_1907 {strides = array<i32>} : memref<14336xi32, #tpu.memory_space<vmem>>, vector<16xi32>, vector<16xi1>
        tpu.vector_store %arg15[%swap3A_1908], %add3A_1896 masked %and3A_1907 {strides = array<i32>} : memref<14336xi32, #tpu.memory_space<vmem>>, vector<16xi32>, vector<16xi1>
        %swap3A_1910 = arith.index_cast %add3A_1882 : i32 to index
        %swap3A_1911 = tpu.vector_load %arg16[%swap3A_1910] masked %and3A_1907 {strides = array<i32>} : memref<14336xi32, #tpu.memory_space<vmem>>, vector<16xi32>, vector<16xi1>
        tpu.vector_store %arg16[%swap3A_1910], %broadcast_in_dim3A_1639 masked %and3A_1907 {strides = array<i32>} : memref<14336xi32, #tpu.memory_space<vmem>>, vector<16xi32>, vector<16xi1>
        %all_reduce_population_count3A_1912 = tpu.all_reduce %and3A_1907 {dim = 0 : i64, kind = #tpu.reduction_kind<sum>} : vector<16xi1> -> vector<16xi32>
        %slice3A_1913 = vector.extract_strided_slice %all_reduce_population_count3A_1912 {offsets = [0], sizes = [1], strides = [1]} : vector<16xi32> to vector<1xi32>
        %squeeze3A_1914 = vector.extract %slice3A_1913[0] : i32 from vector<1xi32>
        %add3A_1915 = arith.addi %add3A_1882, %squeeze3A_1914 : i32
        scf.yield %add3A_1915, %get3A_1890, %get3A_1894 : i32, vector<16xf32>, vector<16xf32>
      }
      %scan3A_1651 = arith.constant 32 : i32
      scf.yield %scan3A_1650#0 : i32
    }
    %scan3A_8 = arith.constant 128 : i32
    %min3A = arith.constant 10224 : i32
    %min3A_9 = arith.minsi %scan3A_7, %min3A : i32
    %broadcast_in_dim3A = arith.constant -1 : i32
    %broadcast_in_dim3A_10 = vector.broadcast %broadcast_in_dim3A : i32 to vector<16xi32>
    %div3A = arith.constant 16 : i32
    %div3A_11 = arith.divsi %min3A_9, %div3A : i32
    %while3A = arith.constant 640 : i32
    %while3A_12 = arith.constant 0 : i32
    %while3A_13 = arith.subi %while3A, %div3A_11 : i32
    %while3A_14 = arith.addi %div3A_11, %while3A_13 : i32
    %while3A_15 = arith.constant 1 : i32
    %while3A_16 = arith.divsi %while3A_13, %while3A_15 : i32
    %while3A_17 = arith.muli %while3A_16, %while3A_15 : i32
    %while3A_18 = arith.addi %div3A_11, %while3A_17 : i32
    %while3A_19 = arith.constant 1 : i32
    %while3A_20 = scf.for %while3A_1636 = %div3A_11 to %while3A_18 step %while3A_19 iter_args(%while3A_1637 = %while3A_12) -> (i32)  : i32 {
      %mul3A_1638 = arith.constant 16 : i32
      %mul3A_1639 = arith.muli %while3A_1636, %mul3A_1638 : i32
      %add3A_1640 = vector.broadcast %mul3A_1639 : i32 to vector<16xi32>
      %add3A_1641 = arith.addi %add3A_1640, %iota3A : vector<16xi32>
      %ge3A = vector.broadcast %min3A_9 : i32 to vector<16xi32>
      %ge3A_1642 = arith.cmpi sge, %add3A_1641, %ge3A : vector<16xi32>
      tpu.vector_store_idx %arg16[%add3A_1641], %broadcast_in_dim3A_10 masked %ge3A_1642 : memref<14336xi32, #tpu.memory_space<vmem>>[vector<16xi32>], vector<16xi32>, vector<16xi1>
      %while3A_1643 = arith.constant 0 : i32
      scf.yield %while3A_1643 : i32
    }
    %while3A_21 = arith.constant 1 : i32
    %while3A_22 = scf.for %while3A_1636 = %while3A_18 to %while3A_14 step %while3A_21 iter_args(%while3A_1637 = %while3A_20) -> (i32)  : i32 {
      %mul3A_1638 = arith.constant 16 : i32
      %mul3A_1639 = arith.muli %while3A_1636, %mul3A_1638 : i32
      %add3A_1640 = vector.broadcast %mul3A_1639 : i32 to vector<16xi32>
      %add3A_1641 = arith.addi %add3A_1640, %iota3A : vector<16xi32>
      %ge3A = vector.broadcast %min3A_9 : i32 to vector<16xi32>
      %ge3A_1642 = arith.cmpi sge, %add3A_1641, %ge3A : vector<16xi32>
      tpu.vector_store_idx %arg16[%add3A_1641], %broadcast_in_dim3A_10 masked %ge3A_1642 : memref<14336xi32, #tpu.memory_space<vmem>>[vector<16xi32>], vector<16xi32>, vector<16xi1>
      %while3A_1643 = arith.constant 0 : i32
      scf.yield %while3A_1643 : i32
    }
    %broadcast_in_dim3A_23 = arith.constant 0.000000e+00 : f32
    %broadcast_in_dim3A_24 = vector.broadcast %broadcast_in_dim3A_23 : f32 to vector<16xf32>
    %swap3A = arith.constant 41 : i32
    %swap3A_25 = arith.index_cast %swap3A : i32 to index
    %swap3A_26 = arith.constant 0 : index
    %swap3A_27 = tpu.vector_load %arg17[%swap3A_25, %swap3A_26] {strides = array<i32>} : memref<48x128xf32, #tpu.memory_space<vmem>>, vector<16xf32>,
    tpu.vector_store %arg17[%swap3A_25, %swap3A_26], %broadcast_in_dim3A_24 {strides = array<i32>} : memref<48x128xf32, #tpu.memory_space<vmem>>, vector<16xf32>,
    %swap3A_28 = arith.constant 41 : i32
    %swap3A_29 = arith.index_cast %swap3A_28 : i32 to index
    %swap3A_30 = arith.constant 16 : index
    %swap3A_31 = tpu.vector_load %arg17[%swap3A_29, %swap3A_30] {strides = array<i32>} : memref<48x128xf32, #tpu.memory_space<vmem>>, vector<16xf32>,
    tpu.vector_store %arg17[%swap3A_29, %swap3A_30], %broadcast_in_dim3A_24 {strides = array<i32>} : memref<48x128xf32, #tpu.memory_space<vmem>>, vector<16xf32>,
    %swap3A_32 = arith.constant 41 : i32
    %swap3A_33 = arith.index_cast %swap3A_32 : i32 to index
    %swap3A_34 = arith.constant 32 : index
    %swap3A_35 = tpu.vector_load %arg17[%swap3A_33, %swap3A_34] {strides = array<i32>} : memref<48x128xf32, #tpu.memory_space<vmem>>, vector<16xf32>,
    tpu.vector_store %arg17[%swap3A_33, %swap3A_34], %broadcast_in_dim3A_24 {strides = array<i32>} : memref<48x128xf32, #tpu.memory_space<vmem>>, vector<16xf32>,
    %swap3A_36 = arith.constant 41 : i32
    %swap3A_37 = arith.index_cast %swap3A_36 : i32 to index
    %swap3A_38 = arith.constant 48 : index
    %swap3A_39 = tpu.vector_load %arg17[%swap3A_37, %swap3A_38] {strides = array<i32>} : memref<48x128xf32, #tpu.memory_space<vmem>>, vector<16xf32>,
    tpu.vector_store %arg17[%swap3A_37, %swap3A_38], %broadcast_in_dim3A_24 {strides = array<i32>} : memref<48x128xf32, #tpu.memory_space<vmem>>, vector<16xf32>,
    %swap3A_40 = arith.constant 41 : i32
    %swap3A_41 = arith.index_cast %swap3A_40 : i32 to index
    %swap3A_42 = arith.constant 64 : index
    %swap3A_43 = tpu.vector_load %arg17[%swap3A_41, %swap3A_42] {strides = array<i32>} : memref<48x128xf32, #tpu.memory_space<vmem>>, vector<16xf32>,
    tpu.vector_store %arg17[%swap3A_41, %swap3A_42], %broadcast_in_dim3A_24 {strides = array<i32>} : memref<48x128xf32, #tpu.memory_space<vmem>>, vector<16xf32>,
    %swap3A_44 = arith.constant 41 : i32
    %swap3A_45 = arith.index_cast %swap3A_44 : i32 to index
    %swap3A_46 = arith.constant 80 : index
    %swap3A_47 = tpu.vector_load %arg17[%swap3A_45, %swap3A_46] {strides = array<i32>} : memref<48x128xf32, #tpu.memory_space<vmem>>, vector<16xf32>,
    tpu.vector_store %arg17[%swap3A_45, %swap3A_46], %broadcast_in_dim3A_24 {strides = array<i32>} : memref<48x128xf32, #tpu.memory_space<vmem>>, vector<16xf32>,
    %swap3A_48 = arith.constant 41 : i32
    %swap3A_49 = arith.index_cast %swap3A_48 : i32 to index
    %swap3A_50 = arith.constant 96 : index
    %swap3A_51 = tpu.vector_load %arg17[%swap3A_49, %swap3A_50] {strides = array<i32>} : memref<48x128xf32, #tpu.memory_space<vmem>>, vector<16xf32>,
    tpu.vector_store %arg17[%swap3A_49, %swap3A_50], %broadcast_in_dim3A_24 {strides = array<i32>} : memref<48x128xf32, #tpu.memory_space<vmem>>, vector<16xf32>,
    %swap3A_52 = arith.constant 41 : i32
    %swap3A_53 = arith.index_cast %swap3A_52 : i32 to index
    %swap3A_54 = arith.constant 112 : index
    %swap3A_55 = tpu.vector_load %arg17[%swap3A_53, %swap3A_54] {strides = array<i32>} : memref<48x128xf32, #tpu.memory_space<vmem>>, vector<16xf32>,
    tpu.vector_store %arg17[%swap3A_53, %swap3A_54], %broadcast_in_dim3A_24 {strides = array<i32>} : memref<48x128xf32, #tpu.memory_space<vmem>>, vector<16xf32>,
    %swap3A_56 = arith.constant 42 : i32
    %swap3A_57 = arith.index_cast %swap3A_56 : i32 to index
    %swap3A_58 = arith.constant 0 : index
    %swap3A_59 = tpu.vector_load %arg17[%swap3A_57, %swap3A_58] {strides = array<i32>} : memref<48x128xf32, #tpu.memory_space<vmem>>, vector<16xf32>,
    tpu.vector_store %arg17[%swap3A_57, %swap3A_58], %broadcast_in_dim3A_24 {strides = array<i32>} : memref<48x128xf32, #tpu.memory_space<vmem>>, vector<16xf32>,
    %swap3A_60 = arith.constant 42 : i32
    %swap3A_61 = arith.index_cast %swap3A_60 : i32 to index
    %swap3A_62 = arith.constant 16 : index
    %swap3A_63 = tpu.vector_load %arg17[%swap3A_61, %swap3A_62] {strides = array<i32>} : memref<48x128xf32, #tpu.memory_space<vmem>>, vector<16xf32>,
    tpu.vector_store %arg17[%swap3A_61, %swap3A_62], %broadcast_in_dim3A_24 {strides = array<i32>} : memref<48x128xf32, #tpu.memory_space<vmem>>, vector<16xf32>,
    %swap3A_64 = arith.constant 42 : i32
    %swap3A_65 = arith.index_cast %swap3A_64 : i32 to index
    %swap3A_66 = arith.constant 32 : index
    %swap3A_67 = tpu.vector_load %arg17[%swap3A_65, %swap3A_66] {strides = array<i32>} : memref<48x128xf32, #tpu.memory_space<vmem>>, vector<16xf32>,
    tpu.vector_store %arg17[%swap3A_65, %swap3A_66], %broadcast_in_dim3A_24 {strides = array<i32>} : memref<48x128xf32, #tpu.memory_space<vmem>>, vector<16xf32>,
    %swap3A_68 = arith.constant 42 : i32
    %swap3A_69 = arith.index_cast %swap3A_68 : i32 to index
    %swap3A_70 = arith.constant 48 : index
    %swap3A_71 = tpu.vector_load %arg17[%swap3A_69, %swap3A_70] {strides = array<i32>} : memref<48x128xf32, #tpu.memory_space<vmem>>, vector<16xf32>,
    tpu.vector_store %arg17[%swap3A_69, %swap3A_70], %broadcast_in_dim3A_24 {strides = array<i32>} : memref<48x128xf32, #tpu.memory_space<vmem>>, vector<16xf32>,
    %swap3A_72 = arith.constant 42 : i32
    %swap3A_73 = arith.index_cast %swap3A_72 : i32 to index
    %swap3A_74 = arith.constant 64 : index
    %swap3A_75 = tpu.vector_load %arg17[%swap3A_73, %swap3A_74] {strides = array<i32>} : memref<48x128xf32, #tpu.memory_space<vmem>>, vector<16xf32>,
    tpu.vector_store %arg17[%swap3A_73, %swap3A_74], %broadcast_in_dim3A_24 {strides = array<i32>} : memref<48x128xf32, #tpu.memory_space<vmem>>, vector<16xf32>,
    %swap3A_76 = arith.constant 42 : i32
    %swap3A_77 = arith.index_cast %swap3A_76 : i32 to index
    %swap3A_78 = arith.constant 80 : index
    %swap3A_79 = tpu.vector_load %arg17[%swap3A_77, %swap3A_78] {strides = array<i32>} : memref<48x128xf32, #tpu.memory_space<vmem>>, vector<16xf32>,
    tpu.vector_store %arg17[%swap3A_77, %swap3A_78], %broadcast_in_dim3A_24 {strides = array<i32>} : memref<48x128xf32, #tpu.memory_space<vmem>>, vector<16xf32>,
    %swap3A_80 = arith.constant 42 : i32
    %swap3A_81 = arith.index_cast %swap3A_80 : i32 to index
    %swap3A_82 = arith.constant 96 : index
    %swap3A_83 = tpu.vector_load %arg17[%swap3A_81, %swap3A_82] {strides = array<i32>} : memref<48x128xf32, #tpu.memory_space<vmem>>, vector<16xf32>,
    tpu.vector_store %arg17[%swap3A_81, %swap3A_82], %broadcast_in_dim3A_24 {strides = array<i32>} : memref<48x128xf32, #tpu.memory_space<vmem>>, vector<16xf32>,
    %swap3A_84 = arith.constant 42 : i32
    %swap3A_85 = arith.index_cast %swap3A_84 : i32 to index
    %swap3A_86 = arith.constant 112 : index
    %swap3A_87 = tpu.vector_load %arg17[%swap3A_85, %swap3A_86] {strides = array<i32>} : memref<48x128xf32, #tpu.memory_space<vmem>>, vector<16xf32>,
    tpu.vector_store %arg17[%swap3A_85, %swap3A_86], %broadcast_in_dim3A_24 {strides = array<i32>} : memref<48x128xf32, #tpu.memory_space<vmem>>, vector<16xf32>,
    %swap3A_88 = arith.constant 43 : i32
    %swap3A_89 = arith.index_cast %swap3A_88 : i32 to index
    %swap3A_90 = arith.constant 0 : index
    %swap3A_91 = tpu.vector_load %arg17[%swap3A_89, %swap3A_90] {strides = array<i32>} : memref<48x128xf32, #tpu.memory_space<vmem>>, vector<16xf32>,
    tpu.vector_store %arg17[%swap3A_89, %swap3A_90], %broadcast_in_dim3A_24 {strides = array<i32>} : memref<48x128xf32, #tpu.memory_space<vmem>>, vector<16xf32>,
    %swap3A_92 = arith.constant 43 : i32
    %swap3A_93 = arith.index_cast %swap3A_92 : i32 to index
    %swap3A_94 = arith.constant 16 : index
    %swap3A_95 = tpu.vector_load %arg17[%swap3A_93, %swap3A_94] {strides = array<i32>} : memref<48x128xf32, #tpu.memory_space<vmem>>, vector<16xf32>,
    tpu.vector_store %arg17[%swap3A_93, %swap3A_94], %broadcast_in_dim3A_24 {strides = array<i32>} : memref<48x128xf32, #tpu.memory_space<vmem>>, vector<16xf32>,
    %swap3A_96 = arith.constant 43 : i32
    %swap3A_97 = arith.index_cast %swap3A_96 : i32 to index
    %swap3A_98 = arith.constant 32 : index
    %swap3A_99 = tpu.vector_load %arg17[%swap3A_97, %swap3A_98] {strides = array<i32>} : memref<48x128xf32, #tpu.memory_space<vmem>>, vector<16xf32>,
    tpu.vector_store %arg17[%swap3A_97, %swap3A_98], %broadcast_in_dim3A_24 {strides = array<i32>} : memref<48x128xf32, #tpu.memory_space<vmem>>, vector<16xf32>,
    %swap3A_100 = arith.constant 43 : i32
    %swap3A_101 = arith.index_cast %swap3A_100 : i32 to index
    %swap3A_102 = arith.constant 48 : index
    %swap3A_103 = tpu.vector_load %arg17[%swap3A_101, %swap3A_102] {strides = array<i32>} : memref<48x128xf32, #tpu.memory_space<vmem>>, vector<16xf32>,
    tpu.vector_store %arg17[%swap3A_101, %swap3A_102], %broadcast_in_dim3A_24 {strides = array<i32>} : memref<48x128xf32, #tpu.memory_space<vmem>>, vector<16xf32>,
    %swap3A_104 = arith.constant 43 : i32
    %swap3A_105 = arith.index_cast %swap3A_104 : i32 to index
    %swap3A_106 = arith.constant 64 : index
    %swap3A_107 = tpu.vector_load %arg17[%swap3A_105, %swap3A_106] {strides = array<i32>} : memref<48x128xf32, #tpu.memory_space<vmem>>, vector<16xf32>,
    tpu.vector_store %arg17[%swap3A_105, %swap3A_106], %broadcast_in_dim3A_24 {strides = array<i32>} : memref<48x128xf32, #tpu.memory_space<vmem>>, vector<16xf32>,
    %swap3A_108 = arith.constant 43 : i32
    %swap3A_109 = arith.index_cast %swap3A_108 : i32 to index
    %swap3A_110 = arith.constant 80 : index
    %swap3A_111 = tpu.vector_load %arg17[%swap3A_109, %swap3A_110] {strides = array<i32>} : memref<48x128xf32, #tpu.memory_space<vmem>>, vector<16xf32>,
    tpu.vector_store %arg17[%swap3A_109, %swap3A_110], %broadcast_in_dim3A_24 {strides = array<i32>} : memref<48x128xf32, #tpu.memory_space<vmem>>, vector<16xf32>,
    %swap3A_112 = arith.constant 43 : i32
    %swap3A_113 = arith.index_cast %swap3A_112 : i32 to index
    %swap3A_114 = arith.constant 96 : index
    %swap3A_115 = tpu.vector_load %arg17[%swap3A_113, %swap3A_114] {strides = array<i32>} : memref<48x128xf32, #tpu.memory_space<vmem>>, vector<16xf32>,
    tpu.vector_store %arg17[%swap3A_113, %swap3A_114], %broadcast_in_dim3A_24 {strides = array<i32>} : memref<48x128xf32, #tpu.memory_space<vmem>>, vector<16xf32>,
    %swap3A_116 = arith.constant 43 : i32
    %swap3A_117 = arith.index_cast %swap3A_116 : i32 to index
    %swap3A_118 = arith.constant 112 : index
    %swap3A_119 = tpu.vector_load %arg17[%swap3A_117, %swap3A_118] {strides = array<i32>} : memref<48x128xf32, #tpu.memory_space<vmem>>, vector<16xf32>,
    tpu.vector_store %arg17[%swap3A_117, %swap3A_118], %broadcast_in_dim3A_24 {strides = array<i32>} : memref<48x128xf32, #tpu.memory_space<vmem>>, vector<16xf32>,
    %swap3A_120 = arith.constant 44 : i32
    %swap3A_121 = arith.index_cast %swap3A_120 : i32 to index
    %swap3A_122 = arith.constant 0 : index
    %swap3A_123 = tpu.vector_load %arg17[%swap3A_121, %swap3A_122] {strides = array<i32>} : memref<48x128xf32, #tpu.memory_space<vmem>>, vector<16xf32>,
    tpu.vector_store %arg17[%swap3A_121, %swap3A_122], %broadcast_in_dim3A_24 {strides = array<i32>} : memref<48x128xf32, #tpu.memory_space<vmem>>, vector<16xf32>,
    %swap3A_124 = arith.constant 44 : i32
    %swap3A_125 = arith.index_cast %swap3A_124 : i32 to index
    %swap3A_126 = arith.constant 16 : index
    %swap3A_127 = tpu.vector_load %arg17[%swap3A_125, %swap3A_126] {strides = array<i32>} : memref<48x128xf32, #tpu.memory_space<vmem>>, vector<16xf32>,
    tpu.vector_store %arg17[%swap3A_125, %swap3A_126], %broadcast_in_dim3A_24 {strides = array<i32>} : memref<48x128xf32, #tpu.memory_space<vmem>>, vector<16xf32>,
    %swap3A_128 = arith.constant 44 : i32
    %swap3A_129 = arith.index_cast %swap3A_128 : i32 to index
    %swap3A_130 = arith.constant 32 : index
    %swap3A_131 = tpu.vector_load %arg17[%swap3A_129, %swap3A_130] {strides = array<i32>} : memref<48x128xf32, #tpu.memory_space<vmem>>, vector<16xf32>,
    tpu.vector_store %arg17[%swap3A_129, %swap3A_130], %broadcast_in_dim3A_24 {strides = array<i32>} : memref<48x128xf32, #tpu.memory_space<vmem>>, vector<16xf32>,
    %swap3A_132 = arith.constant 44 : i32
    %swap3A_133 = arith.index_cast %swap3A_132 : i32 to index
    %swap3A_134 = arith.constant 48 : index
    %swap3A_135 = tpu.vector_load %arg17[%swap3A_133, %swap3A_134] {strides = array<i32>} : memref<48x128xf32, #tpu.memory_space<vmem>>, vector<16xf32>,
    tpu.vector_store %arg17[%swap3A_133, %swap3A_134], %broadcast_in_dim3A_24 {strides = array<i32>} : memref<48x128xf32, #tpu.memory_space<vmem>>, vector<16xf32>,
    %swap3A_136 = arith.constant 44 : i32
    %swap3A_137 = arith.index_cast %swap3A_136 : i32 to index
    %swap3A_138 = arith.constant 64 : index
    %swap3A_139 = tpu.vector_load %arg17[%swap3A_137, %swap3A_138] {strides = array<i32>} : memref<48x128xf32, #tpu.memory_space<vmem>>, vector<16xf32>,
    tpu.vector_store %arg17[%swap3A_137, %swap3A_138], %broadcast_in_dim3A_24 {strides = array<i32>} : memref<48x128xf32, #tpu.memory_space<vmem>>, vector<16xf32>,
    %swap3A_140 = arith.constant 44 : i32
    %swap3A_141 = arith.index_cast %swap3A_140 : i32 to index
    %swap3A_142 = arith.constant 80 : index
    %swap3A_143 = tpu.vector_load %arg17[%swap3A_141, %swap3A_142] {strides = array<i32>} : memref<48x128xf32, #tpu.memory_space<vmem>>, vector<16xf32>,
    tpu.vector_store %arg17[%swap3A_141, %swap3A_142], %broadcast_in_dim3A_24 {strides = array<i32>} : memref<48x128xf32, #tpu.memory_space<vmem>>, vector<16xf32>,
    %swap3A_144 = arith.constant 44 : i32
    %swap3A_145 = arith.index_cast %swap3A_144 : i32 to index
    %swap3A_146 = arith.constant 96 : index
    %swap3A_147 = tpu.vector_load %arg17[%swap3A_145, %swap3A_146] {strides = array<i32>} : memref<48x128xf32, #tpu.memory_space<vmem>>, vector<16xf32>,
    tpu.vector_store %arg17[%swap3A_145, %swap3A_146], %broadcast_in_dim3A_24 {strides = array<i32>} : memref<48x128xf32, #tpu.memory_space<vmem>>, vector<16xf32>,
    %swap3A_148 = arith.constant 44 : i32
    %swap3A_149 = arith.index_cast %swap3A_148 : i32 to index
    %swap3A_150 = arith.constant 112 : index
    %swap3A_151 = tpu.vector_load %arg17[%swap3A_149, %swap3A_150] {strides = array<i32>} : memref<48x128xf32, #tpu.memory_space<vmem>>, vector<16xf32>,
    tpu.vector_store %arg17[%swap3A_149, %swap3A_150], %broadcast_in_dim3A_24 {strides = array<i32>} : memref<48x128xf32, #tpu.memory_space<vmem>>, vector<16xf32>,
    %swap3A_152 = arith.constant 45 : i32
    %swap3A_153 = arith.index_cast %swap3A_152 : i32 to index
    %swap3A_154 = arith.constant 0 : index
    %swap3A_155 = tpu.vector_load %arg17[%swap3A_153, %swap3A_154] {strides = array<i32>} : memref<48x128xf32, #tpu.memory_space<vmem>>, vector<16xf32>,
    tpu.vector_store %arg17[%swap3A_153, %swap3A_154], %broadcast_in_dim3A_24 {strides = array<i32>} : memref<48x128xf32, #tpu.memory_space<vmem>>, vector<16xf32>,
    %swap3A_156 = arith.constant 45 : i32
    %swap3A_157 = arith.index_cast %swap3A_156 : i32 to index
    %swap3A_158 = arith.constant 16 : index
    %swap3A_159 = tpu.vector_load %arg17[%swap3A_157, %swap3A_158] {strides = array<i32>} : memref<48x128xf32, #tpu.memory_space<vmem>>, vector<16xf32>,
    tpu.vector_store %arg17[%swap3A_157, %swap3A_158], %broadcast_in_dim3A_24 {strides = array<i32>} : memref<48x128xf32, #tpu.memory_space<vmem>>, vector<16xf32>,
    %swap3A_160 = arith.constant 45 : i32
    %swap3A_161 = arith.index_cast %swap3A_160 : i32 to index
    %swap3A_162 = arith.constant 32 : index
    %swap3A_163 = tpu.vector_load %arg17[%swap3A_161, %swap3A_162] {strides = array<i32>} : memref<48x128xf32, #tpu.memory_space<vmem>>, vector<16xf32>,
    tpu.vector_store %arg17[%swap3A_161, %swap3A_162], %broadcast_in_dim3A_24 {strides = array<i32>} : memref<48x128xf32, #tpu.memory_space<vmem>>, vector<16xf32>,
    %swap3A_164 = arith.constant 45 : i32
    %swap3A_165 = arith.index_cast %swap3A_164 : i32 to index
    %swap3A_166 = arith.constant 48 : index
    %swap3A_167 = tpu.vector_load %arg17[%swap3A_165, %swap3A_166] {strides = array<i32>} : memref<48x128xf32, #tpu.memory_space<vmem>>, vector<16xf32>,
    tpu.vector_store %arg17[%swap3A_165, %swap3A_166], %broadcast_in_dim3A_24 {strides = array<i32>} : memref<48x128xf32, #tpu.memory_space<vmem>>, vector<16xf32>,
    %swap3A_168 = arith.constant 45 : i32
    %swap3A_169 = arith.index_cast %swap3A_168 : i32 to index
    %swap3A_170 = arith.constant 64 : index
    %swap3A_171 = tpu.vector_load %arg17[%swap3A_169, %swap3A_170] {strides = array<i32>} : memref<48x128xf32, #tpu.memory_space<vmem>>, vector<16xf32>,
    tpu.vector_store %arg17[%swap3A_169, %swap3A_170], %broadcast_in_dim3A_24 {strides = array<i32>} : memref<48x128xf32, #tpu.memory_space<vmem>>, vector<16xf32>,
    %swap3A_172 = arith.constant 45 : i32
    %swap3A_173 = arith.index_cast %swap3A_172 : i32 to index
    %swap3A_174 = arith.constant 80 : index
    %swap3A_175 = tpu.vector_load %arg17[%swap3A_173, %swap3A_174] {strides = array<i32>} : memref<48x128xf32, #tpu.memory_space<vmem>>, vector<16xf32>,
    tpu.vector_store %arg17[%swap3A_173, %swap3A_174], %broadcast_in_dim3A_24 {strides = array<i32>} : memref<48x128xf32, #tpu.memory_space<vmem>>, vector<16xf32>,
    %swap3A_176 = arith.constant 45 : i32
    %swap3A_177 = arith.index_cast %swap3A_176 : i32 to index
    %swap3A_178 = arith.constant 96 : index
    %swap3A_179 = tpu.vector_load %arg17[%swap3A_177, %swap3A_178] {strides = array<i32>} : memref<48x128xf32, #tpu.memory_space<vmem>>, vector<16xf32>,
    tpu.vector_store %arg17[%swap3A_177, %swap3A_178], %broadcast_in_dim3A_24 {strides = array<i32>} : memref<48x128xf32, #tpu.memory_space<vmem>>, vector<16xf32>,
    %swap3A_180 = arith.constant 45 : i32
    %swap3A_181 = arith.index_cast %swap3A_180 : i32 to index
    %swap3A_182 = arith.constant 112 : index
    %swap3A_183 = tpu.vector_load %arg17[%swap3A_181, %swap3A_182] {strides = array<i32>} : memref<48x128xf32, #tpu.memory_space<vmem>>, vector<16xf32>,
    tpu.vector_store %arg17[%swap3A_181, %swap3A_182], %broadcast_in_dim3A_24 {strides = array<i32>} : memref<48x128xf32, #tpu.memory_space<vmem>>, vector<16xf32>,
    %swap3A_184 = arith.constant 46 : i32
    %swap3A_185 = arith.index_cast %swap3A_184 : i32 to index
    %swap3A_186 = arith.constant 0 : index
    %swap3A_187 = tpu.vector_load %arg17[%swap3A_185, %swap3A_186] {strides = array<i32>} : memref<48x128xf32, #tpu.memory_space<vmem>>, vector<16xf32>,
    tpu.vector_store %arg17[%swap3A_185, %swap3A_186], %broadcast_in_dim3A_24 {strides = array<i32>} : memref<48x128xf32, #tpu.memory_space<vmem>>, vector<16xf32>,
    %swap3A_188 = arith.constant 46 : i32
    %swap3A_189 = arith.index_cast %swap3A_188 : i32 to index
    %swap3A_190 = arith.constant 16 : index
    %swap3A_191 = tpu.vector_load %arg17[%swap3A_189, %swap3A_190] {strides = array<i32>} : memref<48x128xf32, #tpu.memory_space<vmem>>, vector<16xf32>,
    tpu.vector_store %arg17[%swap3A_189, %swap3A_190], %broadcast_in_dim3A_24 {strides = array<i32>} : memref<48x128xf32, #tpu.memory_space<vmem>>, vector<16xf32>,
    %swap3A_192 = arith.constant 46 : i32
    %swap3A_193 = arith.index_cast %swap3A_192 : i32 to index
    %swap3A_194 = arith.constant 32 : index
    %swap3A_195 = tpu.vector_load %arg17[%swap3A_193, %swap3A_194] {strides = array<i32>} : memref<48x128xf32, #tpu.memory_space<vmem>>, vector<16xf32>,
    tpu.vector_store %arg17[%swap3A_193, %swap3A_194], %broadcast_in_dim3A_24 {strides = array<i32>} : memref<48x128xf32, #tpu.memory_space<vmem>>, vector<16xf32>,
    %swap3A_196 = arith.constant 46 : i32
    %swap3A_197 = arith.index_cast %swap3A_196 : i32 to index
    %swap3A_198 = arith.constant 48 : index
    %swap3A_199 = tpu.vector_load %arg17[%swap3A_197, %swap3A_198] {strides = array<i32>} : memref<48x128xf32, #tpu.memory_space<vmem>>, vector<16xf32>,
    tpu.vector_store %arg17[%swap3A_197, %swap3A_198], %broadcast_in_dim3A_24 {strides = array<i32>} : memref<48x128xf32, #tpu.memory_space<vmem>>, vector<16xf32>,
    %swap3A_200 = arith.constant 46 : i32
    %swap3A_201 = arith.index_cast %swap3A_200 : i32 to index
    %swap3A_202 = arith.constant 64 : index
    %swap3A_203 = tpu.vector_load %arg17[%swap3A_201, %swap3A_202] {strides = array<i32>} : memref<48x128xf32, #tpu.memory_space<vmem>>, vector<16xf32>,
    tpu.vector_store %arg17[%swap3A_201, %swap3A_202], %broadcast_in_dim3A_24 {strides = array<i32>} : memref<48x128xf32, #tpu.memory_space<vmem>>, vector<16xf32>,
    %swap3A_204 = arith.constant 46 : i32
    %swap3A_205 = arith.index_cast %swap3A_204 : i32 to index
    %swap3A_206 = arith.constant 80 : index
    %swap3A_207 = tpu.vector_load %arg17[%swap3A_205, %swap3A_206] {strides = array<i32>} : memref<48x128xf32, #tpu.memory_space<vmem>>, vector<16xf32>,
    tpu.vector_store %arg17[%swap3A_205, %swap3A_206], %broadcast_in_dim3A_24 {strides = array<i32>} : memref<48x128xf32, #tpu.memory_space<vmem>>, vector<16xf32>,
    %swap3A_208 = arith.constant 46 : i32
    %swap3A_209 = arith.index_cast %swap3A_208 : i32 to index
    %swap3A_210 = arith.constant 96 : index
    %swap3A_211 = tpu.vector_load %arg17[%swap3A_209, %swap3A_210] {strides = array<i32>} : memref<48x128xf32, #tpu.memory_space<vmem>>, vector<16xf32>,
    tpu.vector_store %arg17[%swap3A_209, %swap3A_210], %broadcast_in_dim3A_24 {strides = array<i32>} : memref<48x128xf32, #tpu.memory_space<vmem>>, vector<16xf32>,
    %swap3A_212 = arith.constant 46 : i32
    %swap3A_213 = arith.index_cast %swap3A_212 : i32 to index
    %swap3A_214 = arith.constant 112 : index
    %swap3A_215 = tpu.vector_load %arg17[%swap3A_213, %swap3A_214] {strides = array<i32>} : memref<48x128xf32, #tpu.memory_space<vmem>>, vector<16xf32>,
    tpu.vector_store %arg17[%swap3A_213, %swap3A_214], %broadcast_in_dim3A_24 {strides = array<i32>} : memref<48x128xf32, #tpu.memory_space<vmem>>, vector<16xf32>,
    %swap3A_216 = arith.constant 47 : i32
    %swap3A_217 = arith.index_cast %swap3A_216 : i32 to index
    %swap3A_218 = arith.constant 0 : index
    %swap3A_219 = tpu.vector_load %arg17[%swap3A_217, %swap3A_218] {strides = array<i32>} : memref<48x128xf32, #tpu.memory_space<vmem>>, vector<16xf32>,
    tpu.vector_store %arg17[%swap3A_217, %swap3A_218], %broadcast_in_dim3A_24 {strides = array<i32>} : memref<48x128xf32, #tpu.memory_space<vmem>>, vector<16xf32>,
    %swap3A_220 = arith.constant 47 : i32
    %swap3A_221 = arith.index_cast %swap3A_220 : i32 to index
    %swap3A_222 = arith.constant 16 : index
    %swap3A_223 = tpu.vector_load %arg17[%swap3A_221, %swap3A_222] {strides = array<i32>} : memref<48x128xf32, #tpu.memory_space<vmem>>, vector<16xf32>,
    tpu.vector_store %arg17[%swap3A_221, %swap3A_222], %broadcast_in_dim3A_24 {strides = array<i32>} : memref<48x128xf32, #tpu.memory_space<vmem>>, vector<16xf32>,
    %swap3A_224 = arith.constant 47 : i32
    %swap3A_225 = arith.index_cast %swap3A_224 : i32 to index
    %swap3A_226 = arith.constant 32 : index
    %swap3A_227 = tpu.vector_load %arg17[%swap3A_225, %swap3A_226] {strides = array<i32>} : memref<48x128xf32, #tpu.memory_space<vmem>>, vector<16xf32>,
    tpu.vector_store %arg17[%swap3A_225, %swap3A_226], %broadcast_in_dim3A_24 {strides = array<i32>} : memref<48x128xf32, #tpu.memory_space<vmem>>, vector<16xf32>,
    %swap3A_228 = arith.constant 47 : i32
    %swap3A_229 = arith.index_cast %swap3A_228 : i32 to index
    %swap3A_230 = arith.constant 48 : index
    %swap3A_231 = tpu.vector_load %arg17[%swap3A_229, %swap3A_230] {strides = array<i32>} : memref<48x128xf32, #tpu.memory_space<vmem>>, vector<16xf32>,
    tpu.vector_store %arg17[%swap3A_229, %swap3A_230], %broadcast_in_dim3A_24 {strides = array<i32>} : memref<48x128xf32, #tpu.memory_space<vmem>>, vector<16xf32>,
    %swap3A_232 = arith.constant 47 : i32
    %swap3A_233 = arith.index_cast %swap3A_232 : i32 to index
    %swap3A_234 = arith.constant 64 : index
    %swap3A_235 = tpu.vector_load %arg17[%swap3A_233, %swap3A_234] {strides = array<i32>} : memref<48x128xf32, #tpu.memory_space<vmem>>, vector<16xf32>,
    tpu.vector_store %arg17[%swap3A_233, %swap3A_234], %broadcast_in_dim3A_24 {strides = array<i32>} : memref<48x128xf32, #tpu.memory_space<vmem>>, vector<16xf32>,
    %swap3A_236 = arith.constant 47 : i32
    %swap3A_237 = arith.index_cast %swap3A_236 : i32 to index
    %swap3A_238 = arith.constant 80 : index
    %swap3A_239 = tpu.vector_load %arg17[%swap3A_237, %swap3A_238] {strides = array<i32>} : memref<48x128xf32, #tpu.memory_space<vmem>>, vector<16xf32>,
    tpu.vector_store %arg17[%swap3A_237, %swap3A_238], %broadcast_in_dim3A_24 {strides = array<i32>} : memref<48x128xf32, #tpu.memory_space<vmem>>, vector<16xf32>,
    %swap3A_240 = arith.constant 47 : i32
    %swap3A_241 = arith.index_cast %swap3A_240 : i32 to index
    %swap3A_242 = arith.constant 96 : index
    %swap3A_243 = tpu.vector_load %arg17[%swap3A_241, %swap3A_242] {strides = array<i32>} : memref<48x128xf32, #tpu.memory_space<vmem>>, vector<16xf32>,
    tpu.vector_store %arg17[%swap3A_241, %swap3A_242], %broadcast_in_dim3A_24 {strides = array<i32>} : memref<48x128xf32, #tpu.memory_space<vmem>>, vector<16xf32>,
    %swap3A_244 = arith.constant 47 : i32
    %swap3A_245 = arith.index_cast %swap3A_244 : i32 to index
    %swap3A_246 = arith.constant 112 : index
    %swap3A_247 = tpu.vector_load %arg17[%swap3A_245, %swap3A_246] {strides = array<i32>} : memref<48x128xf32, #tpu.memory_space<vmem>>, vector<16xf32>,
    tpu.vector_store %arg17[%swap3A_245, %swap3A_246], %broadcast_in_dim3A_24 {strides = array<i32>} : memref<48x128xf32, #tpu.memory_space<vmem>>, vector<16xf32>,
    %mul3A_248 = arith.constant 10240 : i32
    %mul3A_249 = arith.muli %add3A, %mul3A_248 : i32
    %add3A_250 = arith.constant 15 : i32
    %add3A_251 = arith.addi %min3A_9, %add3A_250 : i32
    %jit3A = arith.constant 16 : i32
    %div3A_252 = arith.divsi %add3A_251, %jit3A : i32
    %sign3A = arith.constant 0 : i32
    %sign3A_253 = arith.cmpi sgt, %add3A_251, %sign3A : i32
    %sign3A_254 = arith.extui %sign3A_253 : i1 to i32
    %sign3A_255 = arith.constant 0 : i32
    %sign3A_256 = arith.cmpi slt, %add3A_251, %sign3A_255 : i32
    %sign3A_257 = arith.extui %sign3A_256 : i1 to i32
    %sign3A_258 = arith.subi %sign3A_254, %sign3A_257 : i32
    %sign3A_259 = arith.constant 0 : i32
    %sign3A_260 = arith.cmpi sgt, %jit3A, %sign3A_259 : i32
    %sign3A_261 = arith.extui %sign3A_260 : i1 to i32
    %sign3A_262 = arith.constant 0 : i32
    %sign3A_263 = arith.cmpi slt, %jit3A, %sign3A_262 : i32
    %sign3A_264 = arith.extui %sign3A_263 : i1 to i32
    %sign3A_265 = arith.subi %sign3A_261, %sign3A_264 : i32
    %ne3A = arith.cmpi ne, %sign3A_258, %sign3A_265 : i32
    %rem3A = arith.remsi %add3A_251, %jit3A : i32
    %ne3A_266 = arith.constant 0 : i32
    %ne3A_267 = arith.cmpi ne, %rem3A, %ne3A_266 : i32
    %and3A = arith.andi %ne3A, %ne3A_267 : i1
    %sub3A = arith.constant 1 : i32
    %sub3A_268 = arith.subi %div3A_252, %sub3A : i32
    %select_n3A = arith.select %and3A, %sub3A_268, %div3A_252 : i32
    %while3A_269 = arith.constant 0 : i32
    %while3A_270 = arith.constant 0 : i32
    %while3A_271 = arith.subi %select_n3A, %while3A_269 : i32
    %while3A_272 = arith.addi %while3A_269, %while3A_271 : i32
    %while3A_273 = arith.constant 1 : i32
    %while3A_274 = arith.divsi %while3A_271, %while3A_273 : i32
    %while3A_275 = arith.muli %while3A_274, %while3A_273 : i32
    %while3A_276 = arith.addi %while3A_269, %while3A_275 : i32
    %while3A_277 = arith.constant 1 : i32
    %while3A_278 = scf.for %while3A_1636 = %while3A_269 to %while3A_276 step %while3A_277 iter_args(%while3A_1637 = %while3A_270) -> (i32)  : i32 {
      %mul3A_1638 = arith.constant 16 : i32
      %mul3A_1639 = arith.muli %while3A_1636, %mul3A_1638 : i32
      %rem3A_1640 = arith.constant 8 : i32
      %rem3A_1641 = arith.remsi %while3A_1636, %rem3A_1640 : i32
      %mul3A_1642 = arith.constant 16 : i32
      %mul3A_1643 = arith.muli %rem3A_1641, %mul3A_1642 : i32
      %get3A = arith.index_cast %mul3A_1639 : i32 to index
      %get3A_1644 = tpu.vector_load %arg15[%get3A] {strides = array<i32>} : memref<14336xi32, #tpu.memory_space<vmem>>, vector<16xi32>,
      %jit3A_1645 = arith.constant 0 : i32
      %jit3A_1646 = arith.constant 4095 : i32
      %max3A = vector.broadcast %jit3A_1645 : i32 to vector<16xi32>
      %max3A_1647 = arith.maxsi %max3A, %get3A_1644 : vector<16xi32>
      %min3A_1648 = vector.broadcast %jit3A_1646 : i32 to vector<16xi32>
      %min3A_1649 = arith.minsi %min3A_1648, %max3A_1647 : vector<16xi32>
      %get3A_1650 = arith.index_cast %mul3A_1639 : i32 to index
      %get3A_1651 = tpu.vector_load %arg16[%get3A_1650] {strides = array<i32>} : memref<14336xi32, #tpu.memory_space<vmem>>, vector<16xi32>,
      %jit3A_1652 = arith.constant 0 : i32
      %jit3A_1653 = arith.constant 4095 : i32
      %max3A_1654 = vector.broadcast %jit3A_1652 : i32 to vector<16xi32>
      %max3A_1655 = arith.maxsi %max3A_1654, %get3A_1651 : vector<16xi32>
      %min3A_1656 = vector.broadcast %jit3A_1653 : i32 to vector<16xi32>
      %min3A_1657 = arith.minsi %min3A_1656, %max3A_1655 : vector<16xi32>
      %gather3A = tpu.vector_load_idx %arg10[%min3A_1649] : memref<4112xf32, #tpu.memory_space<vmem>>[vector<16xi32>], vector<16xf32>,
      %gather3A_1658 = tpu.vector_load_idx %arg11[%min3A_1649] : memref<4112xf32, #tpu.memory_space<vmem>>[vector<16xi32>], vector<16xf32>,
      %gather3A_1659 = tpu.vector_load_idx %arg10[%min3A_1657] : memref<4112xf32, #tpu.memory_space<vmem>>[vector<16xi32>], vector<16xf32>,
      %gather3A_1660 = tpu.vector_load_idx %arg11[%min3A_1657] : memref<4112xf32, #tpu.memory_space<vmem>>[vector<16xi32>], vector<16xf32>,
      %sub3A_1661 = arith.subf %gather3A, %gather3A_1659 : vector<16xf32>
      %sub3A_1662 = arith.subf %gather3A_1658, %gather3A_1660 : vector<16xf32>
      %mul3A_1663 = arith.mulf %sub3A_1661, %sub3A_1661 : vector<16xf32>
      %mul3A_1664 = arith.mulf %sub3A_1662, %sub3A_1662 : vector<16xf32>
      %add3A_1665 = arith.addf %mul3A_1663, %mul3A_1664 : vector<16xf32>
      %max3A_1666 = arith.constant 9.99999996E-13 : f32
      %max3A_1667 = vector.broadcast %max3A_1666 : f32 to vector<16xf32>
      %max3A_1668 = arith.maximumf %add3A_1665, %max3A_1667 : vector<16xf32>
      %bitcast3A = vector.bitcast %max3A_1668 : vector<16xf32> to vector<16xi32>
      %shift_right_logical3A = arith.constant 1 : i32
      %shift_right_logical3A_1669 = vector.broadcast %shift_right_logical3A : i32 to vector<16xi32>
      %shift_right_logical3A_1670 = arith.shrui %bitcast3A, %shift_right_logical3A_1669 : vector<16xi32>
      %add3A_1671 = arith.constant 532487669 : i32
      %add3A_1672 = vector.broadcast %add3A_1671 : i32 to vector<16xi32>
      %add3A_1673 = arith.addi %shift_right_logical3A_1670, %add3A_1672 : vector<16xi32>
      %bitcast3A_1674 = vector.bitcast %add3A_1673 : vector<16xi32> to vector<16xf32>
      %div3A_1675 = arith.divf %max3A_1668, %bitcast3A_1674 : vector<16xf32>
      %add3A_1676 = arith.addf %bitcast3A_1674, %div3A_1675 : vector<16xf32>
      %mul3A_1677 = arith.constant 5.000000e-01 : f32
      %mul3A_1678 = vector.broadcast %mul3A_1677 : f32 to vector<16xf32>
      %mul3A_1679 = arith.mulf %mul3A_1678, %add3A_1676 : vector<16xf32>
      %div3A_1680 = arith.divf %max3A_1668, %mul3A_1679 : vector<16xf32>
      %add3A_1681 = arith.addf %mul3A_1679, %div3A_1680 : vector<16xf32>
      %mul3A_1682 = arith.constant 5.000000e-01 : f32
      %mul3A_1683 = vector.broadcast %mul3A_1682 : f32 to vector<16xf32>
      %mul3A_1684 = arith.mulf %mul3A_1683, %add3A_1681 : vector<16xf32>
      %div3A_1685 = arith.divf %max3A_1668, %mul3A_1684 : vector<16xf32>
      %add3A_1686 = arith.addf %mul3A_1684, %div3A_1685 : vector<16xf32>
      %mul3A_1687 = arith.constant 5.000000e-01 : f32
      %mul3A_1688 = vector.broadcast %mul3A_1687 : f32 to vector<16xf32>
      %mul3A_1689 = arith.mulf %mul3A_1688, %add3A_1686 : vector<16xf32>
      %mul3A_1690 = arith.mulf %mul3A_1689, %mul3A_1689 : vector<16xf32>
      %mul3A_1691 = arith.constant 1.98412701E-4 : f32
      %mul3A_1692 = vector.broadcast %mul3A_1691 : f32 to vector<16xf32>
      %mul3A_1693 = arith.mulf %mul3A_1690, %mul3A_1692 : vector<16xf32>
      %sub3A_1694 = arith.constant 0.00833333377 : f32
      %sub3A_1695 = vector.broadcast %sub3A_1694 : f32 to vector<16xf32>
      %sub3A_1696 = arith.subf %sub3A_1695, %mul3A_1693 : vector<16xf32>
      %mul3A_1697 = arith.mulf %mul3A_1690, %sub3A_1696 : vector<16xf32>
      %add3A_1698 = arith.constant -0.166666672 : f32
      %add3A_1699 = vector.broadcast %add3A_1698 : f32 to vector<16xf32>
      %add3A_1700 = arith.addf %add3A_1699, %mul3A_1697 : vector<16xf32>
      %mul3A_1701 = arith.mulf %mul3A_1690, %add3A_1700 : vector<16xf32>
      %add3A_1702 = arith.constant 1.000000e+00 : f32
      %add3A_1703 = vector.broadcast %add3A_1702 : f32 to vector<16xf32>
      %add3A_1704 = arith.addf %add3A_1703, %mul3A_1701 : vector<16xf32>
      %mul3A_1705 = arith.mulf %mul3A_1689, %add3A_1704 : vector<16xf32>
      %mul3A_1706 = arith.constant 0.00138888892 : f32
      %mul3A_1707 = vector.broadcast %mul3A_1706 : f32 to vector<16xf32>
      %mul3A_1708 = arith.mulf %mul3A_1690, %mul3A_1707 : vector<16xf32>
      %sub3A_1709 = arith.constant 0.0416666679 : f32
      %sub3A_1710 = vector.broadcast %sub3A_1709 : f32 to vector<16xf32>
      %sub3A_1711 = arith.subf %sub3A_1710, %mul3A_1708 : vector<16xf32>
      %mul3A_1712 = arith.mulf %mul3A_1690, %sub3A_1711 : vector<16xf32>
      %add3A_1713 = arith.constant -5.000000e-01 : f32
      %add3A_1714 = vector.broadcast %add3A_1713 : f32 to vector<16xf32>
      %add3A_1715 = arith.addf %add3A_1714, %mul3A_1712 : vector<16xf32>
      %mul3A_1716 = arith.mulf %mul3A_1690, %add3A_1715 : vector<16xf32>
      %add3A_1717 = arith.constant 1.000000e+00 : f32
      %add3A_1718 = vector.broadcast %add3A_1717 : f32 to vector<16xf32>
      %add3A_1719 = arith.addf %add3A_1718, %mul3A_1716 : vector<16xf32>
      %mul3A_1720 = arith.constant 2.000000e+00 : f32
      %mul3A_1721 = vector.broadcast %mul3A_1720 : f32 to vector<16xf32>
      %mul3A_1722 = arith.mulf %mul3A_1721, %mul3A_1689 : vector<16xf32>
      %mul3A_1723 = arith.mulf %mul3A_1722, %mul3A_1722 : vector<16xf32>
      %mul3A_1724 = arith.constant 1.98412701E-4 : f32
      %mul3A_1725 = vector.broadcast %mul3A_1724 : f32 to vector<16xf32>
      %mul3A_1726 = arith.mulf %mul3A_1723, %mul3A_1725 : vector<16xf32>
      %sub3A_1727 = arith.constant 0.00833333377 : f32
      %sub3A_1728 = vector.broadcast %sub3A_1727 : f32 to vector<16xf32>
      %sub3A_1729 = arith.subf %sub3A_1728, %mul3A_1726 : vector<16xf32>
      %mul3A_1730 = arith.mulf %mul3A_1723, %sub3A_1729 : vector<16xf32>
      %add3A_1731 = arith.constant -0.166666672 : f32
      %add3A_1732 = vector.broadcast %add3A_1731 : f32 to vector<16xf32>
      %add3A_1733 = arith.addf %add3A_1732, %mul3A_1730 : vector<16xf32>
      %mul3A_1734 = arith.mulf %mul3A_1723, %add3A_1733 : vector<16xf32>
      %add3A_1735 = arith.constant 1.000000e+00 : f32
      %add3A_1736 = vector.broadcast %add3A_1735 : f32 to vector<16xf32>
      %add3A_1737 = arith.addf %add3A_1736, %mul3A_1734 : vector<16xf32>
      %mul3A_1738 = arith.mulf %mul3A_1722, %add3A_1737 : vector<16xf32>
      %mul3A_1739 = arith.constant 0.00138888892 : f32
      %mul3A_1740 = vector.broadcast %mul3A_1739 : f32 to vector<16xf32>
      %mul3A_1741 = arith.mulf %mul3A_1723, %mul3A_1740 : vector<16xf32>
      %sub3A_1742 = arith.constant 0.0416666679 : f32
      %sub3A_1743 = vector.broadcast %sub3A_1742 : f32 to vector<16xf32>
      %sub3A_1744 = arith.subf %sub3A_1743, %mul3A_1741 : vector<16xf32>
      %mul3A_1745 = arith.mulf %mul3A_1723, %sub3A_1744 : vector<16xf32>
      %add3A_1746 = arith.constant -5.000000e-01 : f32
      %add3A_1747 = vector.broadcast %add3A_1746 : f32 to vector<16xf32>
      %add3A_1748 = arith.addf %add3A_1747, %mul3A_1745 : vector<16xf32>
      %mul3A_1749 = arith.mulf %mul3A_1723, %add3A_1748 : vector<16xf32>
      %add3A_1750 = arith.constant 1.000000e+00 : f32
      %add3A_1751 = vector.broadcast %add3A_1750 : f32 to vector<16xf32>
      %add3A_1752 = arith.addf %add3A_1751, %mul3A_1749 : vector<16xf32>
      %gather3A_1753 = tpu.vector_load_idx %arg12[%min3A_1649] : memref<4096xf32, #tpu.memory_space<vmem>>[vector<16xi32>], vector<16xf32>,
      %gather3A_1754 = tpu.vector_load_idx %arg13[%min3A_1649] : memref<4096xf32, #tpu.memory_space<vmem>>[vector<16xi32>], vector<16xf32>,
      %gather3A_1755 = tpu.vector_load_idx %arg12[%min3A_1657] : memref<4096xf32, #tpu.memory_space<vmem>>[vector<16xi32>], vector<16xf32>,
      %gather3A_1756 = tpu.vector_load_idx %arg13[%min3A_1657] : memref<4096xf32, #tpu.memory_space<vmem>>[vector<16xi32>], vector<16xf32>,
      %mul3A_1757 = arith.mulf %gather3A_1753, %gather3A_1756 : vector<16xf32>
      %mul3A_1758 = arith.mulf %gather3A_1754, %gather3A_1755 : vector<16xf32>
      %sub3A_1759 = arith.subf %mul3A_1757, %mul3A_1758 : vector<16xf32>
      %mul3A_1760 = arith.mulf %gather3A_1754, %gather3A_1756 : vector<16xf32>
      %mul3A_1761 = arith.mulf %gather3A_1753, %gather3A_1755 : vector<16xf32>
      %add3A_1762 = arith.addf %mul3A_1760, %mul3A_1761 : vector<16xf32>
      %swap3A_1763 = arith.constant 0 : i32
      %swap3A_1764 = arith.index_cast %swap3A_1763 : i32 to index
      %swap3A_1765 = arith.index_cast %mul3A_1643 : i32 to index
      %swap3A_1766 = tpu.vector_load %arg17[%swap3A_1764, %swap3A_1765] {strides = array<i32>} : memref<48x128xf32, #tpu.memory_space<vmem>>, vector<16xf32>,
      tpu.vector_store %arg17[%swap3A_1764, %swap3A_1765], %sub3A_1661 {strides = array<i32>} : memref<48x128xf32, #tpu.memory_space<vmem>>, vector<16xf32>,
      %swap3A_1767 = arith.constant 1 : i32
      %swap3A_1768 = arith.index_cast %swap3A_1767 : i32 to index
      %swap3A_1769 = arith.index_cast %mul3A_1643 : i32 to index
      %swap3A_1770 = tpu.vector_load %arg17[%swap3A_1768, %swap3A_1769] {strides = array<i32>} : memref<48x128xf32, #tpu.memory_space<vmem>>, vector<16xf32>,
      tpu.vector_store %arg17[%swap3A_1768, %swap3A_1769], %sub3A_1662 {strides = array<i32>} : memref<48x128xf32, #tpu.memory_space<vmem>>, vector<16xf32>,
      %swap3A_1771 = arith.constant 2 : i32
      %swap3A_1772 = arith.index_cast %swap3A_1771 : i32 to index
      %swap3A_1773 = arith.index_cast %mul3A_1643 : i32 to index
      %swap3A_1774 = tpu.vector_load %arg17[%swap3A_1772, %swap3A_1773] {strides = array<i32>} : memref<48x128xf32, #tpu.memory_space<vmem>>, vector<16xf32>,
      tpu.vector_store %arg17[%swap3A_1772, %swap3A_1773], %mul3A_1689 {strides = array<i32>} : memref<48x128xf32, #tpu.memory_space<vmem>>, vector<16xf32>,
      %swap3A_1775 = arith.constant 3 : i32
      %swap3A_1776 = arith.index_cast %swap3A_1775 : i32 to index
      %swap3A_1777 = arith.index_cast %mul3A_1643 : i32 to index
      %swap3A_1778 = tpu.vector_load %arg17[%swap3A_1776, %swap3A_1777] {strides = array<i32>} : memref<48x128xf32, #tpu.memory_space<vmem>>, vector<16xf32>,
      tpu.vector_store %arg17[%swap3A_1776, %swap3A_1777], %mul3A_1705 {strides = array<i32>} : memref<48x128xf32, #tpu.memory_space<vmem>>, vector<16xf32>,
      %swap3A_1779 = arith.constant 4 : i32
      %swap3A_1780 = arith.index_cast %swap3A_1779 : i32 to index
      %swap3A_1781 = arith.index_cast %mul3A_1643 : i32 to index
      %swap3A_1782 = tpu.vector_load %arg17[%swap3A_1780, %swap3A_1781] {strides = array<i32>} : memref<48x128xf32, #tpu.memory_space<vmem>>, vector<16xf32>,
      tpu.vector_store %arg17[%swap3A_1780, %swap3A_1781], %add3A_1719 {strides = array<i32>} : memref<48x128xf32, #tpu.memory_space<vmem>>, vector<16xf32>,
      %swap3A_1783 = arith.constant 5 : i32
      %swap3A_1784 = arith.index_cast %swap3A_1783 : i32 to index
      %swap3A_1785 = arith.index_cast %mul3A_1643 : i32 to index
      %swap3A_1786 = tpu.vector_load %arg17[%swap3A_1784, %swap3A_1785] {strides = array<i32>} : memref<48x128xf32, #tpu.memory_space<vmem>>, vector<16xf32>,
      tpu.vector_store %arg17[%swap3A_1784, %swap3A_1785], %mul3A_1738 {strides = array<i32>} : memref<48x128xf32, #tpu.memory_space<vmem>>, vector<16xf32>,
      %swap3A_1787 = arith.constant 6 : i32
      %swap3A_1788 = arith.index_cast %swap3A_1787 : i32 to index
      %swap3A_1789 = arith.index_cast %mul3A_1643 : i32 to index
      %swap3A_1790 = tpu.vector_load %arg17[%swap3A_1788, %swap3A_1789] {strides = array<i32>} : memref<48x128xf32, #tpu.memory_space<vmem>>, vector<16xf32>,
      tpu.vector_store %arg17[%swap3A_1788, %swap3A_1789], %add3A_1752 {strides = array<i32>} : memref<48x128xf32, #tpu.memory_space<vmem>>, vector<16xf32>,
      %swap3A_1791 = arith.constant 7 : i32
      %swap3A_1792 = arith.index_cast %swap3A_1791 : i32 to index
      %swap3A_1793 = arith.index_cast %mul3A_1643 : i32 to index
      %swap3A_1794 = tpu.vector_load %arg17[%swap3A_1792, %swap3A_1793] {strides = array<i32>} : memref<48x128xf32, #tpu.memory_space<vmem>>, vector<16xf32>,
      tpu.vector_store %arg17[%swap3A_1792, %swap3A_1793], %sub3A_1759 {strides = array<i32>} : memref<48x128xf32, #tpu.memory_space<vmem>>, vector<16xf32>,
      %swap3A_1795 = arith.constant 8 : i32
      %swap3A_1796 = arith.index_cast %swap3A_1795 : i32 to index
      %swap3A_1797 = arith.index_cast %mul3A_1643 : i32 to index
      %swap3A_1798 = tpu.vector_load %arg17[%swap3A_1796, %swap3A_1797] {strides = array<i32>} : memref<48x128xf32, #tpu.memory_space<vmem>>, vector<16xf32>,
      tpu.vector_store %arg17[%swap3A_1796, %swap3A_1797], %add3A_1762 {strides = array<i32>} : memref<48x128xf32, #tpu.memory_space<vmem>>, vector<16xf32>,
      %mul3A_1799 = arith.constant 16 : i32
      %mul3A_1800 = vector.broadcast %mul3A_1799 : i32 to vector<16xi32>
      %mul3A_1801 = arith.muli %min3A_1657, %mul3A_1800 : vector<16xi32>
      %mul3A_1802 = arith.constant 16 : i32
      %mul3A_1803 = vector.broadcast %mul3A_1802 : i32 to vector<16xi32>
      %mul3A_1804 = arith.muli %min3A_1649, %mul3A_1803 : vector<16xi32>
      %add3A_1805 = arith.constant 0 : i32
      %add3A_1806 = vector.broadcast %add3A_1805 : i32 to vector<16xi32>
      %add3A_1807 = arith.addi %mul3A_1801, %add3A_1806 : vector<16xi32>
      %gather3A_1808 = tpu.vector_load_idx %arg14[%add3A_1807] : memref<65536xf32, #tpu.memory_space<vmem>>[vector<16xi32>], vector<16xf32>,
      %add3A_1809 = arith.constant 0 : i32
      %add3A_1810 = vector.broadcast %add3A_1809 : i32 to vector<16xi32>
      %add3A_1811 = arith.addi %mul3A_1804, %add3A_1810 : vector<16xi32>
      %gather3A_1812 = tpu.vector_load_idx %arg14[%add3A_1811] : memref<65536xf32, #tpu.memory_space<vmem>>[vector<16xi32>], vector<16xf32>,
      %sub3A_1813 = arith.subf %gather3A_1812, %gather3A_1808 : vector<16xf32>
      %swap3A_1814 = arith.constant 9 : i32
      %swap3A_1815 = arith.index_cast %swap3A_1814 : i32 to index
      %swap3A_1816 = arith.index_cast %mul3A_1643 : i32 to index
      %swap3A_1817 = tpu.vector_load %arg17[%swap3A_1815, %swap3A_1816] {strides = array<i32>} : memref<48x128xf32, #tpu.memory_space<vmem>>, vector<16xf32>,
      tpu.vector_store %arg17[%swap3A_1815, %swap3A_1816], %sub3A_1813 {strides = array<i32>} : memref<48x128xf32, #tpu.memory_space<vmem>>, vector<16xf32>,
      %swap3A_1818 = arith.constant 25 : i32
      %swap3A_1819 = arith.index_cast %swap3A_1818 : i32 to index
      %swap3A_1820 = arith.index_cast %mul3A_1643 : i32 to index
      %swap3A_1821 = tpu.vector_load %arg17[%swap3A_1819, %swap3A_1820] {strides = array<i32>} : memref<48x128xf32, #tpu.memory_space<vmem>>, vector<16xf32>,
      tpu.vector_store %arg17[%swap3A_1819, %swap3A_1820], %gather3A_1808 {strides = array<i32>} : memref<48x128xf32, #tpu.memory_space<vmem>>, vector<16xf32>,
      %add3A_1822 = arith.constant 1 : i32
      %add3A_1823 = vector.broadcast %add3A_1822 : i32 to vector<16xi32>
      %add3A_1824 = arith.addi %mul3A_1801, %add3A_1823 : vector<16xi32>
      %gather3A_1825 = tpu.vector_load_idx %arg14[%add3A_1824] : memref<65536xf32, #tpu.memory_space<vmem>>[vector<16xi32>], vector<16xf32>,
      %add3A_1826 = arith.constant 1 : i32
      %add3A_1827 = vector.broadcast %add3A_1826 : i32 to vector<16xi32>
      %add3A_1828 = arith.addi %mul3A_1804, %add3A_1827 : vector<16xi32>
      %gather3A_1829 = tpu.vector_load_idx %arg14[%add3A_1828] : memref<65536xf32, #tpu.memory_space<vmem>>[vector<16xi32>], vector<16xf32>,
      %sub3A_1830 = arith.subf %gather3A_1829, %gather3A_1825 : vector<16xf32>
      %swap3A_1831 = arith.constant 10 : i32
      %swap3A_1832 = arith.index_cast %swap3A_1831 : i32 to index
      %swap3A_1833 = arith.index_cast %mul3A_1643 : i32 to index
      %swap3A_1834 = tpu.vector_load %arg17[%swap3A_1832, %swap3A_1833] {strides = array<i32>} : memref<48x128xf32, #tpu.memory_space<vmem>>, vector<16xf32>,
      tpu.vector_store %arg17[%swap3A_1832, %swap3A_1833], %sub3A_1830 {strides = array<i32>} : memref<48x128xf32, #tpu.memory_space<vmem>>, vector<16xf32>,
      %swap3A_1835 = arith.constant 26 : i32
      %swap3A_1836 = arith.index_cast %swap3A_1835 : i32 to index
      %swap3A_1837 = arith.index_cast %mul3A_1643 : i32 to index
      %swap3A_1838 = tpu.vector_load %arg17[%swap3A_1836, %swap3A_1837] {strides = array<i32>} : memref<48x128xf32, #tpu.memory_space<vmem>>, vector<16xf32>,
      tpu.vector_store %arg17[%swap3A_1836, %swap3A_1837], %gather3A_1825 {strides = array<i32>} : memref<48x128xf32, #tpu.memory_space<vmem>>, vector<16xf32>,
      %add3A_1839 = arith.constant 2 : i32
      %add3A_1840 = vector.broadcast %add3A_1839 : i32 to vector<16xi32>
      %add3A_1841 = arith.addi %mul3A_1801, %add3A_1840 : vector<16xi32>
      %gather3A_1842 = tpu.vector_load_idx %arg14[%add3A_1841] : memref<65536xf32, #tpu.memory_space<vmem>>[vector<16xi32>], vector<16xf32>,
      %add3A_1843 = arith.constant 2 : i32
      %add3A_1844 = vector.broadcast %add3A_1843 : i32 to vector<16xi32>
      %add3A_1845 = arith.addi %mul3A_1804, %add3A_1844 : vector<16xi32>
      %gather3A_1846 = tpu.vector_load_idx %arg14[%add3A_1845] : memref<65536xf32, #tpu.memory_space<vmem>>[vector<16xi32>], vector<16xf32>,
      %sub3A_1847 = arith.subf %gather3A_1846, %gather3A_1842 : vector<16xf32>
      %swap3A_1848 = arith.constant 11 : i32
      %swap3A_1849 = arith.index_cast %swap3A_1848 : i32 to index
      %swap3A_1850 = arith.index_cast %mul3A_1643 : i32 to index
      %swap3A_1851 = tpu.vector_load %arg17[%swap3A_1849, %swap3A_1850] {strides = array<i32>} : memref<48x128xf32, #tpu.memory_space<vmem>>, vector<16xf32>,
      tpu.vector_store %arg17[%swap3A_1849, %swap3A_1850], %sub3A_1847 {strides = array<i32>} : memref<48x128xf32, #tpu.memory_space<vmem>>, vector<16xf32>,
      %swap3A_1852 = arith.constant 27 : i32
      %swap3A_1853 = arith.index_cast %swap3A_1852 : i32 to index
      %swap3A_1854 = arith.index_cast %mul3A_1643 : i32 to index
      %swap3A_1855 = tpu.vector_load %arg17[%swap3A_1853, %swap3A_1854] {strides = array<i32>} : memref<48x128xf32, #tpu.memory_space<vmem>>, vector<16xf32>,
      tpu.vector_store %arg17[%swap3A_1853, %swap3A_1854], %gather3A_1842 {strides = array<i32>} : memref<48x128xf32, #tpu.memory_space<vmem>>, vector<16xf32>,
      %add3A_1856 = arith.constant 3 : i32
      %add3A_1857 = vector.broadcast %add3A_1856 : i32 to vector<16xi32>
      %add3A_1858 = arith.addi %mul3A_1801, %add3A_1857 : vector<16xi32>
      %gather3A_1859 = tpu.vector_load_idx %arg14[%add3A_1858] : memref<65536xf32, #tpu.memory_space<vmem>>[vector<16xi32>], vector<16xf32>,
      %add3A_1860 = arith.constant 3 : i32
      %add3A_1861 = vector.broadcast %add3A_1860 : i32 to vector<16xi32>
      %add3A_1862 = arith.addi %mul3A_1804, %add3A_1861 : vector<16xi32>
      %gather3A_1863 = tpu.vector_load_idx %arg14[%add3A_1862] : memref<65536xf32, #tpu.memory_space<vmem>>[vector<16xi32>], vector<16xf32>,
      %sub3A_1864 = arith.subf %gather3A_1863, %gather3A_1859 : vector<16xf32>
      %swap3A_1865 = arith.constant 12 : i32
      %swap3A_1866 = arith.index_cast %swap3A_1865 : i32 to index
      %swap3A_1867 = arith.index_cast %mul3A_1643 : i32 to index
      %swap3A_1868 = tpu.vector_load %arg17[%swap3A_1866, %swap3A_1867] {strides = array<i32>} : memref<48x128xf32, #tpu.memory_space<vmem>>, vector<16xf32>,
      tpu.vector_store %arg17[%swap3A_1866, %swap3A_1867], %sub3A_1864 {strides = array<i32>} : memref<48x128xf32, #tpu.memory_space<vmem>>, vector<16xf32>,
      %swap3A_1869 = arith.constant 28 : i32
      %swap3A_1870 = arith.index_cast %swap3A_1869 : i32 to index
      %swap3A_1871 = arith.index_cast %mul3A_1643 : i32 to index
      %swap3A_1872 = tpu.vector_load %arg17[%swap3A_1870, %swap3A_1871] {strides = array<i32>} : memref<48x128xf32, #tpu.memory_space<vmem>>, vector<16xf32>,
      tpu.vector_store %arg17[%swap3A_1870, %swap3A_1871], %gather3A_1859 {strides = array<i32>} : memref<48x128xf32, #tpu.memory_space<vmem>>, vector<16xf32>,
      %add3A_1873 = arith.constant 4 : i32
      %add3A_1874 = vector.broadcast %add3A_1873 : i32 to vector<16xi32>
      %add3A_1875 = arith.addi %mul3A_1801, %add3A_1874 : vector<16xi32>
      %gather3A_1876 = tpu.vector_load_idx %arg14[%add3A_1875] : memref<65536xf32, #tpu.memory_space<vmem>>[vector<16xi32>], vector<16xf32>,
      %add3A_1877 = arith.constant 4 : i32
      %add3A_1878 = vector.broadcast %add3A_1877 : i32 to vector<16xi32>
      %add3A_1879 = arith.addi %mul3A_1804, %add3A_1878 : vector<16xi32>
      %gather3A_1880 = tpu.vector_load_idx %arg14[%add3A_1879] : memref<65536xf32, #tpu.memory_space<vmem>>[vector<16xi32>], vector<16xf32>,
      %sub3A_1881 = arith.subf %gather3A_1880, %gather3A_1876 : vector<16xf32>
      %swap3A_1882 = arith.constant 13 : i32
      %swap3A_1883 = arith.index_cast %swap3A_1882 : i32 to index
      %swap3A_1884 = arith.index_cast %mul3A_1643 : i32 to index
      %swap3A_1885 = tpu.vector_load %arg17[%swap3A_1883, %swap3A_1884] {strides = array<i32>} : memref<48x128xf32, #tpu.memory_space<vmem>>, vector<16xf32>,
      tpu.vector_store %arg17[%swap3A_1883, %swap3A_1884], %sub3A_1881 {strides = array<i32>} : memref<48x128xf32, #tpu.memory_space<vmem>>, vector<16xf32>,
      %swap3A_1886 = arith.constant 29 : i32
      %swap3A_1887 = arith.index_cast %swap3A_1886 : i32 to index
      %swap3A_1888 = arith.index_cast %mul3A_1643 : i32 to index
      %swap3A_1889 = tpu.vector_load %arg17[%swap3A_1887, %swap3A_1888] {strides = array<i32>} : memref<48x128xf32, #tpu.memory_space<vmem>>, vector<16xf32>,
      tpu.vector_store %arg17[%swap3A_1887, %swap3A_1888], %gather3A_1876 {strides = array<i32>} : memref<48x128xf32, #tpu.memory_space<vmem>>, vector<16xf32>,
      %add3A_1890 = arith.constant 5 : i32
      %add3A_1891 = vector.broadcast %add3A_1890 : i32 to vector<16xi32>
      %add3A_1892 = arith.addi %mul3A_1801, %add3A_1891 : vector<16xi32>
      %gather3A_1893 = tpu.vector_load_idx %arg14[%add3A_1892] : memref<65536xf32, #tpu.memory_space<vmem>>[vector<16xi32>], vector<16xf32>,
      %add3A_1894 = arith.constant 5 : i32
      %add3A_1895 = vector.broadcast %add3A_1894 : i32 to vector<16xi32>
      %add3A_1896 = arith.addi %mul3A_1804, %add3A_1895 : vector<16xi32>
      %gather3A_1897 = tpu.vector_load_idx %arg14[%add3A_1896] : memref<65536xf32, #tpu.memory_space<vmem>>[vector<16xi32>], vector<16xf32>,
      %sub3A_1898 = arith.subf %gather3A_1897, %gather3A_1893 : vector<16xf32>
      %swap3A_1899 = arith.constant 14 : i32
      %swap3A_1900 = arith.index_cast %swap3A_1899 : i32 to index
      %swap3A_1901 = arith.index_cast %mul3A_1643 : i32 to index
      %swap3A_1902 = tpu.vector_load %arg17[%swap3A_1900, %swap3A_1901] {strides = array<i32>} : memref<48x128xf32, #tpu.memory_space<vmem>>, vector<16xf32>,
      tpu.vector_store %arg17[%swap3A_1900, %swap3A_1901], %sub3A_1898 {strides = array<i32>} : memref<48x128xf32, #tpu.memory_space<vmem>>, vector<16xf32>,
      %swap3A_1903 = arith.constant 30 : i32
      %swap3A_1904 = arith.index_cast %swap3A_1903 : i32 to index
      %swap3A_1905 = arith.index_cast %mul3A_1643 : i32 to index
      %swap3A_1906 = tpu.vector_load %arg17[%swap3A_1904, %swap3A_1905] {strides = array<i32>} : memref<48x128xf32, #tpu.memory_space<vmem>>, vector<16xf32>,
      tpu.vector_store %arg17[%swap3A_1904, %swap3A_1905], %gather3A_1893 {strides = array<i32>} : memref<48x128xf32, #tpu.memory_space<vmem>>, vector<16xf32>,
      %add3A_1907 = arith.constant 6 : i32
      %add3A_1908 = vector.broadcast %add3A_1907 : i32 to vector<16xi32>
      %add3A_1909 = arith.addi %mul3A_1801, %add3A_1908 : vector<16xi32>
      %gather3A_1910 = tpu.vector_load_idx %arg14[%add3A_1909] : memref<65536xf32, #tpu.memory_space<vmem>>[vector<16xi32>], vector<16xf32>,
      %add3A_1911 = arith.constant 6 : i32
      %add3A_1912 = vector.broadcast %add3A_1911 : i32 to vector<16xi32>
      %add3A_1913 = arith.addi %mul3A_1804, %add3A_1912 : vector<16xi32>
      %gather3A_1914 = tpu.vector_load_idx %arg14[%add3A_1913] : memref<65536xf32, #tpu.memory_space<vmem>>[vector<16xi32>], vector<16xf32>,
      %sub3A_1915 = arith.subf %gather3A_1914, %gather3A_1910 : vector<16xf32>
      %swap3A_1916 = arith.constant 15 : i32
      %swap3A_1917 = arith.index_cast %swap3A_1916 : i32 to index
      %swap3A_1918 = arith.index_cast %mul3A_1643 : i32 to index
      %swap3A_1919 = tpu.vector_load %arg17[%swap3A_1917, %swap3A_1918] {strides = array<i32>} : memref<48x128xf32, #tpu.memory_space<vmem>>, vector<16xf32>,
      tpu.vector_store %arg17[%swap3A_1917, %swap3A_1918], %sub3A_1915 {strides = array<i32>} : memref<48x128xf32, #tpu.memory_space<vmem>>, vector<16xf32>,
      %swap3A_1920 = arith.constant 31 : i32
      %swap3A_1921 = arith.index_cast %swap3A_1920 : i32 to index
      %swap3A_1922 = arith.index_cast %mul3A_1643 : i32 to index
      %swap3A_1923 = tpu.vector_load %arg17[%swap3A_1921, %swap3A_1922] {strides = array<i32>} : memref<48x128xf32, #tpu.memory_space<vmem>>, vector<16xf32>,
      tpu.vector_store %arg17[%swap3A_1921, %swap3A_1922], %gather3A_1910 {strides = array<i32>} : memref<48x128xf32, #tpu.memory_space<vmem>>, vector<16xf32>,
      %add3A_1924 = arith.constant 7 : i32
      %add3A_1925 = vector.broadcast %add3A_1924 : i32 to vector<16xi32>
      %add3A_1926 = arith.addi %mul3A_1801, %add3A_1925 : vector<16xi32>
      %gather3A_1927 = tpu.vector_load_idx %arg14[%add3A_1926] : memref<65536xf32, #tpu.memory_space<vmem>>[vector<16xi32>], vector<16xf32>,
      %add3A_1928 = arith.constant 7 : i32
      %add3A_1929 = vector.broadcast %add3A_1928 : i32 to vector<16xi32>
      %add3A_1930 = arith.addi %mul3A_1804, %add3A_1929 : vector<16xi32>
      %gather3A_1931 = tpu.vector_load_idx %arg14[%add3A_1930] : memref<65536xf32, #tpu.memory_space<vmem>>[vector<16xi32>], vector<16xf32>,
      %sub3A_1932 = arith.subf %gather3A_1931, %gather3A_1927 : vector<16xf32>
      %swap3A_1933 = arith.constant 16 : i32
      %swap3A_1934 = arith.index_cast %swap3A_1933 : i32 to index
      %swap3A_1935 = arith.index_cast %mul3A_1643 : i32 to index
      %swap3A_1936 = tpu.vector_load %arg17[%swap3A_1934, %swap3A_1935] {strides = array<i32>} : memref<48x128xf32, #tpu.memory_space<vmem>>, vector<16xf32>,
      tpu.vector_store %arg17[%swap3A_1934, %swap3A_1935], %sub3A_1932 {strides = array<i32>} : memref<48x128xf32, #tpu.memory_space<vmem>>, vector<16xf32>,
      %swap3A_1937 = arith.constant 32 : i32
      %swap3A_1938 = arith.index_cast %swap3A_1937 : i32 to index
      %swap3A_1939 = arith.index_cast %mul3A_1643 : i32 to index
      %swap3A_1940 = tpu.vector_load %arg17[%swap3A_1938, %swap3A_1939] {strides = array<i32>} : memref<48x128xf32, #tpu.memory_space<vmem>>, vector<16xf32>,
      tpu.vector_store %arg17[%swap3A_1938, %swap3A_1939], %gather3A_1927 {strides = array<i32>} : memref<48x128xf32, #tpu.memory_space<vmem>>, vector<16xf32>,
      %add3A_1941 = arith.constant 8 : i32
      %add3A_1942 = vector.broadcast %add3A_1941 : i32 to vector<16xi32>
      %add3A_1943 = arith.addi %mul3A_1801, %add3A_1942 : vector<16xi32>
      %gather3A_1944 = tpu.vector_load_idx %arg14[%add3A_1943] : memref<65536xf32, #tpu.memory_space<vmem>>[vector<16xi32>], vector<16xf32>,
      %add3A_1945 = arith.constant 8 : i32
      %add3A_1946 = vector.broadcast %add3A_1945 : i32 to vector<16xi32>
      %add3A_1947 = arith.addi %mul3A_1804, %add3A_1946 : vector<16xi32>
      %gather3A_1948 = tpu.vector_load_idx %arg14[%add3A_1947] : memref<65536xf32, #tpu.memory_space<vmem>>[vector<16xi32>], vector<16xf32>,
      %sub3A_1949 = arith.subf %gather3A_1948, %gather3A_1944 : vector<16xf32>
      %swap3A_1950 = arith.constant 17 : i32
      %swap3A_1951 = arith.index_cast %swap3A_1950 : i32 to index
      %swap3A_1952 = arith.index_cast %mul3A_1643 : i32 to index
      %swap3A_1953 = tpu.vector_load %arg17[%swap3A_1951, %swap3A_1952] {strides = array<i32>} : memref<48x128xf32, #tpu.memory_space<vmem>>, vector<16xf32>,
      tpu.vector_store %arg17[%swap3A_1951, %swap3A_1952], %sub3A_1949 {strides = array<i32>} : memref<48x128xf32, #tpu.memory_space<vmem>>, vector<16xf32>,
      %swap3A_1954 = arith.constant 33 : i32
      %swap3A_1955 = arith.index_cast %swap3A_1954 : i32 to index
      %swap3A_1956 = arith.index_cast %mul3A_1643 : i32 to index
      %swap3A_1957 = tpu.vector_load %arg17[%swap3A_1955, %swap3A_1956] {strides = array<i32>} : memref<48x128xf32, #tpu.memory_space<vmem>>, vector<16xf32>,
      tpu.vector_store %arg17[%swap3A_1955, %swap3A_1956], %gather3A_1944 {strides = array<i32>} : memref<48x128xf32, #tpu.memory_space<vmem>>, vector<16xf32>,
      %add3A_1958 = arith.constant 9 : i32
      %add3A_1959 = vector.broadcast %add3A_1958 : i32 to vector<16xi32>
      %add3A_1960 = arith.addi %mul3A_1801, %add3A_1959 : vector<16xi32>
      %gather3A_1961 = tpu.vector_load_idx %arg14[%add3A_1960] : memref<65536xf32, #tpu.memory_space<vmem>>[vector<16xi32>], vector<16xf32>,
      %add3A_1962 = arith.constant 9 : i32
      %add3A_1963 = vector.broadcast %add3A_1962 : i32 to vector<16xi32>
      %add3A_1964 = arith.addi %mul3A_1804, %add3A_1963 : vector<16xi32>
      %gather3A_1965 = tpu.vector_load_idx %arg14[%add3A_1964] : memref<65536xf32, #tpu.memory_space<vmem>>[vector<16xi32>], vector<16xf32>,
      %sub3A_1966 = arith.subf %gather3A_1965, %gather3A_1961 : vector<16xf32>
      %swap3A_1967 = arith.constant 18 : i32
      %swap3A_1968 = arith.index_cast %swap3A_1967 : i32 to index
      %swap3A_1969 = arith.index_cast %mul3A_1643 : i32 to index
      %swap3A_1970 = tpu.vector_load %arg17[%swap3A_1968, %swap3A_1969] {strides = array<i32>} : memref<48x128xf32, #tpu.memory_space<vmem>>, vector<16xf32>,
      tpu.vector_store %arg17[%swap3A_1968, %swap3A_1969], %sub3A_1966 {strides = array<i32>} : memref<48x128xf32, #tpu.memory_space<vmem>>, vector<16xf32>,
      %swap3A_1971 = arith.constant 34 : i32
      %swap3A_1972 = arith.index_cast %swap3A_1971 : i32 to index
      %swap3A_1973 = arith.index_cast %mul3A_1643 : i32 to index
      %swap3A_1974 = tpu.vector_load %arg17[%swap3A_1972, %swap3A_1973] {strides = array<i32>} : memref<48x128xf32, #tpu.memory_space<vmem>>, vector<16xf32>,
      tpu.vector_store %arg17[%swap3A_1972, %swap3A_1973], %gather3A_1961 {strides = array<i32>} : memref<48x128xf32, #tpu.memory_space<vmem>>, vector<16xf32>,
      %add3A_1975 = arith.constant 10 : i32
      %add3A_1976 = vector.broadcast %add3A_1975 : i32 to vector<16xi32>
      %add3A_1977 = arith.addi %mul3A_1801, %add3A_1976 : vector<16xi32>
      %gather3A_1978 = tpu.vector_load_idx %arg14[%add3A_1977] : memref<65536xf32, #tpu.memory_space<vmem>>[vector<16xi32>], vector<16xf32>,
      %add3A_1979 = arith.constant 10 : i32
      %add3A_1980 = vector.broadcast %add3A_1979 : i32 to vector<16xi32>
      %add3A_1981 = arith.addi %mul3A_1804, %add3A_1980 : vector<16xi32>
      %gather3A_1982 = tpu.vector_load_idx %arg14[%add3A_1981] : memref<65536xf32, #tpu.memory_space<vmem>>[vector<16xi32>], vector<16xf32>,
      %sub3A_1983 = arith.subf %gather3A_1982, %gather3A_1978 : vector<16xf32>
      %swap3A_1984 = arith.constant 19 : i32
      %swap3A_1985 = arith.index_cast %swap3A_1984 : i32 to index
      %swap3A_1986 = arith.index_cast %mul3A_1643 : i32 to index
      %swap3A_1987 = tpu.vector_load %arg17[%swap3A_1985, %swap3A_1986] {strides = array<i32>} : memref<48x128xf32, #tpu.memory_space<vmem>>, vector<16xf32>,
      tpu.vector_store %arg17[%swap3A_1985, %swap3A_1986], %sub3A_1983 {strides = array<i32>} : memref<48x128xf32, #tpu.memory_space<vmem>>, vector<16xf32>,
      %swap3A_1988 = arith.constant 35 : i32
      %swap3A_1989 = arith.index_cast %swap3A_1988 : i32 to index
      %swap3A_1990 = arith.index_cast %mul3A_1643 : i32 to index
      %swap3A_1991 = tpu.vector_load %arg17[%swap3A_1989, %swap3A_1990] {strides = array<i32>} : memref<48x128xf32, #tpu.memory_space<vmem>>, vector<16xf32>,
      tpu.vector_store %arg17[%swap3A_1989, %swap3A_1990], %gather3A_1978 {strides = array<i32>} : memref<48x128xf32, #tpu.memory_space<vmem>>, vector<16xf32>,
      %add3A_1992 = arith.constant 11 : i32
      %add3A_1993 = vector.broadcast %add3A_1992 : i32 to vector<16xi32>
      %add3A_1994 = arith.addi %mul3A_1801, %add3A_1993 : vector<16xi32>
      %gather3A_1995 = tpu.vector_load_idx %arg14[%add3A_1994] : memref<65536xf32, #tpu.memory_space<vmem>>[vector<16xi32>], vector<16xf32>,
      %add3A_1996 = arith.constant 11 : i32
      %add3A_1997 = vector.broadcast %add3A_1996 : i32 to vector<16xi32>
      %add3A_1998 = arith.addi %mul3A_1804, %add3A_1997 : vector<16xi32>
      %gather3A_1999 = tpu.vector_load_idx %arg14[%add3A_1998] : memref<65536xf32, #tpu.memory_space<vmem>>[vector<16xi32>], vector<16xf32>,
      %sub3A_2000 = arith.subf %gather3A_1999, %gather3A_1995 : vector<16xf32>
      %swap3A_2001 = arith.constant 20 : i32
      %swap3A_2002 = arith.index_cast %swap3A_2001 : i32 to index
      %swap3A_2003 = arith.index_cast %mul3A_1643 : i32 to index
      %swap3A_2004 = tpu.vector_load %arg17[%swap3A_2002, %swap3A_2003] {strides = array<i32>} : memref<48x128xf32, #tpu.memory_space<vmem>>, vector<16xf32>,
      tpu.vector_store %arg17[%swap3A_2002, %swap3A_2003], %sub3A_2000 {strides = array<i32>} : memref<48x128xf32, #tpu.memory_space<vmem>>, vector<16xf32>,
      %swap3A_2005 = arith.constant 36 : i32
      %swap3A_2006 = arith.index_cast %swap3A_2005 : i32 to index
      %swap3A_2007 = arith.index_cast %mul3A_1643 : i32 to index
      %swap3A_2008 = tpu.vector_load %arg17[%swap3A_2006, %swap3A_2007] {strides = array<i32>} : memref<48x128xf32, #tpu.memory_space<vmem>>, vector<16xf32>,
      tpu.vector_store %arg17[%swap3A_2006, %swap3A_2007], %gather3A_1995 {strides = array<i32>} : memref<48x128xf32, #tpu.memory_space<vmem>>, vector<16xf32>,
      %add3A_2009 = arith.constant 12 : i32
      %add3A_2010 = vector.broadcast %add3A_2009 : i32 to vector<16xi32>
      %add3A_2011 = arith.addi %mul3A_1801, %add3A_2010 : vector<16xi32>
      %gather3A_2012 = tpu.vector_load_idx %arg14[%add3A_2011] : memref<65536xf32, #tpu.memory_space<vmem>>[vector<16xi32>], vector<16xf32>,
      %add3A_2013 = arith.constant 12 : i32
      %add3A_2014 = vector.broadcast %add3A_2013 : i32 to vector<16xi32>
      %add3A_2015 = arith.addi %mul3A_1804, %add3A_2014 : vector<16xi32>
      %gather3A_2016 = tpu.vector_load_idx %arg14[%add3A_2015] : memref<65536xf32, #tpu.memory_space<vmem>>[vector<16xi32>], vector<16xf32>,
      %sub3A_2017 = arith.subf %gather3A_2016, %gather3A_2012 : vector<16xf32>
      %swap3A_2018 = arith.constant 21 : i32
      %swap3A_2019 = arith.index_cast %swap3A_2018 : i32 to index
      %swap3A_2020 = arith.index_cast %mul3A_1643 : i32 to index
      %swap3A_2021 = tpu.vector_load %arg17[%swap3A_2019, %swap3A_2020] {strides = array<i32>} : memref<48x128xf32, #tpu.memory_space<vmem>>, vector<16xf32>,
      tpu.vector_store %arg17[%swap3A_2019, %swap3A_2020], %sub3A_2017 {strides = array<i32>} : memref<48x128xf32, #tpu.memory_space<vmem>>, vector<16xf32>,
      %swap3A_2022 = arith.constant 37 : i32
      %swap3A_2023 = arith.index_cast %swap3A_2022 : i32 to index
      %swap3A_2024 = arith.index_cast %mul3A_1643 : i32 to index
      %swap3A_2025 = tpu.vector_load %arg17[%swap3A_2023, %swap3A_2024] {strides = array<i32>} : memref<48x128xf32, #tpu.memory_space<vmem>>, vector<16xf32>,
      tpu.vector_store %arg17[%swap3A_2023, %swap3A_2024], %gather3A_2012 {strides = array<i32>} : memref<48x128xf32, #tpu.memory_space<vmem>>, vector<16xf32>,
      %add3A_2026 = arith.constant 13 : i32
      %add3A_2027 = vector.broadcast %add3A_2026 : i32 to vector<16xi32>
      %add3A_2028 = arith.addi %mul3A_1801, %add3A_2027 : vector<16xi32>
      %gather3A_2029 = tpu.vector_load_idx %arg14[%add3A_2028] : memref<65536xf32, #tpu.memory_space<vmem>>[vector<16xi32>], vector<16xf32>,
      %add3A_2030 = arith.constant 13 : i32
      %add3A_2031 = vector.broadcast %add3A_2030 : i32 to vector<16xi32>
      %add3A_2032 = arith.addi %mul3A_1804, %add3A_2031 : vector<16xi32>
      %gather3A_2033 = tpu.vector_load_idx %arg14[%add3A_2032] : memref<65536xf32, #tpu.memory_space<vmem>>[vector<16xi32>], vector<16xf32>,
      %sub3A_2034 = arith.subf %gather3A_2033, %gather3A_2029 : vector<16xf32>
      %swap3A_2035 = arith.constant 22 : i32
      %swap3A_2036 = arith.index_cast %swap3A_2035 : i32 to index
      %swap3A_2037 = arith.index_cast %mul3A_1643 : i32 to index
      %swap3A_2038 = tpu.vector_load %arg17[%swap3A_2036, %swap3A_2037] {strides = array<i32>} : memref<48x128xf32, #tpu.memory_space<vmem>>, vector<16xf32>,
      tpu.vector_store %arg17[%swap3A_2036, %swap3A_2037], %sub3A_2034 {strides = array<i32>} : memref<48x128xf32, #tpu.memory_space<vmem>>, vector<16xf32>,
      %swap3A_2039 = arith.constant 38 : i32
      %swap3A_2040 = arith.index_cast %swap3A_2039 : i32 to index
      %swap3A_2041 = arith.index_cast %mul3A_1643 : i32 to index
      %swap3A_2042 = tpu.vector_load %arg17[%swap3A_2040, %swap3A_2041] {strides = array<i32>} : memref<48x128xf32, #tpu.memory_space<vmem>>, vector<16xf32>,
      tpu.vector_store %arg17[%swap3A_2040, %swap3A_2041], %gather3A_2029 {strides = array<i32>} : memref<48x128xf32, #tpu.memory_space<vmem>>, vector<16xf32>,
      %add3A_2043 = arith.constant 14 : i32
      %add3A_2044 = vector.broadcast %add3A_2043 : i32 to vector<16xi32>
      %add3A_2045 = arith.addi %mul3A_1801, %add3A_2044 : vector<16xi32>
      %gather3A_2046 = tpu.vector_load_idx %arg14[%add3A_2045] : memref<65536xf32, #tpu.memory_space<vmem>>[vector<16xi32>], vector<16xf32>,
      %add3A_2047 = arith.constant 14 : i32
      %add3A_2048 = vector.broadcast %add3A_2047 : i32 to vector<16xi32>
      %add3A_2049 = arith.addi %mul3A_1804, %add3A_2048 : vector<16xi32>
      %gather3A_2050 = tpu.vector_load_idx %arg14[%add3A_2049] : memref<65536xf32, #tpu.memory_space<vmem>>[vector<16xi32>], vector<16xf32>,
      %sub3A_2051 = arith.subf %gather3A_2050, %gather3A_2046 : vector<16xf32>
      %swap3A_2052 = arith.constant 23 : i32
      %swap3A_2053 = arith.index_cast %swap3A_2052 : i32 to index
      %swap3A_2054 = arith.index_cast %mul3A_1643 : i32 to index
      %swap3A_2055 = tpu.vector_load %arg17[%swap3A_2053, %swap3A_2054] {strides = array<i32>} : memref<48x128xf32, #tpu.memory_space<vmem>>, vector<16xf32>,
      tpu.vector_store %arg17[%swap3A_2053, %swap3A_2054], %sub3A_2051 {strides = array<i32>} : memref<48x128xf32, #tpu.memory_space<vmem>>, vector<16xf32>,
      %swap3A_2056 = arith.constant 39 : i32
      %swap3A_2057 = arith.index_cast %swap3A_2056 : i32 to index
      %swap3A_2058 = arith.index_cast %mul3A_1643 : i32 to index
      %swap3A_2059 = tpu.vector_load %arg17[%swap3A_2057, %swap3A_2058] {strides = array<i32>} : memref<48x128xf32, #tpu.memory_space<vmem>>, vector<16xf32>,
      tpu.vector_store %arg17[%swap3A_2057, %swap3A_2058], %gather3A_2046 {strides = array<i32>} : memref<48x128xf32, #tpu.memory_space<vmem>>, vector<16xf32>,
      %add3A_2060 = arith.constant 15 : i32
      %add3A_2061 = vector.broadcast %add3A_2060 : i32 to vector<16xi32>
      %add3A_2062 = arith.addi %mul3A_1801, %add3A_2061 : vector<16xi32>
      %gather3A_2063 = tpu.vector_load_idx %arg14[%add3A_2062] : memref<65536xf32, #tpu.memory_space<vmem>>[vector<16xi32>], vector<16xf32>,
      %add3A_2064 = arith.constant 15 : i32
      %add3A_2065 = vector.broadcast %add3A_2064 : i32 to vector<16xi32>
      %add3A_2066 = arith.addi %mul3A_1804, %add3A_2065 : vector<16xi32>
      %gather3A_2067 = tpu.vector_load_idx %arg14[%add3A_2066] : memref<65536xf32, #tpu.memory_space<vmem>>[vector<16xi32>], vector<16xf32>,
      %sub3A_2068 = arith.subf %gather3A_2067, %gather3A_2063 : vector<16xf32>
      %swap3A_2069 = arith.constant 24 : i32
      %swap3A_2070 = arith.index_cast %swap3A_2069 : i32 to index
      %swap3A_2071 = arith.index_cast %mul3A_1643 : i32 to index
      %swap3A_2072 = tpu.vector_load %arg17[%swap3A_2070, %swap3A_2071] {strides = array<i32>} : memref<48x128xf32, #tpu.memory_space<vmem>>, vector<16xf32>,
      tpu.vector_store %arg17[%swap3A_2070, %swap3A_2071], %sub3A_2068 {strides = array<i32>} : memref<48x128xf32, #tpu.memory_space<vmem>>, vector<16xf32>,
      %swap3A_2073 = arith.constant 40 : i32
      %swap3A_2074 = arith.index_cast %swap3A_2073 : i32 to index
      %swap3A_2075 = arith.index_cast %mul3A_1643 : i32 to index
      %swap3A_2076 = tpu.vector_load %arg17[%swap3A_2074, %swap3A_2075] {strides = array<i32>} : memref<48x128xf32, #tpu.memory_space<vmem>>, vector<16xf32>,
      tpu.vector_store %arg17[%swap3A_2074, %swap3A_2075], %gather3A_2063 {strides = array<i32>} : memref<48x128xf32, #tpu.memory_space<vmem>>, vector<16xf32>,
      %eq3A = arith.constant 112 : i32
      %eq3A_2077 = arith.cmpi eq, %mul3A_1643, %eq3A : i32
      %sub3A_2078 = arith.constant 1 : i32
      %sub3A_2079 = arith.subi %select_n3A, %sub3A_2078 : i32
      %eq3A_2080 = arith.cmpi eq, %while3A_1636, %sub3A_2079 : i32
      %or3A = arith.ori %eq3A_2077, %eq3A_2080 : i1
      %convert_element_type3A = arith.extui %or3A : i1 to i32
      %cond3A = arith.constant 0 : i32
      %cond3A_2081 = arith.cmpi ne, %convert_element_type3A, %cond3A : i32
      scf.if %cond3A_2081 {
        %div3A_2083 = arith.constant 8 : i32
        %div3A_2084 = arith.divsi %while3A_1636, %div3A_2083 : i32
        %mul3A_2085 = arith.constant 128 : i32
        %mul3A_2086 = arith.muli %div3A_2084, %mul3A_2085 : i32
        %add3A_2087 = arith.addi %mul3A_249, %mul3A_2086 : i32
        "tpu.region"() ({
          %run_scoped3A = tpu.sem_alloc : memref<!tpu.dma_semaphore, #tpu.memory_space<semaphore_mem>>
          %dma_start3A = arith.constant 0 : i32
          %dma_start3A_2088 = tpu.memref_slice %arg7[%dma_start3A, %add3A_2087] : memref<48x327680xf32, #tpu.memory_space<hbm>> -> memref<48x128xf32, #tpu.memory_space<hbm>>
          %dma_start3A_2089 = arith.constant 0 : i32
          %dma_start3A_2090 = tpu.memref_slice %arg7[%dma_start3A_2089, %add3A_2087] : memref<48x327680xf32, #tpu.memory_space<hbm>> -> memref<48x128xf32, #tpu.memory_space<hbm>>
          tpu.enqueue_dma source(%arg17 : memref<48x128xf32, #tpu.memory_space<vmem>>) target(%dma_start3A_2090 : memref<48x128xf32, #tpu.memory_space<hbm>>) target_semaphore(%run_scoped3A : memref<!tpu.dma_semaphore, #tpu.memory_space<semaphore_mem>>)
          %dma_wait3A = arith.constant 0 : i32
          %dma_wait3A_2091 = tpu.memref_slice %arg7[%dma_wait3A, %add3A_2087] : memref<48x327680xf32, #tpu.memory_space<hbm>> -> memref<48x128xf32, #tpu.memory_space<hbm>>
          %dma_wait3A_2092 = arith.constant 0 : i32
          %dma_wait3A_2093 = tpu.memref_slice %arg7[%dma_wait3A_2092, %add3A_2087] : memref<48x327680xf32, #tpu.memory_space<hbm>> -> memref<48x128xf32, #tpu.memory_space<hbm>>
          tpu.wait_dma2 semaphore(%run_scoped3A : memref<!tpu.dma_semaphore, #tpu.memory_space<semaphore_mem>>) src(%arg17 : memref<48x128xf32, #tpu.memory_space<vmem>>) dst(%dma_wait3A_2093 : memref<48x128xf32, #tpu.memory_space<hbm>>)
          tpu.yield
        }) : () -> ()
      } else {
      }
      %while3A_2082 = arith.constant 0 : i32
      scf.yield %while3A_2082 : i32
    }
    %while3A_279 = arith.constant 1 : i32
    %while3A_280 = scf.for %while3A_1636 = %while3A_276 to %while3A_272 step %while3A_279 iter_args(%while3A_1637 = %while3A_278) -> (i32)  : i32 {
      %mul3A_1638 = arith.constant 16 : i32
      %mul3A_1639 = arith.muli %while3A_1636, %mul3A_1638 : i32
      %rem3A_1640 = arith.constant 8 : i32
      %rem3A_1641 = arith.remsi %while3A_1636, %rem3A_1640 : i32
      %mul3A_1642 = arith.constant 16 : i32
      %mul3A_1643 = arith.muli %rem3A_1641, %mul3A_1642 : i32
      %get3A = arith.index_cast %mul3A_1639 : i32 to index
      %get3A_1644 = tpu.vector_load %arg15[%get3A] {strides = array<i32>} : memref<14336xi32, #tpu.memory_space<vmem>>, vector<16xi32>,
      %jit3A_1645 = arith.constant 0 : i32
      %jit3A_1646 = arith.constant 4095 : i32
      %max3A = vector.broadcast %jit3A_1645 : i32 to vector<16xi32>
      %max3A_1647 = arith.maxsi %max3A, %get3A_1644 : vector<16xi32>
      %min3A_1648 = vector.broadcast %jit3A_1646 : i32 to vector<16xi32>
      %min3A_1649 = arith.minsi %min3A_1648, %max3A_1647 : vector<16xi32>
      %get3A_1650 = arith.index_cast %mul3A_1639 : i32 to index
      %get3A_1651 = tpu.vector_load %arg16[%get3A_1650] {strides = array<i32>} : memref<14336xi32, #tpu.memory_space<vmem>>, vector<16xi32>,
      %jit3A_1652 = arith.constant 0 : i32
      %jit3A_1653 = arith.constant 4095 : i32
      %max3A_1654 = vector.broadcast %jit3A_1652 : i32 to vector<16xi32>
      %max3A_1655 = arith.maxsi %max3A_1654, %get3A_1651 : vector<16xi32>
      %min3A_1656 = vector.broadcast %jit3A_1653 : i32 to vector<16xi32>
      %min3A_1657 = arith.minsi %min3A_1656, %max3A_1655 : vector<16xi32>
      %gather3A = tpu.vector_load_idx %arg10[%min3A_1649] : memref<4112xf32, #tpu.memory_space<vmem>>[vector<16xi32>], vector<16xf32>,
      %gather3A_1658 = tpu.vector_load_idx %arg11[%min3A_1649] : memref<4112xf32, #tpu.memory_space<vmem>>[vector<16xi32>], vector<16xf32>,
      %gather3A_1659 = tpu.vector_load_idx %arg10[%min3A_1657] : memref<4112xf32, #tpu.memory_space<vmem>>[vector<16xi32>], vector<16xf32>,
      %gather3A_1660 = tpu.vector_load_idx %arg11[%min3A_1657] : memref<4112xf32, #tpu.memory_space<vmem>>[vector<16xi32>], vector<16xf32>,
      %sub3A_1661 = arith.subf %gather3A, %gather3A_1659 : vector<16xf32>
      %sub3A_1662 = arith.subf %gather3A_1658, %gather3A_1660 : vector<16xf32>
      %mul3A_1663 = arith.mulf %sub3A_1661, %sub3A_1661 : vector<16xf32>
      %mul3A_1664 = arith.mulf %sub3A_1662, %sub3A_1662 : vector<16xf32>
      %add3A_1665 = arith.addf %mul3A_1663, %mul3A_1664 : vector<16xf32>
      %max3A_1666 = arith.constant 9.99999996E-13 : f32
      %max3A_1667 = vector.broadcast %max3A_1666 : f32 to vector<16xf32>
      %max3A_1668 = arith.maximumf %add3A_1665, %max3A_1667 : vector<16xf32>
      %bitcast3A = vector.bitcast %max3A_1668 : vector<16xf32> to vector<16xi32>
      %shift_right_logical3A = arith.constant 1 : i32
      %shift_right_logical3A_1669 = vector.broadcast %shift_right_logical3A : i32 to vector<16xi32>
      %shift_right_logical3A_1670 = arith.shrui %bitcast3A, %shift_right_logical3A_1669 : vector<16xi32>
      %add3A_1671 = arith.constant 532487669 : i32
      %add3A_1672 = vector.broadcast %add3A_1671 : i32 to vector<16xi32>
      %add3A_1673 = arith.addi %shift_right_logical3A_1670, %add3A_1672 : vector<16xi32>
      %bitcast3A_1674 = vector.bitcast %add3A_1673 : vector<16xi32> to vector<16xf32>
      %div3A_1675 = arith.divf %max3A_1668, %bitcast3A_1674 : vector<16xf32>
      %add3A_1676 = arith.addf %bitcast3A_1674, %div3A_1675 : vector<16xf32>
      %mul3A_1677 = arith.constant 5.000000e-01 : f32
      %mul3A_1678 = vector.broadcast %mul3A_1677 : f32 to vector<16xf32>
      %mul3A_1679 = arith.mulf %mul3A_1678, %add3A_1676 : vector<16xf32>
      %div3A_1680 = arith.divf %max3A_1668, %mul3A_1679 : vector<16xf32>
      %add3A_1681 = arith.addf %mul3A_1679, %div3A_1680 : vector<16xf32>
      %mul3A_1682 = arith.constant 5.000000e-01 : f32
      %mul3A_1683 = vector.broadcast %mul3A_1682 : f32 to vector<16xf32>
      %mul3A_1684 = arith.mulf %mul3A_1683, %add3A_1681 : vector<16xf32>
      %div3A_1685 = arith.divf %max3A_1668, %mul3A_1684 : vector<16xf32>
      %add3A_1686 = arith.addf %mul3A_1684, %div3A_1685 : vector<16xf32>
      %mul3A_1687 = arith.constant 5.000000e-01 : f32
      %mul3A_1688 = vector.broadcast %mul3A_1687 : f32 to vector<16xf32>
      %mul3A_1689 = arith.mulf %mul3A_1688, %add3A_1686 : vector<16xf32>
      %mul3A_1690 = arith.mulf %mul3A_1689, %mul3A_1689 : vector<16xf32>
      %mul3A_1691 = arith.constant 1.98412701E-4 : f32
      %mul3A_1692 = vector.broadcast %mul3A_1691 : f32 to vector<16xf32>
      %mul3A_1693 = arith.mulf %mul3A_1690, %mul3A_1692 : vector<16xf32>
      %sub3A_1694 = arith.constant 0.00833333377 : f32
      %sub3A_1695 = vector.broadcast %sub3A_1694 : f32 to vector<16xf32>
      %sub3A_1696 = arith.subf %sub3A_1695, %mul3A_1693 : vector<16xf32>
      %mul3A_1697 = arith.mulf %mul3A_1690, %sub3A_1696 : vector<16xf32>
      %add3A_1698 = arith.constant -0.166666672 : f32
      %add3A_1699 = vector.broadcast %add3A_1698 : f32 to vector<16xf32>
      %add3A_1700 = arith.addf %add3A_1699, %mul3A_1697 : vector<16xf32>
      %mul3A_1701 = arith.mulf %mul3A_1690, %add3A_1700 : vector<16xf32>
      %add3A_1702 = arith.constant 1.000000e+00 : f32
      %add3A_1703 = vector.broadcast %add3A_1702 : f32 to vector<16xf32>
      %add3A_1704 = arith.addf %add3A_1703, %mul3A_1701 : vector<16xf32>
      %mul3A_1705 = arith.mulf %mul3A_1689, %add3A_1704 : vector<16xf32>
      %mul3A_1706 = arith.constant 0.00138888892 : f32
      %mul3A_1707 = vector.broadcast %mul3A_1706 : f32 to vector<16xf32>
      %mul3A_1708 = arith.mulf %mul3A_1690, %mul3A_1707 : vector<16xf32>
      %sub3A_1709 = arith.constant 0.0416666679 : f32
      %sub3A_1710 = vector.broadcast %sub3A_1709 : f32 to vector<16xf32>
      %sub3A_1711 = arith.subf %sub3A_1710, %mul3A_1708 : vector<16xf32>
      %mul3A_1712 = arith.mulf %mul3A_1690, %sub3A_1711 : vector<16xf32>
      %add3A_1713 = arith.constant -5.000000e-01 : f32
      %add3A_1714 = vector.broadcast %add3A_1713 : f32 to vector<16xf32>
      %add3A_1715 = arith.addf %add3A_1714, %mul3A_1712 : vector<16xf32>
      %mul3A_1716 = arith.mulf %mul3A_1690, %add3A_1715 : vector<16xf32>
      %add3A_1717 = arith.constant 1.000000e+00 : f32
      %add3A_1718 = vector.broadcast %add3A_1717 : f32 to vector<16xf32>
      %add3A_1719 = arith.addf %add3A_1718, %mul3A_1716 : vector<16xf32>
      %mul3A_1720 = arith.constant 2.000000e+00 : f32
      %mul3A_1721 = vector.broadcast %mul3A_1720 : f32 to vector<16xf32>
      %mul3A_1722 = arith.mulf %mul3A_1721, %mul3A_1689 : vector<16xf32>
      %mul3A_1723 = arith.mulf %mul3A_1722, %mul3A_1722 : vector<16xf32>
      %mul3A_1724 = arith.constant 1.98412701E-4 : f32
      %mul3A_1725 = vector.broadcast %mul3A_1724 : f32 to vector<16xf32>
      %mul3A_1726 = arith.mulf %mul3A_1723, %mul3A_1725 : vector<16xf32>
      %sub3A_1727 = arith.constant 0.00833333377 : f32
      %sub3A_1728 = vector.broadcast %sub3A_1727 : f32 to vector<16xf32>
      %sub3A_1729 = arith.subf %sub3A_1728, %mul3A_1726 : vector<16xf32>
      %mul3A_1730 = arith.mulf %mul3A_1723, %sub3A_1729 : vector<16xf32>
      %add3A_1731 = arith.constant -0.166666672 : f32
      %add3A_1732 = vector.broadcast %add3A_1731 : f32 to vector<16xf32>
      %add3A_1733 = arith.addf %add3A_1732, %mul3A_1730 : vector<16xf32>
      %mul3A_1734 = arith.mulf %mul3A_1723, %add3A_1733 : vector<16xf32>
      %add3A_1735 = arith.constant 1.000000e+00 : f32
      %add3A_1736 = vector.broadcast %add3A_1735 : f32 to vector<16xf32>
      %add3A_1737 = arith.addf %add3A_1736, %mul3A_1734 : vector<16xf32>
      %mul3A_1738 = arith.mulf %mul3A_1722, %add3A_1737 : vector<16xf32>
      %mul3A_1739 = arith.constant 0.00138888892 : f32
      %mul3A_1740 = vector.broadcast %mul3A_1739 : f32 to vector<16xf32>
      %mul3A_1741 = arith.mulf %mul3A_1723, %mul3A_1740 : vector<16xf32>
      %sub3A_1742 = arith.constant 0.0416666679 : f32
      %sub3A_1743 = vector.broadcast %sub3A_1742 : f32 to vector<16xf32>
      %sub3A_1744 = arith.subf %sub3A_1743, %mul3A_1741 : vector<16xf32>
      %mul3A_1745 = arith.mulf %mul3A_1723, %sub3A_1744 : vector<16xf32>
      %add3A_1746 = arith.constant -5.000000e-01 : f32
      %add3A_1747 = vector.broadcast %add3A_1746 : f32 to vector<16xf32>
      %add3A_1748 = arith.addf %add3A_1747, %mul3A_1745 : vector<16xf32>
      %mul3A_1749 = arith.mulf %mul3A_1723, %add3A_1748 : vector<16xf32>
      %add3A_1750 = arith.constant 1.000000e+00 : f32
      %add3A_1751 = vector.broadcast %add3A_1750 : f32 to vector<16xf32>
      %add3A_1752 = arith.addf %add3A_1751, %mul3A_1749 : vector<16xf32>
      %gather3A_1753 = tpu.vector_load_idx %arg12[%min3A_1649] : memref<4096xf32, #tpu.memory_space<vmem>>[vector<16xi32>], vector<16xf32>,
      %gather3A_1754 = tpu.vector_load_idx %arg13[%min3A_1649] : memref<4096xf32, #tpu.memory_space<vmem>>[vector<16xi32>], vector<16xf32>,
      %gather3A_1755 = tpu.vector_load_idx %arg12[%min3A_1657] : memref<4096xf32, #tpu.memory_space<vmem>>[vector<16xi32>], vector<16xf32>,
      %gather3A_1756 = tpu.vector_load_idx %arg13[%min3A_1657] : memref<4096xf32, #tpu.memory_space<vmem>>[vector<16xi32>], vector<16xf32>,
      %mul3A_1757 = arith.mulf %gather3A_1753, %gather3A_1756 : vector<16xf32>
      %mul3A_1758 = arith.mulf %gather3A_1754, %gather3A_1755 : vector<16xf32>
      %sub3A_1759 = arith.subf %mul3A_1757, %mul3A_1758 : vector<16xf32>
      %mul3A_1760 = arith.mulf %gather3A_1754, %gather3A_1756 : vector<16xf32>
      %mul3A_1761 = arith.mulf %gather3A_1753, %gather3A_1755 : vector<16xf32>
      %add3A_1762 = arith.addf %mul3A_1760, %mul3A_1761 : vector<16xf32>
      %swap3A_1763 = arith.constant 0 : i32
      %swap3A_1764 = arith.index_cast %swap3A_1763 : i32 to index
      %swap3A_1765 = arith.index_cast %mul3A_1643 : i32 to index
      %swap3A_1766 = tpu.vector_load %arg17[%swap3A_1764, %swap3A_1765] {strides = array<i32>} : memref<48x128xf32, #tpu.memory_space<vmem>>, vector<16xf32>,
      tpu.vector_store %arg17[%swap3A_1764, %swap3A_1765], %sub3A_1661 {strides = array<i32>} : memref<48x128xf32, #tpu.memory_space<vmem>>, vector<16xf32>,
      %swap3A_1767 = arith.constant 1 : i32
      %swap3A_1768 = arith.index_cast %swap3A_1767 : i32 to index
      %swap3A_1769 = arith.index_cast %mul3A_1643 : i32 to index
      %swap3A_1770 = tpu.vector_load %arg17[%swap3A_1768, %swap3A_1769] {strides = array<i32>} : memref<48x128xf32, #tpu.memory_space<vmem>>, vector<16xf32>,
      tpu.vector_store %arg17[%swap3A_1768, %swap3A_1769], %sub3A_1662 {strides = array<i32>} : memref<48x128xf32, #tpu.memory_space<vmem>>, vector<16xf32>,
      %swap3A_1771 = arith.constant 2 : i32
      %swap3A_1772 = arith.index_cast %swap3A_1771 : i32 to index
      %swap3A_1773 = arith.index_cast %mul3A_1643 : i32 to index
      %swap3A_1774 = tpu.vector_load %arg17[%swap3A_1772, %swap3A_1773] {strides = array<i32>} : memref<48x128xf32, #tpu.memory_space<vmem>>, vector<16xf32>,
      tpu.vector_store %arg17[%swap3A_1772, %swap3A_1773], %mul3A_1689 {strides = array<i32>} : memref<48x128xf32, #tpu.memory_space<vmem>>, vector<16xf32>,
      %swap3A_1775 = arith.constant 3 : i32
      %swap3A_1776 = arith.index_cast %swap3A_1775 : i32 to index
      %swap3A_1777 = arith.index_cast %mul3A_1643 : i32 to index
      %swap3A_1778 = tpu.vector_load %arg17[%swap3A_1776, %swap3A_1777] {strides = array<i32>} : memref<48x128xf32, #tpu.memory_space<vmem>>, vector<16xf32>,
      tpu.vector_store %arg17[%swap3A_1776, %swap3A_1777], %mul3A_1705 {strides = array<i32>} : memref<48x128xf32, #tpu.memory_space<vmem>>, vector<16xf32>,
      %swap3A_1779 = arith.constant 4 : i32
      %swap3A_1780 = arith.index_cast %swap3A_1779 : i32 to index
      %swap3A_1781 = arith.index_cast %mul3A_1643 : i32 to index
      %swap3A_1782 = tpu.vector_load %arg17[%swap3A_1780, %swap3A_1781] {strides = array<i32>} : memref<48x128xf32, #tpu.memory_space<vmem>>, vector<16xf32>,
      tpu.vector_store %arg17[%swap3A_1780, %swap3A_1781], %add3A_1719 {strides = array<i32>} : memref<48x128xf32, #tpu.memory_space<vmem>>, vector<16xf32>,
      %swap3A_1783 = arith.constant 5 : i32
      %swap3A_1784 = arith.index_cast %swap3A_1783 : i32 to index
      %swap3A_1785 = arith.index_cast %mul3A_1643 : i32 to index
      %swap3A_1786 = tpu.vector_load %arg17[%swap3A_1784, %swap3A_1785] {strides = array<i32>} : memref<48x128xf32, #tpu.memory_space<vmem>>, vector<16xf32>,
      tpu.vector_store %arg17[%swap3A_1784, %swap3A_1785], %mul3A_1738 {strides = array<i32>} : memref<48x128xf32, #tpu.memory_space<vmem>>, vector<16xf32>,
      %swap3A_1787 = arith.constant 6 : i32
      %swap3A_1788 = arith.index_cast %swap3A_1787 : i32 to index
      %swap3A_1789 = arith.index_cast %mul3A_1643 : i32 to index
      %swap3A_1790 = tpu.vector_load %arg17[%swap3A_1788, %swap3A_1789] {strides = array<i32>} : memref<48x128xf32, #tpu.memory_space<vmem>>, vector<16xf32>,
      tpu.vector_store %arg17[%swap3A_1788, %swap3A_1789], %add3A_1752 {strides = array<i32>} : memref<48x128xf32, #tpu.memory_space<vmem>>, vector<16xf32>,
      %swap3A_1791 = arith.constant 7 : i32
      %swap3A_1792 = arith.index_cast %swap3A_1791 : i32 to index
      %swap3A_1793 = arith.index_cast %mul3A_1643 : i32 to index
      %swap3A_1794 = tpu.vector_load %arg17[%swap3A_1792, %swap3A_1793] {strides = array<i32>} : memref<48x128xf32, #tpu.memory_space<vmem>>, vector<16xf32>,
      tpu.vector_store %arg17[%swap3A_1792, %swap3A_1793], %sub3A_1759 {strides = array<i32>} : memref<48x128xf32, #tpu.memory_space<vmem>>, vector<16xf32>,
      %swap3A_1795 = arith.constant 8 : i32
      %swap3A_1796 = arith.index_cast %swap3A_1795 : i32 to index
      %swap3A_1797 = arith.index_cast %mul3A_1643 : i32 to index
      %swap3A_1798 = tpu.vector_load %arg17[%swap3A_1796, %swap3A_1797] {strides = array<i32>} : memref<48x128xf32, #tpu.memory_space<vmem>>, vector<16xf32>,
      tpu.vector_store %arg17[%swap3A_1796, %swap3A_1797], %add3A_1762 {strides = array<i32>} : memref<48x128xf32, #tpu.memory_space<vmem>>, vector<16xf32>,
      %mul3A_1799 = arith.constant 16 : i32
      %mul3A_1800 = vector.broadcast %mul3A_1799 : i32 to vector<16xi32>
      %mul3A_1801 = arith.muli %min3A_1657, %mul3A_1800 : vector<16xi32>
      %mul3A_1802 = arith.constant 16 : i32
      %mul3A_1803 = vector.broadcast %mul3A_1802 : i32 to vector<16xi32>
      %mul3A_1804 = arith.muli %min3A_1649, %mul3A_1803 : vector<16xi32>
      %add3A_1805 = arith.constant 0 : i32
      %add3A_1806 = vector.broadcast %add3A_1805 : i32 to vector<16xi32>
      %add3A_1807 = arith.addi %mul3A_1801, %add3A_1806 : vector<16xi32>
      %gather3A_1808 = tpu.vector_load_idx %arg14[%add3A_1807] : memref<65536xf32, #tpu.memory_space<vmem>>[vector<16xi32>], vector<16xf32>,
      %add3A_1809 = arith.constant 0 : i32
      %add3A_1810 = vector.broadcast %add3A_1809 : i32 to vector<16xi32>
      %add3A_1811 = arith.addi %mul3A_1804, %add3A_1810 : vector<16xi32>
      %gather3A_1812 = tpu.vector_load_idx %arg14[%add3A_1811] : memref<65536xf32, #tpu.memory_space<vmem>>[vector<16xi32>], vector<16xf32>,
      %sub3A_1813 = arith.subf %gather3A_1812, %gather3A_1808 : vector<16xf32>
      %swap3A_1814 = arith.constant 9 : i32
      %swap3A_1815 = arith.index_cast %swap3A_1814 : i32 to index
      %swap3A_1816 = arith.index_cast %mul3A_1643 : i32 to index
      %swap3A_1817 = tpu.vector_load %arg17[%swap3A_1815, %swap3A_1816] {strides = array<i32>} : memref<48x128xf32, #tpu.memory_space<vmem>>, vector<16xf32>,
      tpu.vector_store %arg17[%swap3A_1815, %swap3A_1816], %sub3A_1813 {strides = array<i32>} : memref<48x128xf32, #tpu.memory_space<vmem>>, vector<16xf32>,
      %swap3A_1818 = arith.constant 25 : i32
      %swap3A_1819 = arith.index_cast %swap3A_1818 : i32 to index
      %swap3A_1820 = arith.index_cast %mul3A_1643 : i32 to index
      %swap3A_1821 = tpu.vector_load %arg17[%swap3A_1819, %swap3A_1820] {strides = array<i32>} : memref<48x128xf32, #tpu.memory_space<vmem>>, vector<16xf32>,
      tpu.vector_store %arg17[%swap3A_1819, %swap3A_1820], %gather3A_1808 {strides = array<i32>} : memref<48x128xf32, #tpu.memory_space<vmem>>, vector<16xf32>,
      %add3A_1822 = arith.constant 1 : i32
      %add3A_1823 = vector.broadcast %add3A_1822 : i32 to vector<16xi32>
      %add3A_1824 = arith.addi %mul3A_1801, %add3A_1823 : vector<16xi32>
      %gather3A_1825 = tpu.vector_load_idx %arg14[%add3A_1824] : memref<65536xf32, #tpu.memory_space<vmem>>[vector<16xi32>], vector<16xf32>,
      %add3A_1826 = arith.constant 1 : i32
      %add3A_1827 = vector.broadcast %add3A_1826 : i32 to vector<16xi32>
      %add3A_1828 = arith.addi %mul3A_1804, %add3A_1827 : vector<16xi32>
      %gather3A_1829 = tpu.vector_load_idx %arg14[%add3A_1828] : memref<65536xf32, #tpu.memory_space<vmem>>[vector<16xi32>], vector<16xf32>,
      %sub3A_1830 = arith.subf %gather3A_1829, %gather3A_1825 : vector<16xf32>
      %swap3A_1831 = arith.constant 10 : i32
      %swap3A_1832 = arith.index_cast %swap3A_1831 : i32 to index
      %swap3A_1833 = arith.index_cast %mul3A_1643 : i32 to index
      %swap3A_1834 = tpu.vector_load %arg17[%swap3A_1832, %swap3A_1833] {strides = array<i32>} : memref<48x128xf32, #tpu.memory_space<vmem>>, vector<16xf32>,
      tpu.vector_store %arg17[%swap3A_1832, %swap3A_1833], %sub3A_1830 {strides = array<i32>} : memref<48x128xf32, #tpu.memory_space<vmem>>, vector<16xf32>,
      %swap3A_1835 = arith.constant 26 : i32
      %swap3A_1836 = arith.index_cast %swap3A_1835 : i32 to index
      %swap3A_1837 = arith.index_cast %mul3A_1643 : i32 to index
      %swap3A_1838 = tpu.vector_load %arg17[%swap3A_1836, %swap3A_1837] {strides = array<i32>} : memref<48x128xf32, #tpu.memory_space<vmem>>, vector<16xf32>,
      tpu.vector_store %arg17[%swap3A_1836, %swap3A_1837], %gather3A_1825 {strides = array<i32>} : memref<48x128xf32, #tpu.memory_space<vmem>>, vector<16xf32>,
      %add3A_1839 = arith.constant 2 : i32
      %add3A_1840 = vector.broadcast %add3A_1839 : i32 to vector<16xi32>
      %add3A_1841 = arith.addi %mul3A_1801, %add3A_1840 : vector<16xi32>
      %gather3A_1842 = tpu.vector_load_idx %arg14[%add3A_1841] : memref<65536xf32, #tpu.memory_space<vmem>>[vector<16xi32>], vector<16xf32>,
      %add3A_1843 = arith.constant 2 : i32
      %add3A_1844 = vector.broadcast %add3A_1843 : i32 to vector<16xi32>
      %add3A_1845 = arith.addi %mul3A_1804, %add3A_1844 : vector<16xi32>
      %gather3A_1846 = tpu.vector_load_idx %arg14[%add3A_1845] : memref<65536xf32, #tpu.memory_space<vmem>>[vector<16xi32>], vector<16xf32>,
      %sub3A_1847 = arith.subf %gather3A_1846, %gather3A_1842 : vector<16xf32>
      %swap3A_1848 = arith.constant 11 : i32
      %swap3A_1849 = arith.index_cast %swap3A_1848 : i32 to index
      %swap3A_1850 = arith.index_cast %mul3A_1643 : i32 to index
      %swap3A_1851 = tpu.vector_load %arg17[%swap3A_1849, %swap3A_1850] {strides = array<i32>} : memref<48x128xf32, #tpu.memory_space<vmem>>, vector<16xf32>,
      tpu.vector_store %arg17[%swap3A_1849, %swap3A_1850], %sub3A_1847 {strides = array<i32>} : memref<48x128xf32, #tpu.memory_space<vmem>>, vector<16xf32>,
      %swap3A_1852 = arith.constant 27 : i32
      %swap3A_1853 = arith.index_cast %swap3A_1852 : i32 to index
      %swap3A_1854 = arith.index_cast %mul3A_1643 : i32 to index
      %swap3A_1855 = tpu.vector_load %arg17[%swap3A_1853, %swap3A_1854] {strides = array<i32>} : memref<48x128xf32, #tpu.memory_space<vmem>>, vector<16xf32>,
      tpu.vector_store %arg17[%swap3A_1853, %swap3A_1854], %gather3A_1842 {strides = array<i32>} : memref<48x128xf32, #tpu.memory_space<vmem>>, vector<16xf32>,
      %add3A_1856 = arith.constant 3 : i32
      %add3A_1857 = vector.broadcast %add3A_1856 : i32 to vector<16xi32>
      %add3A_1858 = arith.addi %mul3A_1801, %add3A_1857 : vector<16xi32>
      %gather3A_1859 = tpu.vector_load_idx %arg14[%add3A_1858] : memref<65536xf32, #tpu.memory_space<vmem>>[vector<16xi32>], vector<16xf32>,
      %add3A_1860 = arith.constant 3 : i32
      %add3A_1861 = vector.broadcast %add3A_1860 : i32 to vector<16xi32>
      %add3A_1862 = arith.addi %mul3A_1804, %add3A_1861 : vector<16xi32>
      %gather3A_1863 = tpu.vector_load_idx %arg14[%add3A_1862] : memref<65536xf32, #tpu.memory_space<vmem>>[vector<16xi32>], vector<16xf32>,
      %sub3A_1864 = arith.subf %gather3A_1863, %gather3A_1859 : vector<16xf32>
      %swap3A_1865 = arith.constant 12 : i32
      %swap3A_1866 = arith.index_cast %swap3A_1865 : i32 to index
      %swap3A_1867 = arith.index_cast %mul3A_1643 : i32 to index
      %swap3A_1868 = tpu.vector_load %arg17[%swap3A_1866, %swap3A_1867] {strides = array<i32>} : memref<48x128xf32, #tpu.memory_space<vmem>>, vector<16xf32>,
      tpu.vector_store %arg17[%swap3A_1866, %swap3A_1867], %sub3A_1864 {strides = array<i32>} : memref<48x128xf32, #tpu.memory_space<vmem>>, vector<16xf32>,
      %swap3A_1869 = arith.constant 28 : i32
      %swap3A_1870 = arith.index_cast %swap3A_1869 : i32 to index
      %swap3A_1871 = arith.index_cast %mul3A_1643 : i32 to index
      %swap3A_1872 = tpu.vector_load %arg17[%swap3A_1870, %swap3A_1871] {strides = array<i32>} : memref<48x128xf32, #tpu.memory_space<vmem>>, vector<16xf32>,
      tpu.vector_store %arg17[%swap3A_1870, %swap3A_1871], %gather3A_1859 {strides = array<i32>} : memref<48x128xf32, #tpu.memory_space<vmem>>, vector<16xf32>,
      %add3A_1873 = arith.constant 4 : i32
      %add3A_1874 = vector.broadcast %add3A_1873 : i32 to vector<16xi32>
      %add3A_1875 = arith.addi %mul3A_1801, %add3A_1874 : vector<16xi32>
      %gather3A_1876 = tpu.vector_load_idx %arg14[%add3A_1875] : memref<65536xf32, #tpu.memory_space<vmem>>[vector<16xi32>], vector<16xf32>,
      %add3A_1877 = arith.constant 4 : i32
      %add3A_1878 = vector.broadcast %add3A_1877 : i32 to vector<16xi32>
      %add3A_1879 = arith.addi %mul3A_1804, %add3A_1878 : vector<16xi32>
      %gather3A_1880 = tpu.vector_load_idx %arg14[%add3A_1879] : memref<65536xf32, #tpu.memory_space<vmem>>[vector<16xi32>], vector<16xf32>,
      %sub3A_1881 = arith.subf %gather3A_1880, %gather3A_1876 : vector<16xf32>
      %swap3A_1882 = arith.constant 13 : i32
      %swap3A_1883 = arith.index_cast %swap3A_1882 : i32 to index
      %swap3A_1884 = arith.index_cast %mul3A_1643 : i32 to index
      %swap3A_1885 = tpu.vector_load %arg17[%swap3A_1883, %swap3A_1884] {strides = array<i32>} : memref<48x128xf32, #tpu.memory_space<vmem>>, vector<16xf32>,
      tpu.vector_store %arg17[%swap3A_1883, %swap3A_1884], %sub3A_1881 {strides = array<i32>} : memref<48x128xf32, #tpu.memory_space<vmem>>, vector<16xf32>,
      %swap3A_1886 = arith.constant 29 : i32
      %swap3A_1887 = arith.index_cast %swap3A_1886 : i32 to index
      %swap3A_1888 = arith.index_cast %mul3A_1643 : i32 to index
      %swap3A_1889 = tpu.vector_load %arg17[%swap3A_1887, %swap3A_1888] {strides = array<i32>} : memref<48x128xf32, #tpu.memory_space<vmem>>, vector<16xf32>,
      tpu.vector_store %arg17[%swap3A_1887, %swap3A_1888], %gather3A_1876 {strides = array<i32>} : memref<48x128xf32, #tpu.memory_space<vmem>>, vector<16xf32>,
      %add3A_1890 = arith.constant 5 : i32
      %add3A_1891 = vector.broadcast %add3A_1890 : i32 to vector<16xi32>
      %add3A_1892 = arith.addi %mul3A_1801, %add3A_1891 : vector<16xi32>
      %gather3A_1893 = tpu.vector_load_idx %arg14[%add3A_1892] : memref<65536xf32, #tpu.memory_space<vmem>>[vector<16xi32>], vector<16xf32>,
      %add3A_1894 = arith.constant 5 : i32
      %add3A_1895 = vector.broadcast %add3A_1894 : i32 to vector<16xi32>
      %add3A_1896 = arith.addi %mul3A_1804, %add3A_1895 : vector<16xi32>
      %gather3A_1897 = tpu.vector_load_idx %arg14[%add3A_1896] : memref<65536xf32, #tpu.memory_space<vmem>>[vector<16xi32>], vector<16xf32>,
      %sub3A_1898 = arith.subf %gather3A_1897, %gather3A_1893 : vector<16xf32>
      %swap3A_1899 = arith.constant 14 : i32
      %swap3A_1900 = arith.index_cast %swap3A_1899 : i32 to index
      %swap3A_1901 = arith.index_cast %mul3A_1643 : i32 to index
      %swap3A_1902 = tpu.vector_load %arg17[%swap3A_1900, %swap3A_1901] {strides = array<i32>} : memref<48x128xf32, #tpu.memory_space<vmem>>, vector<16xf32>,
      tpu.vector_store %arg17[%swap3A_1900, %swap3A_1901], %sub3A_1898 {strides = array<i32>} : memref<48x128xf32, #tpu.memory_space<vmem>>, vector<16xf32>,
      %swap3A_1903 = arith.constant 30 : i32
      %swap3A_1904 = arith.index_cast %swap3A_1903 : i32 to index
      %swap3A_1905 = arith.index_cast %mul3A_1643 : i32 to index
      %swap3A_1906 = tpu.vector_load %arg17[%swap3A_1904, %swap3A_1905] {strides = array<i32>} : memref<48x128xf32, #tpu.memory_space<vmem>>, vector<16xf32>,
      tpu.vector_store %arg17[%swap3A_1904, %swap3A_1905], %gather3A_1893 {strides = array<i32>} : memref<48x128xf32, #tpu.memory_space<vmem>>, vector<16xf32>,
      %add3A_1907 = arith.constant 6 : i32
      %add3A_1908 = vector.broadcast %add3A_1907 : i32 to vector<16xi32>
      %add3A_1909 = arith.addi %mul3A_1801, %add3A_1908 : vector<16xi32>
      %gather3A_1910 = tpu.vector_load_idx %arg14[%add3A_1909] : memref<65536xf32, #tpu.memory_space<vmem>>[vector<16xi32>], vector<16xf32>,
      %add3A_1911 = arith.constant 6 : i32
      %add3A_1912 = vector.broadcast %add3A_1911 : i32 to vector<16xi32>
      %add3A_1913 = arith.addi %mul3A_1804, %add3A_1912 : vector<16xi32>
      %gather3A_1914 = tpu.vector_load_idx %arg14[%add3A_1913] : memref<65536xf32, #tpu.memory_space<vmem>>[vector<16xi32>], vector<16xf32>,
      %sub3A_1915 = arith.subf %gather3A_1914, %gather3A_1910 : vector<16xf32>
      %swap3A_1916 = arith.constant 15 : i32
      %swap3A_1917 = arith.index_cast %swap3A_1916 : i32 to index
      %swap3A_1918 = arith.index_cast %mul3A_1643 : i32 to index
      %swap3A_1919 = tpu.vector_load %arg17[%swap3A_1917, %swap3A_1918] {strides = array<i32>} : memref<48x128xf32, #tpu.memory_space<vmem>>, vector<16xf32>,
      tpu.vector_store %arg17[%swap3A_1917, %swap3A_1918], %sub3A_1915 {strides = array<i32>} : memref<48x128xf32, #tpu.memory_space<vmem>>, vector<16xf32>,
      %swap3A_1920 = arith.constant 31 : i32
      %swap3A_1921 = arith.index_cast %swap3A_1920 : i32 to index
      %swap3A_1922 = arith.index_cast %mul3A_1643 : i32 to index
      %swap3A_1923 = tpu.vector_load %arg17[%swap3A_1921, %swap3A_1922] {strides = array<i32>} : memref<48x128xf32, #tpu.memory_space<vmem>>, vector<16xf32>,
      tpu.vector_store %arg17[%swap3A_1921, %swap3A_1922], %gather3A_1910 {strides = array<i32>} : memref<48x128xf32, #tpu.memory_space<vmem>>, vector<16xf32>,
      %add3A_1924 = arith.constant 7 : i32
      %add3A_1925 = vector.broadcast %add3A_1924 : i32 to vector<16xi32>
      %add3A_1926 = arith.addi %mul3A_1801, %add3A_1925 : vector<16xi32>
      %gather3A_1927 = tpu.vector_load_idx %arg14[%add3A_1926] : memref<65536xf32, #tpu.memory_space<vmem>>[vector<16xi32>], vector<16xf32>,
      %add3A_1928 = arith.constant 7 : i32
      %add3A_1929 = vector.broadcast %add3A_1928 : i32 to vector<16xi32>
      %add3A_1930 = arith.addi %mul3A_1804, %add3A_1929 : vector<16xi32>
      %gather3A_1931 = tpu.vector_load_idx %arg14[%add3A_1930] : memref<65536xf32, #tpu.memory_space<vmem>>[vector<16xi32>], vector<16xf32>,
      %sub3A_1932 = arith.subf %gather3A_1931, %gather3A_1927 : vector<16xf32>
      %swap3A_1933 = arith.constant 16 : i32
      %swap3A_1934 = arith.index_cast %swap3A_1933 : i32 to index
      %swap3A_1935 = arith.index_cast %mul3A_1643 : i32 to index
      %swap3A_1936 = tpu.vector_load %arg17[%swap3A_1934, %swap3A_1935] {strides = array<i32>} : memref<48x128xf32, #tpu.memory_space<vmem>>, vector<16xf32>,
      tpu.vector_store %arg17[%swap3A_1934, %swap3A_1935], %sub3A_1932 {strides = array<i32>} : memref<48x128xf32, #tpu.memory_space<vmem>>, vector<16xf32>,
      %swap3A_1937 = arith.constant 32 : i32
      %swap3A_1938 = arith.index_cast %swap3A_1937 : i32 to index
      %swap3A_1939 = arith.index_cast %mul3A_1643 : i32 to index
      %swap3A_1940 = tpu.vector_load %arg17[%swap3A_1938, %swap3A_1939] {strides = array<i32>} : memref<48x128xf32, #tpu.memory_space<vmem>>, vector<16xf32>,
      tpu.vector_store %arg17[%swap3A_1938, %swap3A_1939], %gather3A_1927 {strides = array<i32>} : memref<48x128xf32, #tpu.memory_space<vmem>>, vector<16xf32>,
      %add3A_1941 = arith.constant 8 : i32
      %add3A_1942 = vector.broadcast %add3A_1941 : i32 to vector<16xi32>
      %add3A_1943 = arith.addi %mul3A_1801, %add3A_1942 : vector<16xi32>
      %gather3A_1944 = tpu.vector_load_idx %arg14[%add3A_1943] : memref<65536xf32, #tpu.memory_space<vmem>>[vector<16xi32>], vector<16xf32>,
      %add3A_1945 = arith.constant 8 : i32
      %add3A_1946 = vector.broadcast %add3A_1945 : i32 to vector<16xi32>
      %add3A_1947 = arith.addi %mul3A_1804, %add3A_1946 : vector<16xi32>
      %gather3A_1948 = tpu.vector_load_idx %arg14[%add3A_1947] : memref<65536xf32, #tpu.memory_space<vmem>>[vector<16xi32>], vector<16xf32>,
      %sub3A_1949 = arith.subf %gather3A_1948, %gather3A_1944 : vector<16xf32>
      %swap3A_1950 = arith.constant 17 : i32
      %swap3A_1951 = arith.index_cast %swap3A_1950 : i32 to index
      %swap3A_1952 = arith.index_cast %mul3A_1643 : i32 to index
      %swap3A_1953 = tpu.vector_load %arg17[%swap3A_1951, %swap3A_1952] {strides = array<i32>} : memref<48x128xf32, #tpu.memory_space<vmem>>, vector<16xf32>,
      tpu.vector_store %arg17[%swap3A_1951, %swap3A_1952], %sub3A_1949 {strides = array<i32>} : memref<48x128xf32, #tpu.memory_space<vmem>>, vector<16xf32>,
      %swap3A_1954 = arith.constant 33 : i32
      %swap3A_1955 = arith.index_cast %swap3A_1954 : i32 to index
      %swap3A_1956 = arith.index_cast %mul3A_1643 : i32 to index
      %swap3A_1957 = tpu.vector_load %arg17[%swap3A_1955, %swap3A_1956] {strides = array<i32>} : memref<48x128xf32, #tpu.memory_space<vmem>>, vector<16xf32>,
      tpu.vector_store %arg17[%swap3A_1955, %swap3A_1956], %gather3A_1944 {strides = array<i32>} : memref<48x128xf32, #tpu.memory_space<vmem>>, vector<16xf32>,
      %add3A_1958 = arith.constant 9 : i32
      %add3A_1959 = vector.broadcast %add3A_1958 : i32 to vector<16xi32>
      %add3A_1960 = arith.addi %mul3A_1801, %add3A_1959 : vector<16xi32>
      %gather3A_1961 = tpu.vector_load_idx %arg14[%add3A_1960] : memref<65536xf32, #tpu.memory_space<vmem>>[vector<16xi32>], vector<16xf32>,
      %add3A_1962 = arith.constant 9 : i32
      %add3A_1963 = vector.broadcast %add3A_1962 : i32 to vector<16xi32>
      %add3A_1964 = arith.addi %mul3A_1804, %add3A_1963 : vector<16xi32>
      %gather3A_1965 = tpu.vector_load_idx %arg14[%add3A_1964] : memref<65536xf32, #tpu.memory_space<vmem>>[vector<16xi32>], vector<16xf32>,
      %sub3A_1966 = arith.subf %gather3A_1965, %gather3A_1961 : vector<16xf32>
      %swap3A_1967 = arith.constant 18 : i32
      %swap3A_1968 = arith.index_cast %swap3A_1967 : i32 to index
      %swap3A_1969 = arith.index_cast %mul3A_1643 : i32 to index
      %swap3A_1970 = tpu.vector_load %arg17[%swap3A_1968, %swap3A_1969] {strides = array<i32>} : memref<48x128xf32, #tpu.memory_space<vmem>>, vector<16xf32>,
      tpu.vector_store %arg17[%swap3A_1968, %swap3A_1969], %sub3A_1966 {strides = array<i32>} : memref<48x128xf32, #tpu.memory_space<vmem>>, vector<16xf32>,
      %swap3A_1971 = arith.constant 34 : i32
      %swap3A_1972 = arith.index_cast %swap3A_1971 : i32 to index
      %swap3A_1973 = arith.index_cast %mul3A_1643 : i32 to index
      %swap3A_1974 = tpu.vector_load %arg17[%swap3A_1972, %swap3A_1973] {strides = array<i32>} : memref<48x128xf32, #tpu.memory_space<vmem>>, vector<16xf32>,
      tpu.vector_store %arg17[%swap3A_1972, %swap3A_1973], %gather3A_1961 {strides = array<i32>} : memref<48x128xf32, #tpu.memory_space<vmem>>, vector<16xf32>,
      %add3A_1975 = arith.constant 10 : i32
      %add3A_1976 = vector.broadcast %add3A_1975 : i32 to vector<16xi32>
      %add3A_1977 = arith.addi %mul3A_1801, %add3A_1976 : vector<16xi32>
      %gather3A_1978 = tpu.vector_load_idx %arg14[%add3A_1977] : memref<65536xf32, #tpu.memory_space<vmem>>[vector<16xi32>], vector<16xf32>,
      %add3A_1979 = arith.constant 10 : i32
      %add3A_1980 = vector.broadcast %add3A_1979 : i32 to vector<16xi32>
      %add3A_1981 = arith.addi %mul3A_1804, %add3A_1980 : vector<16xi32>
      %gather3A_1982 = tpu.vector_load_idx %arg14[%add3A_1981] : memref<65536xf32, #tpu.memory_space<vmem>>[vector<16xi32>], vector<16xf32>,
      %sub3A_1983 = arith.subf %gather3A_1982, %gather3A_1978 : vector<16xf32>
      %swap3A_1984 = arith.constant 19 : i32
      %swap3A_1985 = arith.index_cast %swap3A_1984 : i32 to index
      %swap3A_1986 = arith.index_cast %mul3A_1643 : i32 to index
      %swap3A_1987 = tpu.vector_load %arg17[%swap3A_1985, %swap3A_1986] {strides = array<i32>} : memref<48x128xf32, #tpu.memory_space<vmem>>, vector<16xf32>,
      tpu.vector_store %arg17[%swap3A_1985, %swap3A_1986], %sub3A_1983 {strides = array<i32>} : memref<48x128xf32, #tpu.memory_space<vmem>>, vector<16xf32>,
      %swap3A_1988 = arith.constant 35 : i32
      %swap3A_1989 = arith.index_cast %swap3A_1988 : i32 to index
      %swap3A_1990 = arith.index_cast %mul3A_1643 : i32 to index
      %swap3A_1991 = tpu.vector_load %arg17[%swap3A_1989, %swap3A_1990] {strides = array<i32>} : memref<48x128xf32, #tpu.memory_space<vmem>>, vector<16xf32>,
      tpu.vector_store %arg17[%swap3A_1989, %swap3A_1990], %gather3A_1978 {strides = array<i32>} : memref<48x128xf32, #tpu.memory_space<vmem>>, vector<16xf32>,
      %add3A_1992 = arith.constant 11 : i32
      %add3A_1993 = vector.broadcast %add3A_1992 : i32 to vector<16xi32>
      %add3A_1994 = arith.addi %mul3A_1801, %add3A_1993 : vector<16xi32>
      %gather3A_1995 = tpu.vector_load_idx %arg14[%add3A_1994] : memref<65536xf32, #tpu.memory_space<vmem>>[vector<16xi32>], vector<16xf32>,
      %add3A_1996 = arith.constant 11 : i32
      %add3A_1997 = vector.broadcast %add3A_1996 : i32 to vector<16xi32>
      %add3A_1998 = arith.addi %mul3A_1804, %add3A_1997 : vector<16xi32>
      %gather3A_1999 = tpu.vector_load_idx %arg14[%add3A_1998] : memref<65536xf32, #tpu.memory_space<vmem>>[vector<16xi32>], vector<16xf32>,
      %sub3A_2000 = arith.subf %gather3A_1999, %gather3A_1995 : vector<16xf32>
      %swap3A_2001 = arith.constant 20 : i32
      %swap3A_2002 = arith.index_cast %swap3A_2001 : i32 to index
      %swap3A_2003 = arith.index_cast %mul3A_1643 : i32 to index
      %swap3A_2004 = tpu.vector_load %arg17[%swap3A_2002, %swap3A_2003] {strides = array<i32>} : memref<48x128xf32, #tpu.memory_space<vmem>>, vector<16xf32>,
      tpu.vector_store %arg17[%swap3A_2002, %swap3A_2003], %sub3A_2000 {strides = array<i32>} : memref<48x128xf32, #tpu.memory_space<vmem>>, vector<16xf32>,
      %swap3A_2005 = arith.constant 36 : i32
      %swap3A_2006 = arith.index_cast %swap3A_2005 : i32 to index
      %swap3A_2007 = arith.index_cast %mul3A_1643 : i32 to index
      %swap3A_2008 = tpu.vector_load %arg17[%swap3A_2006, %swap3A_2007] {strides = array<i32>} : memref<48x128xf32, #tpu.memory_space<vmem>>, vector<16xf32>,
      tpu.vector_store %arg17[%swap3A_2006, %swap3A_2007], %gather3A_1995 {strides = array<i32>} : memref<48x128xf32, #tpu.memory_space<vmem>>, vector<16xf32>,
      %add3A_2009 = arith.constant 12 : i32
      %add3A_2010 = vector.broadcast %add3A_2009 : i32 to vector<16xi32>
      %add3A_2011 = arith.addi %mul3A_1801, %add3A_2010 : vector<16xi32>
      %gather3A_2012 = tpu.vector_load_idx %arg14[%add3A_2011] : memref<65536xf32, #tpu.memory_space<vmem>>[vector<16xi32>], vector<16xf32>,
      %add3A_2013 = arith.constant 12 : i32
      %add3A_2014 = vector.broadcast %add3A_2013 : i32 to vector<16xi32>
      %add3A_2015 = arith.addi %mul3A_1804, %add3A_2014 : vector<16xi32>
      %gather3A_2016 = tpu.vector_load_idx %arg14[%add3A_2015] : memref<65536xf32, #tpu.memory_space<vmem>>[vector<16xi32>], vector<16xf32>,
      %sub3A_2017 = arith.subf %gather3A_2016, %gather3A_2012 : vector<16xf32>
      %swap3A_2018 = arith.constant 21 : i32
      %swap3A_2019 = arith.index_cast %swap3A_2018 : i32 to index
      %swap3A_2020 = arith.index_cast %mul3A_1643 : i32 to index
      %swap3A_2021 = tpu.vector_load %arg17[%swap3A_2019, %swap3A_2020] {strides = array<i32>} : memref<48x128xf32, #tpu.memory_space<vmem>>, vector<16xf32>,
      tpu.vector_store %arg17[%swap3A_2019, %swap3A_2020], %sub3A_2017 {strides = array<i32>} : memref<48x128xf32, #tpu.memory_space<vmem>>, vector<16xf32>,
      %swap3A_2022 = arith.constant 37 : i32
      %swap3A_2023 = arith.index_cast %swap3A_2022 : i32 to index
      %swap3A_2024 = arith.index_cast %mul3A_1643 : i32 to index
      %swap3A_2025 = tpu.vector_load %arg17[%swap3A_2023, %swap3A_2024] {strides = array<i32>} : memref<48x128xf32, #tpu.memory_space<vmem>>, vector<16xf32>,
      tpu.vector_store %arg17[%swap3A_2023, %swap3A_2024], %gather3A_2012 {strides = array<i32>} : memref<48x128xf32, #tpu.memory_space<vmem>>, vector<16xf32>,
      %add3A_2026 = arith.constant 13 : i32
      %add3A_2027 = vector.broadcast %add3A_2026 : i32 to vector<16xi32>
      %add3A_2028 = arith.addi %mul3A_1801, %add3A_2027 : vector<16xi32>
      %gather3A_2029 = tpu.vector_load_idx %arg14[%add3A_2028] : memref<65536xf32, #tpu.memory_space<vmem>>[vector<16xi32>], vector<16xf32>,
      %add3A_2030 = arith.constant 13 : i32
      %add3A_2031 = vector.broadcast %add3A_2030 : i32 to vector<16xi32>
      %add3A_2032 = arith.addi %mul3A_1804, %add3A_2031 : vector<16xi32>
      %gather3A_2033 = tpu.vector_load_idx %arg14[%add3A_2032] : memref<65536xf32, #tpu.memory_space<vmem>>[vector<16xi32>], vector<16xf32>,
      %sub3A_2034 = arith.subf %gather3A_2033, %gather3A_2029 : vector<16xf32>
      %swap3A_2035 = arith.constant 22 : i32
      %swap3A_2036 = arith.index_cast %swap3A_2035 : i32 to index
      %swap3A_2037 = arith.index_cast %mul3A_1643 : i32 to index
      %swap3A_2038 = tpu.vector_load %arg17[%swap3A_2036, %swap3A_2037] {strides = array<i32>} : memref<48x128xf32, #tpu.memory_space<vmem>>, vector<16xf32>,
      tpu.vector_store %arg17[%swap3A_2036, %swap3A_2037], %sub3A_2034 {strides = array<i32>} : memref<48x128xf32, #tpu.memory_space<vmem>>, vector<16xf32>,
      %swap3A_2039 = arith.constant 38 : i32
      %swap3A_2040 = arith.index_cast %swap3A_2039 : i32 to index
      %swap3A_2041 = arith.index_cast %mul3A_1643 : i32 to index
      %swap3A_2042 = tpu.vector_load %arg17[%swap3A_2040, %swap3A_2041] {strides = array<i32>} : memref<48x128xf32, #tpu.memory_space<vmem>>, vector<16xf32>,
      tpu.vector_store %arg17[%swap3A_2040, %swap3A_2041], %gather3A_2029 {strides = array<i32>} : memref<48x128xf32, #tpu.memory_space<vmem>>, vector<16xf32>,
      %add3A_2043 = arith.constant 14 : i32
      %add3A_2044 = vector.broadcast %add3A_2043 : i32 to vector<16xi32>
      %add3A_2045 = arith.addi %mul3A_1801, %add3A_2044 : vector<16xi32>
      %gather3A_2046 = tpu.vector_load_idx %arg14[%add3A_2045] : memref<65536xf32, #tpu.memory_space<vmem>>[vector<16xi32>], vector<16xf32>,
      %add3A_2047 = arith.constant 14 : i32
      %add3A_2048 = vector.broadcast %add3A_2047 : i32 to vector<16xi32>
      %add3A_2049 = arith.addi %mul3A_1804, %add3A_2048 : vector<16xi32>
      %gather3A_2050 = tpu.vector_load_idx %arg14[%add3A_2049] : memref<65536xf32, #tpu.memory_space<vmem>>[vector<16xi32>], vector<16xf32>,
      %sub3A_2051 = arith.subf %gather3A_2050, %gather3A_2046 : vector<16xf32>
      %swap3A_2052 = arith.constant 23 : i32
      %swap3A_2053 = arith.index_cast %swap3A_2052 : i32 to index
      %swap3A_2054 = arith.index_cast %mul3A_1643 : i32 to index
      %swap3A_2055 = tpu.vector_load %arg17[%swap3A_2053, %swap3A_2054] {strides = array<i32>} : memref<48x128xf32, #tpu.memory_space<vmem>>, vector<16xf32>,
      tpu.vector_store %arg17[%swap3A_2053, %swap3A_2054], %sub3A_2051 {strides = array<i32>} : memref<48x128xf32, #tpu.memory_space<vmem>>, vector<16xf32>,
      %swap3A_2056 = arith.constant 39 : i32
      %swap3A_2057 = arith.index_cast %swap3A_2056 : i32 to index
      %swap3A_2058 = arith.index_cast %mul3A_1643 : i32 to index
      %swap3A_2059 = tpu.vector_load %arg17[%swap3A_2057, %swap3A_2058] {strides = array<i32>} : memref<48x128xf32, #tpu.memory_space<vmem>>, vector<16xf32>,
      tpu.vector_store %arg17[%swap3A_2057, %swap3A_2058], %gather3A_2046 {strides = array<i32>} : memref<48x128xf32, #tpu.memory_space<vmem>>, vector<16xf32>,
      %add3A_2060 = arith.constant 15 : i32
      %add3A_2061 = vector.broadcast %add3A_2060 : i32 to vector<16xi32>
      %add3A_2062 = arith.addi %mul3A_1801, %add3A_2061 : vector<16xi32>
      %gather3A_2063 = tpu.vector_load_idx %arg14[%add3A_2062] : memref<65536xf32, #tpu.memory_space<vmem>>[vector<16xi32>], vector<16xf32>,
      %add3A_2064 = arith.constant 15 : i32
      %add3A_2065 = vector.broadcast %add3A_2064 : i32 to vector<16xi32>
      %add3A_2066 = arith.addi %mul3A_1804, %add3A_2065 : vector<16xi32>
      %gather3A_2067 = tpu.vector_load_idx %arg14[%add3A_2066] : memref<65536xf32, #tpu.memory_space<vmem>>[vector<16xi32>], vector<16xf32>,
      %sub3A_2068 = arith.subf %gather3A_2067, %gather3A_2063 : vector<16xf32>
      %swap3A_2069 = arith.constant 24 : i32
      %swap3A_2070 = arith.index_cast %swap3A_2069 : i32 to index
      %swap3A_2071 = arith.index_cast %mul3A_1643 : i32 to index
      %swap3A_2072 = tpu.vector_load %arg17[%swap3A_2070, %swap3A_2071] {strides = array<i32>} : memref<48x128xf32, #tpu.memory_space<vmem>>, vector<16xf32>,
      tpu.vector_store %arg17[%swap3A_2070, %swap3A_2071], %sub3A_2068 {strides = array<i32>} : memref<48x128xf32, #tpu.memory_space<vmem>>, vector<16xf32>,
      %swap3A_2073 = arith.constant 40 : i32
      %swap3A_2074 = arith.index_cast %swap3A_2073 : i32 to index
      %swap3A_2075 = arith.index_cast %mul3A_1643 : i32 to index
      %swap3A_2076 = tpu.vector_load %arg17[%swap3A_2074, %swap3A_2075] {strides = array<i32>} : memref<48x128xf32, #tpu.memory_space<vmem>>, vector<16xf32>,
      tpu.vector_store %arg17[%swap3A_2074, %swap3A_2075], %gather3A_2063 {strides = array<i32>} : memref<48x128xf32, #tpu.memory_space<vmem>>, vector<16xf32>,
      %eq3A = arith.constant 112 : i32
      %eq3A_2077 = arith.cmpi eq, %mul3A_1643, %eq3A : i32
      %sub3A_2078 = arith.constant 1 : i32
      %sub3A_2079 = arith.subi %select_n3A, %sub3A_2078 : i32
      %eq3A_2080 = arith.cmpi eq, %while3A_1636, %sub3A_2079 : i32
      %or3A = arith.ori %eq3A_2077, %eq3A_2080 : i1
      %convert_element_type3A = arith.extui %or3A : i1 to i32
      %cond3A = arith.constant 0 : i32
      %cond3A_2081 = arith.cmpi ne, %convert_element_type3A, %cond3A : i32
      scf.if %cond3A_2081 {
        %div3A_2083 = arith.constant 8 : i32
        %div3A_2084 = arith.divsi %while3A_1636, %div3A_2083 : i32
        %mul3A_2085 = arith.constant 128 : i32
        %mul3A_2086 = arith.muli %div3A_2084, %mul3A_2085 : i32
        %add3A_2087 = arith.addi %mul3A_249, %mul3A_2086 : i32
        "tpu.region"() ({
          %run_scoped3A = tpu.sem_alloc : memref<!tpu.dma_semaphore, #tpu.memory_space<semaphore_mem>>
          %dma_start3A = arith.constant 0 : i32
          %dma_start3A_2088 = tpu.memref_slice %arg7[%dma_start3A, %add3A_2087] : memref<48x327680xf32, #tpu.memory_space<hbm>> -> memref<48x128xf32, #tpu.memory_space<hbm>>
          %dma_start3A_2089 = arith.constant 0 : i32
          %dma_start3A_2090 = tpu.memref_slice %arg7[%dma_start3A_2089, %add3A_2087] : memref<48x327680xf32, #tpu.memory_space<hbm>> -> memref<48x128xf32, #tpu.memory_space<hbm>>
          tpu.enqueue_dma source(%arg17 : memref<48x128xf32, #tpu.memory_space<vmem>>) target(%dma_start3A_2090 : memref<48x128xf32, #tpu.memory_space<hbm>>) target_semaphore(%run_scoped3A : memref<!tpu.dma_semaphore, #tpu.memory_space<semaphore_mem>>)
          %dma_wait3A = arith.constant 0 : i32
          %dma_wait3A_2091 = tpu.memref_slice %arg7[%dma_wait3A, %add3A_2087] : memref<48x327680xf32, #tpu.memory_space<hbm>> -> memref<48x128xf32, #tpu.memory_space<hbm>>
          %dma_wait3A_2092 = arith.constant 0 : i32
          %dma_wait3A_2093 = tpu.memref_slice %arg7[%dma_wait3A_2092, %add3A_2087] : memref<48x327680xf32, #tpu.memory_space<hbm>> -> memref<48x128xf32, #tpu.memory_space<hbm>>
          tpu.wait_dma2 semaphore(%run_scoped3A : memref<!tpu.dma_semaphore, #tpu.memory_space<semaphore_mem>>) src(%arg17 : memref<48x128xf32, #tpu.memory_space<vmem>>) dst(%dma_wait3A_2093 : memref<48x128xf32, #tpu.memory_space<hbm>>)
          tpu.yield
        }) : () -> ()
      } else {
      }
      %while3A_2082 = arith.constant 0 : i32
      scf.yield %while3A_2082 : i32
    }
    %swap3A_281 = arith.constant 0 : i32
    %swap3A_282 = arith.index_cast %swap3A_281 : i32 to index
    %swap3A_283 = arith.constant 0 : index
    %swap3A_284 = tpu.vector_load %arg17[%swap3A_282, %swap3A_283] {strides = array<i32>} : memref<48x128xf32, #tpu.memory_space<vmem>>, vector<16xf32>,
    tpu.vector_store %arg17[%swap3A_282, %swap3A_283], %broadcast_in_dim3A_24 {strides = array<i32>} : memref<48x128xf32, #tpu.memory_space<vmem>>, vector<16xf32>,
    %swap3A_285 = arith.constant 0 : i32
    %swap3A_286 = arith.index_cast %swap3A_285 : i32 to index
    %swap3A_287 = arith.constant 16 : index
    %swap3A_288 = tpu.vector_load %arg17[%swap3A_286, %swap3A_287] {strides = array<i32>} : memref<48x128xf32, #tpu.memory_space<vmem>>, vector<16xf32>,
    tpu.vector_store %arg17[%swap3A_286, %swap3A_287], %broadcast_in_dim3A_24 {strides = array<i32>} : memref<48x128xf32, #tpu.memory_space<vmem>>, vector<16xf32>,
    %swap3A_289 = arith.constant 0 : i32
    %swap3A_290 = arith.index_cast %swap3A_289 : i32 to index
    %swap3A_291 = arith.constant 32 : index
    %swap3A_292 = tpu.vector_load %arg17[%swap3A_290, %swap3A_291] {strides = array<i32>} : memref<48x128xf32, #tpu.memory_space<vmem>>, vector<16xf32>,
    tpu.vector_store %arg17[%swap3A_290, %swap3A_291], %broadcast_in_dim3A_24 {strides = array<i32>} : memref<48x128xf32, #tpu.memory_space<vmem>>, vector<16xf32>,
    %swap3A_293 = arith.constant 0 : i32
    %swap3A_294 = arith.index_cast %swap3A_293 : i32 to index
    %swap3A_295 = arith.constant 48 : index
    %swap3A_296 = tpu.vector_load %arg17[%swap3A_294, %swap3A_295] {strides = array<i32>} : memref<48x128xf32, #tpu.memory_space<vmem>>, vector<16xf32>,
    tpu.vector_store %arg17[%swap3A_294, %swap3A_295], %broadcast_in_dim3A_24 {strides = array<i32>} : memref<48x128xf32, #tpu.memory_space<vmem>>, vector<16xf32>,
    %swap3A_297 = arith.constant 0 : i32
    %swap3A_298 = arith.index_cast %swap3A_297 : i32 to index
    %swap3A_299 = arith.constant 64 : index
    %swap3A_300 = tpu.vector_load %arg17[%swap3A_298, %swap3A_299] {strides = array<i32>} : memref<48x128xf32, #tpu.memory_space<vmem>>, vector<16xf32>,
    tpu.vector_store %arg17[%swap3A_298, %swap3A_299], %broadcast_in_dim3A_24 {strides = array<i32>} : memref<48x128xf32, #tpu.memory_space<vmem>>, vector<16xf32>,
    %swap3A_301 = arith.constant 0 : i32
    %swap3A_302 = arith.index_cast %swap3A_301 : i32 to index
    %swap3A_303 = arith.constant 80 : index
    %swap3A_304 = tpu.vector_load %arg17[%swap3A_302, %swap3A_303] {strides = array<i32>} : memref<48x128xf32, #tpu.memory_space<vmem>>, vector<16xf32>,
    tpu.vector_store %arg17[%swap3A_302, %swap3A_303], %broadcast_in_dim3A_24 {strides = array<i32>} : memref<48x128xf32, #tpu.memory_space<vmem>>, vector<16xf32>,
    %swap3A_305 = arith.constant 0 : i32
    %swap3A_306 = arith.index_cast %swap3A_305 : i32 to index
    %swap3A_307 = arith.constant 96 : index
    %swap3A_308 = tpu.vector_load %arg17[%swap3A_306, %swap3A_307] {strides = array<i32>} : memref<48x128xf32, #tpu.memory_space<vmem>>, vector<16xf32>,
    tpu.vector_store %arg17[%swap3A_306, %swap3A_307], %broadcast_in_dim3A_24 {strides = array<i32>} : memref<48x128xf32, #tpu.memory_space<vmem>>, vector<16xf32>,
    %swap3A_309 = arith.constant 0 : i32
    %swap3A_310 = arith.index_cast %swap3A_309 : i32 to index
    %swap3A_311 = arith.constant 112 : index
    %swap3A_312 = tpu.vector_load %arg17[%swap3A_310, %swap3A_311] {strides = array<i32>} : memref<48x128xf32, #tpu.memory_space<vmem>>, vector<16xf32>,
    tpu.vector_store %arg17[%swap3A_310, %swap3A_311], %broadcast_in_dim3A_24 {strides = array<i32>} : memref<48x128xf32, #tpu.memory_space<vmem>>, vector<16xf32>,
    %swap3A_313 = arith.constant 1 : i32
    %swap3A_314 = arith.index_cast %swap3A_313 : i32 to index
    %swap3A_315 = arith.constant 0 : index
    %swap3A_316 = tpu.vector_load %arg17[%swap3A_314, %swap3A_315] {strides = array<i32>} : memref<48x128xf32, #tpu.memory_space<vmem>>, vector<16xf32>,
    tpu.vector_store %arg17[%swap3A_314, %swap3A_315], %broadcast_in_dim3A_24 {strides = array<i32>} : memref<48x128xf32, #tpu.memory_space<vmem>>, vector<16xf32>,
    %swap3A_317 = arith.constant 1 : i32
    %swap3A_318 = arith.index_cast %swap3A_317 : i32 to index
    %swap3A_319 = arith.constant 16 : index
    %swap3A_320 = tpu.vector_load %arg17[%swap3A_318, %swap3A_319] {strides = array<i32>} : memref<48x128xf32, #tpu.memory_space<vmem>>, vector<16xf32>,
    tpu.vector_store %arg17[%swap3A_318, %swap3A_319], %broadcast_in_dim3A_24 {strides = array<i32>} : memref<48x128xf32, #tpu.memory_space<vmem>>, vector<16xf32>,
    %swap3A_321 = arith.constant 1 : i32
    %swap3A_322 = arith.index_cast %swap3A_321 : i32 to index
    %swap3A_323 = arith.constant 32 : index
    %swap3A_324 = tpu.vector_load %arg17[%swap3A_322, %swap3A_323] {strides = array<i32>} : memref<48x128xf32, #tpu.memory_space<vmem>>, vector<16xf32>,
    tpu.vector_store %arg17[%swap3A_322, %swap3A_323], %broadcast_in_dim3A_24 {strides = array<i32>} : memref<48x128xf32, #tpu.memory_space<vmem>>, vector<16xf32>,
    %swap3A_325 = arith.constant 1 : i32
    %swap3A_326 = arith.index_cast %swap3A_325 : i32 to index
    %swap3A_327 = arith.constant 48 : index
    %swap3A_328 = tpu.vector_load %arg17[%swap3A_326, %swap3A_327] {strides = array<i32>} : memref<48x128xf32, #tpu.memory_space<vmem>>, vector<16xf32>,
    tpu.vector_store %arg17[%swap3A_326, %swap3A_327], %broadcast_in_dim3A_24 {strides = array<i32>} : memref<48x128xf32, #tpu.memory_space<vmem>>, vector<16xf32>,
    %swap3A_329 = arith.constant 1 : i32
    %swap3A_330 = arith.index_cast %swap3A_329 : i32 to index
    %swap3A_331 = arith.constant 64 : index
    %swap3A_332 = tpu.vector_load %arg17[%swap3A_330, %swap3A_331] {strides = array<i32>} : memref<48x128xf32, #tpu.memory_space<vmem>>, vector<16xf32>,
    tpu.vector_store %arg17[%swap3A_330, %swap3A_331], %broadcast_in_dim3A_24 {strides = array<i32>} : memref<48x128xf32, #tpu.memory_space<vmem>>, vector<16xf32>,
    %swap3A_333 = arith.constant 1 : i32
    %swap3A_334 = arith.index_cast %swap3A_333 : i32 to index
    %swap3A_335 = arith.constant 80 : index
    %swap3A_336 = tpu.vector_load %arg17[%swap3A_334, %swap3A_335] {strides = array<i32>} : memref<48x128xf32, #tpu.memory_space<vmem>>, vector<16xf32>,
    tpu.vector_store %arg17[%swap3A_334, %swap3A_335], %broadcast_in_dim3A_24 {strides = array<i32>} : memref<48x128xf32, #tpu.memory_space<vmem>>, vector<16xf32>,
    %swap3A_337 = arith.constant 1 : i32
    %swap3A_338 = arith.index_cast %swap3A_337 : i32 to index
    %swap3A_339 = arith.constant 96 : index
    %swap3A_340 = tpu.vector_load %arg17[%swap3A_338, %swap3A_339] {strides = array<i32>} : memref<48x128xf32, #tpu.memory_space<vmem>>, vector<16xf32>,
    tpu.vector_store %arg17[%swap3A_338, %swap3A_339], %broadcast_in_dim3A_24 {strides = array<i32>} : memref<48x128xf32, #tpu.memory_space<vmem>>, vector<16xf32>,
    %swap3A_341 = arith.constant 1 : i32
    %swap3A_342 = arith.index_cast %swap3A_341 : i32 to index
    %swap3A_343 = arith.constant 112 : index
    %swap3A_344 = tpu.vector_load %arg17[%swap3A_342, %swap3A_343] {strides = array<i32>} : memref<48x128xf32, #tpu.memory_space<vmem>>, vector<16xf32>,
    tpu.vector_store %arg17[%swap3A_342, %swap3A_343], %broadcast_in_dim3A_24 {strides = array<i32>} : memref<48x128xf32, #tpu.memory_space<vmem>>, vector<16xf32>,
    %swap3A_345 = arith.constant 2 : i32
    %swap3A_346 = arith.index_cast %swap3A_345 : i32 to index
    %swap3A_347 = arith.constant 0 : index
    %swap3A_348 = tpu.vector_load %arg17[%swap3A_346, %swap3A_347] {strides = array<i32>} : memref<48x128xf32, #tpu.memory_space<vmem>>, vector<16xf32>,
    tpu.vector_store %arg17[%swap3A_346, %swap3A_347], %broadcast_in_dim3A_24 {strides = array<i32>} : memref<48x128xf32, #tpu.memory_space<vmem>>, vector<16xf32>,
    %swap3A_349 = arith.constant 2 : i32
    %swap3A_350 = arith.index_cast %swap3A_349 : i32 to index
    %swap3A_351 = arith.constant 16 : index
    %swap3A_352 = tpu.vector_load %arg17[%swap3A_350, %swap3A_351] {strides = array<i32>} : memref<48x128xf32, #tpu.memory_space<vmem>>, vector<16xf32>,
    tpu.vector_store %arg17[%swap3A_350, %swap3A_351], %broadcast_in_dim3A_24 {strides = array<i32>} : memref<48x128xf32, #tpu.memory_space<vmem>>, vector<16xf32>,
    %swap3A_353 = arith.constant 2 : i32
    %swap3A_354 = arith.index_cast %swap3A_353 : i32 to index
    %swap3A_355 = arith.constant 32 : index
    %swap3A_356 = tpu.vector_load %arg17[%swap3A_354, %swap3A_355] {strides = array<i32>} : memref<48x128xf32, #tpu.memory_space<vmem>>, vector<16xf32>,
    tpu.vector_store %arg17[%swap3A_354, %swap3A_355], %broadcast_in_dim3A_24 {strides = array<i32>} : memref<48x128xf32, #tpu.memory_space<vmem>>, vector<16xf32>,
    %swap3A_357 = arith.constant 2 : i32
    %swap3A_358 = arith.index_cast %swap3A_357 : i32 to index
    %swap3A_359 = arith.constant 48 : index
    %swap3A_360 = tpu.vector_load %arg17[%swap3A_358, %swap3A_359] {strides = array<i32>} : memref<48x128xf32, #tpu.memory_space<vmem>>, vector<16xf32>,
    tpu.vector_store %arg17[%swap3A_358, %swap3A_359], %broadcast_in_dim3A_24 {strides = array<i32>} : memref<48x128xf32, #tpu.memory_space<vmem>>, vector<16xf32>,
    %swap3A_361 = arith.constant 2 : i32
    %swap3A_362 = arith.index_cast %swap3A_361 : i32 to index
    %swap3A_363 = arith.constant 64 : index
    %swap3A_364 = tpu.vector_load %arg17[%swap3A_362, %swap3A_363] {strides = array<i32>} : memref<48x128xf32, #tpu.memory_space<vmem>>, vector<16xf32>,
    tpu.vector_store %arg17[%swap3A_362, %swap3A_363], %broadcast_in_dim3A_24 {strides = array<i32>} : memref<48x128xf32, #tpu.memory_space<vmem>>, vector<16xf32>,
    %swap3A_365 = arith.constant 2 : i32
    %swap3A_366 = arith.index_cast %swap3A_365 : i32 to index
    %swap3A_367 = arith.constant 80 : index
    %swap3A_368 = tpu.vector_load %arg17[%swap3A_366, %swap3A_367] {strides = array<i32>} : memref<48x128xf32, #tpu.memory_space<vmem>>, vector<16xf32>,
    tpu.vector_store %arg17[%swap3A_366, %swap3A_367], %broadcast_in_dim3A_24 {strides = array<i32>} : memref<48x128xf32, #tpu.memory_space<vmem>>, vector<16xf32>,
    %swap3A_369 = arith.constant 2 : i32
    %swap3A_370 = arith.index_cast %swap3A_369 : i32 to index
    %swap3A_371 = arith.constant 96 : index
    %swap3A_372 = tpu.vector_load %arg17[%swap3A_370, %swap3A_371] {strides = array<i32>} : memref<48x128xf32, #tpu.memory_space<vmem>>, vector<16xf32>,
    tpu.vector_store %arg17[%swap3A_370, %swap3A_371], %broadcast_in_dim3A_24 {strides = array<i32>} : memref<48x128xf32, #tpu.memory_space<vmem>>, vector<16xf32>,
    %swap3A_373 = arith.constant 2 : i32
    %swap3A_374 = arith.index_cast %swap3A_373 : i32 to index
    %swap3A_375 = arith.constant 112 : index
    %swap3A_376 = tpu.vector_load %arg17[%swap3A_374, %swap3A_375] {strides = array<i32>} : memref<48x128xf32, #tpu.memory_space<vmem>>, vector<16xf32>,
    tpu.vector_store %arg17[%swap3A_374, %swap3A_375], %broadcast_in_dim3A_24 {strides = array<i32>} : memref<48x128xf32, #tpu.memory_space<vmem>>, vector<16xf32>,
    %swap3A_377 = arith.constant 3 : i32
    %swap3A_378 = arith.index_cast %swap3A_377 : i32 to index
    %swap3A_379 = arith.constant 0 : index
    %swap3A_380 = tpu.vector_load %arg17[%swap3A_378, %swap3A_379] {strides = array<i32>} : memref<48x128xf32, #tpu.memory_space<vmem>>, vector<16xf32>,
    tpu.vector_store %arg17[%swap3A_378, %swap3A_379], %broadcast_in_dim3A_24 {strides = array<i32>} : memref<48x128xf32, #tpu.memory_space<vmem>>, vector<16xf32>,
    %swap3A_381 = arith.constant 3 : i32
    %swap3A_382 = arith.index_cast %swap3A_381 : i32 to index
    %swap3A_383 = arith.constant 16 : index
    %swap3A_384 = tpu.vector_load %arg17[%swap3A_382, %swap3A_383] {strides = array<i32>} : memref<48x128xf32, #tpu.memory_space<vmem>>, vector<16xf32>,
    tpu.vector_store %arg17[%swap3A_382, %swap3A_383], %broadcast_in_dim3A_24 {strides = array<i32>} : memref<48x128xf32, #tpu.memory_space<vmem>>, vector<16xf32>,
    %swap3A_385 = arith.constant 3 : i32
    %swap3A_386 = arith.index_cast %swap3A_385 : i32 to index
    %swap3A_387 = arith.constant 32 : index
    %swap3A_388 = tpu.vector_load %arg17[%swap3A_386, %swap3A_387] {strides = array<i32>} : memref<48x128xf32, #tpu.memory_space<vmem>>, vector<16xf32>,
    tpu.vector_store %arg17[%swap3A_386, %swap3A_387], %broadcast_in_dim3A_24 {strides = array<i32>} : memref<48x128xf32, #tpu.memory_space<vmem>>, vector<16xf32>,
    %swap3A_389 = arith.constant 3 : i32
    %swap3A_390 = arith.index_cast %swap3A_389 : i32 to index
    %swap3A_391 = arith.constant 48 : index
    %swap3A_392 = tpu.vector_load %arg17[%swap3A_390, %swap3A_391] {strides = array<i32>} : memref<48x128xf32, #tpu.memory_space<vmem>>, vector<16xf32>,
    tpu.vector_store %arg17[%swap3A_390, %swap3A_391], %broadcast_in_dim3A_24 {strides = array<i32>} : memref<48x128xf32, #tpu.memory_space<vmem>>, vector<16xf32>,
    %swap3A_393 = arith.constant 3 : i32
    %swap3A_394 = arith.index_cast %swap3A_393 : i32 to index
    %swap3A_395 = arith.constant 64 : index
    %swap3A_396 = tpu.vector_load %arg17[%swap3A_394, %swap3A_395] {strides = array<i32>} : memref<48x128xf32, #tpu.memory_space<vmem>>, vector<16xf32>,
    tpu.vector_store %arg17[%swap3A_394, %swap3A_395], %broadcast_in_dim3A_24 {strides = array<i32>} : memref<48x128xf32, #tpu.memory_space<vmem>>, vector<16xf32>,
    %swap3A_397 = arith.constant 3 : i32
    %swap3A_398 = arith.index_cast %swap3A_397 : i32 to index
    %swap3A_399 = arith.constant 80 : index
    %swap3A_400 = tpu.vector_load %arg17[%swap3A_398, %swap3A_399] {strides = array<i32>} : memref<48x128xf32, #tpu.memory_space<vmem>>, vector<16xf32>,
    tpu.vector_store %arg17[%swap3A_398, %swap3A_399], %broadcast_in_dim3A_24 {strides = array<i32>} : memref<48x128xf32, #tpu.memory_space<vmem>>, vector<16xf32>,
    %swap3A_401 = arith.constant 3 : i32
    %swap3A_402 = arith.index_cast %swap3A_401 : i32 to index
    %swap3A_403 = arith.constant 96 : index
    %swap3A_404 = tpu.vector_load %arg17[%swap3A_402, %swap3A_403] {strides = array<i32>} : memref<48x128xf32, #tpu.memory_space<vmem>>, vector<16xf32>,
    tpu.vector_store %arg17[%swap3A_402, %swap3A_403], %broadcast_in_dim3A_24 {strides = array<i32>} : memref<48x128xf32, #tpu.memory_space<vmem>>, vector<16xf32>,
    %swap3A_405 = arith.constant 3 : i32
    %swap3A_406 = arith.index_cast %swap3A_405 : i32 to index
    %swap3A_407 = arith.constant 112 : index
    %swap3A_408 = tpu.vector_load %arg17[%swap3A_406, %swap3A_407] {strides = array<i32>} : memref<48x128xf32, #tpu.memory_space<vmem>>, vector<16xf32>,
    tpu.vector_store %arg17[%swap3A_406, %swap3A_407], %broadcast_in_dim3A_24 {strides = array<i32>} : memref<48x128xf32, #tpu.memory_space<vmem>>, vector<16xf32>,
    %swap3A_409 = arith.constant 4 : i32
    %swap3A_410 = arith.index_cast %swap3A_409 : i32 to index
    %swap3A_411 = arith.constant 0 : index
    %swap3A_412 = tpu.vector_load %arg17[%swap3A_410, %swap3A_411] {strides = array<i32>} : memref<48x128xf32, #tpu.memory_space<vmem>>, vector<16xf32>,
    tpu.vector_store %arg17[%swap3A_410, %swap3A_411], %broadcast_in_dim3A_24 {strides = array<i32>} : memref<48x128xf32, #tpu.memory_space<vmem>>, vector<16xf32>,
    %swap3A_413 = arith.constant 4 : i32
    %swap3A_414 = arith.index_cast %swap3A_413 : i32 to index
    %swap3A_415 = arith.constant 16 : index
    %swap3A_416 = tpu.vector_load %arg17[%swap3A_414, %swap3A_415] {strides = array<i32>} : memref<48x128xf32, #tpu.memory_space<vmem>>, vector<16xf32>,
    tpu.vector_store %arg17[%swap3A_414, %swap3A_415], %broadcast_in_dim3A_24 {strides = array<i32>} : memref<48x128xf32, #tpu.memory_space<vmem>>, vector<16xf32>,
    %swap3A_417 = arith.constant 4 : i32
    %swap3A_418 = arith.index_cast %swap3A_417 : i32 to index
    %swap3A_419 = arith.constant 32 : index
    %swap3A_420 = tpu.vector_load %arg17[%swap3A_418, %swap3A_419] {strides = array<i32>} : memref<48x128xf32, #tpu.memory_space<vmem>>, vector<16xf32>,
    tpu.vector_store %arg17[%swap3A_418, %swap3A_419], %broadcast_in_dim3A_24 {strides = array<i32>} : memref<48x128xf32, #tpu.memory_space<vmem>>, vector<16xf32>,
    %swap3A_421 = arith.constant 4 : i32
    %swap3A_422 = arith.index_cast %swap3A_421 : i32 to index
    %swap3A_423 = arith.constant 48 : index
    %swap3A_424 = tpu.vector_load %arg17[%swap3A_422, %swap3A_423] {strides = array<i32>} : memref<48x128xf32, #tpu.memory_space<vmem>>, vector<16xf32>,
    tpu.vector_store %arg17[%swap3A_422, %swap3A_423], %broadcast_in_dim3A_24 {strides = array<i32>} : memref<48x128xf32, #tpu.memory_space<vmem>>, vector<16xf32>,
    %swap3A_425 = arith.constant 4 : i32
    %swap3A_426 = arith.index_cast %swap3A_425 : i32 to index
    %swap3A_427 = arith.constant 64 : index
    %swap3A_428 = tpu.vector_load %arg17[%swap3A_426, %swap3A_427] {strides = array<i32>} : memref<48x128xf32, #tpu.memory_space<vmem>>, vector<16xf32>,
    tpu.vector_store %arg17[%swap3A_426, %swap3A_427], %broadcast_in_dim3A_24 {strides = array<i32>} : memref<48x128xf32, #tpu.memory_space<vmem>>, vector<16xf32>,
    %swap3A_429 = arith.constant 4 : i32
    %swap3A_430 = arith.index_cast %swap3A_429 : i32 to index
    %swap3A_431 = arith.constant 80 : index
    %swap3A_432 = tpu.vector_load %arg17[%swap3A_430, %swap3A_431] {strides = array<i32>} : memref<48x128xf32, #tpu.memory_space<vmem>>, vector<16xf32>,
    tpu.vector_store %arg17[%swap3A_430, %swap3A_431], %broadcast_in_dim3A_24 {strides = array<i32>} : memref<48x128xf32, #tpu.memory_space<vmem>>, vector<16xf32>,
    %swap3A_433 = arith.constant 4 : i32
    %swap3A_434 = arith.index_cast %swap3A_433 : i32 to index
    %swap3A_435 = arith.constant 96 : index
    %swap3A_436 = tpu.vector_load %arg17[%swap3A_434, %swap3A_435] {strides = array<i32>} : memref<48x128xf32, #tpu.memory_space<vmem>>, vector<16xf32>,
    tpu.vector_store %arg17[%swap3A_434, %swap3A_435], %broadcast_in_dim3A_24 {strides = array<i32>} : memref<48x128xf32, #tpu.memory_space<vmem>>, vector<16xf32>,
    %swap3A_437 = arith.constant 4 : i32
    %swap3A_438 = arith.index_cast %swap3A_437 : i32 to index
    %swap3A_439 = arith.constant 112 : index
    %swap3A_440 = tpu.vector_load %arg17[%swap3A_438, %swap3A_439] {strides = array<i32>} : memref<48x128xf32, #tpu.memory_space<vmem>>, vector<16xf32>,
    tpu.vector_store %arg17[%swap3A_438, %swap3A_439], %broadcast_in_dim3A_24 {strides = array<i32>} : memref<48x128xf32, #tpu.memory_space<vmem>>, vector<16xf32>,
    %swap3A_441 = arith.constant 5 : i32
    %swap3A_442 = arith.index_cast %swap3A_441 : i32 to index
    %swap3A_443 = arith.constant 0 : index
    %swap3A_444 = tpu.vector_load %arg17[%swap3A_442, %swap3A_443] {strides = array<i32>} : memref<48x128xf32, #tpu.memory_space<vmem>>, vector<16xf32>,
    tpu.vector_store %arg17[%swap3A_442, %swap3A_443], %broadcast_in_dim3A_24 {strides = array<i32>} : memref<48x128xf32, #tpu.memory_space<vmem>>, vector<16xf32>,
    %swap3A_445 = arith.constant 5 : i32
    %swap3A_446 = arith.index_cast %swap3A_445 : i32 to index
    %swap3A_447 = arith.constant 16 : index
    %swap3A_448 = tpu.vector_load %arg17[%swap3A_446, %swap3A_447] {strides = array<i32>} : memref<48x128xf32, #tpu.memory_space<vmem>>, vector<16xf32>,
    tpu.vector_store %arg17[%swap3A_446, %swap3A_447], %broadcast_in_dim3A_24 {strides = array<i32>} : memref<48x128xf32, #tpu.memory_space<vmem>>, vector<16xf32>,
    %swap3A_449 = arith.constant 5 : i32
    %swap3A_450 = arith.index_cast %swap3A_449 : i32 to index
    %swap3A_451 = arith.constant 32 : index
    %swap3A_452 = tpu.vector_load %arg17[%swap3A_450, %swap3A_451] {strides = array<i32>} : memref<48x128xf32, #tpu.memory_space<vmem>>, vector<16xf32>,
    tpu.vector_store %arg17[%swap3A_450, %swap3A_451], %broadcast_in_dim3A_24 {strides = array<i32>} : memref<48x128xf32, #tpu.memory_space<vmem>>, vector<16xf32>,
    %swap3A_453 = arith.constant 5 : i32
    %swap3A_454 = arith.index_cast %swap3A_453 : i32 to index
    %swap3A_455 = arith.constant 48 : index
    %swap3A_456 = tpu.vector_load %arg17[%swap3A_454, %swap3A_455] {strides = array<i32>} : memref<48x128xf32, #tpu.memory_space<vmem>>, vector<16xf32>,
    tpu.vector_store %arg17[%swap3A_454, %swap3A_455], %broadcast_in_dim3A_24 {strides = array<i32>} : memref<48x128xf32, #tpu.memory_space<vmem>>, vector<16xf32>,
    %swap3A_457 = arith.constant 5 : i32
    %swap3A_458 = arith.index_cast %swap3A_457 : i32 to index
    %swap3A_459 = arith.constant 64 : index
    %swap3A_460 = tpu.vector_load %arg17[%swap3A_458, %swap3A_459] {strides = array<i32>} : memref<48x128xf32, #tpu.memory_space<vmem>>, vector<16xf32>,
    tpu.vector_store %arg17[%swap3A_458, %swap3A_459], %broadcast_in_dim3A_24 {strides = array<i32>} : memref<48x128xf32, #tpu.memory_space<vmem>>, vector<16xf32>,
    %swap3A_461 = arith.constant 5 : i32
    %swap3A_462 = arith.index_cast %swap3A_461 : i32 to index
    %swap3A_463 = arith.constant 80 : index
    %swap3A_464 = tpu.vector_load %arg17[%swap3A_462, %swap3A_463] {strides = array<i32>} : memref<48x128xf32, #tpu.memory_space<vmem>>, vector<16xf32>,
    tpu.vector_store %arg17[%swap3A_462, %swap3A_463], %broadcast_in_dim3A_24 {strides = array<i32>} : memref<48x128xf32, #tpu.memory_space<vmem>>, vector<16xf32>,
    %swap3A_465 = arith.constant 5 : i32
    %swap3A_466 = arith.index_cast %swap3A_465 : i32 to index
    %swap3A_467 = arith.constant 96 : index
    %swap3A_468 = tpu.vector_load %arg17[%swap3A_466, %swap3A_467] {strides = array<i32>} : memref<48x128xf32, #tpu.memory_space<vmem>>, vector<16xf32>,
    tpu.vector_store %arg17[%swap3A_466, %swap3A_467], %broadcast_in_dim3A_24 {strides = array<i32>} : memref<48x128xf32, #tpu.memory_space<vmem>>, vector<16xf32>,
    %swap3A_469 = arith.constant 5 : i32
    %swap3A_470 = arith.index_cast %swap3A_469 : i32 to index
    %swap3A_471 = arith.constant 112 : index
    %swap3A_472 = tpu.vector_load %arg17[%swap3A_470, %swap3A_471] {strides = array<i32>} : memref<48x128xf32, #tpu.memory_space<vmem>>, vector<16xf32>,
    tpu.vector_store %arg17[%swap3A_470, %swap3A_471], %broadcast_in_dim3A_24 {strides = array<i32>} : memref<48x128xf32, #tpu.memory_space<vmem>>, vector<16xf32>,
    %swap3A_473 = arith.constant 6 : i32
    %swap3A_474 = arith.index_cast %swap3A_473 : i32 to index
    %swap3A_475 = arith.constant 0 : index
    %swap3A_476 = tpu.vector_load %arg17[%swap3A_474, %swap3A_475] {strides = array<i32>} : memref<48x128xf32, #tpu.memory_space<vmem>>, vector<16xf32>,
    tpu.vector_store %arg17[%swap3A_474, %swap3A_475], %broadcast_in_dim3A_24 {strides = array<i32>} : memref<48x128xf32, #tpu.memory_space<vmem>>, vector<16xf32>,
    %swap3A_477 = arith.constant 6 : i32
    %swap3A_478 = arith.index_cast %swap3A_477 : i32 to index
    %swap3A_479 = arith.constant 16 : index
    %swap3A_480 = tpu.vector_load %arg17[%swap3A_478, %swap3A_479] {strides = array<i32>} : memref<48x128xf32, #tpu.memory_space<vmem>>, vector<16xf32>,
    tpu.vector_store %arg17[%swap3A_478, %swap3A_479], %broadcast_in_dim3A_24 {strides = array<i32>} : memref<48x128xf32, #tpu.memory_space<vmem>>, vector<16xf32>,
    %swap3A_481 = arith.constant 6 : i32
    %swap3A_482 = arith.index_cast %swap3A_481 : i32 to index
    %swap3A_483 = arith.constant 32 : index
    %swap3A_484 = tpu.vector_load %arg17[%swap3A_482, %swap3A_483] {strides = array<i32>} : memref<48x128xf32, #tpu.memory_space<vmem>>, vector<16xf32>,
    tpu.vector_store %arg17[%swap3A_482, %swap3A_483], %broadcast_in_dim3A_24 {strides = array<i32>} : memref<48x128xf32, #tpu.memory_space<vmem>>, vector<16xf32>,
    %swap3A_485 = arith.constant 6 : i32
    %swap3A_486 = arith.index_cast %swap3A_485 : i32 to index
    %swap3A_487 = arith.constant 48 : index
    %swap3A_488 = tpu.vector_load %arg17[%swap3A_486, %swap3A_487] {strides = array<i32>} : memref<48x128xf32, #tpu.memory_space<vmem>>, vector<16xf32>,
    tpu.vector_store %arg17[%swap3A_486, %swap3A_487], %broadcast_in_dim3A_24 {strides = array<i32>} : memref<48x128xf32, #tpu.memory_space<vmem>>, vector<16xf32>,
    %swap3A_489 = arith.constant 6 : i32
    %swap3A_490 = arith.index_cast %swap3A_489 : i32 to index
    %swap3A_491 = arith.constant 64 : index
    %swap3A_492 = tpu.vector_load %arg17[%swap3A_490, %swap3A_491] {strides = array<i32>} : memref<48x128xf32, #tpu.memory_space<vmem>>, vector<16xf32>,
    tpu.vector_store %arg17[%swap3A_490, %swap3A_491], %broadcast_in_dim3A_24 {strides = array<i32>} : memref<48x128xf32, #tpu.memory_space<vmem>>, vector<16xf32>,
    %swap3A_493 = arith.constant 6 : i32
    %swap3A_494 = arith.index_cast %swap3A_493 : i32 to index
    %swap3A_495 = arith.constant 80 : index
    %swap3A_496 = tpu.vector_load %arg17[%swap3A_494, %swap3A_495] {strides = array<i32>} : memref<48x128xf32, #tpu.memory_space<vmem>>, vector<16xf32>,
    tpu.vector_store %arg17[%swap3A_494, %swap3A_495], %broadcast_in_dim3A_24 {strides = array<i32>} : memref<48x128xf32, #tpu.memory_space<vmem>>, vector<16xf32>,
    %swap3A_497 = arith.constant 6 : i32
    %swap3A_498 = arith.index_cast %swap3A_497 : i32 to index
    %swap3A_499 = arith.constant 96 : index
    %swap3A_500 = tpu.vector_load %arg17[%swap3A_498, %swap3A_499] {strides = array<i32>} : memref<48x128xf32, #tpu.memory_space<vmem>>, vector<16xf32>,
    tpu.vector_store %arg17[%swap3A_498, %swap3A_499], %broadcast_in_dim3A_24 {strides = array<i32>} : memref<48x128xf32, #tpu.memory_space<vmem>>, vector<16xf32>,
    %swap3A_501 = arith.constant 6 : i32
    %swap3A_502 = arith.index_cast %swap3A_501 : i32 to index
    %swap3A_503 = arith.constant 112 : index
    %swap3A_504 = tpu.vector_load %arg17[%swap3A_502, %swap3A_503] {strides = array<i32>} : memref<48x128xf32, #tpu.memory_space<vmem>>, vector<16xf32>,
    tpu.vector_store %arg17[%swap3A_502, %swap3A_503], %broadcast_in_dim3A_24 {strides = array<i32>} : memref<48x128xf32, #tpu.memory_space<vmem>>, vector<16xf32>,
    %swap3A_505 = arith.constant 7 : i32
    %swap3A_506 = arith.index_cast %swap3A_505 : i32 to index
    %swap3A_507 = arith.constant 0 : index
    %swap3A_508 = tpu.vector_load %arg17[%swap3A_506, %swap3A_507] {strides = array<i32>} : memref<48x128xf32, #tpu.memory_space<vmem>>, vector<16xf32>,
    tpu.vector_store %arg17[%swap3A_506, %swap3A_507], %broadcast_in_dim3A_24 {strides = array<i32>} : memref<48x128xf32, #tpu.memory_space<vmem>>, vector<16xf32>,
    %swap3A_509 = arith.constant 7 : i32
    %swap3A_510 = arith.index_cast %swap3A_509 : i32 to index
    %swap3A_511 = arith.constant 16 : index
    %swap3A_512 = tpu.vector_load %arg17[%swap3A_510, %swap3A_511] {strides = array<i32>} : memref<48x128xf32, #tpu.memory_space<vmem>>, vector<16xf32>,
    tpu.vector_store %arg17[%swap3A_510, %swap3A_511], %broadcast_in_dim3A_24 {strides = array<i32>} : memref<48x128xf32, #tpu.memory_space<vmem>>, vector<16xf32>,
    %swap3A_513 = arith.constant 7 : i32
    %swap3A_514 = arith.index_cast %swap3A_513 : i32 to index
    %swap3A_515 = arith.constant 32 : index
    %swap3A_516 = tpu.vector_load %arg17[%swap3A_514, %swap3A_515] {strides = array<i32>} : memref<48x128xf32, #tpu.memory_space<vmem>>, vector<16xf32>,
    tpu.vector_store %arg17[%swap3A_514, %swap3A_515], %broadcast_in_dim3A_24 {strides = array<i32>} : memref<48x128xf32, #tpu.memory_space<vmem>>, vector<16xf32>,
    %swap3A_517 = arith.constant 7 : i32
    %swap3A_518 = arith.index_cast %swap3A_517 : i32 to index
    %swap3A_519 = arith.constant 48 : index
    %swap3A_520 = tpu.vector_load %arg17[%swap3A_518, %swap3A_519] {strides = array<i32>} : memref<48x128xf32, #tpu.memory_space<vmem>>, vector<16xf32>,
    tpu.vector_store %arg17[%swap3A_518, %swap3A_519], %broadcast_in_dim3A_24 {strides = array<i32>} : memref<48x128xf32, #tpu.memory_space<vmem>>, vector<16xf32>,
    %swap3A_521 = arith.constant 7 : i32
    %swap3A_522 = arith.index_cast %swap3A_521 : i32 to index
    %swap3A_523 = arith.constant 64 : index
    %swap3A_524 = tpu.vector_load %arg17[%swap3A_522, %swap3A_523] {strides = array<i32>} : memref<48x128xf32, #tpu.memory_space<vmem>>, vector<16xf32>,
    tpu.vector_store %arg17[%swap3A_522, %swap3A_523], %broadcast_in_dim3A_24 {strides = array<i32>} : memref<48x128xf32, #tpu.memory_space<vmem>>, vector<16xf32>,
    %swap3A_525 = arith.constant 7 : i32
    %swap3A_526 = arith.index_cast %swap3A_525 : i32 to index
    %swap3A_527 = arith.constant 80 : index
    %swap3A_528 = tpu.vector_load %arg17[%swap3A_526, %swap3A_527] {strides = array<i32>} : memref<48x128xf32, #tpu.memory_space<vmem>>, vector<16xf32>,
    tpu.vector_store %arg17[%swap3A_526, %swap3A_527], %broadcast_in_dim3A_24 {strides = array<i32>} : memref<48x128xf32, #tpu.memory_space<vmem>>, vector<16xf32>,
    %swap3A_529 = arith.constant 7 : i32
    %swap3A_530 = arith.index_cast %swap3A_529 : i32 to index
    %swap3A_531 = arith.constant 96 : index
    %swap3A_532 = tpu.vector_load %arg17[%swap3A_530, %swap3A_531] {strides = array<i32>} : memref<48x128xf32, #tpu.memory_space<vmem>>, vector<16xf32>,
    tpu.vector_store %arg17[%swap3A_530, %swap3A_531], %broadcast_in_dim3A_24 {strides = array<i32>} : memref<48x128xf32, #tpu.memory_space<vmem>>, vector<16xf32>,
    %swap3A_533 = arith.constant 7 : i32
    %swap3A_534 = arith.index_cast %swap3A_533 : i32 to index
    %swap3A_535 = arith.constant 112 : index
    %swap3A_536 = tpu.vector_load %arg17[%swap3A_534, %swap3A_535] {strides = array<i32>} : memref<48x128xf32, #tpu.memory_space<vmem>>, vector<16xf32>,
    tpu.vector_store %arg17[%swap3A_534, %swap3A_535], %broadcast_in_dim3A_24 {strides = array<i32>} : memref<48x128xf32, #tpu.memory_space<vmem>>, vector<16xf32>,
    %swap3A_537 = arith.constant 8 : i32
    %swap3A_538 = arith.index_cast %swap3A_537 : i32 to index
    %swap3A_539 = arith.constant 0 : index
    %swap3A_540 = tpu.vector_load %arg17[%swap3A_538, %swap3A_539] {strides = array<i32>} : memref<48x128xf32, #tpu.memory_space<vmem>>, vector<16xf32>,
    tpu.vector_store %arg17[%swap3A_538, %swap3A_539], %broadcast_in_dim3A_24 {strides = array<i32>} : memref<48x128xf32, #tpu.memory_space<vmem>>, vector<16xf32>,
    %swap3A_541 = arith.constant 8 : i32
    %swap3A_542 = arith.index_cast %swap3A_541 : i32 to index
    %swap3A_543 = arith.constant 16 : index
    %swap3A_544 = tpu.vector_load %arg17[%swap3A_542, %swap3A_543] {strides = array<i32>} : memref<48x128xf32, #tpu.memory_space<vmem>>, vector<16xf32>,
    tpu.vector_store %arg17[%swap3A_542, %swap3A_543], %broadcast_in_dim3A_24 {strides = array<i32>} : memref<48x128xf32, #tpu.memory_space<vmem>>, vector<16xf32>,
    %swap3A_545 = arith.constant 8 : i32
    %swap3A_546 = arith.index_cast %swap3A_545 : i32 to index
    %swap3A_547 = arith.constant 32 : index
    %swap3A_548 = tpu.vector_load %arg17[%swap3A_546, %swap3A_547] {strides = array<i32>} : memref<48x128xf32, #tpu.memory_space<vmem>>, vector<16xf32>,
    tpu.vector_store %arg17[%swap3A_546, %swap3A_547], %broadcast_in_dim3A_24 {strides = array<i32>} : memref<48x128xf32, #tpu.memory_space<vmem>>, vector<16xf32>,
    %swap3A_549 = arith.constant 8 : i32
    %swap3A_550 = arith.index_cast %swap3A_549 : i32 to index
    %swap3A_551 = arith.constant 48 : index
    %swap3A_552 = tpu.vector_load %arg17[%swap3A_550, %swap3A_551] {strides = array<i32>} : memref<48x128xf32, #tpu.memory_space<vmem>>, vector<16xf32>,
    tpu.vector_store %arg17[%swap3A_550, %swap3A_551], %broadcast_in_dim3A_24 {strides = array<i32>} : memref<48x128xf32, #tpu.memory_space<vmem>>, vector<16xf32>,
    %swap3A_553 = arith.constant 8 : i32
    %swap3A_554 = arith.index_cast %swap3A_553 : i32 to index
    %swap3A_555 = arith.constant 64 : index
    %swap3A_556 = tpu.vector_load %arg17[%swap3A_554, %swap3A_555] {strides = array<i32>} : memref<48x128xf32, #tpu.memory_space<vmem>>, vector<16xf32>,
    tpu.vector_store %arg17[%swap3A_554, %swap3A_555], %broadcast_in_dim3A_24 {strides = array<i32>} : memref<48x128xf32, #tpu.memory_space<vmem>>, vector<16xf32>,
    %swap3A_557 = arith.constant 8 : i32
    %swap3A_558 = arith.index_cast %swap3A_557 : i32 to index
    %swap3A_559 = arith.constant 80 : index
    %swap3A_560 = tpu.vector_load %arg17[%swap3A_558, %swap3A_559] {strides = array<i32>} : memref<48x128xf32, #tpu.memory_space<vmem>>, vector<16xf32>,
    tpu.vector_store %arg17[%swap3A_558, %swap3A_559], %broadcast_in_dim3A_24 {strides = array<i32>} : memref<48x128xf32, #tpu.memory_space<vmem>>, vector<16xf32>,
    %swap3A_561 = arith.constant 8 : i32
    %swap3A_562 = arith.index_cast %swap3A_561 : i32 to index
    %swap3A_563 = arith.constant 96 : index
    %swap3A_564 = tpu.vector_load %arg17[%swap3A_562, %swap3A_563] {strides = array<i32>} : memref<48x128xf32, #tpu.memory_space<vmem>>, vector<16xf32>,
    tpu.vector_store %arg17[%swap3A_562, %swap3A_563], %broadcast_in_dim3A_24 {strides = array<i32>} : memref<48x128xf32, #tpu.memory_space<vmem>>, vector<16xf32>,
    %swap3A_565 = arith.constant 8 : i32
    %swap3A_566 = arith.index_cast %swap3A_565 : i32 to index
    %swap3A_567 = arith.constant 112 : index
    %swap3A_568 = tpu.vector_load %arg17[%swap3A_566, %swap3A_567] {strides = array<i32>} : memref<48x128xf32, #tpu.memory_space<vmem>>, vector<16xf32>,
    tpu.vector_store %arg17[%swap3A_566, %swap3A_567], %broadcast_in_dim3A_24 {strides = array<i32>} : memref<48x128xf32, #tpu.memory_space<vmem>>, vector<16xf32>,
    %swap3A_569 = arith.constant 9 : i32
    %swap3A_570 = arith.index_cast %swap3A_569 : i32 to index
    %swap3A_571 = arith.constant 0 : index
    %swap3A_572 = tpu.vector_load %arg17[%swap3A_570, %swap3A_571] {strides = array<i32>} : memref<48x128xf32, #tpu.memory_space<vmem>>, vector<16xf32>,
    tpu.vector_store %arg17[%swap3A_570, %swap3A_571], %broadcast_in_dim3A_24 {strides = array<i32>} : memref<48x128xf32, #tpu.memory_space<vmem>>, vector<16xf32>,
    %swap3A_573 = arith.constant 9 : i32
    %swap3A_574 = arith.index_cast %swap3A_573 : i32 to index
    %swap3A_575 = arith.constant 16 : index
    %swap3A_576 = tpu.vector_load %arg17[%swap3A_574, %swap3A_575] {strides = array<i32>} : memref<48x128xf32, #tpu.memory_space<vmem>>, vector<16xf32>,
    tpu.vector_store %arg17[%swap3A_574, %swap3A_575], %broadcast_in_dim3A_24 {strides = array<i32>} : memref<48x128xf32, #tpu.memory_space<vmem>>, vector<16xf32>,
    %swap3A_577 = arith.constant 9 : i32
    %swap3A_578 = arith.index_cast %swap3A_577 : i32 to index
    %swap3A_579 = arith.constant 32 : index
    %swap3A_580 = tpu.vector_load %arg17[%swap3A_578, %swap3A_579] {strides = array<i32>} : memref<48x128xf32, #tpu.memory_space<vmem>>, vector<16xf32>,
    tpu.vector_store %arg17[%swap3A_578, %swap3A_579], %broadcast_in_dim3A_24 {strides = array<i32>} : memref<48x128xf32, #tpu.memory_space<vmem>>, vector<16xf32>,
    %swap3A_581 = arith.constant 9 : i32
    %swap3A_582 = arith.index_cast %swap3A_581 : i32 to index
    %swap3A_583 = arith.constant 48 : index
    %swap3A_584 = tpu.vector_load %arg17[%swap3A_582, %swap3A_583] {strides = array<i32>} : memref<48x128xf32, #tpu.memory_space<vmem>>, vector<16xf32>,
    tpu.vector_store %arg17[%swap3A_582, %swap3A_583], %broadcast_in_dim3A_24 {strides = array<i32>} : memref<48x128xf32, #tpu.memory_space<vmem>>, vector<16xf32>,
    %swap3A_585 = arith.constant 9 : i32
    %swap3A_586 = arith.index_cast %swap3A_585 : i32 to index
    %swap3A_587 = arith.constant 64 : index
    %swap3A_588 = tpu.vector_load %arg17[%swap3A_586, %swap3A_587] {strides = array<i32>} : memref<48x128xf32, #tpu.memory_space<vmem>>, vector<16xf32>,
    tpu.vector_store %arg17[%swap3A_586, %swap3A_587], %broadcast_in_dim3A_24 {strides = array<i32>} : memref<48x128xf32, #tpu.memory_space<vmem>>, vector<16xf32>,
    %swap3A_589 = arith.constant 9 : i32
    %swap3A_590 = arith.index_cast %swap3A_589 : i32 to index
    %swap3A_591 = arith.constant 80 : index
    %swap3A_592 = tpu.vector_load %arg17[%swap3A_590, %swap3A_591] {strides = array<i32>} : memref<48x128xf32, #tpu.memory_space<vmem>>, vector<16xf32>,
    tpu.vector_store %arg17[%swap3A_590, %swap3A_591], %broadcast_in_dim3A_24 {strides = array<i32>} : memref<48x128xf32, #tpu.memory_space<vmem>>, vector<16xf32>,
    %swap3A_593 = arith.constant 9 : i32
    %swap3A_594 = arith.index_cast %swap3A_593 : i32 to index
    %swap3A_595 = arith.constant 96 : index
    %swap3A_596 = tpu.vector_load %arg17[%swap3A_594, %swap3A_595] {strides = array<i32>} : memref<48x128xf32, #tpu.memory_space<vmem>>, vector<16xf32>,
    tpu.vector_store %arg17[%swap3A_594, %swap3A_595], %broadcast_in_dim3A_24 {strides = array<i32>} : memref<48x128xf32, #tpu.memory_space<vmem>>, vector<16xf32>,
    %swap3A_597 = arith.constant 9 : i32
    %swap3A_598 = arith.index_cast %swap3A_597 : i32 to index
    %swap3A_599 = arith.constant 112 : index
    %swap3A_600 = tpu.vector_load %arg17[%swap3A_598, %swap3A_599] {strides = array<i32>} : memref<48x128xf32, #tpu.memory_space<vmem>>, vector<16xf32>,
    tpu.vector_store %arg17[%swap3A_598, %swap3A_599], %broadcast_in_dim3A_24 {strides = array<i32>} : memref<48x128xf32, #tpu.memory_space<vmem>>, vector<16xf32>,
    %swap3A_601 = arith.constant 10 : i32
    %swap3A_602 = arith.index_cast %swap3A_601 : i32 to index
    %swap3A_603 = arith.constant 0 : index
    %swap3A_604 = tpu.vector_load %arg17[%swap3A_602, %swap3A_603] {strides = array<i32>} : memref<48x128xf32, #tpu.memory_space<vmem>>, vector<16xf32>,
    tpu.vector_store %arg17[%swap3A_602, %swap3A_603], %broadcast_in_dim3A_24 {strides = array<i32>} : memref<48x128xf32, #tpu.memory_space<vmem>>, vector<16xf32>,
    %swap3A_605 = arith.constant 10 : i32
    %swap3A_606 = arith.index_cast %swap3A_605 : i32 to index
    %swap3A_607 = arith.constant 16 : index
    %swap3A_608 = tpu.vector_load %arg17[%swap3A_606, %swap3A_607] {strides = array<i32>} : memref<48x128xf32, #tpu.memory_space<vmem>>, vector<16xf32>,
    tpu.vector_store %arg17[%swap3A_606, %swap3A_607], %broadcast_in_dim3A_24 {strides = array<i32>} : memref<48x128xf32, #tpu.memory_space<vmem>>, vector<16xf32>,
    %swap3A_609 = arith.constant 10 : i32
    %swap3A_610 = arith.index_cast %swap3A_609 : i32 to index
    %swap3A_611 = arith.constant 32 : index
    %swap3A_612 = tpu.vector_load %arg17[%swap3A_610, %swap3A_611] {strides = array<i32>} : memref<48x128xf32, #tpu.memory_space<vmem>>, vector<16xf32>,
    tpu.vector_store %arg17[%swap3A_610, %swap3A_611], %broadcast_in_dim3A_24 {strides = array<i32>} : memref<48x128xf32, #tpu.memory_space<vmem>>, vector<16xf32>,
    %swap3A_613 = arith.constant 10 : i32
    %swap3A_614 = arith.index_cast %swap3A_613 : i32 to index
    %swap3A_615 = arith.constant 48 : index
    %swap3A_616 = tpu.vector_load %arg17[%swap3A_614, %swap3A_615] {strides = array<i32>} : memref<48x128xf32, #tpu.memory_space<vmem>>, vector<16xf32>,
    tpu.vector_store %arg17[%swap3A_614, %swap3A_615], %broadcast_in_dim3A_24 {strides = array<i32>} : memref<48x128xf32, #tpu.memory_space<vmem>>, vector<16xf32>,
    %swap3A_617 = arith.constant 10 : i32
    %swap3A_618 = arith.index_cast %swap3A_617 : i32 to index
    %swap3A_619 = arith.constant 64 : index
    %swap3A_620 = tpu.vector_load %arg17[%swap3A_618, %swap3A_619] {strides = array<i32>} : memref<48x128xf32, #tpu.memory_space<vmem>>, vector<16xf32>,
    tpu.vector_store %arg17[%swap3A_618, %swap3A_619], %broadcast_in_dim3A_24 {strides = array<i32>} : memref<48x128xf32, #tpu.memory_space<vmem>>, vector<16xf32>,
    %swap3A_621 = arith.constant 10 : i32
    %swap3A_622 = arith.index_cast %swap3A_621 : i32 to index
    %swap3A_623 = arith.constant 80 : index
    %swap3A_624 = tpu.vector_load %arg17[%swap3A_622, %swap3A_623] {strides = array<i32>} : memref<48x128xf32, #tpu.memory_space<vmem>>, vector<16xf32>,
    tpu.vector_store %arg17[%swap3A_622, %swap3A_623], %broadcast_in_dim3A_24 {strides = array<i32>} : memref<48x128xf32, #tpu.memory_space<vmem>>, vector<16xf32>,
    %swap3A_625 = arith.constant 10 : i32
    %swap3A_626 = arith.index_cast %swap3A_625 : i32 to index
    %swap3A_627 = arith.constant 96 : index
    %swap3A_628 = tpu.vector_load %arg17[%swap3A_626, %swap3A_627] {strides = array<i32>} : memref<48x128xf32, #tpu.memory_space<vmem>>, vector<16xf32>,
    tpu.vector_store %arg17[%swap3A_626, %swap3A_627], %broadcast_in_dim3A_24 {strides = array<i32>} : memref<48x128xf32, #tpu.memory_space<vmem>>, vector<16xf32>,
    %swap3A_629 = arith.constant 10 : i32
    %swap3A_630 = arith.index_cast %swap3A_629 : i32 to index
    %swap3A_631 = arith.constant 112 : index
    %swap3A_632 = tpu.vector_load %arg17[%swap3A_630, %swap3A_631] {strides = array<i32>} : memref<48x128xf32, #tpu.memory_space<vmem>>, vector<16xf32>,
    tpu.vector_store %arg17[%swap3A_630, %swap3A_631], %broadcast_in_dim3A_24 {strides = array<i32>} : memref<48x128xf32, #tpu.memory_space<vmem>>, vector<16xf32>,
    %swap3A_633 = arith.constant 11 : i32
    %swap3A_634 = arith.index_cast %swap3A_633 : i32 to index
    %swap3A_635 = arith.constant 0 : index
    %swap3A_636 = tpu.vector_load %arg17[%swap3A_634, %swap3A_635] {strides = array<i32>} : memref<48x128xf32, #tpu.memory_space<vmem>>, vector<16xf32>,
    tpu.vector_store %arg17[%swap3A_634, %swap3A_635], %broadcast_in_dim3A_24 {strides = array<i32>} : memref<48x128xf32, #tpu.memory_space<vmem>>, vector<16xf32>,
    %swap3A_637 = arith.constant 11 : i32
    %swap3A_638 = arith.index_cast %swap3A_637 : i32 to index
    %swap3A_639 = arith.constant 16 : index
    %swap3A_640 = tpu.vector_load %arg17[%swap3A_638, %swap3A_639] {strides = array<i32>} : memref<48x128xf32, #tpu.memory_space<vmem>>, vector<16xf32>,
    tpu.vector_store %arg17[%swap3A_638, %swap3A_639], %broadcast_in_dim3A_24 {strides = array<i32>} : memref<48x128xf32, #tpu.memory_space<vmem>>, vector<16xf32>,
    %swap3A_641 = arith.constant 11 : i32
    %swap3A_642 = arith.index_cast %swap3A_641 : i32 to index
    %swap3A_643 = arith.constant 32 : index
    %swap3A_644 = tpu.vector_load %arg17[%swap3A_642, %swap3A_643] {strides = array<i32>} : memref<48x128xf32, #tpu.memory_space<vmem>>, vector<16xf32>,
    tpu.vector_store %arg17[%swap3A_642, %swap3A_643], %broadcast_in_dim3A_24 {strides = array<i32>} : memref<48x128xf32, #tpu.memory_space<vmem>>, vector<16xf32>,
    %swap3A_645 = arith.constant 11 : i32
    %swap3A_646 = arith.index_cast %swap3A_645 : i32 to index
    %swap3A_647 = arith.constant 48 : index
    %swap3A_648 = tpu.vector_load %arg17[%swap3A_646, %swap3A_647] {strides = array<i32>} : memref<48x128xf32, #tpu.memory_space<vmem>>, vector<16xf32>,
    tpu.vector_store %arg17[%swap3A_646, %swap3A_647], %broadcast_in_dim3A_24 {strides = array<i32>} : memref<48x128xf32, #tpu.memory_space<vmem>>, vector<16xf32>,
    %swap3A_649 = arith.constant 11 : i32
    %swap3A_650 = arith.index_cast %swap3A_649 : i32 to index
    %swap3A_651 = arith.constant 64 : index
    %swap3A_652 = tpu.vector_load %arg17[%swap3A_650, %swap3A_651] {strides = array<i32>} : memref<48x128xf32, #tpu.memory_space<vmem>>, vector<16xf32>,
    tpu.vector_store %arg17[%swap3A_650, %swap3A_651], %broadcast_in_dim3A_24 {strides = array<i32>} : memref<48x128xf32, #tpu.memory_space<vmem>>, vector<16xf32>,
    %swap3A_653 = arith.constant 11 : i32
    %swap3A_654 = arith.index_cast %swap3A_653 : i32 to index
    %swap3A_655 = arith.constant 80 : index
    %swap3A_656 = tpu.vector_load %arg17[%swap3A_654, %swap3A_655] {strides = array<i32>} : memref<48x128xf32, #tpu.memory_space<vmem>>, vector<16xf32>,
    tpu.vector_store %arg17[%swap3A_654, %swap3A_655], %broadcast_in_dim3A_24 {strides = array<i32>} : memref<48x128xf32, #tpu.memory_space<vmem>>, vector<16xf32>,
    %swap3A_657 = arith.constant 11 : i32
    %swap3A_658 = arith.index_cast %swap3A_657 : i32 to index
    %swap3A_659 = arith.constant 96 : index
    %swap3A_660 = tpu.vector_load %arg17[%swap3A_658, %swap3A_659] {strides = array<i32>} : memref<48x128xf32, #tpu.memory_space<vmem>>, vector<16xf32>,
    tpu.vector_store %arg17[%swap3A_658, %swap3A_659], %broadcast_in_dim3A_24 {strides = array<i32>} : memref<48x128xf32, #tpu.memory_space<vmem>>, vector<16xf32>,
    %swap3A_661 = arith.constant 11 : i32
    %swap3A_662 = arith.index_cast %swap3A_661 : i32 to index
    %swap3A_663 = arith.constant 112 : index
    %swap3A_664 = tpu.vector_load %arg17[%swap3A_662, %swap3A_663] {strides = array<i32>} : memref<48x128xf32, #tpu.memory_space<vmem>>, vector<16xf32>,
    tpu.vector_store %arg17[%swap3A_662, %swap3A_663], %broadcast_in_dim3A_24 {strides = array<i32>} : memref<48x128xf32, #tpu.memory_space<vmem>>, vector<16xf32>,
    %swap3A_665 = arith.constant 12 : i32
    %swap3A_666 = arith.index_cast %swap3A_665 : i32 to index
    %swap3A_667 = arith.constant 0 : index
    %swap3A_668 = tpu.vector_load %arg17[%swap3A_666, %swap3A_667] {strides = array<i32>} : memref<48x128xf32, #tpu.memory_space<vmem>>, vector<16xf32>,
    tpu.vector_store %arg17[%swap3A_666, %swap3A_667], %broadcast_in_dim3A_24 {strides = array<i32>} : memref<48x128xf32, #tpu.memory_space<vmem>>, vector<16xf32>,
    %swap3A_669 = arith.constant 12 : i32
    %swap3A_670 = arith.index_cast %swap3A_669 : i32 to index
    %swap3A_671 = arith.constant 16 : index
    %swap3A_672 = tpu.vector_load %arg17[%swap3A_670, %swap3A_671] {strides = array<i32>} : memref<48x128xf32, #tpu.memory_space<vmem>>, vector<16xf32>,
    tpu.vector_store %arg17[%swap3A_670, %swap3A_671], %broadcast_in_dim3A_24 {strides = array<i32>} : memref<48x128xf32, #tpu.memory_space<vmem>>, vector<16xf32>,
    %swap3A_673 = arith.constant 12 : i32
    %swap3A_674 = arith.index_cast %swap3A_673 : i32 to index
    %swap3A_675 = arith.constant 32 : index
    %swap3A_676 = tpu.vector_load %arg17[%swap3A_674, %swap3A_675] {strides = array<i32>} : memref<48x128xf32, #tpu.memory_space<vmem>>, vector<16xf32>,
    tpu.vector_store %arg17[%swap3A_674, %swap3A_675], %broadcast_in_dim3A_24 {strides = array<i32>} : memref<48x128xf32, #tpu.memory_space<vmem>>, vector<16xf32>,
    %swap3A_677 = arith.constant 12 : i32
    %swap3A_678 = arith.index_cast %swap3A_677 : i32 to index
    %swap3A_679 = arith.constant 48 : index
    %swap3A_680 = tpu.vector_load %arg17[%swap3A_678, %swap3A_679] {strides = array<i32>} : memref<48x128xf32, #tpu.memory_space<vmem>>, vector<16xf32>,
    tpu.vector_store %arg17[%swap3A_678, %swap3A_679], %broadcast_in_dim3A_24 {strides = array<i32>} : memref<48x128xf32, #tpu.memory_space<vmem>>, vector<16xf32>,
    %swap3A_681 = arith.constant 12 : i32
    %swap3A_682 = arith.index_cast %swap3A_681 : i32 to index
    %swap3A_683 = arith.constant 64 : index
    %swap3A_684 = tpu.vector_load %arg17[%swap3A_682, %swap3A_683] {strides = array<i32>} : memref<48x128xf32, #tpu.memory_space<vmem>>, vector<16xf32>,
    tpu.vector_store %arg17[%swap3A_682, %swap3A_683], %broadcast_in_dim3A_24 {strides = array<i32>} : memref<48x128xf32, #tpu.memory_space<vmem>>, vector<16xf32>,
    %swap3A_685 = arith.constant 12 : i32
    %swap3A_686 = arith.index_cast %swap3A_685 : i32 to index
    %swap3A_687 = arith.constant 80 : index
    %swap3A_688 = tpu.vector_load %arg17[%swap3A_686, %swap3A_687] {strides = array<i32>} : memref<48x128xf32, #tpu.memory_space<vmem>>, vector<16xf32>,
    tpu.vector_store %arg17[%swap3A_686, %swap3A_687], %broadcast_in_dim3A_24 {strides = array<i32>} : memref<48x128xf32, #tpu.memory_space<vmem>>, vector<16xf32>,
    %swap3A_689 = arith.constant 12 : i32
    %swap3A_690 = arith.index_cast %swap3A_689 : i32 to index
    %swap3A_691 = arith.constant 96 : index
    %swap3A_692 = tpu.vector_load %arg17[%swap3A_690, %swap3A_691] {strides = array<i32>} : memref<48x128xf32, #tpu.memory_space<vmem>>, vector<16xf32>,
    tpu.vector_store %arg17[%swap3A_690, %swap3A_691], %broadcast_in_dim3A_24 {strides = array<i32>} : memref<48x128xf32, #tpu.memory_space<vmem>>, vector<16xf32>,
    %swap3A_693 = arith.constant 12 : i32
    %swap3A_694 = arith.index_cast %swap3A_693 : i32 to index
    %swap3A_695 = arith.constant 112 : index
    %swap3A_696 = tpu.vector_load %arg17[%swap3A_694, %swap3A_695] {strides = array<i32>} : memref<48x128xf32, #tpu.memory_space<vmem>>, vector<16xf32>,
    tpu.vector_store %arg17[%swap3A_694, %swap3A_695], %broadcast_in_dim3A_24 {strides = array<i32>} : memref<48x128xf32, #tpu.memory_space<vmem>>, vector<16xf32>,
    %swap3A_697 = arith.constant 13 : i32
    %swap3A_698 = arith.index_cast %swap3A_697 : i32 to index
    %swap3A_699 = arith.constant 0 : index
    %swap3A_700 = tpu.vector_load %arg17[%swap3A_698, %swap3A_699] {strides = array<i32>} : memref<48x128xf32, #tpu.memory_space<vmem>>, vector<16xf32>,
    tpu.vector_store %arg17[%swap3A_698, %swap3A_699], %broadcast_in_dim3A_24 {strides = array<i32>} : memref<48x128xf32, #tpu.memory_space<vmem>>, vector<16xf32>,
    %swap3A_701 = arith.constant 13 : i32
    %swap3A_702 = arith.index_cast %swap3A_701 : i32 to index
    %swap3A_703 = arith.constant 16 : index
    %swap3A_704 = tpu.vector_load %arg17[%swap3A_702, %swap3A_703] {strides = array<i32>} : memref<48x128xf32, #tpu.memory_space<vmem>>, vector<16xf32>,
    tpu.vector_store %arg17[%swap3A_702, %swap3A_703], %broadcast_in_dim3A_24 {strides = array<i32>} : memref<48x128xf32, #tpu.memory_space<vmem>>, vector<16xf32>,
    %swap3A_705 = arith.constant 13 : i32
    %swap3A_706 = arith.index_cast %swap3A_705 : i32 to index
    %swap3A_707 = arith.constant 32 : index
    %swap3A_708 = tpu.vector_load %arg17[%swap3A_706, %swap3A_707] {strides = array<i32>} : memref<48x128xf32, #tpu.memory_space<vmem>>, vector<16xf32>,
    tpu.vector_store %arg17[%swap3A_706, %swap3A_707], %broadcast_in_dim3A_24 {strides = array<i32>} : memref<48x128xf32, #tpu.memory_space<vmem>>, vector<16xf32>,
    %swap3A_709 = arith.constant 13 : i32
    %swap3A_710 = arith.index_cast %swap3A_709 : i32 to index
    %swap3A_711 = arith.constant 48 : index
    %swap3A_712 = tpu.vector_load %arg17[%swap3A_710, %swap3A_711] {strides = array<i32>} : memref<48x128xf32, #tpu.memory_space<vmem>>, vector<16xf32>,
    tpu.vector_store %arg17[%swap3A_710, %swap3A_711], %broadcast_in_dim3A_24 {strides = array<i32>} : memref<48x128xf32, #tpu.memory_space<vmem>>, vector<16xf32>,
    %swap3A_713 = arith.constant 13 : i32
    %swap3A_714 = arith.index_cast %swap3A_713 : i32 to index
    %swap3A_715 = arith.constant 64 : index
    %swap3A_716 = tpu.vector_load %arg17[%swap3A_714, %swap3A_715] {strides = array<i32>} : memref<48x128xf32, #tpu.memory_space<vmem>>, vector<16xf32>,
    tpu.vector_store %arg17[%swap3A_714, %swap3A_715], %broadcast_in_dim3A_24 {strides = array<i32>} : memref<48x128xf32, #tpu.memory_space<vmem>>, vector<16xf32>,
    %swap3A_717 = arith.constant 13 : i32
    %swap3A_718 = arith.index_cast %swap3A_717 : i32 to index
    %swap3A_719 = arith.constant 80 : index
    %swap3A_720 = tpu.vector_load %arg17[%swap3A_718, %swap3A_719] {strides = array<i32>} : memref<48x128xf32, #tpu.memory_space<vmem>>, vector<16xf32>,
    tpu.vector_store %arg17[%swap3A_718, %swap3A_719], %broadcast_in_dim3A_24 {strides = array<i32>} : memref<48x128xf32, #tpu.memory_space<vmem>>, vector<16xf32>,
    %swap3A_721 = arith.constant 13 : i32
    %swap3A_722 = arith.index_cast %swap3A_721 : i32 to index
    %swap3A_723 = arith.constant 96 : index
    %swap3A_724 = tpu.vector_load %arg17[%swap3A_722, %swap3A_723] {strides = array<i32>} : memref<48x128xf32, #tpu.memory_space<vmem>>, vector<16xf32>,
    tpu.vector_store %arg17[%swap3A_722, %swap3A_723], %broadcast_in_dim3A_24 {strides = array<i32>} : memref<48x128xf32, #tpu.memory_space<vmem>>, vector<16xf32>,
    %swap3A_725 = arith.constant 13 : i32
    %swap3A_726 = arith.index_cast %swap3A_725 : i32 to index
    %swap3A_727 = arith.constant 112 : index
    %swap3A_728 = tpu.vector_load %arg17[%swap3A_726, %swap3A_727] {strides = array<i32>} : memref<48x128xf32, #tpu.memory_space<vmem>>, vector<16xf32>,
    tpu.vector_store %arg17[%swap3A_726, %swap3A_727], %broadcast_in_dim3A_24 {strides = array<i32>} : memref<48x128xf32, #tpu.memory_space<vmem>>, vector<16xf32>,
    %swap3A_729 = arith.constant 14 : i32
    %swap3A_730 = arith.index_cast %swap3A_729 : i32 to index
    %swap3A_731 = arith.constant 0 : index
    %swap3A_732 = tpu.vector_load %arg17[%swap3A_730, %swap3A_731] {strides = array<i32>} : memref<48x128xf32, #tpu.memory_space<vmem>>, vector<16xf32>,
    tpu.vector_store %arg17[%swap3A_730, %swap3A_731], %broadcast_in_dim3A_24 {strides = array<i32>} : memref<48x128xf32, #tpu.memory_space<vmem>>, vector<16xf32>,
    %swap3A_733 = arith.constant 14 : i32
    %swap3A_734 = arith.index_cast %swap3A_733 : i32 to index
    %swap3A_735 = arith.constant 16 : index
    %swap3A_736 = tpu.vector_load %arg17[%swap3A_734, %swap3A_735] {strides = array<i32>} : memref<48x128xf32, #tpu.memory_space<vmem>>, vector<16xf32>,
    tpu.vector_store %arg17[%swap3A_734, %swap3A_735], %broadcast_in_dim3A_24 {strides = array<i32>} : memref<48x128xf32, #tpu.memory_space<vmem>>, vector<16xf32>,
    %swap3A_737 = arith.constant 14 : i32
    %swap3A_738 = arith.index_cast %swap3A_737 : i32 to index
    %swap3A_739 = arith.constant 32 : index
    %swap3A_740 = tpu.vector_load %arg17[%swap3A_738, %swap3A_739] {strides = array<i32>} : memref<48x128xf32, #tpu.memory_space<vmem>>, vector<16xf32>,
    tpu.vector_store %arg17[%swap3A_738, %swap3A_739], %broadcast_in_dim3A_24 {strides = array<i32>} : memref<48x128xf32, #tpu.memory_space<vmem>>, vector<16xf32>,
    %swap3A_741 = arith.constant 14 : i32
    %swap3A_742 = arith.index_cast %swap3A_741 : i32 to index
    %swap3A_743 = arith.constant 48 : index
    %swap3A_744 = tpu.vector_load %arg17[%swap3A_742, %swap3A_743] {strides = array<i32>} : memref<48x128xf32, #tpu.memory_space<vmem>>, vector<16xf32>,
    tpu.vector_store %arg17[%swap3A_742, %swap3A_743], %broadcast_in_dim3A_24 {strides = array<i32>} : memref<48x128xf32, #tpu.memory_space<vmem>>, vector<16xf32>,
    %swap3A_745 = arith.constant 14 : i32
    %swap3A_746 = arith.index_cast %swap3A_745 : i32 to index
    %swap3A_747 = arith.constant 64 : index
    %swap3A_748 = tpu.vector_load %arg17[%swap3A_746, %swap3A_747] {strides = array<i32>} : memref<48x128xf32, #tpu.memory_space<vmem>>, vector<16xf32>,
    tpu.vector_store %arg17[%swap3A_746, %swap3A_747], %broadcast_in_dim3A_24 {strides = array<i32>} : memref<48x128xf32, #tpu.memory_space<vmem>>, vector<16xf32>,
    %swap3A_749 = arith.constant 14 : i32
    %swap3A_750 = arith.index_cast %swap3A_749 : i32 to index
    %swap3A_751 = arith.constant 80 : index
    %swap3A_752 = tpu.vector_load %arg17[%swap3A_750, %swap3A_751] {strides = array<i32>} : memref<48x128xf32, #tpu.memory_space<vmem>>, vector<16xf32>,
    tpu.vector_store %arg17[%swap3A_750, %swap3A_751], %broadcast_in_dim3A_24 {strides = array<i32>} : memref<48x128xf32, #tpu.memory_space<vmem>>, vector<16xf32>,
    %swap3A_753 = arith.constant 14 : i32
    %swap3A_754 = arith.index_cast %swap3A_753 : i32 to index
    %swap3A_755 = arith.constant 96 : index
    %swap3A_756 = tpu.vector_load %arg17[%swap3A_754, %swap3A_755] {strides = array<i32>} : memref<48x128xf32, #tpu.memory_space<vmem>>, vector<16xf32>,
    tpu.vector_store %arg17[%swap3A_754, %swap3A_755], %broadcast_in_dim3A_24 {strides = array<i32>} : memref<48x128xf32, #tpu.memory_space<vmem>>, vector<16xf32>,
    %swap3A_757 = arith.constant 14 : i32
    %swap3A_758 = arith.index_cast %swap3A_757 : i32 to index
    %swap3A_759 = arith.constant 112 : index
    %swap3A_760 = tpu.vector_load %arg17[%swap3A_758, %swap3A_759] {strides = array<i32>} : memref<48x128xf32, #tpu.memory_space<vmem>>, vector<16xf32>,
    tpu.vector_store %arg17[%swap3A_758, %swap3A_759], %broadcast_in_dim3A_24 {strides = array<i32>} : memref<48x128xf32, #tpu.memory_space<vmem>>, vector<16xf32>,
    %swap3A_761 = arith.constant 15 : i32
    %swap3A_762 = arith.index_cast %swap3A_761 : i32 to index
    %swap3A_763 = arith.constant 0 : index
    %swap3A_764 = tpu.vector_load %arg17[%swap3A_762, %swap3A_763] {strides = array<i32>} : memref<48x128xf32, #tpu.memory_space<vmem>>, vector<16xf32>,
    tpu.vector_store %arg17[%swap3A_762, %swap3A_763], %broadcast_in_dim3A_24 {strides = array<i32>} : memref<48x128xf32, #tpu.memory_space<vmem>>, vector<16xf32>,
    %swap3A_765 = arith.constant 15 : i32
    %swap3A_766 = arith.index_cast %swap3A_765 : i32 to index
    %swap3A_767 = arith.constant 16 : index
    %swap3A_768 = tpu.vector_load %arg17[%swap3A_766, %swap3A_767] {strides = array<i32>} : memref<48x128xf32, #tpu.memory_space<vmem>>, vector<16xf32>,
    tpu.vector_store %arg17[%swap3A_766, %swap3A_767], %broadcast_in_dim3A_24 {strides = array<i32>} : memref<48x128xf32, #tpu.memory_space<vmem>>, vector<16xf32>,
    %swap3A_769 = arith.constant 15 : i32
    %swap3A_770 = arith.index_cast %swap3A_769 : i32 to index
    %swap3A_771 = arith.constant 32 : index
    %swap3A_772 = tpu.vector_load %arg17[%swap3A_770, %swap3A_771] {strides = array<i32>} : memref<48x128xf32, #tpu.memory_space<vmem>>, vector<16xf32>,
    tpu.vector_store %arg17[%swap3A_770, %swap3A_771], %broadcast_in_dim3A_24 {strides = array<i32>} : memref<48x128xf32, #tpu.memory_space<vmem>>, vector<16xf32>,
    %swap3A_773 = arith.constant 15 : i32
    %swap3A_774 = arith.index_cast %swap3A_773 : i32 to index
    %swap3A_775 = arith.constant 48 : index
    %swap3A_776 = tpu.vector_load %arg17[%swap3A_774, %swap3A_775] {strides = array<i32>} : memref<48x128xf32, #tpu.memory_space<vmem>>, vector<16xf32>,
    tpu.vector_store %arg17[%swap3A_774, %swap3A_775], %broadcast_in_dim3A_24 {strides = array<i32>} : memref<48x128xf32, #tpu.memory_space<vmem>>, vector<16xf32>,
    %swap3A_777 = arith.constant 15 : i32
    %swap3A_778 = arith.index_cast %swap3A_777 : i32 to index
    %swap3A_779 = arith.constant 64 : index
    %swap3A_780 = tpu.vector_load %arg17[%swap3A_778, %swap3A_779] {strides = array<i32>} : memref<48x128xf32, #tpu.memory_space<vmem>>, vector<16xf32>,
    tpu.vector_store %arg17[%swap3A_778, %swap3A_779], %broadcast_in_dim3A_24 {strides = array<i32>} : memref<48x128xf32, #tpu.memory_space<vmem>>, vector<16xf32>,
    %swap3A_781 = arith.constant 15 : i32
    %swap3A_782 = arith.index_cast %swap3A_781 : i32 to index
    %swap3A_783 = arith.constant 80 : index
    %swap3A_784 = tpu.vector_load %arg17[%swap3A_782, %swap3A_783] {strides = array<i32>} : memref<48x128xf32, #tpu.memory_space<vmem>>, vector<16xf32>,
    tpu.vector_store %arg17[%swap3A_782, %swap3A_783], %broadcast_in_dim3A_24 {strides = array<i32>} : memref<48x128xf32, #tpu.memory_space<vmem>>, vector<16xf32>,
    %swap3A_785 = arith.constant 15 : i32
    %swap3A_786 = arith.index_cast %swap3A_785 : i32 to index
    %swap3A_787 = arith.constant 96 : index
    %swap3A_788 = tpu.vector_load %arg17[%swap3A_786, %swap3A_787] {strides = array<i32>} : memref<48x128xf32, #tpu.memory_space<vmem>>, vector<16xf32>,
    tpu.vector_store %arg17[%swap3A_786, %swap3A_787], %broadcast_in_dim3A_24 {strides = array<i32>} : memref<48x128xf32, #tpu.memory_space<vmem>>, vector<16xf32>,
    %swap3A_789 = arith.constant 15 : i32
    %swap3A_790 = arith.index_cast %swap3A_789 : i32 to index
    %swap3A_791 = arith.constant 112 : index
    %swap3A_792 = tpu.vector_load %arg17[%swap3A_790, %swap3A_791] {strides = array<i32>} : memref<48x128xf32, #tpu.memory_space<vmem>>, vector<16xf32>,
    tpu.vector_store %arg17[%swap3A_790, %swap3A_791], %broadcast_in_dim3A_24 {strides = array<i32>} : memref<48x128xf32, #tpu.memory_space<vmem>>, vector<16xf32>,
    %swap3A_793 = arith.constant 16 : i32
    %swap3A_794 = arith.index_cast %swap3A_793 : i32 to index
    %swap3A_795 = arith.constant 0 : index
    %swap3A_796 = tpu.vector_load %arg17[%swap3A_794, %swap3A_795] {strides = array<i32>} : memref<48x128xf32, #tpu.memory_space<vmem>>, vector<16xf32>,
    tpu.vector_store %arg17[%swap3A_794, %swap3A_795], %broadcast_in_dim3A_24 {strides = array<i32>} : memref<48x128xf32, #tpu.memory_space<vmem>>, vector<16xf32>,
    %swap3A_797 = arith.constant 16 : i32
    %swap3A_798 = arith.index_cast %swap3A_797 : i32 to index
    %swap3A_799 = arith.constant 16 : index
    %swap3A_800 = tpu.vector_load %arg17[%swap3A_798, %swap3A_799] {strides = array<i32>} : memref<48x128xf32, #tpu.memory_space<vmem>>, vector<16xf32>,
    tpu.vector_store %arg17[%swap3A_798, %swap3A_799], %broadcast_in_dim3A_24 {strides = array<i32>} : memref<48x128xf32, #tpu.memory_space<vmem>>, vector<16xf32>,
    %swap3A_801 = arith.constant 16 : i32
    %swap3A_802 = arith.index_cast %swap3A_801 : i32 to index
    %swap3A_803 = arith.constant 32 : index
    %swap3A_804 = tpu.vector_load %arg17[%swap3A_802, %swap3A_803] {strides = array<i32>} : memref<48x128xf32, #tpu.memory_space<vmem>>, vector<16xf32>,
    tpu.vector_store %arg17[%swap3A_802, %swap3A_803], %broadcast_in_dim3A_24 {strides = array<i32>} : memref<48x128xf32, #tpu.memory_space<vmem>>, vector<16xf32>,
    %swap3A_805 = arith.constant 16 : i32
    %swap3A_806 = arith.index_cast %swap3A_805 : i32 to index
    %swap3A_807 = arith.constant 48 : index
    %swap3A_808 = tpu.vector_load %arg17[%swap3A_806, %swap3A_807] {strides = array<i32>} : memref<48x128xf32, #tpu.memory_space<vmem>>, vector<16xf32>,
    tpu.vector_store %arg17[%swap3A_806, %swap3A_807], %broadcast_in_dim3A_24 {strides = array<i32>} : memref<48x128xf32, #tpu.memory_space<vmem>>, vector<16xf32>,
    %swap3A_809 = arith.constant 16 : i32
    %swap3A_810 = arith.index_cast %swap3A_809 : i32 to index
    %swap3A_811 = arith.constant 64 : index
    %swap3A_812 = tpu.vector_load %arg17[%swap3A_810, %swap3A_811] {strides = array<i32>} : memref<48x128xf32, #tpu.memory_space<vmem>>, vector<16xf32>,
    tpu.vector_store %arg17[%swap3A_810, %swap3A_811], %broadcast_in_dim3A_24 {strides = array<i32>} : memref<48x128xf32, #tpu.memory_space<vmem>>, vector<16xf32>,
    %swap3A_813 = arith.constant 16 : i32
    %swap3A_814 = arith.index_cast %swap3A_813 : i32 to index
    %swap3A_815 = arith.constant 80 : index
    %swap3A_816 = tpu.vector_load %arg17[%swap3A_814, %swap3A_815] {strides = array<i32>} : memref<48x128xf32, #tpu.memory_space<vmem>>, vector<16xf32>,
    tpu.vector_store %arg17[%swap3A_814, %swap3A_815], %broadcast_in_dim3A_24 {strides = array<i32>} : memref<48x128xf32, #tpu.memory_space<vmem>>, vector<16xf32>,
    %swap3A_817 = arith.constant 16 : i32
    %swap3A_818 = arith.index_cast %swap3A_817 : i32 to index
    %swap3A_819 = arith.constant 96 : index
    %swap3A_820 = tpu.vector_load %arg17[%swap3A_818, %swap3A_819] {strides = array<i32>} : memref<48x128xf32, #tpu.memory_space<vmem>>, vector<16xf32>,
    tpu.vector_store %arg17[%swap3A_818, %swap3A_819], %broadcast_in_dim3A_24 {strides = array<i32>} : memref<48x128xf32, #tpu.memory_space<vmem>>, vector<16xf32>,
    %swap3A_821 = arith.constant 16 : i32
    %swap3A_822 = arith.index_cast %swap3A_821 : i32 to index
    %swap3A_823 = arith.constant 112 : index
    %swap3A_824 = tpu.vector_load %arg17[%swap3A_822, %swap3A_823] {strides = array<i32>} : memref<48x128xf32, #tpu.memory_space<vmem>>, vector<16xf32>,
    tpu.vector_store %arg17[%swap3A_822, %swap3A_823], %broadcast_in_dim3A_24 {strides = array<i32>} : memref<48x128xf32, #tpu.memory_space<vmem>>, vector<16xf32>,
    %swap3A_825 = arith.constant 17 : i32
    %swap3A_826 = arith.index_cast %swap3A_825 : i32 to index
    %swap3A_827 = arith.constant 0 : index
    %swap3A_828 = tpu.vector_load %arg17[%swap3A_826, %swap3A_827] {strides = array<i32>} : memref<48x128xf32, #tpu.memory_space<vmem>>, vector<16xf32>,
    tpu.vector_store %arg17[%swap3A_826, %swap3A_827], %broadcast_in_dim3A_24 {strides = array<i32>} : memref<48x128xf32, #tpu.memory_space<vmem>>, vector<16xf32>,
    %swap3A_829 = arith.constant 17 : i32
    %swap3A_830 = arith.index_cast %swap3A_829 : i32 to index
    %swap3A_831 = arith.constant 16 : index
    %swap3A_832 = tpu.vector_load %arg17[%swap3A_830, %swap3A_831] {strides = array<i32>} : memref<48x128xf32, #tpu.memory_space<vmem>>, vector<16xf32>,
    tpu.vector_store %arg17[%swap3A_830, %swap3A_831], %broadcast_in_dim3A_24 {strides = array<i32>} : memref<48x128xf32, #tpu.memory_space<vmem>>, vector<16xf32>,
    %swap3A_833 = arith.constant 17 : i32
    %swap3A_834 = arith.index_cast %swap3A_833 : i32 to index
    %swap3A_835 = arith.constant 32 : index
    %swap3A_836 = tpu.vector_load %arg17[%swap3A_834, %swap3A_835] {strides = array<i32>} : memref<48x128xf32, #tpu.memory_space<vmem>>, vector<16xf32>,
    tpu.vector_store %arg17[%swap3A_834, %swap3A_835], %broadcast_in_dim3A_24 {strides = array<i32>} : memref<48x128xf32, #tpu.memory_space<vmem>>, vector<16xf32>,
    %swap3A_837 = arith.constant 17 : i32
    %swap3A_838 = arith.index_cast %swap3A_837 : i32 to index
    %swap3A_839 = arith.constant 48 : index
    %swap3A_840 = tpu.vector_load %arg17[%swap3A_838, %swap3A_839] {strides = array<i32>} : memref<48x128xf32, #tpu.memory_space<vmem>>, vector<16xf32>,
    tpu.vector_store %arg17[%swap3A_838, %swap3A_839], %broadcast_in_dim3A_24 {strides = array<i32>} : memref<48x128xf32, #tpu.memory_space<vmem>>, vector<16xf32>,
    %swap3A_841 = arith.constant 17 : i32
    %swap3A_842 = arith.index_cast %swap3A_841 : i32 to index
    %swap3A_843 = arith.constant 64 : index
    %swap3A_844 = tpu.vector_load %arg17[%swap3A_842, %swap3A_843] {strides = array<i32>} : memref<48x128xf32, #tpu.memory_space<vmem>>, vector<16xf32>,
    tpu.vector_store %arg17[%swap3A_842, %swap3A_843], %broadcast_in_dim3A_24 {strides = array<i32>} : memref<48x128xf32, #tpu.memory_space<vmem>>, vector<16xf32>,
    %swap3A_845 = arith.constant 17 : i32
    %swap3A_846 = arith.index_cast %swap3A_845 : i32 to index
    %swap3A_847 = arith.constant 80 : index
    %swap3A_848 = tpu.vector_load %arg17[%swap3A_846, %swap3A_847] {strides = array<i32>} : memref<48x128xf32, #tpu.memory_space<vmem>>, vector<16xf32>,
    tpu.vector_store %arg17[%swap3A_846, %swap3A_847], %broadcast_in_dim3A_24 {strides = array<i32>} : memref<48x128xf32, #tpu.memory_space<vmem>>, vector<16xf32>,
    %swap3A_849 = arith.constant 17 : i32
    %swap3A_850 = arith.index_cast %swap3A_849 : i32 to index
    %swap3A_851 = arith.constant 96 : index
    %swap3A_852 = tpu.vector_load %arg17[%swap3A_850, %swap3A_851] {strides = array<i32>} : memref<48x128xf32, #tpu.memory_space<vmem>>, vector<16xf32>,
    tpu.vector_store %arg17[%swap3A_850, %swap3A_851], %broadcast_in_dim3A_24 {strides = array<i32>} : memref<48x128xf32, #tpu.memory_space<vmem>>, vector<16xf32>,
    %swap3A_853 = arith.constant 17 : i32
    %swap3A_854 = arith.index_cast %swap3A_853 : i32 to index
    %swap3A_855 = arith.constant 112 : index
    %swap3A_856 = tpu.vector_load %arg17[%swap3A_854, %swap3A_855] {strides = array<i32>} : memref<48x128xf32, #tpu.memory_space<vmem>>, vector<16xf32>,
    tpu.vector_store %arg17[%swap3A_854, %swap3A_855], %broadcast_in_dim3A_24 {strides = array<i32>} : memref<48x128xf32, #tpu.memory_space<vmem>>, vector<16xf32>,
    %swap3A_857 = arith.constant 18 : i32
    %swap3A_858 = arith.index_cast %swap3A_857 : i32 to index
    %swap3A_859 = arith.constant 0 : index
    %swap3A_860 = tpu.vector_load %arg17[%swap3A_858, %swap3A_859] {strides = array<i32>} : memref<48x128xf32, #tpu.memory_space<vmem>>, vector<16xf32>,
    tpu.vector_store %arg17[%swap3A_858, %swap3A_859], %broadcast_in_dim3A_24 {strides = array<i32>} : memref<48x128xf32, #tpu.memory_space<vmem>>, vector<16xf32>,
    %swap3A_861 = arith.constant 18 : i32
    %swap3A_862 = arith.index_cast %swap3A_861 : i32 to index
    %swap3A_863 = arith.constant 16 : index
    %swap3A_864 = tpu.vector_load %arg17[%swap3A_862, %swap3A_863] {strides = array<i32>} : memref<48x128xf32, #tpu.memory_space<vmem>>, vector<16xf32>,
    tpu.vector_store %arg17[%swap3A_862, %swap3A_863], %broadcast_in_dim3A_24 {strides = array<i32>} : memref<48x128xf32, #tpu.memory_space<vmem>>, vector<16xf32>,
    %swap3A_865 = arith.constant 18 : i32
    %swap3A_866 = arith.index_cast %swap3A_865 : i32 to index
    %swap3A_867 = arith.constant 32 : index
    %swap3A_868 = tpu.vector_load %arg17[%swap3A_866, %swap3A_867] {strides = array<i32>} : memref<48x128xf32, #tpu.memory_space<vmem>>, vector<16xf32>,
    tpu.vector_store %arg17[%swap3A_866, %swap3A_867], %broadcast_in_dim3A_24 {strides = array<i32>} : memref<48x128xf32, #tpu.memory_space<vmem>>, vector<16xf32>,
    %swap3A_869 = arith.constant 18 : i32
    %swap3A_870 = arith.index_cast %swap3A_869 : i32 to index
    %swap3A_871 = arith.constant 48 : index
    %swap3A_872 = tpu.vector_load %arg17[%swap3A_870, %swap3A_871] {strides = array<i32>} : memref<48x128xf32, #tpu.memory_space<vmem>>, vector<16xf32>,
    tpu.vector_store %arg17[%swap3A_870, %swap3A_871], %broadcast_in_dim3A_24 {strides = array<i32>} : memref<48x128xf32, #tpu.memory_space<vmem>>, vector<16xf32>,
    %swap3A_873 = arith.constant 18 : i32
    %swap3A_874 = arith.index_cast %swap3A_873 : i32 to index
    %swap3A_875 = arith.constant 64 : index
    %swap3A_876 = tpu.vector_load %arg17[%swap3A_874, %swap3A_875] {strides = array<i32>} : memref<48x128xf32, #tpu.memory_space<vmem>>, vector<16xf32>,
    tpu.vector_store %arg17[%swap3A_874, %swap3A_875], %broadcast_in_dim3A_24 {strides = array<i32>} : memref<48x128xf32, #tpu.memory_space<vmem>>, vector<16xf32>,
    %swap3A_877 = arith.constant 18 : i32
    %swap3A_878 = arith.index_cast %swap3A_877 : i32 to index
    %swap3A_879 = arith.constant 80 : index
    %swap3A_880 = tpu.vector_load %arg17[%swap3A_878, %swap3A_879] {strides = array<i32>} : memref<48x128xf32, #tpu.memory_space<vmem>>, vector<16xf32>,
    tpu.vector_store %arg17[%swap3A_878, %swap3A_879], %broadcast_in_dim3A_24 {strides = array<i32>} : memref<48x128xf32, #tpu.memory_space<vmem>>, vector<16xf32>,
    %swap3A_881 = arith.constant 18 : i32
    %swap3A_882 = arith.index_cast %swap3A_881 : i32 to index
    %swap3A_883 = arith.constant 96 : index
    %swap3A_884 = tpu.vector_load %arg17[%swap3A_882, %swap3A_883] {strides = array<i32>} : memref<48x128xf32, #tpu.memory_space<vmem>>, vector<16xf32>,
    tpu.vector_store %arg17[%swap3A_882, %swap3A_883], %broadcast_in_dim3A_24 {strides = array<i32>} : memref<48x128xf32, #tpu.memory_space<vmem>>, vector<16xf32>,
    %swap3A_885 = arith.constant 18 : i32
    %swap3A_886 = arith.index_cast %swap3A_885 : i32 to index
    %swap3A_887 = arith.constant 112 : index
    %swap3A_888 = tpu.vector_load %arg17[%swap3A_886, %swap3A_887] {strides = array<i32>} : memref<48x128xf32, #tpu.memory_space<vmem>>, vector<16xf32>,
    tpu.vector_store %arg17[%swap3A_886, %swap3A_887], %broadcast_in_dim3A_24 {strides = array<i32>} : memref<48x128xf32, #tpu.memory_space<vmem>>, vector<16xf32>,
    %swap3A_889 = arith.constant 19 : i32
    %swap3A_890 = arith.index_cast %swap3A_889 : i32 to index
    %swap3A_891 = arith.constant 0 : index
    %swap3A_892 = tpu.vector_load %arg17[%swap3A_890, %swap3A_891] {strides = array<i32>} : memref<48x128xf32, #tpu.memory_space<vmem>>, vector<16xf32>,
    tpu.vector_store %arg17[%swap3A_890, %swap3A_891], %broadcast_in_dim3A_24 {strides = array<i32>} : memref<48x128xf32, #tpu.memory_space<vmem>>, vector<16xf32>,
    %swap3A_893 = arith.constant 19 : i32
    %swap3A_894 = arith.index_cast %swap3A_893 : i32 to index
    %swap3A_895 = arith.constant 16 : index
    %swap3A_896 = tpu.vector_load %arg17[%swap3A_894, %swap3A_895] {strides = array<i32>} : memref<48x128xf32, #tpu.memory_space<vmem>>, vector<16xf32>,
    tpu.vector_store %arg17[%swap3A_894, %swap3A_895], %broadcast_in_dim3A_24 {strides = array<i32>} : memref<48x128xf32, #tpu.memory_space<vmem>>, vector<16xf32>,
    %swap3A_897 = arith.constant 19 : i32
    %swap3A_898 = arith.index_cast %swap3A_897 : i32 to index
    %swap3A_899 = arith.constant 32 : index
    %swap3A_900 = tpu.vector_load %arg17[%swap3A_898, %swap3A_899] {strides = array<i32>} : memref<48x128xf32, #tpu.memory_space<vmem>>, vector<16xf32>,
    tpu.vector_store %arg17[%swap3A_898, %swap3A_899], %broadcast_in_dim3A_24 {strides = array<i32>} : memref<48x128xf32, #tpu.memory_space<vmem>>, vector<16xf32>,
    %swap3A_901 = arith.constant 19 : i32
    %swap3A_902 = arith.index_cast %swap3A_901 : i32 to index
    %swap3A_903 = arith.constant 48 : index
    %swap3A_904 = tpu.vector_load %arg17[%swap3A_902, %swap3A_903] {strides = array<i32>} : memref<48x128xf32, #tpu.memory_space<vmem>>, vector<16xf32>,
    tpu.vector_store %arg17[%swap3A_902, %swap3A_903], %broadcast_in_dim3A_24 {strides = array<i32>} : memref<48x128xf32, #tpu.memory_space<vmem>>, vector<16xf32>,
    %swap3A_905 = arith.constant 19 : i32
    %swap3A_906 = arith.index_cast %swap3A_905 : i32 to index
    %swap3A_907 = arith.constant 64 : index
    %swap3A_908 = tpu.vector_load %arg17[%swap3A_906, %swap3A_907] {strides = array<i32>} : memref<48x128xf32, #tpu.memory_space<vmem>>, vector<16xf32>,
    tpu.vector_store %arg17[%swap3A_906, %swap3A_907], %broadcast_in_dim3A_24 {strides = array<i32>} : memref<48x128xf32, #tpu.memory_space<vmem>>, vector<16xf32>,
    %swap3A_909 = arith.constant 19 : i32
    %swap3A_910 = arith.index_cast %swap3A_909 : i32 to index
    %swap3A_911 = arith.constant 80 : index
    %swap3A_912 = tpu.vector_load %arg17[%swap3A_910, %swap3A_911] {strides = array<i32>} : memref<48x128xf32, #tpu.memory_space<vmem>>, vector<16xf32>,
    tpu.vector_store %arg17[%swap3A_910, %swap3A_911], %broadcast_in_dim3A_24 {strides = array<i32>} : memref<48x128xf32, #tpu.memory_space<vmem>>, vector<16xf32>,
    %swap3A_913 = arith.constant 19 : i32
    %swap3A_914 = arith.index_cast %swap3A_913 : i32 to index
    %swap3A_915 = arith.constant 96 : index
    %swap3A_916 = tpu.vector_load %arg17[%swap3A_914, %swap3A_915] {strides = array<i32>} : memref<48x128xf32, #tpu.memory_space<vmem>>, vector<16xf32>,
    tpu.vector_store %arg17[%swap3A_914, %swap3A_915], %broadcast_in_dim3A_24 {strides = array<i32>} : memref<48x128xf32, #tpu.memory_space<vmem>>, vector<16xf32>,
    %swap3A_917 = arith.constant 19 : i32
    %swap3A_918 = arith.index_cast %swap3A_917 : i32 to index
    %swap3A_919 = arith.constant 112 : index
    %swap3A_920 = tpu.vector_load %arg17[%swap3A_918, %swap3A_919] {strides = array<i32>} : memref<48x128xf32, #tpu.memory_space<vmem>>, vector<16xf32>,
    tpu.vector_store %arg17[%swap3A_918, %swap3A_919], %broadcast_in_dim3A_24 {strides = array<i32>} : memref<48x128xf32, #tpu.memory_space<vmem>>, vector<16xf32>,
    %swap3A_921 = arith.constant 20 : i32
    %swap3A_922 = arith.index_cast %swap3A_921 : i32 to index
    %swap3A_923 = arith.constant 0 : index
    %swap3A_924 = tpu.vector_load %arg17[%swap3A_922, %swap3A_923] {strides = array<i32>} : memref<48x128xf32, #tpu.memory_space<vmem>>, vector<16xf32>,
    tpu.vector_store %arg17[%swap3A_922, %swap3A_923], %broadcast_in_dim3A_24 {strides = array<i32>} : memref<48x128xf32, #tpu.memory_space<vmem>>, vector<16xf32>,
    %swap3A_925 = arith.constant 20 : i32
    %swap3A_926 = arith.index_cast %swap3A_925 : i32 to index
    %swap3A_927 = arith.constant 16 : index
    %swap3A_928 = tpu.vector_load %arg17[%swap3A_926, %swap3A_927] {strides = array<i32>} : memref<48x128xf32, #tpu.memory_space<vmem>>, vector<16xf32>,
    tpu.vector_store %arg17[%swap3A_926, %swap3A_927], %broadcast_in_dim3A_24 {strides = array<i32>} : memref<48x128xf32, #tpu.memory_space<vmem>>, vector<16xf32>,
    %swap3A_929 = arith.constant 20 : i32
    %swap3A_930 = arith.index_cast %swap3A_929 : i32 to index
    %swap3A_931 = arith.constant 32 : index
    %swap3A_932 = tpu.vector_load %arg17[%swap3A_930, %swap3A_931] {strides = array<i32>} : memref<48x128xf32, #tpu.memory_space<vmem>>, vector<16xf32>,
    tpu.vector_store %arg17[%swap3A_930, %swap3A_931], %broadcast_in_dim3A_24 {strides = array<i32>} : memref<48x128xf32, #tpu.memory_space<vmem>>, vector<16xf32>,
    %swap3A_933 = arith.constant 20 : i32
    %swap3A_934 = arith.index_cast %swap3A_933 : i32 to index
    %swap3A_935 = arith.constant 48 : index
    %swap3A_936 = tpu.vector_load %arg17[%swap3A_934, %swap3A_935] {strides = array<i32>} : memref<48x128xf32, #tpu.memory_space<vmem>>, vector<16xf32>,
    tpu.vector_store %arg17[%swap3A_934, %swap3A_935], %broadcast_in_dim3A_24 {strides = array<i32>} : memref<48x128xf32, #tpu.memory_space<vmem>>, vector<16xf32>,
    %swap3A_937 = arith.constant 20 : i32
    %swap3A_938 = arith.index_cast %swap3A_937 : i32 to index
    %swap3A_939 = arith.constant 64 : index
    %swap3A_940 = tpu.vector_load %arg17[%swap3A_938, %swap3A_939] {strides = array<i32>} : memref<48x128xf32, #tpu.memory_space<vmem>>, vector<16xf32>,
    tpu.vector_store %arg17[%swap3A_938, %swap3A_939], %broadcast_in_dim3A_24 {strides = array<i32>} : memref<48x128xf32, #tpu.memory_space<vmem>>, vector<16xf32>,
    %swap3A_941 = arith.constant 20 : i32
    %swap3A_942 = arith.index_cast %swap3A_941 : i32 to index
    %swap3A_943 = arith.constant 80 : index
    %swap3A_944 = tpu.vector_load %arg17[%swap3A_942, %swap3A_943] {strides = array<i32>} : memref<48x128xf32, #tpu.memory_space<vmem>>, vector<16xf32>,
    tpu.vector_store %arg17[%swap3A_942, %swap3A_943], %broadcast_in_dim3A_24 {strides = array<i32>} : memref<48x128xf32, #tpu.memory_space<vmem>>, vector<16xf32>,
    %swap3A_945 = arith.constant 20 : i32
    %swap3A_946 = arith.index_cast %swap3A_945 : i32 to index
    %swap3A_947 = arith.constant 96 : index
    %swap3A_948 = tpu.vector_load %arg17[%swap3A_946, %swap3A_947] {strides = array<i32>} : memref<48x128xf32, #tpu.memory_space<vmem>>, vector<16xf32>,
    tpu.vector_store %arg17[%swap3A_946, %swap3A_947], %broadcast_in_dim3A_24 {strides = array<i32>} : memref<48x128xf32, #tpu.memory_space<vmem>>, vector<16xf32>,
    %swap3A_949 = arith.constant 20 : i32
    %swap3A_950 = arith.index_cast %swap3A_949 : i32 to index
    %swap3A_951 = arith.constant 112 : index
    %swap3A_952 = tpu.vector_load %arg17[%swap3A_950, %swap3A_951] {strides = array<i32>} : memref<48x128xf32, #tpu.memory_space<vmem>>, vector<16xf32>,
    tpu.vector_store %arg17[%swap3A_950, %swap3A_951], %broadcast_in_dim3A_24 {strides = array<i32>} : memref<48x128xf32, #tpu.memory_space<vmem>>, vector<16xf32>,
    %swap3A_953 = arith.constant 21 : i32
    %swap3A_954 = arith.index_cast %swap3A_953 : i32 to index
    %swap3A_955 = arith.constant 0 : index
    %swap3A_956 = tpu.vector_load %arg17[%swap3A_954, %swap3A_955] {strides = array<i32>} : memref<48x128xf32, #tpu.memory_space<vmem>>, vector<16xf32>,
    tpu.vector_store %arg17[%swap3A_954, %swap3A_955], %broadcast_in_dim3A_24 {strides = array<i32>} : memref<48x128xf32, #tpu.memory_space<vmem>>, vector<16xf32>,
    %swap3A_957 = arith.constant 21 : i32
    %swap3A_958 = arith.index_cast %swap3A_957 : i32 to index
    %swap3A_959 = arith.constant 16 : index
    %swap3A_960 = tpu.vector_load %arg17[%swap3A_958, %swap3A_959] {strides = array<i32>} : memref<48x128xf32, #tpu.memory_space<vmem>>, vector<16xf32>,
    tpu.vector_store %arg17[%swap3A_958, %swap3A_959], %broadcast_in_dim3A_24 {strides = array<i32>} : memref<48x128xf32, #tpu.memory_space<vmem>>, vector<16xf32>,
    %swap3A_961 = arith.constant 21 : i32
    %swap3A_962 = arith.index_cast %swap3A_961 : i32 to index
    %swap3A_963 = arith.constant 32 : index
    %swap3A_964 = tpu.vector_load %arg17[%swap3A_962, %swap3A_963] {strides = array<i32>} : memref<48x128xf32, #tpu.memory_space<vmem>>, vector<16xf32>,
    tpu.vector_store %arg17[%swap3A_962, %swap3A_963], %broadcast_in_dim3A_24 {strides = array<i32>} : memref<48x128xf32, #tpu.memory_space<vmem>>, vector<16xf32>,
    %swap3A_965 = arith.constant 21 : i32
    %swap3A_966 = arith.index_cast %swap3A_965 : i32 to index
    %swap3A_967 = arith.constant 48 : index
    %swap3A_968 = tpu.vector_load %arg17[%swap3A_966, %swap3A_967] {strides = array<i32>} : memref<48x128xf32, #tpu.memory_space<vmem>>, vector<16xf32>,
    tpu.vector_store %arg17[%swap3A_966, %swap3A_967], %broadcast_in_dim3A_24 {strides = array<i32>} : memref<48x128xf32, #tpu.memory_space<vmem>>, vector<16xf32>,
    %swap3A_969 = arith.constant 21 : i32
    %swap3A_970 = arith.index_cast %swap3A_969 : i32 to index
    %swap3A_971 = arith.constant 64 : index
    %swap3A_972 = tpu.vector_load %arg17[%swap3A_970, %swap3A_971] {strides = array<i32>} : memref<48x128xf32, #tpu.memory_space<vmem>>, vector<16xf32>,
    tpu.vector_store %arg17[%swap3A_970, %swap3A_971], %broadcast_in_dim3A_24 {strides = array<i32>} : memref<48x128xf32, #tpu.memory_space<vmem>>, vector<16xf32>,
    %swap3A_973 = arith.constant 21 : i32
    %swap3A_974 = arith.index_cast %swap3A_973 : i32 to index
    %swap3A_975 = arith.constant 80 : index
    %swap3A_976 = tpu.vector_load %arg17[%swap3A_974, %swap3A_975] {strides = array<i32>} : memref<48x128xf32, #tpu.memory_space<vmem>>, vector<16xf32>,
    tpu.vector_store %arg17[%swap3A_974, %swap3A_975], %broadcast_in_dim3A_24 {strides = array<i32>} : memref<48x128xf32, #tpu.memory_space<vmem>>, vector<16xf32>,
    %swap3A_977 = arith.constant 21 : i32
    %swap3A_978 = arith.index_cast %swap3A_977 : i32 to index
    %swap3A_979 = arith.constant 96 : index
    %swap3A_980 = tpu.vector_load %arg17[%swap3A_978, %swap3A_979] {strides = array<i32>} : memref<48x128xf32, #tpu.memory_space<vmem>>, vector<16xf32>,
    tpu.vector_store %arg17[%swap3A_978, %swap3A_979], %broadcast_in_dim3A_24 {strides = array<i32>} : memref<48x128xf32, #tpu.memory_space<vmem>>, vector<16xf32>,
    %swap3A_981 = arith.constant 21 : i32
    %swap3A_982 = arith.index_cast %swap3A_981 : i32 to index
    %swap3A_983 = arith.constant 112 : index
    %swap3A_984 = tpu.vector_load %arg17[%swap3A_982, %swap3A_983] {strides = array<i32>} : memref<48x128xf32, #tpu.memory_space<vmem>>, vector<16xf32>,
    tpu.vector_store %arg17[%swap3A_982, %swap3A_983], %broadcast_in_dim3A_24 {strides = array<i32>} : memref<48x128xf32, #tpu.memory_space<vmem>>, vector<16xf32>,
    %swap3A_985 = arith.constant 22 : i32
    %swap3A_986 = arith.index_cast %swap3A_985 : i32 to index
    %swap3A_987 = arith.constant 0 : index
    %swap3A_988 = tpu.vector_load %arg17[%swap3A_986, %swap3A_987] {strides = array<i32>} : memref<48x128xf32, #tpu.memory_space<vmem>>, vector<16xf32>,
    tpu.vector_store %arg17[%swap3A_986, %swap3A_987], %broadcast_in_dim3A_24 {strides = array<i32>} : memref<48x128xf32, #tpu.memory_space<vmem>>, vector<16xf32>,
    %swap3A_989 = arith.constant 22 : i32
    %swap3A_990 = arith.index_cast %swap3A_989 : i32 to index
    %swap3A_991 = arith.constant 16 : index
    %swap3A_992 = tpu.vector_load %arg17[%swap3A_990, %swap3A_991] {strides = array<i32>} : memref<48x128xf32, #tpu.memory_space<vmem>>, vector<16xf32>,
    tpu.vector_store %arg17[%swap3A_990, %swap3A_991], %broadcast_in_dim3A_24 {strides = array<i32>} : memref<48x128xf32, #tpu.memory_space<vmem>>, vector<16xf32>,
    %swap3A_993 = arith.constant 22 : i32
    %swap3A_994 = arith.index_cast %swap3A_993 : i32 to index
    %swap3A_995 = arith.constant 32 : index
    %swap3A_996 = tpu.vector_load %arg17[%swap3A_994, %swap3A_995] {strides = array<i32>} : memref<48x128xf32, #tpu.memory_space<vmem>>, vector<16xf32>,
    tpu.vector_store %arg17[%swap3A_994, %swap3A_995], %broadcast_in_dim3A_24 {strides = array<i32>} : memref<48x128xf32, #tpu.memory_space<vmem>>, vector<16xf32>,
    %swap3A_997 = arith.constant 22 : i32
    %swap3A_998 = arith.index_cast %swap3A_997 : i32 to index
    %swap3A_999 = arith.constant 48 : index
    %swap3A_1000 = tpu.vector_load %arg17[%swap3A_998, %swap3A_999] {strides = array<i32>} : memref<48x128xf32, #tpu.memory_space<vmem>>, vector<16xf32>,
    tpu.vector_store %arg17[%swap3A_998, %swap3A_999], %broadcast_in_dim3A_24 {strides = array<i32>} : memref<48x128xf32, #tpu.memory_space<vmem>>, vector<16xf32>,
    %swap3A_1001 = arith.constant 22 : i32
    %swap3A_1002 = arith.index_cast %swap3A_1001 : i32 to index
    %swap3A_1003 = arith.constant 64 : index
    %swap3A_1004 = tpu.vector_load %arg17[%swap3A_1002, %swap3A_1003] {strides = array<i32>} : memref<48x128xf32, #tpu.memory_space<vmem>>, vector<16xf32>,
    tpu.vector_store %arg17[%swap3A_1002, %swap3A_1003], %broadcast_in_dim3A_24 {strides = array<i32>} : memref<48x128xf32, #tpu.memory_space<vmem>>, vector<16xf32>,
    %swap3A_1005 = arith.constant 22 : i32
    %swap3A_1006 = arith.index_cast %swap3A_1005 : i32 to index
    %swap3A_1007 = arith.constant 80 : index
    %swap3A_1008 = tpu.vector_load %arg17[%swap3A_1006, %swap3A_1007] {strides = array<i32>} : memref<48x128xf32, #tpu.memory_space<vmem>>, vector<16xf32>,
    tpu.vector_store %arg17[%swap3A_1006, %swap3A_1007], %broadcast_in_dim3A_24 {strides = array<i32>} : memref<48x128xf32, #tpu.memory_space<vmem>>, vector<16xf32>,
    %swap3A_1009 = arith.constant 22 : i32
    %swap3A_1010 = arith.index_cast %swap3A_1009 : i32 to index
    %swap3A_1011 = arith.constant 96 : index
    %swap3A_1012 = tpu.vector_load %arg17[%swap3A_1010, %swap3A_1011] {strides = array<i32>} : memref<48x128xf32, #tpu.memory_space<vmem>>, vector<16xf32>,
    tpu.vector_store %arg17[%swap3A_1010, %swap3A_1011], %broadcast_in_dim3A_24 {strides = array<i32>} : memref<48x128xf32, #tpu.memory_space<vmem>>, vector<16xf32>,
    %swap3A_1013 = arith.constant 22 : i32
    %swap3A_1014 = arith.index_cast %swap3A_1013 : i32 to index
    %swap3A_1015 = arith.constant 112 : index
    %swap3A_1016 = tpu.vector_load %arg17[%swap3A_1014, %swap3A_1015] {strides = array<i32>} : memref<48x128xf32, #tpu.memory_space<vmem>>, vector<16xf32>,
    tpu.vector_store %arg17[%swap3A_1014, %swap3A_1015], %broadcast_in_dim3A_24 {strides = array<i32>} : memref<48x128xf32, #tpu.memory_space<vmem>>, vector<16xf32>,
    %swap3A_1017 = arith.constant 23 : i32
    %swap3A_1018 = arith.index_cast %swap3A_1017 : i32 to index
    %swap3A_1019 = arith.constant 0 : index
    %swap3A_1020 = tpu.vector_load %arg17[%swap3A_1018, %swap3A_1019] {strides = array<i32>} : memref<48x128xf32, #tpu.memory_space<vmem>>, vector<16xf32>,
    tpu.vector_store %arg17[%swap3A_1018, %swap3A_1019], %broadcast_in_dim3A_24 {strides = array<i32>} : memref<48x128xf32, #tpu.memory_space<vmem>>, vector<16xf32>,
    %swap3A_1021 = arith.constant 23 : i32
    %swap3A_1022 = arith.index_cast %swap3A_1021 : i32 to index
    %swap3A_1023 = arith.constant 16 : index
    %swap3A_1024 = tpu.vector_load %arg17[%swap3A_1022, %swap3A_1023] {strides = array<i32>} : memref<48x128xf32, #tpu.memory_space<vmem>>, vector<16xf32>,
    tpu.vector_store %arg17[%swap3A_1022, %swap3A_1023], %broadcast_in_dim3A_24 {strides = array<i32>} : memref<48x128xf32, #tpu.memory_space<vmem>>, vector<16xf32>,
    %swap3A_1025 = arith.constant 23 : i32
    %swap3A_1026 = arith.index_cast %swap3A_1025 : i32 to index
    %swap3A_1027 = arith.constant 32 : index
    %swap3A_1028 = tpu.vector_load %arg17[%swap3A_1026, %swap3A_1027] {strides = array<i32>} : memref<48x128xf32, #tpu.memory_space<vmem>>, vector<16xf32>,
    tpu.vector_store %arg17[%swap3A_1026, %swap3A_1027], %broadcast_in_dim3A_24 {strides = array<i32>} : memref<48x128xf32, #tpu.memory_space<vmem>>, vector<16xf32>,
    %swap3A_1029 = arith.constant 23 : i32
    %swap3A_1030 = arith.index_cast %swap3A_1029 : i32 to index
    %swap3A_1031 = arith.constant 48 : index
    %swap3A_1032 = tpu.vector_load %arg17[%swap3A_1030, %swap3A_1031] {strides = array<i32>} : memref<48x128xf32, #tpu.memory_space<vmem>>, vector<16xf32>,
    tpu.vector_store %arg17[%swap3A_1030, %swap3A_1031], %broadcast_in_dim3A_24 {strides = array<i32>} : memref<48x128xf32, #tpu.memory_space<vmem>>, vector<16xf32>,
    %swap3A_1033 = arith.constant 23 : i32
    %swap3A_1034 = arith.index_cast %swap3A_1033 : i32 to index
    %swap3A_1035 = arith.constant 64 : index
    %swap3A_1036 = tpu.vector_load %arg17[%swap3A_1034, %swap3A_1035] {strides = array<i32>} : memref<48x128xf32, #tpu.memory_space<vmem>>, vector<16xf32>,
    tpu.vector_store %arg17[%swap3A_1034, %swap3A_1035], %broadcast_in_dim3A_24 {strides = array<i32>} : memref<48x128xf32, #tpu.memory_space<vmem>>, vector<16xf32>,
    %swap3A_1037 = arith.constant 23 : i32
    %swap3A_1038 = arith.index_cast %swap3A_1037 : i32 to index
    %swap3A_1039 = arith.constant 80 : index
    %swap3A_1040 = tpu.vector_load %arg17[%swap3A_1038, %swap3A_1039] {strides = array<i32>} : memref<48x128xf32, #tpu.memory_space<vmem>>, vector<16xf32>,
    tpu.vector_store %arg17[%swap3A_1038, %swap3A_1039], %broadcast_in_dim3A_24 {strides = array<i32>} : memref<48x128xf32, #tpu.memory_space<vmem>>, vector<16xf32>,
    %swap3A_1041 = arith.constant 23 : i32
    %swap3A_1042 = arith.index_cast %swap3A_1041 : i32 to index
    %swap3A_1043 = arith.constant 96 : index
    %swap3A_1044 = tpu.vector_load %arg17[%swap3A_1042, %swap3A_1043] {strides = array<i32>} : memref<48x128xf32, #tpu.memory_space<vmem>>, vector<16xf32>,
    tpu.vector_store %arg17[%swap3A_1042, %swap3A_1043], %broadcast_in_dim3A_24 {strides = array<i32>} : memref<48x128xf32, #tpu.memory_space<vmem>>, vector<16xf32>,
    %swap3A_1045 = arith.constant 23 : i32
    %swap3A_1046 = arith.index_cast %swap3A_1045 : i32 to index
    %swap3A_1047 = arith.constant 112 : index
    %swap3A_1048 = tpu.vector_load %arg17[%swap3A_1046, %swap3A_1047] {strides = array<i32>} : memref<48x128xf32, #tpu.memory_space<vmem>>, vector<16xf32>,
    tpu.vector_store %arg17[%swap3A_1046, %swap3A_1047], %broadcast_in_dim3A_24 {strides = array<i32>} : memref<48x128xf32, #tpu.memory_space<vmem>>, vector<16xf32>,
    %swap3A_1049 = arith.constant 24 : i32
    %swap3A_1050 = arith.index_cast %swap3A_1049 : i32 to index
    %swap3A_1051 = arith.constant 0 : index
    %swap3A_1052 = tpu.vector_load %arg17[%swap3A_1050, %swap3A_1051] {strides = array<i32>} : memref<48x128xf32, #tpu.memory_space<vmem>>, vector<16xf32>,
    tpu.vector_store %arg17[%swap3A_1050, %swap3A_1051], %broadcast_in_dim3A_24 {strides = array<i32>} : memref<48x128xf32, #tpu.memory_space<vmem>>, vector<16xf32>,
    %swap3A_1053 = arith.constant 24 : i32
    %swap3A_1054 = arith.index_cast %swap3A_1053 : i32 to index
    %swap3A_1055 = arith.constant 16 : index
    %swap3A_1056 = tpu.vector_load %arg17[%swap3A_1054, %swap3A_1055] {strides = array<i32>} : memref<48x128xf32, #tpu.memory_space<vmem>>, vector<16xf32>,
    tpu.vector_store %arg17[%swap3A_1054, %swap3A_1055], %broadcast_in_dim3A_24 {strides = array<i32>} : memref<48x128xf32, #tpu.memory_space<vmem>>, vector<16xf32>,
    %swap3A_1057 = arith.constant 24 : i32
    %swap3A_1058 = arith.index_cast %swap3A_1057 : i32 to index
    %swap3A_1059 = arith.constant 32 : index
    %swap3A_1060 = tpu.vector_load %arg17[%swap3A_1058, %swap3A_1059] {strides = array<i32>} : memref<48x128xf32, #tpu.memory_space<vmem>>, vector<16xf32>,
    tpu.vector_store %arg17[%swap3A_1058, %swap3A_1059], %broadcast_in_dim3A_24 {strides = array<i32>} : memref<48x128xf32, #tpu.memory_space<vmem>>, vector<16xf32>,
    %swap3A_1061 = arith.constant 24 : i32
    %swap3A_1062 = arith.index_cast %swap3A_1061 : i32 to index
    %swap3A_1063 = arith.constant 48 : index
    %swap3A_1064 = tpu.vector_load %arg17[%swap3A_1062, %swap3A_1063] {strides = array<i32>} : memref<48x128xf32, #tpu.memory_space<vmem>>, vector<16xf32>,
    tpu.vector_store %arg17[%swap3A_1062, %swap3A_1063], %broadcast_in_dim3A_24 {strides = array<i32>} : memref<48x128xf32, #tpu.memory_space<vmem>>, vector<16xf32>,
    %swap3A_1065 = arith.constant 24 : i32
    %swap3A_1066 = arith.index_cast %swap3A_1065 : i32 to index
    %swap3A_1067 = arith.constant 64 : index
    %swap3A_1068 = tpu.vector_load %arg17[%swap3A_1066, %swap3A_1067] {strides = array<i32>} : memref<48x128xf32, #tpu.memory_space<vmem>>, vector<16xf32>,
    tpu.vector_store %arg17[%swap3A_1066, %swap3A_1067], %broadcast_in_dim3A_24 {strides = array<i32>} : memref<48x128xf32, #tpu.memory_space<vmem>>, vector<16xf32>,
    %swap3A_1069 = arith.constant 24 : i32
    %swap3A_1070 = arith.index_cast %swap3A_1069 : i32 to index
    %swap3A_1071 = arith.constant 80 : index
    %swap3A_1072 = tpu.vector_load %arg17[%swap3A_1070, %swap3A_1071] {strides = array<i32>} : memref<48x128xf32, #tpu.memory_space<vmem>>, vector<16xf32>,
    tpu.vector_store %arg17[%swap3A_1070, %swap3A_1071], %broadcast_in_dim3A_24 {strides = array<i32>} : memref<48x128xf32, #tpu.memory_space<vmem>>, vector<16xf32>,
    %swap3A_1073 = arith.constant 24 : i32
    %swap3A_1074 = arith.index_cast %swap3A_1073 : i32 to index
    %swap3A_1075 = arith.constant 96 : index
    %swap3A_1076 = tpu.vector_load %arg17[%swap3A_1074, %swap3A_1075] {strides = array<i32>} : memref<48x128xf32, #tpu.memory_space<vmem>>, vector<16xf32>,
    tpu.vector_store %arg17[%swap3A_1074, %swap3A_1075], %broadcast_in_dim3A_24 {strides = array<i32>} : memref<48x128xf32, #tpu.memory_space<vmem>>, vector<16xf32>,
    %swap3A_1077 = arith.constant 24 : i32
    %swap3A_1078 = arith.index_cast %swap3A_1077 : i32 to index
    %swap3A_1079 = arith.constant 112 : index
    %swap3A_1080 = tpu.vector_load %arg17[%swap3A_1078, %swap3A_1079] {strides = array<i32>} : memref<48x128xf32, #tpu.memory_space<vmem>>, vector<16xf32>,
    tpu.vector_store %arg17[%swap3A_1078, %swap3A_1079], %broadcast_in_dim3A_24 {strides = array<i32>} : memref<48x128xf32, #tpu.memory_space<vmem>>, vector<16xf32>,
    %swap3A_1081 = arith.constant 25 : i32
    %swap3A_1082 = arith.index_cast %swap3A_1081 : i32 to index
    %swap3A_1083 = arith.constant 0 : index
    %swap3A_1084 = tpu.vector_load %arg17[%swap3A_1082, %swap3A_1083] {strides = array<i32>} : memref<48x128xf32, #tpu.memory_space<vmem>>, vector<16xf32>,
    tpu.vector_store %arg17[%swap3A_1082, %swap3A_1083], %broadcast_in_dim3A_24 {strides = array<i32>} : memref<48x128xf32, #tpu.memory_space<vmem>>, vector<16xf32>,
    %swap3A_1085 = arith.constant 25 : i32
    %swap3A_1086 = arith.index_cast %swap3A_1085 : i32 to index
    %swap3A_1087 = arith.constant 16 : index
    %swap3A_1088 = tpu.vector_load %arg17[%swap3A_1086, %swap3A_1087] {strides = array<i32>} : memref<48x128xf32, #tpu.memory_space<vmem>>, vector<16xf32>,
    tpu.vector_store %arg17[%swap3A_1086, %swap3A_1087], %broadcast_in_dim3A_24 {strides = array<i32>} : memref<48x128xf32, #tpu.memory_space<vmem>>, vector<16xf32>,
    %swap3A_1089 = arith.constant 25 : i32
    %swap3A_1090 = arith.index_cast %swap3A_1089 : i32 to index
    %swap3A_1091 = arith.constant 32 : index
    %swap3A_1092 = tpu.vector_load %arg17[%swap3A_1090, %swap3A_1091] {strides = array<i32>} : memref<48x128xf32, #tpu.memory_space<vmem>>, vector<16xf32>,
    tpu.vector_store %arg17[%swap3A_1090, %swap3A_1091], %broadcast_in_dim3A_24 {strides = array<i32>} : memref<48x128xf32, #tpu.memory_space<vmem>>, vector<16xf32>,
    %swap3A_1093 = arith.constant 25 : i32
    %swap3A_1094 = arith.index_cast %swap3A_1093 : i32 to index
    %swap3A_1095 = arith.constant 48 : index
    %swap3A_1096 = tpu.vector_load %arg17[%swap3A_1094, %swap3A_1095] {strides = array<i32>} : memref<48x128xf32, #tpu.memory_space<vmem>>, vector<16xf32>,
    tpu.vector_store %arg17[%swap3A_1094, %swap3A_1095], %broadcast_in_dim3A_24 {strides = array<i32>} : memref<48x128xf32, #tpu.memory_space<vmem>>, vector<16xf32>,
    %swap3A_1097 = arith.constant 25 : i32
    %swap3A_1098 = arith.index_cast %swap3A_1097 : i32 to index
    %swap3A_1099 = arith.constant 64 : index
    %swap3A_1100 = tpu.vector_load %arg17[%swap3A_1098, %swap3A_1099] {strides = array<i32>} : memref<48x128xf32, #tpu.memory_space<vmem>>, vector<16xf32>,
    tpu.vector_store %arg17[%swap3A_1098, %swap3A_1099], %broadcast_in_dim3A_24 {strides = array<i32>} : memref<48x128xf32, #tpu.memory_space<vmem>>, vector<16xf32>,
    %swap3A_1101 = arith.constant 25 : i32
    %swap3A_1102 = arith.index_cast %swap3A_1101 : i32 to index
    %swap3A_1103 = arith.constant 80 : index
    %swap3A_1104 = tpu.vector_load %arg17[%swap3A_1102, %swap3A_1103] {strides = array<i32>} : memref<48x128xf32, #tpu.memory_space<vmem>>, vector<16xf32>,
    tpu.vector_store %arg17[%swap3A_1102, %swap3A_1103], %broadcast_in_dim3A_24 {strides = array<i32>} : memref<48x128xf32, #tpu.memory_space<vmem>>, vector<16xf32>,
    %swap3A_1105 = arith.constant 25 : i32
    %swap3A_1106 = arith.index_cast %swap3A_1105 : i32 to index
    %swap3A_1107 = arith.constant 96 : index
    %swap3A_1108 = tpu.vector_load %arg17[%swap3A_1106, %swap3A_1107] {strides = array<i32>} : memref<48x128xf32, #tpu.memory_space<vmem>>, vector<16xf32>,
    tpu.vector_store %arg17[%swap3A_1106, %swap3A_1107], %broadcast_in_dim3A_24 {strides = array<i32>} : memref<48x128xf32, #tpu.memory_space<vmem>>, vector<16xf32>,
    %swap3A_1109 = arith.constant 25 : i32
    %swap3A_1110 = arith.index_cast %swap3A_1109 : i32 to index
    %swap3A_1111 = arith.constant 112 : index
    %swap3A_1112 = tpu.vector_load %arg17[%swap3A_1110, %swap3A_1111] {strides = array<i32>} : memref<48x128xf32, #tpu.memory_space<vmem>>, vector<16xf32>,
    tpu.vector_store %arg17[%swap3A_1110, %swap3A_1111], %broadcast_in_dim3A_24 {strides = array<i32>} : memref<48x128xf32, #tpu.memory_space<vmem>>, vector<16xf32>,
    %swap3A_1113 = arith.constant 26 : i32
    %swap3A_1114 = arith.index_cast %swap3A_1113 : i32 to index
    %swap3A_1115 = arith.constant 0 : index
    %swap3A_1116 = tpu.vector_load %arg17[%swap3A_1114, %swap3A_1115] {strides = array<i32>} : memref<48x128xf32, #tpu.memory_space<vmem>>, vector<16xf32>,
    tpu.vector_store %arg17[%swap3A_1114, %swap3A_1115], %broadcast_in_dim3A_24 {strides = array<i32>} : memref<48x128xf32, #tpu.memory_space<vmem>>, vector<16xf32>,
    %swap3A_1117 = arith.constant 26 : i32
    %swap3A_1118 = arith.index_cast %swap3A_1117 : i32 to index
    %swap3A_1119 = arith.constant 16 : index
    %swap3A_1120 = tpu.vector_load %arg17[%swap3A_1118, %swap3A_1119] {strides = array<i32>} : memref<48x128xf32, #tpu.memory_space<vmem>>, vector<16xf32>,
    tpu.vector_store %arg17[%swap3A_1118, %swap3A_1119], %broadcast_in_dim3A_24 {strides = array<i32>} : memref<48x128xf32, #tpu.memory_space<vmem>>, vector<16xf32>,
    %swap3A_1121 = arith.constant 26 : i32
    %swap3A_1122 = arith.index_cast %swap3A_1121 : i32 to index
    %swap3A_1123 = arith.constant 32 : index
    %swap3A_1124 = tpu.vector_load %arg17[%swap3A_1122, %swap3A_1123] {strides = array<i32>} : memref<48x128xf32, #tpu.memory_space<vmem>>, vector<16xf32>,
    tpu.vector_store %arg17[%swap3A_1122, %swap3A_1123], %broadcast_in_dim3A_24 {strides = array<i32>} : memref<48x128xf32, #tpu.memory_space<vmem>>, vector<16xf32>,
    %swap3A_1125 = arith.constant 26 : i32
    %swap3A_1126 = arith.index_cast %swap3A_1125 : i32 to index
    %swap3A_1127 = arith.constant 48 : index
    %swap3A_1128 = tpu.vector_load %arg17[%swap3A_1126, %swap3A_1127] {strides = array<i32>} : memref<48x128xf32, #tpu.memory_space<vmem>>, vector<16xf32>,
    tpu.vector_store %arg17[%swap3A_1126, %swap3A_1127], %broadcast_in_dim3A_24 {strides = array<i32>} : memref<48x128xf32, #tpu.memory_space<vmem>>, vector<16xf32>,
    %swap3A_1129 = arith.constant 26 : i32
    %swap3A_1130 = arith.index_cast %swap3A_1129 : i32 to index
    %swap3A_1131 = arith.constant 64 : index
    %swap3A_1132 = tpu.vector_load %arg17[%swap3A_1130, %swap3A_1131] {strides = array<i32>} : memref<48x128xf32, #tpu.memory_space<vmem>>, vector<16xf32>,
    tpu.vector_store %arg17[%swap3A_1130, %swap3A_1131], %broadcast_in_dim3A_24 {strides = array<i32>} : memref<48x128xf32, #tpu.memory_space<vmem>>, vector<16xf32>,
    %swap3A_1133 = arith.constant 26 : i32
    %swap3A_1134 = arith.index_cast %swap3A_1133 : i32 to index
    %swap3A_1135 = arith.constant 80 : index
    %swap3A_1136 = tpu.vector_load %arg17[%swap3A_1134, %swap3A_1135] {strides = array<i32>} : memref<48x128xf32, #tpu.memory_space<vmem>>, vector<16xf32>,
    tpu.vector_store %arg17[%swap3A_1134, %swap3A_1135], %broadcast_in_dim3A_24 {strides = array<i32>} : memref<48x128xf32, #tpu.memory_space<vmem>>, vector<16xf32>,
    %swap3A_1137 = arith.constant 26 : i32
    %swap3A_1138 = arith.index_cast %swap3A_1137 : i32 to index
    %swap3A_1139 = arith.constant 96 : index
    %swap3A_1140 = tpu.vector_load %arg17[%swap3A_1138, %swap3A_1139] {strides = array<i32>} : memref<48x128xf32, #tpu.memory_space<vmem>>, vector<16xf32>,
    tpu.vector_store %arg17[%swap3A_1138, %swap3A_1139], %broadcast_in_dim3A_24 {strides = array<i32>} : memref<48x128xf32, #tpu.memory_space<vmem>>, vector<16xf32>,
    %swap3A_1141 = arith.constant 26 : i32
    %swap3A_1142 = arith.index_cast %swap3A_1141 : i32 to index
    %swap3A_1143 = arith.constant 112 : index
    %swap3A_1144 = tpu.vector_load %arg17[%swap3A_1142, %swap3A_1143] {strides = array<i32>} : memref<48x128xf32, #tpu.memory_space<vmem>>, vector<16xf32>,
    tpu.vector_store %arg17[%swap3A_1142, %swap3A_1143], %broadcast_in_dim3A_24 {strides = array<i32>} : memref<48x128xf32, #tpu.memory_space<vmem>>, vector<16xf32>,
    %swap3A_1145 = arith.constant 27 : i32
    %swap3A_1146 = arith.index_cast %swap3A_1145 : i32 to index
    %swap3A_1147 = arith.constant 0 : index
    %swap3A_1148 = tpu.vector_load %arg17[%swap3A_1146, %swap3A_1147] {strides = array<i32>} : memref<48x128xf32, #tpu.memory_space<vmem>>, vector<16xf32>,
    tpu.vector_store %arg17[%swap3A_1146, %swap3A_1147], %broadcast_in_dim3A_24 {strides = array<i32>} : memref<48x128xf32, #tpu.memory_space<vmem>>, vector<16xf32>,
    %swap3A_1149 = arith.constant 27 : i32
    %swap3A_1150 = arith.index_cast %swap3A_1149 : i32 to index
    %swap3A_1151 = arith.constant 16 : index
    %swap3A_1152 = tpu.vector_load %arg17[%swap3A_1150, %swap3A_1151] {strides = array<i32>} : memref<48x128xf32, #tpu.memory_space<vmem>>, vector<16xf32>,
    tpu.vector_store %arg17[%swap3A_1150, %swap3A_1151], %broadcast_in_dim3A_24 {strides = array<i32>} : memref<48x128xf32, #tpu.memory_space<vmem>>, vector<16xf32>,
    %swap3A_1153 = arith.constant 27 : i32
    %swap3A_1154 = arith.index_cast %swap3A_1153 : i32 to index
    %swap3A_1155 = arith.constant 32 : index
    %swap3A_1156 = tpu.vector_load %arg17[%swap3A_1154, %swap3A_1155] {strides = array<i32>} : memref<48x128xf32, #tpu.memory_space<vmem>>, vector<16xf32>,
    tpu.vector_store %arg17[%swap3A_1154, %swap3A_1155], %broadcast_in_dim3A_24 {strides = array<i32>} : memref<48x128xf32, #tpu.memory_space<vmem>>, vector<16xf32>,
    %swap3A_1157 = arith.constant 27 : i32
    %swap3A_1158 = arith.index_cast %swap3A_1157 : i32 to index
    %swap3A_1159 = arith.constant 48 : index
    %swap3A_1160 = tpu.vector_load %arg17[%swap3A_1158, %swap3A_1159] {strides = array<i32>} : memref<48x128xf32, #tpu.memory_space<vmem>>, vector<16xf32>,
    tpu.vector_store %arg17[%swap3A_1158, %swap3A_1159], %broadcast_in_dim3A_24 {strides = array<i32>} : memref<48x128xf32, #tpu.memory_space<vmem>>, vector<16xf32>,
    %swap3A_1161 = arith.constant 27 : i32
    %swap3A_1162 = arith.index_cast %swap3A_1161 : i32 to index
    %swap3A_1163 = arith.constant 64 : index
    %swap3A_1164 = tpu.vector_load %arg17[%swap3A_1162, %swap3A_1163] {strides = array<i32>} : memref<48x128xf32, #tpu.memory_space<vmem>>, vector<16xf32>,
    tpu.vector_store %arg17[%swap3A_1162, %swap3A_1163], %broadcast_in_dim3A_24 {strides = array<i32>} : memref<48x128xf32, #tpu.memory_space<vmem>>, vector<16xf32>,
    %swap3A_1165 = arith.constant 27 : i32
    %swap3A_1166 = arith.index_cast %swap3A_1165 : i32 to index
    %swap3A_1167 = arith.constant 80 : index
    %swap3A_1168 = tpu.vector_load %arg17[%swap3A_1166, %swap3A_1167] {strides = array<i32>} : memref<48x128xf32, #tpu.memory_space<vmem>>, vector<16xf32>,
    tpu.vector_store %arg17[%swap3A_1166, %swap3A_1167], %broadcast_in_dim3A_24 {strides = array<i32>} : memref<48x128xf32, #tpu.memory_space<vmem>>, vector<16xf32>,
    %swap3A_1169 = arith.constant 27 : i32
    %swap3A_1170 = arith.index_cast %swap3A_1169 : i32 to index
    %swap3A_1171 = arith.constant 96 : index
    %swap3A_1172 = tpu.vector_load %arg17[%swap3A_1170, %swap3A_1171] {strides = array<i32>} : memref<48x128xf32, #tpu.memory_space<vmem>>, vector<16xf32>,
    tpu.vector_store %arg17[%swap3A_1170, %swap3A_1171], %broadcast_in_dim3A_24 {strides = array<i32>} : memref<48x128xf32, #tpu.memory_space<vmem>>, vector<16xf32>,
    %swap3A_1173 = arith.constant 27 : i32
    %swap3A_1174 = arith.index_cast %swap3A_1173 : i32 to index
    %swap3A_1175 = arith.constant 112 : index
    %swap3A_1176 = tpu.vector_load %arg17[%swap3A_1174, %swap3A_1175] {strides = array<i32>} : memref<48x128xf32, #tpu.memory_space<vmem>>, vector<16xf32>,
    tpu.vector_store %arg17[%swap3A_1174, %swap3A_1175], %broadcast_in_dim3A_24 {strides = array<i32>} : memref<48x128xf32, #tpu.memory_space<vmem>>, vector<16xf32>,
    %swap3A_1177 = arith.constant 28 : i32
    %swap3A_1178 = arith.index_cast %swap3A_1177 : i32 to index
    %swap3A_1179 = arith.constant 0 : index
    %swap3A_1180 = tpu.vector_load %arg17[%swap3A_1178, %swap3A_1179] {strides = array<i32>} : memref<48x128xf32, #tpu.memory_space<vmem>>, vector<16xf32>,
    tpu.vector_store %arg17[%swap3A_1178, %swap3A_1179], %broadcast_in_dim3A_24 {strides = array<i32>} : memref<48x128xf32, #tpu.memory_space<vmem>>, vector<16xf32>,
    %swap3A_1181 = arith.constant 28 : i32
    %swap3A_1182 = arith.index_cast %swap3A_1181 : i32 to index
    %swap3A_1183 = arith.constant 16 : index
    %swap3A_1184 = tpu.vector_load %arg17[%swap3A_1182, %swap3A_1183] {strides = array<i32>} : memref<48x128xf32, #tpu.memory_space<vmem>>, vector<16xf32>,
    tpu.vector_store %arg17[%swap3A_1182, %swap3A_1183], %broadcast_in_dim3A_24 {strides = array<i32>} : memref<48x128xf32, #tpu.memory_space<vmem>>, vector<16xf32>,
    %swap3A_1185 = arith.constant 28 : i32
    %swap3A_1186 = arith.index_cast %swap3A_1185 : i32 to index
    %swap3A_1187 = arith.constant 32 : index
    %swap3A_1188 = tpu.vector_load %arg17[%swap3A_1186, %swap3A_1187] {strides = array<i32>} : memref<48x128xf32, #tpu.memory_space<vmem>>, vector<16xf32>,
    tpu.vector_store %arg17[%swap3A_1186, %swap3A_1187], %broadcast_in_dim3A_24 {strides = array<i32>} : memref<48x128xf32, #tpu.memory_space<vmem>>, vector<16xf32>,
    %swap3A_1189 = arith.constant 28 : i32
    %swap3A_1190 = arith.index_cast %swap3A_1189 : i32 to index
    %swap3A_1191 = arith.constant 48 : index
    %swap3A_1192 = tpu.vector_load %arg17[%swap3A_1190, %swap3A_1191] {strides = array<i32>} : memref<48x128xf32, #tpu.memory_space<vmem>>, vector<16xf32>,
    tpu.vector_store %arg17[%swap3A_1190, %swap3A_1191], %broadcast_in_dim3A_24 {strides = array<i32>} : memref<48x128xf32, #tpu.memory_space<vmem>>, vector<16xf32>,
    %swap3A_1193 = arith.constant 28 : i32
    %swap3A_1194 = arith.index_cast %swap3A_1193 : i32 to index
    %swap3A_1195 = arith.constant 64 : index
    %swap3A_1196 = tpu.vector_load %arg17[%swap3A_1194, %swap3A_1195] {strides = array<i32>} : memref<48x128xf32, #tpu.memory_space<vmem>>, vector<16xf32>,
    tpu.vector_store %arg17[%swap3A_1194, %swap3A_1195], %broadcast_in_dim3A_24 {strides = array<i32>} : memref<48x128xf32, #tpu.memory_space<vmem>>, vector<16xf32>,
    %swap3A_1197 = arith.constant 28 : i32
    %swap3A_1198 = arith.index_cast %swap3A_1197 : i32 to index
    %swap3A_1199 = arith.constant 80 : index
    %swap3A_1200 = tpu.vector_load %arg17[%swap3A_1198, %swap3A_1199] {strides = array<i32>} : memref<48x128xf32, #tpu.memory_space<vmem>>, vector<16xf32>,
    tpu.vector_store %arg17[%swap3A_1198, %swap3A_1199], %broadcast_in_dim3A_24 {strides = array<i32>} : memref<48x128xf32, #tpu.memory_space<vmem>>, vector<16xf32>,
    %swap3A_1201 = arith.constant 28 : i32
    %swap3A_1202 = arith.index_cast %swap3A_1201 : i32 to index
    %swap3A_1203 = arith.constant 96 : index
    %swap3A_1204 = tpu.vector_load %arg17[%swap3A_1202, %swap3A_1203] {strides = array<i32>} : memref<48x128xf32, #tpu.memory_space<vmem>>, vector<16xf32>,
    tpu.vector_store %arg17[%swap3A_1202, %swap3A_1203], %broadcast_in_dim3A_24 {strides = array<i32>} : memref<48x128xf32, #tpu.memory_space<vmem>>, vector<16xf32>,
    %swap3A_1205 = arith.constant 28 : i32
    %swap3A_1206 = arith.index_cast %swap3A_1205 : i32 to index
    %swap3A_1207 = arith.constant 112 : index
    %swap3A_1208 = tpu.vector_load %arg17[%swap3A_1206, %swap3A_1207] {strides = array<i32>} : memref<48x128xf32, #tpu.memory_space<vmem>>, vector<16xf32>,
    tpu.vector_store %arg17[%swap3A_1206, %swap3A_1207], %broadcast_in_dim3A_24 {strides = array<i32>} : memref<48x128xf32, #tpu.memory_space<vmem>>, vector<16xf32>,
    %swap3A_1209 = arith.constant 29 : i32
    %swap3A_1210 = arith.index_cast %swap3A_1209 : i32 to index
    %swap3A_1211 = arith.constant 0 : index
    %swap3A_1212 = tpu.vector_load %arg17[%swap3A_1210, %swap3A_1211] {strides = array<i32>} : memref<48x128xf32, #tpu.memory_space<vmem>>, vector<16xf32>,
    tpu.vector_store %arg17[%swap3A_1210, %swap3A_1211], %broadcast_in_dim3A_24 {strides = array<i32>} : memref<48x128xf32, #tpu.memory_space<vmem>>, vector<16xf32>,
    %swap3A_1213 = arith.constant 29 : i32
    %swap3A_1214 = arith.index_cast %swap3A_1213 : i32 to index
    %swap3A_1215 = arith.constant 16 : index
    %swap3A_1216 = tpu.vector_load %arg17[%swap3A_1214, %swap3A_1215] {strides = array<i32>} : memref<48x128xf32, #tpu.memory_space<vmem>>, vector<16xf32>,
    tpu.vector_store %arg17[%swap3A_1214, %swap3A_1215], %broadcast_in_dim3A_24 {strides = array<i32>} : memref<48x128xf32, #tpu.memory_space<vmem>>, vector<16xf32>,
    %swap3A_1217 = arith.constant 29 : i32
    %swap3A_1218 = arith.index_cast %swap3A_1217 : i32 to index
    %swap3A_1219 = arith.constant 32 : index
    %swap3A_1220 = tpu.vector_load %arg17[%swap3A_1218, %swap3A_1219] {strides = array<i32>} : memref<48x128xf32, #tpu.memory_space<vmem>>, vector<16xf32>,
    tpu.vector_store %arg17[%swap3A_1218, %swap3A_1219], %broadcast_in_dim3A_24 {strides = array<i32>} : memref<48x128xf32, #tpu.memory_space<vmem>>, vector<16xf32>,
    %swap3A_1221 = arith.constant 29 : i32
    %swap3A_1222 = arith.index_cast %swap3A_1221 : i32 to index
    %swap3A_1223 = arith.constant 48 : index
    %swap3A_1224 = tpu.vector_load %arg17[%swap3A_1222, %swap3A_1223] {strides = array<i32>} : memref<48x128xf32, #tpu.memory_space<vmem>>, vector<16xf32>,
    tpu.vector_store %arg17[%swap3A_1222, %swap3A_1223], %broadcast_in_dim3A_24 {strides = array<i32>} : memref<48x128xf32, #tpu.memory_space<vmem>>, vector<16xf32>,
    %swap3A_1225 = arith.constant 29 : i32
    %swap3A_1226 = arith.index_cast %swap3A_1225 : i32 to index
    %swap3A_1227 = arith.constant 64 : index
    %swap3A_1228 = tpu.vector_load %arg17[%swap3A_1226, %swap3A_1227] {strides = array<i32>} : memref<48x128xf32, #tpu.memory_space<vmem>>, vector<16xf32>,
    tpu.vector_store %arg17[%swap3A_1226, %swap3A_1227], %broadcast_in_dim3A_24 {strides = array<i32>} : memref<48x128xf32, #tpu.memory_space<vmem>>, vector<16xf32>,
    %swap3A_1229 = arith.constant 29 : i32
    %swap3A_1230 = arith.index_cast %swap3A_1229 : i32 to index
    %swap3A_1231 = arith.constant 80 : index
    %swap3A_1232 = tpu.vector_load %arg17[%swap3A_1230, %swap3A_1231] {strides = array<i32>} : memref<48x128xf32, #tpu.memory_space<vmem>>, vector<16xf32>,
    tpu.vector_store %arg17[%swap3A_1230, %swap3A_1231], %broadcast_in_dim3A_24 {strides = array<i32>} : memref<48x128xf32, #tpu.memory_space<vmem>>, vector<16xf32>,
    %swap3A_1233 = arith.constant 29 : i32
    %swap3A_1234 = arith.index_cast %swap3A_1233 : i32 to index
    %swap3A_1235 = arith.constant 96 : index
    %swap3A_1236 = tpu.vector_load %arg17[%swap3A_1234, %swap3A_1235] {strides = array<i32>} : memref<48x128xf32, #tpu.memory_space<vmem>>, vector<16xf32>,
    tpu.vector_store %arg17[%swap3A_1234, %swap3A_1235], %broadcast_in_dim3A_24 {strides = array<i32>} : memref<48x128xf32, #tpu.memory_space<vmem>>, vector<16xf32>,
    %swap3A_1237 = arith.constant 29 : i32
    %swap3A_1238 = arith.index_cast %swap3A_1237 : i32 to index
    %swap3A_1239 = arith.constant 112 : index
    %swap3A_1240 = tpu.vector_load %arg17[%swap3A_1238, %swap3A_1239] {strides = array<i32>} : memref<48x128xf32, #tpu.memory_space<vmem>>, vector<16xf32>,
    tpu.vector_store %arg17[%swap3A_1238, %swap3A_1239], %broadcast_in_dim3A_24 {strides = array<i32>} : memref<48x128xf32, #tpu.memory_space<vmem>>, vector<16xf32>,
    %swap3A_1241 = arith.constant 30 : i32
    %swap3A_1242 = arith.index_cast %swap3A_1241 : i32 to index
    %swap3A_1243 = arith.constant 0 : index
    %swap3A_1244 = tpu.vector_load %arg17[%swap3A_1242, %swap3A_1243] {strides = array<i32>} : memref<48x128xf32, #tpu.memory_space<vmem>>, vector<16xf32>,
    tpu.vector_store %arg17[%swap3A_1242, %swap3A_1243], %broadcast_in_dim3A_24 {strides = array<i32>} : memref<48x128xf32, #tpu.memory_space<vmem>>, vector<16xf32>,
    %swap3A_1245 = arith.constant 30 : i32
    %swap3A_1246 = arith.index_cast %swap3A_1245 : i32 to index
    %swap3A_1247 = arith.constant 16 : index
    %swap3A_1248 = tpu.vector_load %arg17[%swap3A_1246, %swap3A_1247] {strides = array<i32>} : memref<48x128xf32, #tpu.memory_space<vmem>>, vector<16xf32>,
    tpu.vector_store %arg17[%swap3A_1246, %swap3A_1247], %broadcast_in_dim3A_24 {strides = array<i32>} : memref<48x128xf32, #tpu.memory_space<vmem>>, vector<16xf32>,
    %swap3A_1249 = arith.constant 30 : i32
    %swap3A_1250 = arith.index_cast %swap3A_1249 : i32 to index
    %swap3A_1251 = arith.constant 32 : index
    %swap3A_1252 = tpu.vector_load %arg17[%swap3A_1250, %swap3A_1251] {strides = array<i32>} : memref<48x128xf32, #tpu.memory_space<vmem>>, vector<16xf32>,
    tpu.vector_store %arg17[%swap3A_1250, %swap3A_1251], %broadcast_in_dim3A_24 {strides = array<i32>} : memref<48x128xf32, #tpu.memory_space<vmem>>, vector<16xf32>,
    %swap3A_1253 = arith.constant 30 : i32
    %swap3A_1254 = arith.index_cast %swap3A_1253 : i32 to index
    %swap3A_1255 = arith.constant 48 : index
    %swap3A_1256 = tpu.vector_load %arg17[%swap3A_1254, %swap3A_1255] {strides = array<i32>} : memref<48x128xf32, #tpu.memory_space<vmem>>, vector<16xf32>,
    tpu.vector_store %arg17[%swap3A_1254, %swap3A_1255], %broadcast_in_dim3A_24 {strides = array<i32>} : memref<48x128xf32, #tpu.memory_space<vmem>>, vector<16xf32>,
    %swap3A_1257 = arith.constant 30 : i32
    %swap3A_1258 = arith.index_cast %swap3A_1257 : i32 to index
    %swap3A_1259 = arith.constant 64 : index
    %swap3A_1260 = tpu.vector_load %arg17[%swap3A_1258, %swap3A_1259] {strides = array<i32>} : memref<48x128xf32, #tpu.memory_space<vmem>>, vector<16xf32>,
    tpu.vector_store %arg17[%swap3A_1258, %swap3A_1259], %broadcast_in_dim3A_24 {strides = array<i32>} : memref<48x128xf32, #tpu.memory_space<vmem>>, vector<16xf32>,
    %swap3A_1261 = arith.constant 30 : i32
    %swap3A_1262 = arith.index_cast %swap3A_1261 : i32 to index
    %swap3A_1263 = arith.constant 80 : index
    %swap3A_1264 = tpu.vector_load %arg17[%swap3A_1262, %swap3A_1263] {strides = array<i32>} : memref<48x128xf32, #tpu.memory_space<vmem>>, vector<16xf32>,
    tpu.vector_store %arg17[%swap3A_1262, %swap3A_1263], %broadcast_in_dim3A_24 {strides = array<i32>} : memref<48x128xf32, #tpu.memory_space<vmem>>, vector<16xf32>,
    %swap3A_1265 = arith.constant 30 : i32
    %swap3A_1266 = arith.index_cast %swap3A_1265 : i32 to index
    %swap3A_1267 = arith.constant 96 : index
    %swap3A_1268 = tpu.vector_load %arg17[%swap3A_1266, %swap3A_1267] {strides = array<i32>} : memref<48x128xf32, #tpu.memory_space<vmem>>, vector<16xf32>,
    tpu.vector_store %arg17[%swap3A_1266, %swap3A_1267], %broadcast_in_dim3A_24 {strides = array<i32>} : memref<48x128xf32, #tpu.memory_space<vmem>>, vector<16xf32>,
    %swap3A_1269 = arith.constant 30 : i32
    %swap3A_1270 = arith.index_cast %swap3A_1269 : i32 to index
    %swap3A_1271 = arith.constant 112 : index
    %swap3A_1272 = tpu.vector_load %arg17[%swap3A_1270, %swap3A_1271] {strides = array<i32>} : memref<48x128xf32, #tpu.memory_space<vmem>>, vector<16xf32>,
    tpu.vector_store %arg17[%swap3A_1270, %swap3A_1271], %broadcast_in_dim3A_24 {strides = array<i32>} : memref<48x128xf32, #tpu.memory_space<vmem>>, vector<16xf32>,
    %swap3A_1273 = arith.constant 31 : i32
    %swap3A_1274 = arith.index_cast %swap3A_1273 : i32 to index
    %swap3A_1275 = arith.constant 0 : index
    %swap3A_1276 = tpu.vector_load %arg17[%swap3A_1274, %swap3A_1275] {strides = array<i32>} : memref<48x128xf32, #tpu.memory_space<vmem>>, vector<16xf32>,
    tpu.vector_store %arg17[%swap3A_1274, %swap3A_1275], %broadcast_in_dim3A_24 {strides = array<i32>} : memref<48x128xf32, #tpu.memory_space<vmem>>, vector<16xf32>,
    %swap3A_1277 = arith.constant 31 : i32
    %swap3A_1278 = arith.index_cast %swap3A_1277 : i32 to index
    %swap3A_1279 = arith.constant 16 : index
    %swap3A_1280 = tpu.vector_load %arg17[%swap3A_1278, %swap3A_1279] {strides = array<i32>} : memref<48x128xf32, #tpu.memory_space<vmem>>, vector<16xf32>,
    tpu.vector_store %arg17[%swap3A_1278, %swap3A_1279], %broadcast_in_dim3A_24 {strides = array<i32>} : memref<48x128xf32, #tpu.memory_space<vmem>>, vector<16xf32>,
    %swap3A_1281 = arith.constant 31 : i32
    %swap3A_1282 = arith.index_cast %swap3A_1281 : i32 to index
    %swap3A_1283 = arith.constant 32 : index
    %swap3A_1284 = tpu.vector_load %arg17[%swap3A_1282, %swap3A_1283] {strides = array<i32>} : memref<48x128xf32, #tpu.memory_space<vmem>>, vector<16xf32>,
    tpu.vector_store %arg17[%swap3A_1282, %swap3A_1283], %broadcast_in_dim3A_24 {strides = array<i32>} : memref<48x128xf32, #tpu.memory_space<vmem>>, vector<16xf32>,
    %swap3A_1285 = arith.constant 31 : i32
    %swap3A_1286 = arith.index_cast %swap3A_1285 : i32 to index
    %swap3A_1287 = arith.constant 48 : index
    %swap3A_1288 = tpu.vector_load %arg17[%swap3A_1286, %swap3A_1287] {strides = array<i32>} : memref<48x128xf32, #tpu.memory_space<vmem>>, vector<16xf32>,
    tpu.vector_store %arg17[%swap3A_1286, %swap3A_1287], %broadcast_in_dim3A_24 {strides = array<i32>} : memref<48x128xf32, #tpu.memory_space<vmem>>, vector<16xf32>,
    %swap3A_1289 = arith.constant 31 : i32
    %swap3A_1290 = arith.index_cast %swap3A_1289 : i32 to index
    %swap3A_1291 = arith.constant 64 : index
    %swap3A_1292 = tpu.vector_load %arg17[%swap3A_1290, %swap3A_1291] {strides = array<i32>} : memref<48x128xf32, #tpu.memory_space<vmem>>, vector<16xf32>,
    tpu.vector_store %arg17[%swap3A_1290, %swap3A_1291], %broadcast_in_dim3A_24 {strides = array<i32>} : memref<48x128xf32, #tpu.memory_space<vmem>>, vector<16xf32>,
    %swap3A_1293 = arith.constant 31 : i32
    %swap3A_1294 = arith.index_cast %swap3A_1293 : i32 to index
    %swap3A_1295 = arith.constant 80 : index
    %swap3A_1296 = tpu.vector_load %arg17[%swap3A_1294, %swap3A_1295] {strides = array<i32>} : memref<48x128xf32, #tpu.memory_space<vmem>>, vector<16xf32>,
    tpu.vector_store %arg17[%swap3A_1294, %swap3A_1295], %broadcast_in_dim3A_24 {strides = array<i32>} : memref<48x128xf32, #tpu.memory_space<vmem>>, vector<16xf32>,
    %swap3A_1297 = arith.constant 31 : i32
    %swap3A_1298 = arith.index_cast %swap3A_1297 : i32 to index
    %swap3A_1299 = arith.constant 96 : index
    %swap3A_1300 = tpu.vector_load %arg17[%swap3A_1298, %swap3A_1299] {strides = array<i32>} : memref<48x128xf32, #tpu.memory_space<vmem>>, vector<16xf32>,
    tpu.vector_store %arg17[%swap3A_1298, %swap3A_1299], %broadcast_in_dim3A_24 {strides = array<i32>} : memref<48x128xf32, #tpu.memory_space<vmem>>, vector<16xf32>,
    %swap3A_1301 = arith.constant 31 : i32
    %swap3A_1302 = arith.index_cast %swap3A_1301 : i32 to index
    %swap3A_1303 = arith.constant 112 : index
    %swap3A_1304 = tpu.vector_load %arg17[%swap3A_1302, %swap3A_1303] {strides = array<i32>} : memref<48x128xf32, #tpu.memory_space<vmem>>, vector<16xf32>,
    tpu.vector_store %arg17[%swap3A_1302, %swap3A_1303], %broadcast_in_dim3A_24 {strides = array<i32>} : memref<48x128xf32, #tpu.memory_space<vmem>>, vector<16xf32>,
    %swap3A_1305 = arith.constant 32 : i32
    %swap3A_1306 = arith.index_cast %swap3A_1305 : i32 to index
    %swap3A_1307 = arith.constant 0 : index
    %swap3A_1308 = tpu.vector_load %arg17[%swap3A_1306, %swap3A_1307] {strides = array<i32>} : memref<48x128xf32, #tpu.memory_space<vmem>>, vector<16xf32>,
    tpu.vector_store %arg17[%swap3A_1306, %swap3A_1307], %broadcast_in_dim3A_24 {strides = array<i32>} : memref<48x128xf32, #tpu.memory_space<vmem>>, vector<16xf32>,
    %swap3A_1309 = arith.constant 32 : i32
    %swap3A_1310 = arith.index_cast %swap3A_1309 : i32 to index
    %swap3A_1311 = arith.constant 16 : index
    %swap3A_1312 = tpu.vector_load %arg17[%swap3A_1310, %swap3A_1311] {strides = array<i32>} : memref<48x128xf32, #tpu.memory_space<vmem>>, vector<16xf32>,
    tpu.vector_store %arg17[%swap3A_1310, %swap3A_1311], %broadcast_in_dim3A_24 {strides = array<i32>} : memref<48x128xf32, #tpu.memory_space<vmem>>, vector<16xf32>,
    %swap3A_1313 = arith.constant 32 : i32
    %swap3A_1314 = arith.index_cast %swap3A_1313 : i32 to index
    %swap3A_1315 = arith.constant 32 : index
    %swap3A_1316 = tpu.vector_load %arg17[%swap3A_1314, %swap3A_1315] {strides = array<i32>} : memref<48x128xf32, #tpu.memory_space<vmem>>, vector<16xf32>,
    tpu.vector_store %arg17[%swap3A_1314, %swap3A_1315], %broadcast_in_dim3A_24 {strides = array<i32>} : memref<48x128xf32, #tpu.memory_space<vmem>>, vector<16xf32>,
    %swap3A_1317 = arith.constant 32 : i32
    %swap3A_1318 = arith.index_cast %swap3A_1317 : i32 to index
    %swap3A_1319 = arith.constant 48 : index
    %swap3A_1320 = tpu.vector_load %arg17[%swap3A_1318, %swap3A_1319] {strides = array<i32>} : memref<48x128xf32, #tpu.memory_space<vmem>>, vector<16xf32>,
    tpu.vector_store %arg17[%swap3A_1318, %swap3A_1319], %broadcast_in_dim3A_24 {strides = array<i32>} : memref<48x128xf32, #tpu.memory_space<vmem>>, vector<16xf32>,
    %swap3A_1321 = arith.constant 32 : i32
    %swap3A_1322 = arith.index_cast %swap3A_1321 : i32 to index
    %swap3A_1323 = arith.constant 64 : index
    %swap3A_1324 = tpu.vector_load %arg17[%swap3A_1322, %swap3A_1323] {strides = array<i32>} : memref<48x128xf32, #tpu.memory_space<vmem>>, vector<16xf32>,
    tpu.vector_store %arg17[%swap3A_1322, %swap3A_1323], %broadcast_in_dim3A_24 {strides = array<i32>} : memref<48x128xf32, #tpu.memory_space<vmem>>, vector<16xf32>,
    %swap3A_1325 = arith.constant 32 : i32
    %swap3A_1326 = arith.index_cast %swap3A_1325 : i32 to index
    %swap3A_1327 = arith.constant 80 : index
    %swap3A_1328 = tpu.vector_load %arg17[%swap3A_1326, %swap3A_1327] {strides = array<i32>} : memref<48x128xf32, #tpu.memory_space<vmem>>, vector<16xf32>,
    tpu.vector_store %arg17[%swap3A_1326, %swap3A_1327], %broadcast_in_dim3A_24 {strides = array<i32>} : memref<48x128xf32, #tpu.memory_space<vmem>>, vector<16xf32>,
    %swap3A_1329 = arith.constant 32 : i32
    %swap3A_1330 = arith.index_cast %swap3A_1329 : i32 to index
    %swap3A_1331 = arith.constant 96 : index
    %swap3A_1332 = tpu.vector_load %arg17[%swap3A_1330, %swap3A_1331] {strides = array<i32>} : memref<48x128xf32, #tpu.memory_space<vmem>>, vector<16xf32>,
    tpu.vector_store %arg17[%swap3A_1330, %swap3A_1331], %broadcast_in_dim3A_24 {strides = array<i32>} : memref<48x128xf32, #tpu.memory_space<vmem>>, vector<16xf32>,
    %swap3A_1333 = arith.constant 32 : i32
    %swap3A_1334 = arith.index_cast %swap3A_1333 : i32 to index
    %swap3A_1335 = arith.constant 112 : index
    %swap3A_1336 = tpu.vector_load %arg17[%swap3A_1334, %swap3A_1335] {strides = array<i32>} : memref<48x128xf32, #tpu.memory_space<vmem>>, vector<16xf32>,
    tpu.vector_store %arg17[%swap3A_1334, %swap3A_1335], %broadcast_in_dim3A_24 {strides = array<i32>} : memref<48x128xf32, #tpu.memory_space<vmem>>, vector<16xf32>,
    %swap3A_1337 = arith.constant 33 : i32
    %swap3A_1338 = arith.index_cast %swap3A_1337 : i32 to index
    %swap3A_1339 = arith.constant 0 : index
    %swap3A_1340 = tpu.vector_load %arg17[%swap3A_1338, %swap3A_1339] {strides = array<i32>} : memref<48x128xf32, #tpu.memory_space<vmem>>, vector<16xf32>,
    tpu.vector_store %arg17[%swap3A_1338, %swap3A_1339], %broadcast_in_dim3A_24 {strides = array<i32>} : memref<48x128xf32, #tpu.memory_space<vmem>>, vector<16xf32>,
    %swap3A_1341 = arith.constant 33 : i32
    %swap3A_1342 = arith.index_cast %swap3A_1341 : i32 to index
    %swap3A_1343 = arith.constant 16 : index
    %swap3A_1344 = tpu.vector_load %arg17[%swap3A_1342, %swap3A_1343] {strides = array<i32>} : memref<48x128xf32, #tpu.memory_space<vmem>>, vector<16xf32>,
    tpu.vector_store %arg17[%swap3A_1342, %swap3A_1343], %broadcast_in_dim3A_24 {strides = array<i32>} : memref<48x128xf32, #tpu.memory_space<vmem>>, vector<16xf32>,
    %swap3A_1345 = arith.constant 33 : i32
    %swap3A_1346 = arith.index_cast %swap3A_1345 : i32 to index
    %swap3A_1347 = arith.constant 32 : index
    %swap3A_1348 = tpu.vector_load %arg17[%swap3A_1346, %swap3A_1347] {strides = array<i32>} : memref<48x128xf32, #tpu.memory_space<vmem>>, vector<16xf32>,
    tpu.vector_store %arg17[%swap3A_1346, %swap3A_1347], %broadcast_in_dim3A_24 {strides = array<i32>} : memref<48x128xf32, #tpu.memory_space<vmem>>, vector<16xf32>,
    %swap3A_1349 = arith.constant 33 : i32
    %swap3A_1350 = arith.index_cast %swap3A_1349 : i32 to index
    %swap3A_1351 = arith.constant 48 : index
    %swap3A_1352 = tpu.vector_load %arg17[%swap3A_1350, %swap3A_1351] {strides = array<i32>} : memref<48x128xf32, #tpu.memory_space<vmem>>, vector<16xf32>,
    tpu.vector_store %arg17[%swap3A_1350, %swap3A_1351], %broadcast_in_dim3A_24 {strides = array<i32>} : memref<48x128xf32, #tpu.memory_space<vmem>>, vector<16xf32>,
    %swap3A_1353 = arith.constant 33 : i32
    %swap3A_1354 = arith.index_cast %swap3A_1353 : i32 to index
    %swap3A_1355 = arith.constant 64 : index
    %swap3A_1356 = tpu.vector_load %arg17[%swap3A_1354, %swap3A_1355] {strides = array<i32>} : memref<48x128xf32, #tpu.memory_space<vmem>>, vector<16xf32>,
    tpu.vector_store %arg17[%swap3A_1354, %swap3A_1355], %broadcast_in_dim3A_24 {strides = array<i32>} : memref<48x128xf32, #tpu.memory_space<vmem>>, vector<16xf32>,
    %swap3A_1357 = arith.constant 33 : i32
    %swap3A_1358 = arith.index_cast %swap3A_1357 : i32 to index
    %swap3A_1359 = arith.constant 80 : index
    %swap3A_1360 = tpu.vector_load %arg17[%swap3A_1358, %swap3A_1359] {strides = array<i32>} : memref<48x128xf32, #tpu.memory_space<vmem>>, vector<16xf32>,
    tpu.vector_store %arg17[%swap3A_1358, %swap3A_1359], %broadcast_in_dim3A_24 {strides = array<i32>} : memref<48x128xf32, #tpu.memory_space<vmem>>, vector<16xf32>,
    %swap3A_1361 = arith.constant 33 : i32
    %swap3A_1362 = arith.index_cast %swap3A_1361 : i32 to index
    %swap3A_1363 = arith.constant 96 : index
    %swap3A_1364 = tpu.vector_load %arg17[%swap3A_1362, %swap3A_1363] {strides = array<i32>} : memref<48x128xf32, #tpu.memory_space<vmem>>, vector<16xf32>,
    tpu.vector_store %arg17[%swap3A_1362, %swap3A_1363], %broadcast_in_dim3A_24 {strides = array<i32>} : memref<48x128xf32, #tpu.memory_space<vmem>>, vector<16xf32>,
    %swap3A_1365 = arith.constant 33 : i32
    %swap3A_1366 = arith.index_cast %swap3A_1365 : i32 to index
    %swap3A_1367 = arith.constant 112 : index
    %swap3A_1368 = tpu.vector_load %arg17[%swap3A_1366, %swap3A_1367] {strides = array<i32>} : memref<48x128xf32, #tpu.memory_space<vmem>>, vector<16xf32>,
    tpu.vector_store %arg17[%swap3A_1366, %swap3A_1367], %broadcast_in_dim3A_24 {strides = array<i32>} : memref<48x128xf32, #tpu.memory_space<vmem>>, vector<16xf32>,
    %swap3A_1369 = arith.constant 34 : i32
    %swap3A_1370 = arith.index_cast %swap3A_1369 : i32 to index
    %swap3A_1371 = arith.constant 0 : index
    %swap3A_1372 = tpu.vector_load %arg17[%swap3A_1370, %swap3A_1371] {strides = array<i32>} : memref<48x128xf32, #tpu.memory_space<vmem>>, vector<16xf32>,
    tpu.vector_store %arg17[%swap3A_1370, %swap3A_1371], %broadcast_in_dim3A_24 {strides = array<i32>} : memref<48x128xf32, #tpu.memory_space<vmem>>, vector<16xf32>,
    %swap3A_1373 = arith.constant 34 : i32
    %swap3A_1374 = arith.index_cast %swap3A_1373 : i32 to index
    %swap3A_1375 = arith.constant 16 : index
    %swap3A_1376 = tpu.vector_load %arg17[%swap3A_1374, %swap3A_1375] {strides = array<i32>} : memref<48x128xf32, #tpu.memory_space<vmem>>, vector<16xf32>,
    tpu.vector_store %arg17[%swap3A_1374, %swap3A_1375], %broadcast_in_dim3A_24 {strides = array<i32>} : memref<48x128xf32, #tpu.memory_space<vmem>>, vector<16xf32>,
    %swap3A_1377 = arith.constant 34 : i32
    %swap3A_1378 = arith.index_cast %swap3A_1377 : i32 to index
    %swap3A_1379 = arith.constant 32 : index
    %swap3A_1380 = tpu.vector_load %arg17[%swap3A_1378, %swap3A_1379] {strides = array<i32>} : memref<48x128xf32, #tpu.memory_space<vmem>>, vector<16xf32>,
    tpu.vector_store %arg17[%swap3A_1378, %swap3A_1379], %broadcast_in_dim3A_24 {strides = array<i32>} : memref<48x128xf32, #tpu.memory_space<vmem>>, vector<16xf32>,
    %swap3A_1381 = arith.constant 34 : i32
    %swap3A_1382 = arith.index_cast %swap3A_1381 : i32 to index
    %swap3A_1383 = arith.constant 48 : index
    %swap3A_1384 = tpu.vector_load %arg17[%swap3A_1382, %swap3A_1383] {strides = array<i32>} : memref<48x128xf32, #tpu.memory_space<vmem>>, vector<16xf32>,
    tpu.vector_store %arg17[%swap3A_1382, %swap3A_1383], %broadcast_in_dim3A_24 {strides = array<i32>} : memref<48x128xf32, #tpu.memory_space<vmem>>, vector<16xf32>,
    %swap3A_1385 = arith.constant 34 : i32
    %swap3A_1386 = arith.index_cast %swap3A_1385 : i32 to index
    %swap3A_1387 = arith.constant 64 : index
    %swap3A_1388 = tpu.vector_load %arg17[%swap3A_1386, %swap3A_1387] {strides = array<i32>} : memref<48x128xf32, #tpu.memory_space<vmem>>, vector<16xf32>,
    tpu.vector_store %arg17[%swap3A_1386, %swap3A_1387], %broadcast_in_dim3A_24 {strides = array<i32>} : memref<48x128xf32, #tpu.memory_space<vmem>>, vector<16xf32>,
    %swap3A_1389 = arith.constant 34 : i32
    %swap3A_1390 = arith.index_cast %swap3A_1389 : i32 to index
    %swap3A_1391 = arith.constant 80 : index
    %swap3A_1392 = tpu.vector_load %arg17[%swap3A_1390, %swap3A_1391] {strides = array<i32>} : memref<48x128xf32, #tpu.memory_space<vmem>>, vector<16xf32>,
    tpu.vector_store %arg17[%swap3A_1390, %swap3A_1391], %broadcast_in_dim3A_24 {strides = array<i32>} : memref<48x128xf32, #tpu.memory_space<vmem>>, vector<16xf32>,
    %swap3A_1393 = arith.constant 34 : i32
    %swap3A_1394 = arith.index_cast %swap3A_1393 : i32 to index
    %swap3A_1395 = arith.constant 96 : index
    %swap3A_1396 = tpu.vector_load %arg17[%swap3A_1394, %swap3A_1395] {strides = array<i32>} : memref<48x128xf32, #tpu.memory_space<vmem>>, vector<16xf32>,
    tpu.vector_store %arg17[%swap3A_1394, %swap3A_1395], %broadcast_in_dim3A_24 {strides = array<i32>} : memref<48x128xf32, #tpu.memory_space<vmem>>, vector<16xf32>,
    %swap3A_1397 = arith.constant 34 : i32
    %swap3A_1398 = arith.index_cast %swap3A_1397 : i32 to index
    %swap3A_1399 = arith.constant 112 : index
    %swap3A_1400 = tpu.vector_load %arg17[%swap3A_1398, %swap3A_1399] {strides = array<i32>} : memref<48x128xf32, #tpu.memory_space<vmem>>, vector<16xf32>,
    tpu.vector_store %arg17[%swap3A_1398, %swap3A_1399], %broadcast_in_dim3A_24 {strides = array<i32>} : memref<48x128xf32, #tpu.memory_space<vmem>>, vector<16xf32>,
    %swap3A_1401 = arith.constant 35 : i32
    %swap3A_1402 = arith.index_cast %swap3A_1401 : i32 to index
    %swap3A_1403 = arith.constant 0 : index
    %swap3A_1404 = tpu.vector_load %arg17[%swap3A_1402, %swap3A_1403] {strides = array<i32>} : memref<48x128xf32, #tpu.memory_space<vmem>>, vector<16xf32>,
    tpu.vector_store %arg17[%swap3A_1402, %swap3A_1403], %broadcast_in_dim3A_24 {strides = array<i32>} : memref<48x128xf32, #tpu.memory_space<vmem>>, vector<16xf32>,
    %swap3A_1405 = arith.constant 35 : i32
    %swap3A_1406 = arith.index_cast %swap3A_1405 : i32 to index
    %swap3A_1407 = arith.constant 16 : index
    %swap3A_1408 = tpu.vector_load %arg17[%swap3A_1406, %swap3A_1407] {strides = array<i32>} : memref<48x128xf32, #tpu.memory_space<vmem>>, vector<16xf32>,
    tpu.vector_store %arg17[%swap3A_1406, %swap3A_1407], %broadcast_in_dim3A_24 {strides = array<i32>} : memref<48x128xf32, #tpu.memory_space<vmem>>, vector<16xf32>,
    %swap3A_1409 = arith.constant 35 : i32
    %swap3A_1410 = arith.index_cast %swap3A_1409 : i32 to index
    %swap3A_1411 = arith.constant 32 : index
    %swap3A_1412 = tpu.vector_load %arg17[%swap3A_1410, %swap3A_1411] {strides = array<i32>} : memref<48x128xf32, #tpu.memory_space<vmem>>, vector<16xf32>,
    tpu.vector_store %arg17[%swap3A_1410, %swap3A_1411], %broadcast_in_dim3A_24 {strides = array<i32>} : memref<48x128xf32, #tpu.memory_space<vmem>>, vector<16xf32>,
    %swap3A_1413 = arith.constant 35 : i32
    %swap3A_1414 = arith.index_cast %swap3A_1413 : i32 to index
    %swap3A_1415 = arith.constant 48 : index
    %swap3A_1416 = tpu.vector_load %arg17[%swap3A_1414, %swap3A_1415] {strides = array<i32>} : memref<48x128xf32, #tpu.memory_space<vmem>>, vector<16xf32>,
    tpu.vector_store %arg17[%swap3A_1414, %swap3A_1415], %broadcast_in_dim3A_24 {strides = array<i32>} : memref<48x128xf32, #tpu.memory_space<vmem>>, vector<16xf32>,
    %swap3A_1417 = arith.constant 35 : i32
    %swap3A_1418 = arith.index_cast %swap3A_1417 : i32 to index
    %swap3A_1419 = arith.constant 64 : index
    %swap3A_1420 = tpu.vector_load %arg17[%swap3A_1418, %swap3A_1419] {strides = array<i32>} : memref<48x128xf32, #tpu.memory_space<vmem>>, vector<16xf32>,
    tpu.vector_store %arg17[%swap3A_1418, %swap3A_1419], %broadcast_in_dim3A_24 {strides = array<i32>} : memref<48x128xf32, #tpu.memory_space<vmem>>, vector<16xf32>,
    %swap3A_1421 = arith.constant 35 : i32
    %swap3A_1422 = arith.index_cast %swap3A_1421 : i32 to index
    %swap3A_1423 = arith.constant 80 : index
    %swap3A_1424 = tpu.vector_load %arg17[%swap3A_1422, %swap3A_1423] {strides = array<i32>} : memref<48x128xf32, #tpu.memory_space<vmem>>, vector<16xf32>,
    tpu.vector_store %arg17[%swap3A_1422, %swap3A_1423], %broadcast_in_dim3A_24 {strides = array<i32>} : memref<48x128xf32, #tpu.memory_space<vmem>>, vector<16xf32>,
    %swap3A_1425 = arith.constant 35 : i32
    %swap3A_1426 = arith.index_cast %swap3A_1425 : i32 to index
    %swap3A_1427 = arith.constant 96 : index
    %swap3A_1428 = tpu.vector_load %arg17[%swap3A_1426, %swap3A_1427] {strides = array<i32>} : memref<48x128xf32, #tpu.memory_space<vmem>>, vector<16xf32>,
    tpu.vector_store %arg17[%swap3A_1426, %swap3A_1427], %broadcast_in_dim3A_24 {strides = array<i32>} : memref<48x128xf32, #tpu.memory_space<vmem>>, vector<16xf32>,
    %swap3A_1429 = arith.constant 35 : i32
    %swap3A_1430 = arith.index_cast %swap3A_1429 : i32 to index
    %swap3A_1431 = arith.constant 112 : index
    %swap3A_1432 = tpu.vector_load %arg17[%swap3A_1430, %swap3A_1431] {strides = array<i32>} : memref<48x128xf32, #tpu.memory_space<vmem>>, vector<16xf32>,
    tpu.vector_store %arg17[%swap3A_1430, %swap3A_1431], %broadcast_in_dim3A_24 {strides = array<i32>} : memref<48x128xf32, #tpu.memory_space<vmem>>, vector<16xf32>,
    %swap3A_1433 = arith.constant 36 : i32
    %swap3A_1434 = arith.index_cast %swap3A_1433 : i32 to index
    %swap3A_1435 = arith.constant 0 : index
    %swap3A_1436 = tpu.vector_load %arg17[%swap3A_1434, %swap3A_1435] {strides = array<i32>} : memref<48x128xf32, #tpu.memory_space<vmem>>, vector<16xf32>,
    tpu.vector_store %arg17[%swap3A_1434, %swap3A_1435], %broadcast_in_dim3A_24 {strides = array<i32>} : memref<48x128xf32, #tpu.memory_space<vmem>>, vector<16xf32>,
    %swap3A_1437 = arith.constant 36 : i32
    %swap3A_1438 = arith.index_cast %swap3A_1437 : i32 to index
    %swap3A_1439 = arith.constant 16 : index
    %swap3A_1440 = tpu.vector_load %arg17[%swap3A_1438, %swap3A_1439] {strides = array<i32>} : memref<48x128xf32, #tpu.memory_space<vmem>>, vector<16xf32>,
    tpu.vector_store %arg17[%swap3A_1438, %swap3A_1439], %broadcast_in_dim3A_24 {strides = array<i32>} : memref<48x128xf32, #tpu.memory_space<vmem>>, vector<16xf32>,
    %swap3A_1441 = arith.constant 36 : i32
    %swap3A_1442 = arith.index_cast %swap3A_1441 : i32 to index
    %swap3A_1443 = arith.constant 32 : index
    %swap3A_1444 = tpu.vector_load %arg17[%swap3A_1442, %swap3A_1443] {strides = array<i32>} : memref<48x128xf32, #tpu.memory_space<vmem>>, vector<16xf32>,
    tpu.vector_store %arg17[%swap3A_1442, %swap3A_1443], %broadcast_in_dim3A_24 {strides = array<i32>} : memref<48x128xf32, #tpu.memory_space<vmem>>, vector<16xf32>,
    %swap3A_1445 = arith.constant 36 : i32
    %swap3A_1446 = arith.index_cast %swap3A_1445 : i32 to index
    %swap3A_1447 = arith.constant 48 : index
    %swap3A_1448 = tpu.vector_load %arg17[%swap3A_1446, %swap3A_1447] {strides = array<i32>} : memref<48x128xf32, #tpu.memory_space<vmem>>, vector<16xf32>,
    tpu.vector_store %arg17[%swap3A_1446, %swap3A_1447], %broadcast_in_dim3A_24 {strides = array<i32>} : memref<48x128xf32, #tpu.memory_space<vmem>>, vector<16xf32>,
    %swap3A_1449 = arith.constant 36 : i32
    %swap3A_1450 = arith.index_cast %swap3A_1449 : i32 to index
    %swap3A_1451 = arith.constant 64 : index
    %swap3A_1452 = tpu.vector_load %arg17[%swap3A_1450, %swap3A_1451] {strides = array<i32>} : memref<48x128xf32, #tpu.memory_space<vmem>>, vector<16xf32>,
    tpu.vector_store %arg17[%swap3A_1450, %swap3A_1451], %broadcast_in_dim3A_24 {strides = array<i32>} : memref<48x128xf32, #tpu.memory_space<vmem>>, vector<16xf32>,
    %swap3A_1453 = arith.constant 36 : i32
    %swap3A_1454 = arith.index_cast %swap3A_1453 : i32 to index
    %swap3A_1455 = arith.constant 80 : index
    %swap3A_1456 = tpu.vector_load %arg17[%swap3A_1454, %swap3A_1455] {strides = array<i32>} : memref<48x128xf32, #tpu.memory_space<vmem>>, vector<16xf32>,
    tpu.vector_store %arg17[%swap3A_1454, %swap3A_1455], %broadcast_in_dim3A_24 {strides = array<i32>} : memref<48x128xf32, #tpu.memory_space<vmem>>, vector<16xf32>,
    %swap3A_1457 = arith.constant 36 : i32
    %swap3A_1458 = arith.index_cast %swap3A_1457 : i32 to index
    %swap3A_1459 = arith.constant 96 : index
    %swap3A_1460 = tpu.vector_load %arg17[%swap3A_1458, %swap3A_1459] {strides = array<i32>} : memref<48x128xf32, #tpu.memory_space<vmem>>, vector<16xf32>,
    tpu.vector_store %arg17[%swap3A_1458, %swap3A_1459], %broadcast_in_dim3A_24 {strides = array<i32>} : memref<48x128xf32, #tpu.memory_space<vmem>>, vector<16xf32>,
    %swap3A_1461 = arith.constant 36 : i32
    %swap3A_1462 = arith.index_cast %swap3A_1461 : i32 to index
    %swap3A_1463 = arith.constant 112 : index
    %swap3A_1464 = tpu.vector_load %arg17[%swap3A_1462, %swap3A_1463] {strides = array<i32>} : memref<48x128xf32, #tpu.memory_space<vmem>>, vector<16xf32>,
    tpu.vector_store %arg17[%swap3A_1462, %swap3A_1463], %broadcast_in_dim3A_24 {strides = array<i32>} : memref<48x128xf32, #tpu.memory_space<vmem>>, vector<16xf32>,
    %swap3A_1465 = arith.constant 37 : i32
    %swap3A_1466 = arith.index_cast %swap3A_1465 : i32 to index
    %swap3A_1467 = arith.constant 0 : index
    %swap3A_1468 = tpu.vector_load %arg17[%swap3A_1466, %swap3A_1467] {strides = array<i32>} : memref<48x128xf32, #tpu.memory_space<vmem>>, vector<16xf32>,
    tpu.vector_store %arg17[%swap3A_1466, %swap3A_1467], %broadcast_in_dim3A_24 {strides = array<i32>} : memref<48x128xf32, #tpu.memory_space<vmem>>, vector<16xf32>,
    %swap3A_1469 = arith.constant 37 : i32
    %swap3A_1470 = arith.index_cast %swap3A_1469 : i32 to index
    %swap3A_1471 = arith.constant 16 : index
    %swap3A_1472 = tpu.vector_load %arg17[%swap3A_1470, %swap3A_1471] {strides = array<i32>} : memref<48x128xf32, #tpu.memory_space<vmem>>, vector<16xf32>,
    tpu.vector_store %arg17[%swap3A_1470, %swap3A_1471], %broadcast_in_dim3A_24 {strides = array<i32>} : memref<48x128xf32, #tpu.memory_space<vmem>>, vector<16xf32>,
    %swap3A_1473 = arith.constant 37 : i32
    %swap3A_1474 = arith.index_cast %swap3A_1473 : i32 to index
    %swap3A_1475 = arith.constant 32 : index
    %swap3A_1476 = tpu.vector_load %arg17[%swap3A_1474, %swap3A_1475] {strides = array<i32>} : memref<48x128xf32, #tpu.memory_space<vmem>>, vector<16xf32>,
    tpu.vector_store %arg17[%swap3A_1474, %swap3A_1475], %broadcast_in_dim3A_24 {strides = array<i32>} : memref<48x128xf32, #tpu.memory_space<vmem>>, vector<16xf32>,
    %swap3A_1477 = arith.constant 37 : i32
    %swap3A_1478 = arith.index_cast %swap3A_1477 : i32 to index
    %swap3A_1479 = arith.constant 48 : index
    %swap3A_1480 = tpu.vector_load %arg17[%swap3A_1478, %swap3A_1479] {strides = array<i32>} : memref<48x128xf32, #tpu.memory_space<vmem>>, vector<16xf32>,
    tpu.vector_store %arg17[%swap3A_1478, %swap3A_1479], %broadcast_in_dim3A_24 {strides = array<i32>} : memref<48x128xf32, #tpu.memory_space<vmem>>, vector<16xf32>,
    %swap3A_1481 = arith.constant 37 : i32
    %swap3A_1482 = arith.index_cast %swap3A_1481 : i32 to index
    %swap3A_1483 = arith.constant 64 : index
    %swap3A_1484 = tpu.vector_load %arg17[%swap3A_1482, %swap3A_1483] {strides = array<i32>} : memref<48x128xf32, #tpu.memory_space<vmem>>, vector<16xf32>,
    tpu.vector_store %arg17[%swap3A_1482, %swap3A_1483], %broadcast_in_dim3A_24 {strides = array<i32>} : memref<48x128xf32, #tpu.memory_space<vmem>>, vector<16xf32>,
    %swap3A_1485 = arith.constant 37 : i32
    %swap3A_1486 = arith.index_cast %swap3A_1485 : i32 to index
    %swap3A_1487 = arith.constant 80 : index
    %swap3A_1488 = tpu.vector_load %arg17[%swap3A_1486, %swap3A_1487] {strides = array<i32>} : memref<48x128xf32, #tpu.memory_space<vmem>>, vector<16xf32>,
    tpu.vector_store %arg17[%swap3A_1486, %swap3A_1487], %broadcast_in_dim3A_24 {strides = array<i32>} : memref<48x128xf32, #tpu.memory_space<vmem>>, vector<16xf32>,
    %swap3A_1489 = arith.constant 37 : i32
    %swap3A_1490 = arith.index_cast %swap3A_1489 : i32 to index
    %swap3A_1491 = arith.constant 96 : index
    %swap3A_1492 = tpu.vector_load %arg17[%swap3A_1490, %swap3A_1491] {strides = array<i32>} : memref<48x128xf32, #tpu.memory_space<vmem>>, vector<16xf32>,
    tpu.vector_store %arg17[%swap3A_1490, %swap3A_1491], %broadcast_in_dim3A_24 {strides = array<i32>} : memref<48x128xf32, #tpu.memory_space<vmem>>, vector<16xf32>,
    %swap3A_1493 = arith.constant 37 : i32
    %swap3A_1494 = arith.index_cast %swap3A_1493 : i32 to index
    %swap3A_1495 = arith.constant 112 : index
    %swap3A_1496 = tpu.vector_load %arg17[%swap3A_1494, %swap3A_1495] {strides = array<i32>} : memref<48x128xf32, #tpu.memory_space<vmem>>, vector<16xf32>,
    tpu.vector_store %arg17[%swap3A_1494, %swap3A_1495], %broadcast_in_dim3A_24 {strides = array<i32>} : memref<48x128xf32, #tpu.memory_space<vmem>>, vector<16xf32>,
    %swap3A_1497 = arith.constant 38 : i32
    %swap3A_1498 = arith.index_cast %swap3A_1497 : i32 to index
    %swap3A_1499 = arith.constant 0 : index
    %swap3A_1500 = tpu.vector_load %arg17[%swap3A_1498, %swap3A_1499] {strides = array<i32>} : memref<48x128xf32, #tpu.memory_space<vmem>>, vector<16xf32>,
    tpu.vector_store %arg17[%swap3A_1498, %swap3A_1499], %broadcast_in_dim3A_24 {strides = array<i32>} : memref<48x128xf32, #tpu.memory_space<vmem>>, vector<16xf32>,
    %swap3A_1501 = arith.constant 38 : i32
    %swap3A_1502 = arith.index_cast %swap3A_1501 : i32 to index
    %swap3A_1503 = arith.constant 16 : index
    %swap3A_1504 = tpu.vector_load %arg17[%swap3A_1502, %swap3A_1503] {strides = array<i32>} : memref<48x128xf32, #tpu.memory_space<vmem>>, vector<16xf32>,
    tpu.vector_store %arg17[%swap3A_1502, %swap3A_1503], %broadcast_in_dim3A_24 {strides = array<i32>} : memref<48x128xf32, #tpu.memory_space<vmem>>, vector<16xf32>,
    %swap3A_1505 = arith.constant 38 : i32
    %swap3A_1506 = arith.index_cast %swap3A_1505 : i32 to index
    %swap3A_1507 = arith.constant 32 : index
    %swap3A_1508 = tpu.vector_load %arg17[%swap3A_1506, %swap3A_1507] {strides = array<i32>} : memref<48x128xf32, #tpu.memory_space<vmem>>, vector<16xf32>,
    tpu.vector_store %arg17[%swap3A_1506, %swap3A_1507], %broadcast_in_dim3A_24 {strides = array<i32>} : memref<48x128xf32, #tpu.memory_space<vmem>>, vector<16xf32>,
    %swap3A_1509 = arith.constant 38 : i32
    %swap3A_1510 = arith.index_cast %swap3A_1509 : i32 to index
    %swap3A_1511 = arith.constant 48 : index
    %swap3A_1512 = tpu.vector_load %arg17[%swap3A_1510, %swap3A_1511] {strides = array<i32>} : memref<48x128xf32, #tpu.memory_space<vmem>>, vector<16xf32>,
    tpu.vector_store %arg17[%swap3A_1510, %swap3A_1511], %broadcast_in_dim3A_24 {strides = array<i32>} : memref<48x128xf32, #tpu.memory_space<vmem>>, vector<16xf32>,
    %swap3A_1513 = arith.constant 38 : i32
    %swap3A_1514 = arith.index_cast %swap3A_1513 : i32 to index
    %swap3A_1515 = arith.constant 64 : index
    %swap3A_1516 = tpu.vector_load %arg17[%swap3A_1514, %swap3A_1515] {strides = array<i32>} : memref<48x128xf32, #tpu.memory_space<vmem>>, vector<16xf32>,
    tpu.vector_store %arg17[%swap3A_1514, %swap3A_1515], %broadcast_in_dim3A_24 {strides = array<i32>} : memref<48x128xf32, #tpu.memory_space<vmem>>, vector<16xf32>,
    %swap3A_1517 = arith.constant 38 : i32
    %swap3A_1518 = arith.index_cast %swap3A_1517 : i32 to index
    %swap3A_1519 = arith.constant 80 : index
    %swap3A_1520 = tpu.vector_load %arg17[%swap3A_1518, %swap3A_1519] {strides = array<i32>} : memref<48x128xf32, #tpu.memory_space<vmem>>, vector<16xf32>,
    tpu.vector_store %arg17[%swap3A_1518, %swap3A_1519], %broadcast_in_dim3A_24 {strides = array<i32>} : memref<48x128xf32, #tpu.memory_space<vmem>>, vector<16xf32>,
    %swap3A_1521 = arith.constant 38 : i32
    %swap3A_1522 = arith.index_cast %swap3A_1521 : i32 to index
    %swap3A_1523 = arith.constant 96 : index
    %swap3A_1524 = tpu.vector_load %arg17[%swap3A_1522, %swap3A_1523] {strides = array<i32>} : memref<48x128xf32, #tpu.memory_space<vmem>>, vector<16xf32>,
    tpu.vector_store %arg17[%swap3A_1522, %swap3A_1523], %broadcast_in_dim3A_24 {strides = array<i32>} : memref<48x128xf32, #tpu.memory_space<vmem>>, vector<16xf32>,
    %swap3A_1525 = arith.constant 38 : i32
    %swap3A_1526 = arith.index_cast %swap3A_1525 : i32 to index
    %swap3A_1527 = arith.constant 112 : index
    %swap3A_1528 = tpu.vector_load %arg17[%swap3A_1526, %swap3A_1527] {strides = array<i32>} : memref<48x128xf32, #tpu.memory_space<vmem>>, vector<16xf32>,
    tpu.vector_store %arg17[%swap3A_1526, %swap3A_1527], %broadcast_in_dim3A_24 {strides = array<i32>} : memref<48x128xf32, #tpu.memory_space<vmem>>, vector<16xf32>,
    %swap3A_1529 = arith.constant 39 : i32
    %swap3A_1530 = arith.index_cast %swap3A_1529 : i32 to index
    %swap3A_1531 = arith.constant 0 : index
    %swap3A_1532 = tpu.vector_load %arg17[%swap3A_1530, %swap3A_1531] {strides = array<i32>} : memref<48x128xf32, #tpu.memory_space<vmem>>, vector<16xf32>,
    tpu.vector_store %arg17[%swap3A_1530, %swap3A_1531], %broadcast_in_dim3A_24 {strides = array<i32>} : memref<48x128xf32, #tpu.memory_space<vmem>>, vector<16xf32>,
    %swap3A_1533 = arith.constant 39 : i32
    %swap3A_1534 = arith.index_cast %swap3A_1533 : i32 to index
    %swap3A_1535 = arith.constant 16 : index
    %swap3A_1536 = tpu.vector_load %arg17[%swap3A_1534, %swap3A_1535] {strides = array<i32>} : memref<48x128xf32, #tpu.memory_space<vmem>>, vector<16xf32>,
    tpu.vector_store %arg17[%swap3A_1534, %swap3A_1535], %broadcast_in_dim3A_24 {strides = array<i32>} : memref<48x128xf32, #tpu.memory_space<vmem>>, vector<16xf32>,
    %swap3A_1537 = arith.constant 39 : i32
    %swap3A_1538 = arith.index_cast %swap3A_1537 : i32 to index
    %swap3A_1539 = arith.constant 32 : index
    %swap3A_1540 = tpu.vector_load %arg17[%swap3A_1538, %swap3A_1539] {strides = array<i32>} : memref<48x128xf32, #tpu.memory_space<vmem>>, vector<16xf32>,
    tpu.vector_store %arg17[%swap3A_1538, %swap3A_1539], %broadcast_in_dim3A_24 {strides = array<i32>} : memref<48x128xf32, #tpu.memory_space<vmem>>, vector<16xf32>,
    %swap3A_1541 = arith.constant 39 : i32
    %swap3A_1542 = arith.index_cast %swap3A_1541 : i32 to index
    %swap3A_1543 = arith.constant 48 : index
    %swap3A_1544 = tpu.vector_load %arg17[%swap3A_1542, %swap3A_1543] {strides = array<i32>} : memref<48x128xf32, #tpu.memory_space<vmem>>, vector<16xf32>,
    tpu.vector_store %arg17[%swap3A_1542, %swap3A_1543], %broadcast_in_dim3A_24 {strides = array<i32>} : memref<48x128xf32, #tpu.memory_space<vmem>>, vector<16xf32>,
    %swap3A_1545 = arith.constant 39 : i32
    %swap3A_1546 = arith.index_cast %swap3A_1545 : i32 to index
    %swap3A_1547 = arith.constant 64 : index
    %swap3A_1548 = tpu.vector_load %arg17[%swap3A_1546, %swap3A_1547] {strides = array<i32>} : memref<48x128xf32, #tpu.memory_space<vmem>>, vector<16xf32>,
    tpu.vector_store %arg17[%swap3A_1546, %swap3A_1547], %broadcast_in_dim3A_24 {strides = array<i32>} : memref<48x128xf32, #tpu.memory_space<vmem>>, vector<16xf32>,
    %swap3A_1549 = arith.constant 39 : i32
    %swap3A_1550 = arith.index_cast %swap3A_1549 : i32 to index
    %swap3A_1551 = arith.constant 80 : index
    %swap3A_1552 = tpu.vector_load %arg17[%swap3A_1550, %swap3A_1551] {strides = array<i32>} : memref<48x128xf32, #tpu.memory_space<vmem>>, vector<16xf32>,
    tpu.vector_store %arg17[%swap3A_1550, %swap3A_1551], %broadcast_in_dim3A_24 {strides = array<i32>} : memref<48x128xf32, #tpu.memory_space<vmem>>, vector<16xf32>,
    %swap3A_1553 = arith.constant 39 : i32
    %swap3A_1554 = arith.index_cast %swap3A_1553 : i32 to index
    %swap3A_1555 = arith.constant 96 : index
    %swap3A_1556 = tpu.vector_load %arg17[%swap3A_1554, %swap3A_1555] {strides = array<i32>} : memref<48x128xf32, #tpu.memory_space<vmem>>, vector<16xf32>,
    tpu.vector_store %arg17[%swap3A_1554, %swap3A_1555], %broadcast_in_dim3A_24 {strides = array<i32>} : memref<48x128xf32, #tpu.memory_space<vmem>>, vector<16xf32>,
    %swap3A_1557 = arith.constant 39 : i32
    %swap3A_1558 = arith.index_cast %swap3A_1557 : i32 to index
    %swap3A_1559 = arith.constant 112 : index
    %swap3A_1560 = tpu.vector_load %arg17[%swap3A_1558, %swap3A_1559] {strides = array<i32>} : memref<48x128xf32, #tpu.memory_space<vmem>>, vector<16xf32>,
    tpu.vector_store %arg17[%swap3A_1558, %swap3A_1559], %broadcast_in_dim3A_24 {strides = array<i32>} : memref<48x128xf32, #tpu.memory_space<vmem>>, vector<16xf32>,
    %swap3A_1561 = arith.constant 40 : i32
    %swap3A_1562 = arith.index_cast %swap3A_1561 : i32 to index
    %swap3A_1563 = arith.constant 0 : index
    %swap3A_1564 = tpu.vector_load %arg17[%swap3A_1562, %swap3A_1563] {strides = array<i32>} : memref<48x128xf32, #tpu.memory_space<vmem>>, vector<16xf32>,
    tpu.vector_store %arg17[%swap3A_1562, %swap3A_1563], %broadcast_in_dim3A_24 {strides = array<i32>} : memref<48x128xf32, #tpu.memory_space<vmem>>, vector<16xf32>,
    %swap3A_1565 = arith.constant 40 : i32
    %swap3A_1566 = arith.index_cast %swap3A_1565 : i32 to index
    %swap3A_1567 = arith.constant 16 : index
    %swap3A_1568 = tpu.vector_load %arg17[%swap3A_1566, %swap3A_1567] {strides = array<i32>} : memref<48x128xf32, #tpu.memory_space<vmem>>, vector<16xf32>,
    tpu.vector_store %arg17[%swap3A_1566, %swap3A_1567], %broadcast_in_dim3A_24 {strides = array<i32>} : memref<48x128xf32, #tpu.memory_space<vmem>>, vector<16xf32>,
    %swap3A_1569 = arith.constant 40 : i32
    %swap3A_1570 = arith.index_cast %swap3A_1569 : i32 to index
    %swap3A_1571 = arith.constant 32 : index
    %swap3A_1572 = tpu.vector_load %arg17[%swap3A_1570, %swap3A_1571] {strides = array<i32>} : memref<48x128xf32, #tpu.memory_space<vmem>>, vector<16xf32>,
    tpu.vector_store %arg17[%swap3A_1570, %swap3A_1571], %broadcast_in_dim3A_24 {strides = array<i32>} : memref<48x128xf32, #tpu.memory_space<vmem>>, vector<16xf32>,
    %swap3A_1573 = arith.constant 40 : i32
    %swap3A_1574 = arith.index_cast %swap3A_1573 : i32 to index
    %swap3A_1575 = arith.constant 48 : index
    %swap3A_1576 = tpu.vector_load %arg17[%swap3A_1574, %swap3A_1575] {strides = array<i32>} : memref<48x128xf32, #tpu.memory_space<vmem>>, vector<16xf32>,
    tpu.vector_store %arg17[%swap3A_1574, %swap3A_1575], %broadcast_in_dim3A_24 {strides = array<i32>} : memref<48x128xf32, #tpu.memory_space<vmem>>, vector<16xf32>,
    %swap3A_1577 = arith.constant 40 : i32
    %swap3A_1578 = arith.index_cast %swap3A_1577 : i32 to index
    %swap3A_1579 = arith.constant 64 : index
    %swap3A_1580 = tpu.vector_load %arg17[%swap3A_1578, %swap3A_1579] {strides = array<i32>} : memref<48x128xf32, #tpu.memory_space<vmem>>, vector<16xf32>,
    tpu.vector_store %arg17[%swap3A_1578, %swap3A_1579], %broadcast_in_dim3A_24 {strides = array<i32>} : memref<48x128xf32, #tpu.memory_space<vmem>>, vector<16xf32>,
    %swap3A_1581 = arith.constant 40 : i32
    %swap3A_1582 = arith.index_cast %swap3A_1581 : i32 to index
    %swap3A_1583 = arith.constant 80 : index
    %swap3A_1584 = tpu.vector_load %arg17[%swap3A_1582, %swap3A_1583] {strides = array<i32>} : memref<48x128xf32, #tpu.memory_space<vmem>>, vector<16xf32>,
    tpu.vector_store %arg17[%swap3A_1582, %swap3A_1583], %broadcast_in_dim3A_24 {strides = array<i32>} : memref<48x128xf32, #tpu.memory_space<vmem>>, vector<16xf32>,
    %swap3A_1585 = arith.constant 40 : i32
    %swap3A_1586 = arith.index_cast %swap3A_1585 : i32 to index
    %swap3A_1587 = arith.constant 96 : index
    %swap3A_1588 = tpu.vector_load %arg17[%swap3A_1586, %swap3A_1587] {strides = array<i32>} : memref<48x128xf32, #tpu.memory_space<vmem>>, vector<16xf32>,
    tpu.vector_store %arg17[%swap3A_1586, %swap3A_1587], %broadcast_in_dim3A_24 {strides = array<i32>} : memref<48x128xf32, #tpu.memory_space<vmem>>, vector<16xf32>,
    %swap3A_1589 = arith.constant 40 : i32
    %swap3A_1590 = arith.index_cast %swap3A_1589 : i32 to index
    %swap3A_1591 = arith.constant 112 : index
    %swap3A_1592 = tpu.vector_load %arg17[%swap3A_1590, %swap3A_1591] {strides = array<i32>} : memref<48x128xf32, #tpu.memory_space<vmem>>, vector<16xf32>,
    tpu.vector_store %arg17[%swap3A_1590, %swap3A_1591], %broadcast_in_dim3A_24 {strides = array<i32>} : memref<48x128xf32, #tpu.memory_space<vmem>>, vector<16xf32>,
    %add3A_1593 = arith.constant 128 : i32
    %add3A_1594 = arith.addi %min3A_9, %add3A_1593 : i32
    %sub3A_1595 = arith.constant 1 : i32
    %sub3A_1596 = arith.subi %add3A_1594, %sub3A_1595 : i32
    %jit3A_1597 = arith.constant 128 : i32
    %div3A_1598 = arith.divsi %sub3A_1596, %jit3A_1597 : i32
    %sign3A_1599 = arith.constant 0 : i32
    %sign3A_1600 = arith.cmpi sgt, %sub3A_1596, %sign3A_1599 : i32
    %sign3A_1601 = arith.extui %sign3A_1600 : i1 to i32
    %sign3A_1602 = arith.constant 0 : i32
    %sign3A_1603 = arith.cmpi slt, %sub3A_1596, %sign3A_1602 : i32
    %sign3A_1604 = arith.extui %sign3A_1603 : i1 to i32
    %sign3A_1605 = arith.subi %sign3A_1601, %sign3A_1604 : i32
    %sign3A_1606 = arith.constant 0 : i32
    %sign3A_1607 = arith.cmpi sgt, %jit3A_1597, %sign3A_1606 : i32
    %sign3A_1608 = arith.extui %sign3A_1607 : i1 to i32
    %sign3A_1609 = arith.constant 0 : i32
    %sign3A_1610 = arith.cmpi slt, %jit3A_1597, %sign3A_1609 : i32
    %sign3A_1611 = arith.extui %sign3A_1610 : i1 to i32
    %sign3A_1612 = arith.subi %sign3A_1608, %sign3A_1611 : i32
    %ne3A_1613 = arith.cmpi ne, %sign3A_1605, %sign3A_1612 : i32
    %rem3A_1614 = arith.remsi %sub3A_1596, %jit3A_1597 : i32
    %ne3A_1615 = arith.constant 0 : i32
    %ne3A_1616 = arith.cmpi ne, %rem3A_1614, %ne3A_1615 : i32
    %and3A_1617 = arith.andi %ne3A_1613, %ne3A_1616 : i1
    %sub3A_1618 = arith.constant 1 : i32
    %sub3A_1619 = arith.subi %div3A_1598, %sub3A_1618 : i32
    %select_n3A_1620 = arith.select %and3A_1617, %sub3A_1619, %div3A_1598 : i32
    %while3A_1621 = arith.constant 80 : i32
    %while3A_1622 = arith.constant 0 : i32
    %while3A_1623 = arith.subi %while3A_1621, %select_n3A_1620 : i32
    %while3A_1624 = arith.addi %select_n3A_1620, %while3A_1623 : i32
    %while3A_1625 = arith.constant 1 : i32
    %while3A_1626 = arith.divsi %while3A_1623, %while3A_1625 : i32
    %while3A_1627 = arith.muli %while3A_1626, %while3A_1625 : i32
    %while3A_1628 = arith.addi %select_n3A_1620, %while3A_1627 : i32
    %while3A_1629 = arith.constant 1 : i32
    %while3A_1630 = scf.for %while3A_1636 = %select_n3A_1620 to %while3A_1628 step %while3A_1629 iter_args(%while3A_1637 = %while3A_1622) -> (i32)  : i32 {
      %mul3A_1638 = arith.constant 128 : i32
      %mul3A_1639 = arith.muli %while3A_1636, %mul3A_1638 : i32
      %add3A_1640 = arith.addi %mul3A_249, %mul3A_1639 : i32
      "tpu.region"() ({
        %run_scoped3A = tpu.sem_alloc : memref<!tpu.dma_semaphore, #tpu.memory_space<semaphore_mem>>
        %dma_start3A = arith.constant 0 : i32
        %dma_start3A_1642 = tpu.memref_slice %arg7[%dma_start3A, %add3A_1640] : memref<48x327680xf32, #tpu.memory_space<hbm>> -> memref<48x128xf32, #tpu.memory_space<hbm>>
        %dma_start3A_1643 = arith.constant 0 : i32
        %dma_start3A_1644 = tpu.memref_slice %arg7[%dma_start3A_1643, %add3A_1640] : memref<48x327680xf32, #tpu.memory_space<hbm>> -> memref<48x128xf32, #tpu.memory_space<hbm>>
        tpu.enqueue_dma source(%arg17 : memref<48x128xf32, #tpu.memory_space<vmem>>) target(%dma_start3A_1644 : memref<48x128xf32, #tpu.memory_space<hbm>>) target_semaphore(%run_scoped3A : memref<!tpu.dma_semaphore, #tpu.memory_space<semaphore_mem>>)
        %dma_wait3A = arith.constant 0 : i32
        %dma_wait3A_1645 = tpu.memref_slice %arg7[%dma_wait3A, %add3A_1640] : memref<48x327680xf32, #tpu.memory_space<hbm>> -> memref<48x128xf32, #tpu.memory_space<hbm>>
        %dma_wait3A_1646 = arith.constant 0 : i32
        %dma_wait3A_1647 = tpu.memref_slice %arg7[%dma_wait3A_1646, %add3A_1640] : memref<48x327680xf32, #tpu.memory_space<hbm>> -> memref<48x128xf32, #tpu.memory_space<hbm>>
        tpu.wait_dma2 semaphore(%run_scoped3A : memref<!tpu.dma_semaphore, #tpu.memory_space<semaphore_mem>>) src(%arg17 : memref<48x128xf32, #tpu.memory_space<vmem>>) dst(%dma_wait3A_1647 : memref<48x128xf32, #tpu.memory_space<hbm>>)
        tpu.yield
      }) : () -> ()
      %while3A_1641 = arith.constant 0 : i32
      scf.yield %while3A_1641 : i32
    }
    %while3A_1631 = arith.constant 1 : i32
    %while3A_1632 = scf.for %while3A_1636 = %while3A_1628 to %while3A_1624 step %while3A_1631 iter_args(%while3A_1637 = %while3A_1630) -> (i32)  : i32 {
      %mul3A_1638 = arith.constant 128 : i32
      %mul3A_1639 = arith.muli %while3A_1636, %mul3A_1638 : i32
      %add3A_1640 = arith.addi %mul3A_249, %mul3A_1639 : i32
      "tpu.region"() ({
        %run_scoped3A = tpu.sem_alloc : memref<!tpu.dma_semaphore, #tpu.memory_space<semaphore_mem>>
        %dma_start3A = arith.constant 0 : i32
        %dma_start3A_1642 = tpu.memref_slice %arg7[%dma_start3A, %add3A_1640] : memref<48x327680xf32, #tpu.memory_space<hbm>> -> memref<48x128xf32, #tpu.memory_space<hbm>>
        %dma_start3A_1643 = arith.constant 0 : i32
        %dma_start3A_1644 = tpu.memref_slice %arg7[%dma_start3A_1643, %add3A_1640] : memref<48x327680xf32, #tpu.memory_space<hbm>> -> memref<48x128xf32, #tpu.memory_space<hbm>>
        tpu.enqueue_dma source(%arg17 : memref<48x128xf32, #tpu.memory_space<vmem>>) target(%dma_start3A_1644 : memref<48x128xf32, #tpu.memory_space<hbm>>) target_semaphore(%run_scoped3A : memref<!tpu.dma_semaphore, #tpu.memory_space<semaphore_mem>>)
        %dma_wait3A = arith.constant 0 : i32
        %dma_wait3A_1645 = tpu.memref_slice %arg7[%dma_wait3A, %add3A_1640] : memref<48x327680xf32, #tpu.memory_space<hbm>> -> memref<48x128xf32, #tpu.memory_space<hbm>>
        %dma_wait3A_1646 = arith.constant 0 : i32
        %dma_wait3A_1647 = tpu.memref_slice %arg7[%dma_wait3A_1646, %add3A_1640] : memref<48x327680xf32, #tpu.memory_space<hbm>> -> memref<48x128xf32, #tpu.memory_space<hbm>>
        tpu.wait_dma2 semaphore(%run_scoped3A : memref<!tpu.dma_semaphore, #tpu.memory_space<semaphore_mem>>) src(%arg17 : memref<48x128xf32, #tpu.memory_space<vmem>>) dst(%dma_wait3A_1647 : memref<48x128xf32, #tpu.memory_space<hbm>>)
        tpu.yield
      }) : () -> ()
      %while3A_1641 = arith.constant 0 : i32
      scf.yield %while3A_1641 : i32
    }
    "tpu.region"() ({
      %run_scoped3A = tpu.sem_alloc : memref<!tpu.dma_semaphore, #tpu.memory_space<semaphore_mem>>
      %dma_start3A = arith.constant 0 : i32
      %dma_start3A_1636 = tpu.memref_slice %arg16[%dma_start3A] : memref<14336xi32, #tpu.memory_space<vmem>> -> memref<10240xi32, #tpu.memory_space<vmem>>
      %dma_start3A_1637 = arith.constant 0 : i32
      %dma_start3A_1638 = tpu.memref_slice %arg8[%add3A, %dma_start3A_1637] : memref<32x10240xi32, #tpu.memory_space<hbm>> -> memref<1x10240xi32, #tpu.memory_space<hbm>>
      %dma_start3A_1639 = tpu.memref_squeeze %dma_start3A_1638 : memref<1x10240xi32, #tpu.memory_space<hbm>> -> memref<10240xi32, #tpu.memory_space<hbm>>
      %dma_start3A_1640 = arith.constant 0 : i32
      %dma_start3A_1641 = tpu.memref_slice %arg8[%add3A, %dma_start3A_1640] : memref<32x10240xi32, #tpu.memory_space<hbm>> -> memref<1x10240xi32, #tpu.memory_space<hbm>>
      %dma_start3A_1642 = tpu.memref_squeeze %dma_start3A_1641 : memref<1x10240xi32, #tpu.memory_space<hbm>> -> memref<10240xi32, #tpu.memory_space<hbm>>
      %dma_start3A_1643 = arith.constant 0 : i32
      %dma_start3A_1644 = tpu.memref_slice %arg16[%dma_start3A_1643] : memref<14336xi32, #tpu.memory_space<vmem>> -> memref<10240xi32, #tpu.memory_space<vmem>>
      tpu.enqueue_dma source(%dma_start3A_1644 : memref<10240xi32, #tpu.memory_space<vmem>>) target(%dma_start3A_1642 : memref<10240xi32, #tpu.memory_space<hbm>>) target_semaphore(%run_scoped3A : memref<!tpu.dma_semaphore, #tpu.memory_space<semaphore_mem>>)
      %dma_wait3A = arith.constant 0 : i32
      %dma_wait3A_1645 = tpu.memref_slice %arg16[%dma_wait3A] : memref<14336xi32, #tpu.memory_space<vmem>> -> memref<10240xi32, #tpu.memory_space<vmem>>
      %dma_wait3A_1646 = arith.constant 0 : i32
      %dma_wait3A_1647 = tpu.memref_slice %arg8[%add3A, %dma_wait3A_1646] : memref<32x10240xi32, #tpu.memory_space<hbm>> -> memref<1x10240xi32, #tpu.memory_space<hbm>>
      %dma_wait3A_1648 = tpu.memref_squeeze %dma_wait3A_1647 : memref<1x10240xi32, #tpu.memory_space<hbm>> -> memref<10240xi32, #tpu.memory_space<hbm>>
      %dma_wait3A_1649 = arith.constant 0 : i32
      %dma_wait3A_1650 = tpu.memref_slice %arg8[%add3A, %dma_wait3A_1649] : memref<32x10240xi32, #tpu.memory_space<hbm>> -> memref<1x10240xi32, #tpu.memory_space<hbm>>
      %dma_wait3A_1651 = tpu.memref_squeeze %dma_wait3A_1650 : memref<1x10240xi32, #tpu.memory_space<hbm>> -> memref<10240xi32, #tpu.memory_space<hbm>>
      %dma_wait3A_1652 = arith.constant 0 : i32
      %dma_wait3A_1653 = tpu.memref_slice %arg16[%dma_wait3A_1652] : memref<14336xi32, #tpu.memory_space<vmem>> -> memref<10240xi32, #tpu.memory_space<vmem>>
      tpu.wait_dma2 semaphore(%run_scoped3A : memref<!tpu.dma_semaphore, #tpu.memory_space<semaphore_mem>>) src(%dma_wait3A_1653 : memref<10240xi32, #tpu.memory_space<vmem>>) dst(%dma_wait3A_1651 : memref<10240xi32, #tpu.memory_space<hbm>>)
      tpu.yield
    }) : () -> ()
    %broadcast_in_dim3A_1633 = vector.broadcast %min3A_9 : i32 to vector<16xi32>
    %swap3A_1634 = arith.constant 0 : index
    %swap3A_1635 = tpu.vector_load %arg18[%swap3A_1634] {strides = array<i32>} : memref<16xi32, #tpu.memory_space<vmem>>, vector<16xi32>,
    tpu.vector_store %arg18[%swap3A_1634], %broadcast_in_dim3A_1633 {strides = array<i32>} : memref<16xi32, #tpu.memory_space<vmem>>, vector<16xi32>,
    "tpu.region"() ({
      %run_scoped3A = tpu.sem_alloc : memref<!tpu.dma_semaphore, #tpu.memory_space<semaphore_mem>>
      %dma_start3A = arith.constant 0 : i32
      %dma_start3A_1636 = tpu.memref_slice %arg9[%add3A, %dma_start3A] : memref<32x16xi32, #tpu.memory_space<hbm>> -> memref<1x16xi32, #tpu.memory_space<hbm>>
      %dma_start3A_1637 = tpu.memref_squeeze %dma_start3A_1636 : memref<1x16xi32, #tpu.memory_space<hbm>> -> memref<16xi32, #tpu.memory_space<hbm>>
      %dma_start3A_1638 = arith.constant 0 : i32
      %dma_start3A_1639 = tpu.memref_slice %arg9[%add3A, %dma_start3A_1638] : memref<32x16xi32, #tpu.memory_space<hbm>> -> memref<1x16xi32, #tpu.memory_space<hbm>>
      %dma_start3A_1640 = tpu.memref_squeeze %dma_start3A_1639 : memref<1x16xi32, #tpu.memory_space<hbm>> -> memref<16xi32, #tpu.memory_space<hbm>>
      tpu.enqueue_dma source(%arg18 : memref<16xi32, #tpu.memory_space<vmem>>) target(%dma_start3A_1640 : memref<16xi32, #tpu.memory_space<hbm>>) target_semaphore(%run_scoped3A : memref<!tpu.dma_semaphore, #tpu.memory_space<semaphore_mem>>)
      %dma_wait3A = arith.constant 0 : i32
      %dma_wait3A_1641 = tpu.memref_slice %arg9[%add3A, %dma_wait3A] : memref<32x16xi32, #tpu.memory_space<hbm>> -> memref<1x16xi32, #tpu.memory_space<hbm>>
      %dma_wait3A_1642 = tpu.memref_squeeze %dma_wait3A_1641 : memref<1x16xi32, #tpu.memory_space<hbm>> -> memref<16xi32, #tpu.memory_space<hbm>>
      %dma_wait3A_1643 = arith.constant 0 : i32
      %dma_wait3A_1644 = tpu.memref_slice %arg9[%add3A, %dma_wait3A_1643] : memref<32x16xi32, #tpu.memory_space<hbm>> -> memref<1x16xi32, #tpu.memory_space<hbm>>
      %dma_wait3A_1645 = tpu.memref_squeeze %dma_wait3A_1644 : memref<1x16xi32, #tpu.memory_space<hbm>> -> memref<16xi32, #tpu.memory_space<hbm>>
      tpu.wait_dma2 semaphore(%run_scoped3A : memref<!tpu.dma_semaphore, #tpu.memory_space<semaphore_mem>>) src(%arg18 : memref<16xi32, #tpu.memory_space<vmem>>) dst(%dma_wait3A_1645 : memref<16xi32, #tpu.memory_space<hbm>>)
      tpu.yield
    }) : () -> ()
    return
  }
}

module attributes {stable_mosaic.version = 14 : i64} {
  func.func @_tc_body(%arg0: i32, %arg1: i32, %arg2: memref<48x2048xf32, #tpu.memory_space<vmem>>, %arg3: memref<1x1x2048xi32, #tpu.memory_space<vmem>>, %arg4: memref<128x1xf32, #tpu.memory_space<vmem>>, %arg5: memref<128x16xf32, #tpu.memory_space<vmem>>, %arg6: memref<128x1xf32, #tpu.memory_space<vmem>>, %arg7: memref<64x48xf32, #tpu.memory_space<vmem>>, %arg8: memref<64x1xf32, #tpu.memory_space<vmem>>, %arg9: memref<64x64xf32, #tpu.memory_space<vmem>>, %arg10: memref<64x1xf32, #tpu.memory_space<vmem>>, %arg11: memref<64x64xf32, #tpu.memory_space<vmem>>, %arg12: memref<64x1xf32, #tpu.memory_space<vmem>>, %arg13: memref<64x64xf32, #tpu.memory_space<vmem>>, %arg14: memref<1x64xf32, #tpu.memory_space<vmem>>, %arg15: memref<1x64xf32, #tpu.memory_space<vmem>>, %arg16: memref<16x64xf32, #tpu.memory_space<vmem>>, %arg17: memref<1x64xf32, #tpu.memory_space<vmem>>, %arg18: memref<1x64xf32, #tpu.memory_space<vmem>>, %arg19: memref<64x64xf32, #tpu.memory_space<vmem>>, %arg20: memref<1x64xf32, #tpu.memory_space<vmem>>, %arg21: memref<64x64xf32, #tpu.memory_space<vmem>>, %arg22: memref<1x64xf32, #tpu.memory_space<vmem>>, %arg23: memref<64x64xf32, #tpu.memory_space<vmem>>, %arg24: memref<1x64xf32, #tpu.memory_space<vmem>>, %arg25: memref<64x20xf32, #tpu.memory_space<vmem>>, %arg26: memref<1x20xf32, #tpu.memory_space<vmem>>, %arg27: memref<128x20xf32, #tpu.memory_space<vmem>>, %arg28: memref<64x128xf32, #tpu.memory_space<vmem>>) attributes {dimension_semantics = [#tpu.dimension_semantics<arbitrary>, #tpu.dimension_semantics<arbitrary>], iteration_bounds = array<i64: 32, 5>, scalar_prefetch = 0 : i64, scratch_operands = 1 : i64, tpu.core_type = #tpu.core_type<tc>, window_params = [{transform_indices = @transform_0, window_bounds = array<i64: 48, 2048>}, {transform_indices = @transform_1, window_bounds = array<i64: 1, 1, 2048>}, {transform_indices = @transform_2, window_bounds = array<i64: 128, 1>}, {transform_indices = @transform_3, window_bounds = array<i64: 128, 16>}, {transform_indices = @transform_4, window_bounds = array<i64: 128, 1>}, {pipeline_mode = #tpu.pipeline_mode<synchronous>, transform_indices = @transform_5, window_bounds = array<i64: 64, 48>}, {pipeline_mode = #tpu.pipeline_mode<synchronous>, transform_indices = @transform_6, window_bounds = array<i64: 64, 1>}, {pipeline_mode = #tpu.pipeline_mode<synchronous>, transform_indices = @transform_7, window_bounds = array<i64: 64, 64>}, {pipeline_mode = #tpu.pipeline_mode<synchronous>, transform_indices = @transform_8, window_bounds = array<i64: 64, 1>}, {pipeline_mode = #tpu.pipeline_mode<synchronous>, transform_indices = @transform_9, window_bounds = array<i64: 64, 64>}, {pipeline_mode = #tpu.pipeline_mode<synchronous>, transform_indices = @transform_10, window_bounds = array<i64: 64, 1>}, {pipeline_mode = #tpu.pipeline_mode<synchronous>, transform_indices = @transform_11, window_bounds = array<i64: 64, 64>}, {pipeline_mode = #tpu.pipeline_mode<synchronous>, transform_indices = @transform_12, window_bounds = array<i64: 1, 64>}, {pipeline_mode = #tpu.pipeline_mode<synchronous>, transform_indices = @transform_13, window_bounds = array<i64: 1, 64>}, {pipeline_mode = #tpu.pipeline_mode<synchronous>, transform_indices = @transform_14, window_bounds = array<i64: 16, 64>}, {pipeline_mode = #tpu.pipeline_mode<synchronous>, transform_indices = @transform_15, window_bounds = array<i64: 1, 64>}, {pipeline_mode = #tpu.pipeline_mode<synchronous>, transform_indices = @transform_16, window_bounds = array<i64: 1, 64>}, {pipeline_mode = #tpu.pipeline_mode<synchronous>, transform_indices = @transform_17, window_bounds = array<i64: 64, 64>}, {pipeline_mode = #tpu.pipeline_mode<synchronous>, transform_indices = @transform_18, window_bounds = array<i64: 1, 64>}, {pipeline_mode = #tpu.pipeline_mode<synchronous>, transform_indices = @transform_19, window_bounds = array<i64: 64, 64>}, {pipeline_mode = #tpu.pipeline_mode<synchronous>, transform_indices = @transform_20, window_bounds = array<i64: 1, 64>}, {pipeline_mode = #tpu.pipeline_mode<synchronous>, transform_indices = @transform_21, window_bounds = array<i64: 64, 64>}, {pipeline_mode = #tpu.pipeline_mode<synchronous>, transform_indices = @transform_22, window_bounds = array<i64: 1, 64>}, {pipeline_mode = #tpu.pipeline_mode<synchronous>, transform_indices = @transform_23, window_bounds = array<i64: 64, 20>}, {pipeline_mode = #tpu.pipeline_mode<synchronous>, transform_indices = @transform_24, window_bounds = array<i64: 1, 20>}, {transform_indices = @transform_25, window_bounds = array<i64: 128, 20>}]} {
    %get3A = arith.constant 0 : index
    %get3A_0 = arith.constant 0 : index
    %get3A_1 = vector.load %arg2[%get3A, %get3A_0] : memref<48x2048xf32, #tpu.memory_space<vmem>>, vector<48x2048xf32>
    %get3A_2 = arith.constant 0 : index
    %get3A_3 = arith.constant 0 : index
    %get3A_4 = vector.load %arg7[%get3A_2, %get3A_3] : memref<64x48xf32, #tpu.memory_space<vmem>>, vector<64x48xf32>
    %dot_general3A = arith.constant dense<0.000000e+00> : vector<64x2048xf32>
    %dot_general3A_5 = tpu.matmul %get3A_4, %get3A_1, %dot_general3A {dimension_numbers = #tpu.dot_dimension_numbers<[1], [0], [0], [1], [0, 0, 1, 1], [], []>, transpose_lhs_hint = false} : vector<64x48xf32>, vector<48x2048xf32>, vector<64x2048xf32> -> vector<64x2048xf32>
    %get3A_6 = arith.constant 0 : index
    %get3A_7 = arith.constant 0 : index
    %get3A_8 = vector.load %arg8[%get3A_6, %get3A_7] : memref<64x1xf32, #tpu.memory_space<vmem>>, vector<64x1xf32>
    %add3A = vector.broadcast %get3A_8 : vector<64x1xf32> to vector<64x2048xf32>
    %add3A_9 = arith.addf %dot_general3A_5, %add3A : vector<64x2048xf32>
    %max3A = arith.constant 0.000000e+00 : f32
    %max3A_10 = vector.broadcast %max3A : f32 to vector<64x2048xf32>
    %max3A_11 = arith.maximumf %add3A_9, %max3A_10 : vector<64x2048xf32>
    %get3A_12 = arith.constant 0 : index
    %get3A_13 = arith.constant 0 : index
    %get3A_14 = vector.load %arg9[%get3A_12, %get3A_13] : memref<64x64xf32, #tpu.memory_space<vmem>>, vector<64x64xf32>
    %dot_general3A_15 = arith.constant dense<0.000000e+00> : vector<64x2048xf32>
    %dot_general3A_16 = tpu.matmul %get3A_14, %max3A_11, %dot_general3A_15 {dimension_numbers = #tpu.dot_dimension_numbers<[1], [0], [0], [1], [0, 0, 1, 1], [], []>, transpose_lhs_hint = false} : vector<64x64xf32>, vector<64x2048xf32>, vector<64x2048xf32> -> vector<64x2048xf32>
    %get3A_17 = arith.constant 0 : index
    %get3A_18 = arith.constant 0 : index
    %get3A_19 = vector.load %arg10[%get3A_17, %get3A_18] : memref<64x1xf32, #tpu.memory_space<vmem>>, vector<64x1xf32>
    %add3A_20 = vector.broadcast %get3A_19 : vector<64x1xf32> to vector<64x2048xf32>
    %add3A_21 = arith.addf %dot_general3A_16, %add3A_20 : vector<64x2048xf32>
    %max3A_22 = arith.constant 0.000000e+00 : f32
    %max3A_23 = vector.broadcast %max3A_22 : f32 to vector<64x2048xf32>
    %max3A_24 = arith.maximumf %add3A_21, %max3A_23 : vector<64x2048xf32>
    %get3A_25 = arith.constant 0 : index
    %get3A_26 = arith.constant 0 : index
    %get3A_27 = vector.load %arg11[%get3A_25, %get3A_26] : memref<64x64xf32, #tpu.memory_space<vmem>>, vector<64x64xf32>
    %dot_general3A_28 = arith.constant dense<0.000000e+00> : vector<64x2048xf32>
    %dot_general3A_29 = tpu.matmul %get3A_27, %max3A_24, %dot_general3A_28 {dimension_numbers = #tpu.dot_dimension_numbers<[1], [0], [0], [1], [0, 0, 1, 1], [], []>, transpose_lhs_hint = false} : vector<64x64xf32>, vector<64x2048xf32>, vector<64x2048xf32> -> vector<64x2048xf32>
    %get3A_30 = arith.constant 0 : index
    %get3A_31 = arith.constant 0 : index
    %get3A_32 = vector.load %arg12[%get3A_30, %get3A_31] : memref<64x1xf32, #tpu.memory_space<vmem>>, vector<64x1xf32>
    %add3A_33 = vector.broadcast %get3A_32 : vector<64x1xf32> to vector<64x2048xf32>
    %add3A_34 = arith.addf %dot_general3A_29, %add3A_33 : vector<64x2048xf32>
    %max3A_35 = arith.constant 0.000000e+00 : f32
    %max3A_36 = vector.broadcast %max3A_35 : f32 to vector<64x2048xf32>
    %max3A_37 = arith.maximumf %add3A_34, %max3A_36 : vector<64x2048xf32>
    %get3A_38 = arith.constant 0 : index
    %get3A_39 = arith.constant 0 : index
    %get3A_40 = arith.constant 0 : index
    %get3A_41 = vector.load %arg3[%get3A_38, %get3A_39, %get3A_40] : memref<1x1x2048xi32, #tpu.memory_space<vmem>>, vector<1x1x2048xi32>
    %get3A_42 = vector.shape_cast %get3A_41 : vector<1x1x2048xi32> to vector<1x2048xi32>
    %mul3A = arith.constant 128 : i32
    %mul3A_43 = arith.muli %arg0, %mul3A : i32
    %sub3A = vector.broadcast %mul3A_43 : i32 to vector<1x2048xi32>
    %sub3A_44 = arith.subi %get3A_42, %sub3A : vector<1x2048xi32>
    %convert_element_type3A = arith.sitofp %sub3A_44 : vector<1x2048xi32> to vector<1x2048xbf16>
    %transpose3A = tpu.transpose %convert_element_type3A, [1, 0] : vector<1x2048xbf16> -> vector<2048x1xbf16>
    %iota3A = tpu.iota {dimensions = array<i32: 1>} : vector<2048x128xi32>
    %convert_element_type3A_45 = arith.sitofp %iota3A : vector<2048x128xi32> to vector<2048x128xbf16>
    %eq3A = vector.broadcast %transpose3A : vector<2048x1xbf16> to vector<2048x128xbf16>
    %eq3A_46 = arith.cmpf oeq, %convert_element_type3A_45, %eq3A : vector<2048x128xbf16>
    %convert_element_type3A_47 = arith.extui %eq3A_46 : vector<2048x128xi1> to vector<2048x128xi32>
    %convert_element_type3A_48 = arith.sitofp %convert_element_type3A_47 : vector<2048x128xi32> to vector<2048x128xf32>
    %convert_element_type3A_49 = arith.truncf %convert_element_type3A_48 : vector<2048x128xf32> to vector<2048x128xbf16>
    %convert_element_type3A_50 = arith.truncf %max3A_37 : vector<64x2048xf32> to vector<64x2048xbf16>
    %dot_general3A_51 = arith.constant dense<0.000000e+00> : vector<64x128xf32>
    %dot_general3A_52 = tpu.matmul %convert_element_type3A_50, %convert_element_type3A_49, %dot_general3A_51 {dimension_numbers = #tpu.dot_dimension_numbers<[1], [0], [0], [1], [0, 0, 1, 1], [], []>, transpose_lhs_hint = false} : vector<64x2048xbf16>, vector<2048x128xbf16>, vector<64x128xf32> -> vector<64x128xf32>
    %eq3A_53 = arith.constant 0 : i32
    %eq3A_54 = arith.cmpi eq, %arg1, %eq3A_53 : i32
    %convert_element_type3A_55 = arith.extui %eq3A_54 : i1 to i32
    %cond3A = arith.constant 0 : i32
    %cond3A_56 = arith.cmpi ne, %convert_element_type3A_55, %cond3A : i32
    scf.if %cond3A_56 {
      %swap3A = arith.constant 0 : index
      %swap3A_66 = arith.constant 0 : index
      %swap3A_67 = vector.load %arg28[%swap3A, %swap3A_66] : memref<64x128xf32, #tpu.memory_space<vmem>>, vector<64x128xf32>
      tpu.vector_store %arg28[%swap3A, %swap3A_66], %dot_general3A_52 {strides = array<i32>} : memref<64x128xf32, #tpu.memory_space<vmem>>, vector<64x128xf32>,
    } else {
    }
    %gt3A = arith.constant 0 : i32
    %gt3A_57 = arith.cmpi sgt, %arg1, %gt3A : i32
    %convert_element_type3A_58 = arith.extui %gt3A_57 : i1 to i32
    %cond3A_59 = arith.constant 0 : i32
    %cond3A_60 = arith.cmpi ne, %convert_element_type3A_58, %cond3A_59 : i32
    scf.if %cond3A_60 {
      %get3A_66 = arith.constant 0 : index
      %get3A_67 = arith.constant 0 : index
      %get3A_68 = vector.load %arg28[%get3A_66, %get3A_67] : memref<64x128xf32, #tpu.memory_space<vmem>>, vector<64x128xf32>
      %add3A_69 = arith.addf %get3A_68, %dot_general3A_52 : vector<64x128xf32>
      %swap3A = arith.constant 0 : index
      %swap3A_70 = arith.constant 0 : index
      %swap3A_71 = vector.load %arg28[%swap3A, %swap3A_70] : memref<64x128xf32, #tpu.memory_space<vmem>>, vector<64x128xf32>
      tpu.vector_store %arg28[%swap3A, %swap3A_70], %add3A_69 {strides = array<i32>} : memref<64x128xf32, #tpu.memory_space<vmem>>, vector<64x128xf32>,
    } else {
    }
    %eq3A_61 = arith.constant 4 : i32
    %eq3A_62 = arith.cmpi eq, %arg1, %eq3A_61 : i32
    %convert_element_type3A_63 = arith.extui %eq3A_62 : i1 to i32
    %cond3A_64 = arith.constant 0 : i32
    %cond3A_65 = arith.cmpi ne, %convert_element_type3A_63, %cond3A_64 : i32
    scf.if %cond3A_65 {
      %get3A_66 = arith.constant 0 : index
      %get3A_67 = arith.constant 0 : index
      %get3A_68 = vector.load %arg4[%get3A_66, %get3A_67] : memref<128x1xf32, #tpu.memory_space<vmem>>, vector<128x1xf32>
      %sin3A = math.sin %get3A_68 : vector<128x1xf32>
      %get3A_69 = arith.constant 0 : index
      %get3A_70 = arith.constant 0 : index
      %get3A_71 = vector.load %arg4[%get3A_69, %get3A_70] : memref<128x1xf32, #tpu.memory_space<vmem>>, vector<128x1xf32>
      %cos3A = math.cos %get3A_71 : vector<128x1xf32>
      %get3A_72 = arith.constant 0 : index
      %get3A_73 = arith.constant 0 : index
      %get3A_74 = vector.load %arg28[%get3A_72, %get3A_73] : memref<64x128xf32, #tpu.memory_space<vmem>>, vector<64x128xf32>
      %transpose3A_75 = tpu.transpose %get3A_74, [1, 0] : vector<64x128xf32> -> vector<128x64xf32>
      %get3A_76 = arith.constant 0 : index
      %get3A_77 = arith.constant 0 : index
      %get3A_78 = vector.load %arg13[%get3A_76, %get3A_77] : memref<64x64xf32, #tpu.memory_space<vmem>>, vector<64x64xf32>
      %dot_general3A_79 = arith.constant dense<0.000000e+00> : vector<128x64xf32>
      %dot_general3A_80 = tpu.matmul %transpose3A_75, %get3A_78, %dot_general3A_79 {dimension_numbers = #tpu.dot_dimension_numbers<[1], [0], [0], [1], [0, 0, 1, 1], [], []>, transpose_lhs_hint = false} : vector<128x64xf32>, vector<64x64xf32>, vector<128x64xf32> -> vector<128x64xf32>
      %get3A_81 = arith.constant 0 : index
      %get3A_82 = arith.constant 0 : index
      %get3A_83 = vector.load %arg14[%get3A_81, %get3A_82] : memref<1x64xf32, #tpu.memory_space<vmem>>, vector<1x64xf32>
      %mul3A_84 = vector.broadcast %sin3A : vector<128x1xf32> to vector<128x64xf32>
      %mul3A_85 = vector.broadcast %get3A_83 : vector<1x64xf32> to vector<128x64xf32>
      %mul3A_86 = arith.mulf %mul3A_84, %mul3A_85 : vector<128x64xf32>
      %add3A_87 = arith.addf %dot_general3A_80, %mul3A_86 : vector<128x64xf32>
      %get3A_88 = arith.constant 0 : index
      %get3A_89 = arith.constant 0 : index
      %get3A_90 = vector.load %arg15[%get3A_88, %get3A_89] : memref<1x64xf32, #tpu.memory_space<vmem>>, vector<1x64xf32>
      %mul3A_91 = vector.broadcast %cos3A : vector<128x1xf32> to vector<128x64xf32>
      %mul3A_92 = vector.broadcast %get3A_90 : vector<1x64xf32> to vector<128x64xf32>
      %mul3A_93 = arith.mulf %mul3A_91, %mul3A_92 : vector<128x64xf32>
      %add3A_94 = arith.addf %add3A_87, %mul3A_93 : vector<128x64xf32>
      %get3A_95 = arith.constant 0 : index
      %get3A_96 = arith.constant 0 : index
      %get3A_97 = vector.load %arg5[%get3A_95, %get3A_96] : memref<128x16xf32, #tpu.memory_space<vmem>>, vector<128x16xf32>
      %get3A_98 = arith.constant 0 : index
      %get3A_99 = arith.constant 0 : index
      %get3A_100 = vector.load %arg16[%get3A_98, %get3A_99] : memref<16x64xf32, #tpu.memory_space<vmem>>, vector<16x64xf32>
      %dot_general3A_101 = arith.constant dense<0.000000e+00> : vector<128x64xf32>
      %dot_general3A_102 = tpu.matmul %get3A_97, %get3A_100, %dot_general3A_101 {dimension_numbers = #tpu.dot_dimension_numbers<[1], [0], [0], [1], [0, 0, 1, 1], [], []>, transpose_lhs_hint = false} : vector<128x16xf32>, vector<16x64xf32>, vector<128x64xf32> -> vector<128x64xf32>
      %add3A_103 = arith.addf %add3A_94, %dot_general3A_102 : vector<128x64xf32>
      %get3A_104 = arith.constant 0 : index
      %get3A_105 = arith.constant 0 : index
      %get3A_106 = vector.load %arg6[%get3A_104, %get3A_105] : memref<128x1xf32, #tpu.memory_space<vmem>>, vector<128x1xf32>
      %get3A_107 = arith.constant 0 : index
      %get3A_108 = arith.constant 0 : index
      %get3A_109 = vector.load %arg17[%get3A_107, %get3A_108] : memref<1x64xf32, #tpu.memory_space<vmem>>, vector<1x64xf32>
      %mul3A_110 = vector.broadcast %get3A_106 : vector<128x1xf32> to vector<128x64xf32>
      %mul3A_111 = vector.broadcast %get3A_109 : vector<1x64xf32> to vector<128x64xf32>
      %mul3A_112 = arith.mulf %mul3A_110, %mul3A_111 : vector<128x64xf32>
      %add3A_113 = arith.addf %add3A_103, %mul3A_112 : vector<128x64xf32>
      %get3A_114 = arith.constant 0 : index
      %get3A_115 = arith.constant 0 : index
      %get3A_116 = vector.load %arg18[%get3A_114, %get3A_115] : memref<1x64xf32, #tpu.memory_space<vmem>>, vector<1x64xf32>
      %add3A_117 = vector.broadcast %get3A_116 : vector<1x64xf32> to vector<128x64xf32>
      %add3A_118 = arith.addf %add3A_113, %add3A_117 : vector<128x64xf32>
      %max3A_119 = arith.constant 0.000000e+00 : f32
      %max3A_120 = vector.broadcast %max3A_119 : f32 to vector<128x64xf32>
      %max3A_121 = arith.maximumf %add3A_118, %max3A_120 : vector<128x64xf32>
      %get3A_122 = arith.constant 0 : index
      %get3A_123 = arith.constant 0 : index
      %get3A_124 = vector.load %arg19[%get3A_122, %get3A_123] : memref<64x64xf32, #tpu.memory_space<vmem>>, vector<64x64xf32>
      %dot_general3A_125 = arith.constant dense<0.000000e+00> : vector<128x64xf32>
      %dot_general3A_126 = tpu.matmul %max3A_121, %get3A_124, %dot_general3A_125 {dimension_numbers = #tpu.dot_dimension_numbers<[1], [0], [0], [1], [0, 0, 1, 1], [], []>, transpose_lhs_hint = false} : vector<128x64xf32>, vector<64x64xf32>, vector<128x64xf32> -> vector<128x64xf32>
      %get3A_127 = arith.constant 0 : index
      %get3A_128 = arith.constant 0 : index
      %get3A_129 = vector.load %arg20[%get3A_127, %get3A_128] : memref<1x64xf32, #tpu.memory_space<vmem>>, vector<1x64xf32>
      %add3A_130 = vector.broadcast %get3A_129 : vector<1x64xf32> to vector<128x64xf32>
      %add3A_131 = arith.addf %dot_general3A_126, %add3A_130 : vector<128x64xf32>
      %max3A_132 = arith.constant 0.000000e+00 : f32
      %max3A_133 = vector.broadcast %max3A_132 : f32 to vector<128x64xf32>
      %max3A_134 = arith.maximumf %add3A_131, %max3A_133 : vector<128x64xf32>
      %get3A_135 = arith.constant 0 : index
      %get3A_136 = arith.constant 0 : index
      %get3A_137 = vector.load %arg21[%get3A_135, %get3A_136] : memref<64x64xf32, #tpu.memory_space<vmem>>, vector<64x64xf32>
      %dot_general3A_138 = arith.constant dense<0.000000e+00> : vector<128x64xf32>
      %dot_general3A_139 = tpu.matmul %max3A_134, %get3A_137, %dot_general3A_138 {dimension_numbers = #tpu.dot_dimension_numbers<[1], [0], [0], [1], [0, 0, 1, 1], [], []>, transpose_lhs_hint = false} : vector<128x64xf32>, vector<64x64xf32>, vector<128x64xf32> -> vector<128x64xf32>
      %get3A_140 = arith.constant 0 : index
      %get3A_141 = arith.constant 0 : index
      %get3A_142 = vector.load %arg22[%get3A_140, %get3A_141] : memref<1x64xf32, #tpu.memory_space<vmem>>, vector<1x64xf32>
      %add3A_143 = vector.broadcast %get3A_142 : vector<1x64xf32> to vector<128x64xf32>
      %add3A_144 = arith.addf %dot_general3A_139, %add3A_143 : vector<128x64xf32>
      %max3A_145 = arith.constant 0.000000e+00 : f32
      %max3A_146 = vector.broadcast %max3A_145 : f32 to vector<128x64xf32>
      %max3A_147 = arith.maximumf %add3A_144, %max3A_146 : vector<128x64xf32>
      %get3A_148 = arith.constant 0 : index
      %get3A_149 = arith.constant 0 : index
      %get3A_150 = vector.load %arg23[%get3A_148, %get3A_149] : memref<64x64xf32, #tpu.memory_space<vmem>>, vector<64x64xf32>
      %dot_general3A_151 = arith.constant dense<0.000000e+00> : vector<128x64xf32>
      %dot_general3A_152 = tpu.matmul %max3A_147, %get3A_150, %dot_general3A_151 {dimension_numbers = #tpu.dot_dimension_numbers<[1], [0], [0], [1], [0, 0, 1, 1], [], []>, transpose_lhs_hint = false} : vector<128x64xf32>, vector<64x64xf32>, vector<128x64xf32> -> vector<128x64xf32>
      %get3A_153 = arith.constant 0 : index
      %get3A_154 = arith.constant 0 : index
      %get3A_155 = vector.load %arg24[%get3A_153, %get3A_154] : memref<1x64xf32, #tpu.memory_space<vmem>>, vector<1x64xf32>
      %add3A_156 = vector.broadcast %get3A_155 : vector<1x64xf32> to vector<128x64xf32>
      %add3A_157 = arith.addf %dot_general3A_152, %add3A_156 : vector<128x64xf32>
      %max3A_158 = arith.constant 0.000000e+00 : f32
      %max3A_159 = vector.broadcast %max3A_158 : f32 to vector<128x64xf32>
      %max3A_160 = arith.maximumf %add3A_157, %max3A_159 : vector<128x64xf32>
      %get3A_161 = arith.constant 0 : index
      %get3A_162 = arith.constant 0 : index
      %get3A_163 = vector.load %arg25[%get3A_161, %get3A_162] : memref<64x20xf32, #tpu.memory_space<vmem>>, vector<64x20xf32>
      %dot_general3A_164 = arith.constant dense<0.000000e+00> : vector<128x20xf32>
      %dot_general3A_165 = tpu.matmul %max3A_160, %get3A_163, %dot_general3A_164 {dimension_numbers = #tpu.dot_dimension_numbers<[1], [0], [0], [1], [0, 0, 1, 1], [], []>, transpose_lhs_hint = false} : vector<128x64xf32>, vector<64x20xf32>, vector<128x20xf32> -> vector<128x20xf32>
      %get3A_166 = arith.constant 0 : index
      %get3A_167 = arith.constant 0 : index
      %get3A_168 = vector.load %arg26[%get3A_166, %get3A_167] : memref<1x20xf32, #tpu.memory_space<vmem>>, vector<1x20xf32>
      %add3A_169 = vector.broadcast %get3A_168 : vector<1x20xf32> to vector<128x20xf32>
      %add3A_170 = arith.addf %dot_general3A_165, %add3A_169 : vector<128x20xf32>
      %swap3A = arith.constant 0 : index
      %swap3A_171 = arith.constant 0 : index
      %swap3A_172 = vector.load %arg27[%swap3A, %swap3A_171] : memref<128x20xf32, #tpu.memory_space<vmem>>, vector<128x20xf32>
      tpu.vector_store %arg27[%swap3A, %swap3A_171], %add3A_170 {strides = array<i32>} : memref<128x20xf32, #tpu.memory_space<vmem>>, vector<128x20xf32>,
    } else {
    }
    return
  }
  func.func @transform_0(%arg0: i32, %arg1: i32) -> (i32, i32) {
    %mul3A = arith.constant 5 : i32
    %mul3A_0 = arith.muli %arg0, %mul3A : i32
    %add3A = arith.addi %mul3A_0, %arg1 : i32
    %c0_i32 = arith.constant 0 : i32
    %c0_i32_1 = arith.constant 0 : i32
    return %c0_i32, %add3A : i32, i32
  }
  func.func @transform_1(%arg0: i32, %arg1: i32) -> (i32, i32, i32) {
    %mul3A = arith.constant 5 : i32
    %mul3A_0 = arith.muli %arg0, %mul3A : i32
    %add3A = arith.addi %mul3A_0, %arg1 : i32
    %c0_i32 = arith.constant 0 : i32
    %c0_i32_1 = arith.constant 0 : i32
    %c0_i32_2 = arith.constant 0 : i32
    return %add3A, %c0_i32, %c0_i32_1 : i32, i32, i32
  }
  func.func @transform_2(%arg0: i32, %arg1: i32) -> (i32, i32) {
    %c0_i32 = arith.constant 0 : i32
    %c0_i32_0 = arith.constant 0 : i32
    return %arg0, %c0_i32 : i32, i32
  }
  func.func @transform_3(%arg0: i32, %arg1: i32) -> (i32, i32) {
    %c0_i32 = arith.constant 0 : i32
    %c0_i32_0 = arith.constant 0 : i32
    return %arg0, %c0_i32 : i32, i32
  }
  func.func @transform_4(%arg0: i32, %arg1: i32) -> (i32, i32) {
    %c0_i32 = arith.constant 0 : i32
    %c0_i32_0 = arith.constant 0 : i32
    return %arg0, %c0_i32 : i32, i32
  }
  func.func @transform_5(%arg0: i32, %arg1: i32) -> (i32, i32) {
    %c0_i32 = arith.constant 0 : i32
    %c0_i32_0 = arith.constant 0 : i32
    %c0_i32_1 = arith.constant 0 : i32
    return %c0_i32, %c0_i32_0 : i32, i32
  }
  func.func @transform_6(%arg0: i32, %arg1: i32) -> (i32, i32) {
    %c0_i32 = arith.constant 0 : i32
    %c0_i32_0 = arith.constant 0 : i32
    %c0_i32_1 = arith.constant 0 : i32
    return %c0_i32, %c0_i32_0 : i32, i32
  }
  func.func @transform_7(%arg0: i32, %arg1: i32) -> (i32, i32) {
    %c0_i32 = arith.constant 0 : i32
    %c0_i32_0 = arith.constant 0 : i32
    %c0_i32_1 = arith.constant 0 : i32
    return %c0_i32, %c0_i32_0 : i32, i32
  }
  func.func @transform_8(%arg0: i32, %arg1: i32) -> (i32, i32) {
    %c0_i32 = arith.constant 0 : i32
    %c0_i32_0 = arith.constant 0 : i32
    %c0_i32_1 = arith.constant 0 : i32
    return %c0_i32, %c0_i32_0 : i32, i32
  }
  func.func @transform_9(%arg0: i32, %arg1: i32) -> (i32, i32) {
    %c0_i32 = arith.constant 0 : i32
    %c0_i32_0 = arith.constant 0 : i32
    %c0_i32_1 = arith.constant 0 : i32
    return %c0_i32, %c0_i32_0 : i32, i32
  }
  func.func @transform_10(%arg0: i32, %arg1: i32) -> (i32, i32) {
    %c0_i32 = arith.constant 0 : i32
    %c0_i32_0 = arith.constant 0 : i32
    %c0_i32_1 = arith.constant 0 : i32
    return %c0_i32, %c0_i32_0 : i32, i32
  }
  func.func @transform_11(%arg0: i32, %arg1: i32) -> (i32, i32) {
    %c0_i32 = arith.constant 0 : i32
    %c0_i32_0 = arith.constant 0 : i32
    %c0_i32_1 = arith.constant 0 : i32
    return %c0_i32, %c0_i32_0 : i32, i32
  }
  func.func @transform_12(%arg0: i32, %arg1: i32) -> (i32, i32) {
    %c0_i32 = arith.constant 0 : i32
    %c0_i32_0 = arith.constant 0 : i32
    %c0_i32_1 = arith.constant 0 : i32
    return %c0_i32, %c0_i32_0 : i32, i32
  }
  func.func @transform_13(%arg0: i32, %arg1: i32) -> (i32, i32) {
    %c0_i32 = arith.constant 0 : i32
    %c0_i32_0 = arith.constant 0 : i32
    %c0_i32_1 = arith.constant 0 : i32
    return %c0_i32, %c0_i32_0 : i32, i32
  }
  func.func @transform_14(%arg0: i32, %arg1: i32) -> (i32, i32) {
    %c0_i32 = arith.constant 0 : i32
    %c0_i32_0 = arith.constant 0 : i32
    %c0_i32_1 = arith.constant 0 : i32
    return %c0_i32, %c0_i32_0 : i32, i32
  }
  func.func @transform_15(%arg0: i32, %arg1: i32) -> (i32, i32) {
    %c0_i32 = arith.constant 0 : i32
    %c0_i32_0 = arith.constant 0 : i32
    %c0_i32_1 = arith.constant 0 : i32
    return %c0_i32, %c0_i32_0 : i32, i32
  }
  func.func @transform_16(%arg0: i32, %arg1: i32) -> (i32, i32) {
    %c0_i32 = arith.constant 0 : i32
    %c0_i32_0 = arith.constant 0 : i32
    %c0_i32_1 = arith.constant 0 : i32
    return %c0_i32, %c0_i32_0 : i32, i32
  }
  func.func @transform_17(%arg0: i32, %arg1: i32) -> (i32, i32) {
    %c0_i32 = arith.constant 0 : i32
    %c0_i32_0 = arith.constant 0 : i32
    %c0_i32_1 = arith.constant 0 : i32
    return %c0_i32, %c0_i32_0 : i32, i32
  }
  func.func @transform_18(%arg0: i32, %arg1: i32) -> (i32, i32) {
    %c0_i32 = arith.constant 0 : i32
    %c0_i32_0 = arith.constant 0 : i32
    %c0_i32_1 = arith.constant 0 : i32
    return %c0_i32, %c0_i32_0 : i32, i32
  }
  func.func @transform_19(%arg0: i32, %arg1: i32) -> (i32, i32) {
    %c0_i32 = arith.constant 0 : i32
    %c0_i32_0 = arith.constant 0 : i32
    %c0_i32_1 = arith.constant 0 : i32
    return %c0_i32, %c0_i32_0 : i32, i32
  }
  func.func @transform_20(%arg0: i32, %arg1: i32) -> (i32, i32) {
    %c0_i32 = arith.constant 0 : i32
    %c0_i32_0 = arith.constant 0 : i32
    %c0_i32_1 = arith.constant 0 : i32
    return %c0_i32, %c0_i32_0 : i32, i32
  }
  func.func @transform_21(%arg0: i32, %arg1: i32) -> (i32, i32) {
    %c0_i32 = arith.constant 0 : i32
    %c0_i32_0 = arith.constant 0 : i32
    %c0_i32_1 = arith.constant 0 : i32
    return %c0_i32, %c0_i32_0 : i32, i32
  }
  func.func @transform_22(%arg0: i32, %arg1: i32) -> (i32, i32) {
    %c0_i32 = arith.constant 0 : i32
    %c0_i32_0 = arith.constant 0 : i32
    %c0_i32_1 = arith.constant 0 : i32
    return %c0_i32, %c0_i32_0 : i32, i32
  }
  func.func @transform_23(%arg0: i32, %arg1: i32) -> (i32, i32) {
    %c0_i32 = arith.constant 0 : i32
    %c0_i32_0 = arith.constant 0 : i32
    %c0_i32_1 = arith.constant 0 : i32
    return %c0_i32, %c0_i32_0 : i32, i32
  }
  func.func @transform_24(%arg0: i32, %arg1: i32) -> (i32, i32) {
    %c0_i32 = arith.constant 0 : i32
    %c0_i32_0 = arith.constant 0 : i32
    %c0_i32_1 = arith.constant 0 : i32
    return %c0_i32, %c0_i32_0 : i32, i32
  }
  func.func @transform_25(%arg0: i32, %arg1: i32) -> (i32, i32) {
    %c0_i32 = arith.constant 0 : i32
    %c0_i32_0 = arith.constant 0 : i32
    return %arg0, %c0_i32 : i32, i32
  }
}

</mosaic_0001>

<sc_bundles>
// kernel: kernel.4.cloned.1.call-start
scs
__scs_entry_jumppad:
0x0: {  	(pc) =	sbr.rel $0x88, $3  }
0x1: {  	(tag) =	ssettag $0x0;
	lr =	simm.s32 $0x1  }
0x2: {  	[smem:$0x3F8D] =	sst lr;
	_ =	strace $0xD0000000  }
0x3: {  	_ = 	snop  }
0x4: {  	_ = 	snop  }
0x5: {  	_ = 	snop  }
0x6: {  	_ = 	snop  }
0x7: {  	_ = 	snop  }
__scs_overlays_trampoline_lowered:
0x8: {  	[smem:$0x3F9C] =	sst s0  }
0x9: {  	[smem:$0x3F9D] =	sst s1  }
0xa: {  	[smem:$0x3F9E] =	sst s2  }
0xb: {  	[smem:$0x3F9F] =	sst s3  }
0xc: {  	[smem:$0x3FA0] =	sst s4  }
0xd: {  	[smem:$0x3FA1] =	sst s5  }
0xe: {  	[smem:$0x3FA2] =	sst s6  }
0xf: {  	[smem:$0x3FA3] =	sst s7  }
0x10: {  	[smem:$0x3FA4] =	sst s8  }
0x11: {  	[smem:$0x3FA5] =	sst s9;
	s0 =	simm.s32 @!p0 $0x0  }
0x12: {  	s1 =	sld [smem:$0x3F8B];
	s0 =	simm.s32 @p0 $0x1  }
0x13: {  	[smem:$0x3FA6] =	sst s0;
	s0 =	simm.s32 @!p1 $0x0  }
0x14: {  	s2 =	sld [smem:$0x3F8A];
	s0 =	simm.s32 @p1 $0x1  }
0x15: {  	[smem:$0x3FA7] =	sst s0;
	s0 =	simm.s32 @!p2 $0x0  }
0x16: {  	s3 =	sld [smem:$0x3FDB];
	s0 =	simm.s32 @p2 $0x1  }
0x17: {  	s4 =	simm.s32 $0x1BF5;
	[smem:$0x3FA9] =	sst s0  }
0x18: {  	s0 =	sld [smem:$0x3F8C];
	_ =	swait.ge [sflag:s4], $0x0  }
0x19: {  	s7 =	sld [smem:$0x3F8D]  }
0x1a: {  	s8 =	sadd.s32 $0xFFFFE003, lr  }
0x1b: {  	s9 =	sadd.s32 $0xFFFFFEF7, lr;
	s5 =	simm.s32 $0xFFFFFFFF;
	p2 =	slt.u32 s8, $0xFFFFF086  }
0x1c: {  	p1 =	slt.u32 s9, $0xF7A;
	s5 =	simm.s32 @!p2 $0x0  }
0x1d: {  	s5 =	simm.s32 @p1 $0x1;
	p0 =	seq.s32 s7, s2  }
0x1e: {  	s7 =	smul.u32 @!p0 $0xF7A, s2;
	p2 =	seq.s32 @!p0 s5, $0x0  }
0x1f: {  	s9 =	smul.u32 $0xF7A, s1;
	s8 =	simm.s32 @!p0 $0x1BF5;
	p2 =	por !p2, p0  }
0x20: {  	[sflag:s8] =	ssyncset.s32 @!p0 $0xFFFFF086;
	s6 =	sadd.s32 @!p0 s3, s7;
	s7 =	simm.s32 @!p0 $0x108  }
0x21: {  	s3 =	sadd.s32 s3, s9;
	s6 =	sadd.s32 @!p0 $0x88, s6;
	s7 =	simm.s32 @p2 $0x1082  }
0x22: {  	[simem:s7], [sflag:s8] =	dma.local @!p0 [hbm:s6], $0xF7A  }
0x23: {  	s9 =	sor.u32 $0xD0000000, s2;
	s6 =	simm.s32 $0x108;
	_ =	swait.ge @!p0 [sflag:s8], $0x0  }
0x24: {  	s3 =	sadd.s32 $0x88, s3;
	s6 =	simm.s32 @!p1 $0x1082;
	[sflag:s4] =	ssyncset.s32 $0xFFFFF086  }
0x25: {  	[simem:s6], [sflag:s4] =	dma.local [hbm:s3], $0xF7A  }
0x26: {  	[smem:$0x3F8D] =	sst s1;
	(tag) =	ssettag s2;
	_ =	strace s9  }
0x27: {  	s1 =	sld [smem:$0x3F9D]  }
0x28: {  	s2 =	sld [smem:$0x3F9E]  }
0x29: {  	s4 =	sld [smem:$0x3FA0]  }
0x2a: {  	p0 =	seq.s32 s5, $0x0;
	s5 =	sld [smem:$0x3FA1]  }
0x2b: {  	s6 =	sld [smem:$0x3FA2]  }
0x2c: {  	s7 =	sld [smem:$0x3FA3]  }
0x2d: {  	s3 =	simm.s32 $0x108;
	s8 =	sld [smem:$0x3FA4]  }
0x2e: {  	s3 =	simm.s32 @!p0 $0x1082;
	s9 =	sld [smem:$0x3FA5]  }
0x2f: {  	lr =	sadd.s32 s0, s3;
	s0 =	sld [smem:$0x3F9C]  }
0x30: {  	s3 =	sld [smem:$0x3F9F]  }
0x31: {  	[smem:$0x3FA8] =	sst s10  }
0x32: {  	s10 =	sld [smem:$0x3FA6];
	_ =	sdelay $0x3  }
0x33: {  	p0 =	seq.s32 s10, $0x1;
	s10 =	sld [smem:$0x3FA8];
	_ =	sdelay $0x3  }
0x34: {  	[smem:$0x3FA8] =	sst s10  }
0x35: {  	s10 =	sld [smem:$0x3FA7];
	_ =	sdelay $0x3  }
0x36: {  	p1 =	seq.s32 s10, $0x1;
	s10 =	sld [smem:$0x3FA8];
	_ =	sdelay $0x3  }
0x37: {  	[smem:$0x3FA8] =	sst s10  }
0x38: {  	s10 =	sld [smem:$0x3FA9]  }
0x39: {  	_ = 	snop;
	(pc) =	sbr.ind lr, $3  }
0x3a: {  	_ = 	snop  }
0x3b: {  	_ = 	snop  }
0x3c: {  	p2 =	seq.s32 s10, $0x1;
	s10 =	sld [smem:$0x3FA8]  }
0x3d: {  	_ =	shalt  }
0x3e: {  	_ =	shalt  }
0x3f: {  	_ =	shalt  }
0x40: {  	_ =	shalt  }
0x41: {  	_ =	shalt  }
0x42: {  	_ =	shalt  }
0x43: {  	_ =	shalt  }
0x44: {  	_ =	shalt  }
0x45: {  	_ =	shalt  }
0x46: {  	_ =	shalt  }
0x47: {  	_ =	shalt  }
0x48: {  	_ =	shalt  }
0x49: {  	_ =	shalt  }
0x4a: {  	_ =	shalt  }
0x4b: {  	_ =	shalt  }
0x4c: {  	_ =	shalt  }
0x4d: {  	_ =	shalt  }
0x4e: {  	_ =	shalt  }
0x4f: {  	_ =	shalt  }
0x50: {  	_ =	shalt  }
0x51: {  	_ =	shalt  }
0x52: {  	_ =	shalt  }
0x53: {  	_ =	shalt  }
0x54: {  	_ =	shalt  }
0x55: {  	_ =	shalt  }
0x56: {  	_ =	shalt  }
0x57: {  	_ =	shalt  }
0x58: {  	_ =	shalt  }
0x59: {  	_ =	shalt  }
0x5a: {  	_ =	shalt  }
0x5b: {  	_ =	shalt  }
0x5c: {  	_ =	shalt  }
0x5d: {  	_ =	shalt  }
0x5e: {  	_ =	shalt  }
0x5f: {  	_ =	shalt  }
0x60: {  	_ =	shalt  }
0x61: {  	_ =	shalt  }
0x62: {  	_ =	shalt  }
0x63: {  	_ =	shalt  }
0x64: {  	_ =	shalt  }
0x65: {  	_ =	shalt  }
0x66: {  	_ =	shalt  }
0x67: {  	_ =	shalt  }
0x68: {  	_ =	shalt  }
0x69: {  	_ =	shalt  }
0x6a: {  	_ =	shalt  }
0x6b: {  	_ =	shalt  }
0x6c: {  	_ =	shalt  }
0x6d: {  	_ =	shalt  }
0x6e: {  	_ =	shalt  }
0x6f: {  	_ =	shalt  }
0x70: {  	_ =	shalt  }
0x71: {  	_ =	shalt  }
0x72: {  	_ =	shalt  }
0x73: {  	_ =	shalt  }
0x74: {  	_ =	shalt  }
0x75: {  	_ =	shalt  }
0x76: {  	_ =	shalt  }
0x77: {  	_ =	shalt  }
0x78: {  	_ =	shalt  }
0x79: {  	_ =	shalt  }
0x7a: {  	_ =	shalt  }
0x7b: {  	_ =	shalt  }
0x7c: {  	_ =	shalt  }
0x7d: {  	_ =	shalt  }
0x7e: {  	_ =	shalt  }
0x7f: {  	_ =	shalt  }
0x80: {  	_ =	shalt  }
0x81: {  	_ =	shalt  }
0x82: {  	_ =	shalt  }
0x83: {  	_ =	shalt  }
0x84: {  	_ =	shalt  }
0x85: {  	_ =	shalt  }
0x86: {  	_ =	shalt  }
0x87: {  	_ =	shalt  }
.Lfunc_end0:
.L_simem_size_0:
called_computation_lowered:
.L_overlay_start_0:
0x88: {  	s2 =	sld [smem:$0x3FD9]  }
0x89: {  	s3 =	sld [smem:$0x3FFE];
	_ =	sdelay $0x1  }
0x8a: {  	s1 =	srdreg.scid  }
0x8b: {  	s0 =	sand.u32 $0x1, s1  }
0x8c: {  	s14 =	sshll.u32 s0, $0xA;
	s2 =	sadd.s32 s3, s2  }
0x8d: {  	s2 =	sadd.s32 s2, s14  }
0x8e: {  	[smem:$0x3FB4] =	sst s2  }
0x8f: {  	_ = 	snop  }
0x90: {  	s2 =	sld [smem:$0x3FD0];
	_ =	sdelay $0x2  }
0x91: {  	s15 =	simm.s32 $0xA;
	s4 =	simm.s32 $0x10  }
0x92: {  	[smem:s4], [sflag:s15] =	dma.local [hbm:s2], $0x1  }
0x93: {  	_ =	swait.eq [sflag:s15], $0x1  }
0x94: {  	s16 =	sld [smem:$0x10]  }
0x95: {  	s17 =	sld [smem:$0x11];
	[sflag:s15] =	ssyncset.done $0x0  }
0x96: {  	s5 =	sld [smem:$0x12];
	[sflag:s15] =	ssyncadd.s32 $0xFFFFFFFF  }
0x97: {  	s18 =	sld [smem:$0x13];
	(tm) =	ssettm $0x1  }
0x98: {  	s6 =	sld [smem:$0x3FFB];
	_ =	sdelay $0x3  }
0x99: {  	_ =	strace s6  }
0x9a: {  	s6 =	sld [smem:$0x3FFC];
	_ =	sdelay $0x3  }
0x9b: {  	_ =	strace s6  }
0x9c: {  	s6 =	sld [smem:$0x3FFD];
	_ =	sdelay $0x3  }
0x9d: {  	_ =	strace s6  }
0x9e: {  	_ =	strace $0x8FFFFFFF  }
0x9f: {  	s19 =	sld [smem:$0x3FDB];
	_ =	sdelay $0x1  }
0xa0: {  	s7 =	simm.s32 $_scs_section_size  }
0xa1: {  	s8 =	simm.s32 $_size__tile_overlayer_lowered;
	s9 =	simm.s32 $_tile_overlayer_lowered  }
0xa2: {  	s22 =	simm.s32 $0x1BFF;
	s21 =	sshll.u32 s9, $0x1;
	s6 =	sadd.s32 s7, s19  }
0xa3: {  	s10 =	simm.s32 $0x0;
	s20 =	sshll.u32 s8, $0x1;
	s8 =	sadd.s32 s21, s6  }
0xa4: {  	[timem:s10], [sflag:s22] =	dma.local [hbm:s8], s20  }
0xa5: {  	_ =	swait.ge [sflag:s22], s20  }
0xa6: {  	s7 =	ssub.s32 $0x0, s20;
	[sflag:s22] =	ssyncset.done $0x0  }
0xa7: {  	[sflag:s22] =	ssyncadd.s32 s7;
	_ =	sdelay $0x1  }
0xa8: {  	s23 =	simm.s32 $0x1B8B  }
0xa9: {  	_ =	swait.ge [sflag:s23], $0x1  }
0xaa: {  	[sflag:s23] =	ssyncset.done $0x0  }
0xab: {  	s25 =	simm.s32 $0x1B8E;
	s24 =	sld [smem:$0x3FFE];
	[sflag:s23] =	ssyncadd.s32 $0xFFFFFFFF  }
0xac: {  	s26 =	simm.s32 $execute0_lowered;
	[smem:$0x3FD2] =	sst s25  }
0xad: {  	s8 =	sshll.u32 s26, $0x1;
	_ =	strace $0x80000046;
	[dreg:$0x1] =	wrdreg $0xFFFFFFFF  }
0xae: {  	s28 =	simm.s32 $_size_execute0_lowered;
	s6 =	sadd.s32 s6, s8;
	[dreg:$0x0] =	wrdreg $0x0  }
0xaf: {  	s8 =	sshll.u32 s28, $0x1;
	[dreg:$0x2] =	wrdreg s6  }
0xb0: {  	[dreg:$0x3] =	wrdreg s8  }
0xb1: {  	[dreg:$0x4] =	wrdreg $0xC0  }
0xb2: {  	_ =	task [dreg:s10], $0x5FFFF  }
0xb3: {  	[dreg:$0x1] =	wrdreg $0xFFFFFFFF  }
0xb4: {  	[dreg:$0x0] =	wrdreg $0x60  }
0xb5: {  	[dreg:$0x2] =	wrdreg s17  }
0xb6: {  	[dreg:$0x3] =	wrdreg s18  }
0xb7: {  	[dreg:$0x4] =	wrdreg s24  }
0xb8: {  	[dreg:$0x5] =	wrdreg s16  }
0xb9: {  	[dreg:$0x6] =	wrdreg s5  }
0xba: {  	[dreg:$0x7] =	wrdreg $0x9  }
0xbb: {  	_ =	task.clear_ibuf [dreg:s10], $0x8FFFF;
	_ =	strace $0x90000046  }
0xbc: {  	s29 =	simm.s32 $0x9;
	_ =	strace $0x80000048  }
0xbd: {  	_ =	swait.ge [sflag:s29], $0x1  }
0xbe: {  	[sflag:s29] =	ssyncadd.s32 $0xFFFFFFFF  }
0xbf: {  	_ =	strace $0x90000048  }
0xc0: {  	_ =	sfence  }
0xc1: {  	s30 =	sld [smem:$0x0];
	_ =	sdelay $0x2  }
0xc2: {  	s31 =	sshll.u32 s1, $0xD;
	s1 =	sshrl.u32 s1, $0x2  }
0xc3: {  	s3 =	sand.u32 $0x4000, s31;
	s1 =	sadd.s32 s1, s30  }
0xc4: {  	s0 =	sor.u32 s3, s0;
	s1 =	sshll.u32 s1, $0x11  }
0xc5: {  	s0 =	sor.u32 s1, s0  }
0xc6: {  	s0 =	sadd.s32 $0x8F2B, s0  }
0xc7: {  	[sflag:s0] =	ssyncadd.remote.s32 $0x1  }
0xc8: {  	_ =	sfence.sel $0xFFFF  }
0xc9: {  	[dreg:$0x0] =	wrdreg $0xFFFFFFFF;
	(pc) =	sbr.abs _section_cstart, $3  }
0xca: {  	[dreg:$0x1] =	wrdreg $0xFFFFFFFF  }
0xcb: {  	_ =	task.clear_ibuf [dreg:s10], $0x2FFFF;
	_ =	strace $0x9FFFFFFF  }
0xcc: {  	(tm) =	ssettm $0x7FFFFFFF  }
0xcd: {  	_ =	shalt  }
tec
execute0_lowered:
.L_overlay_start_1:
0x0: {  	(tag) =	ssettag $0x1  }
0x1: {  	s0 =	rddreg [dreg:$0x2];
	s1 =	srdreg.scid  }
0x2: {  	s5 =	stileid.u32;
	s7 =	simm.s32 $0x0;
	s14 =	simm.s32 $0x1  }
0x3: {  	s15 =	simm.s32 $0x1080;
	s16 =	simm.s32 $0x2100;
	s17 =	simm.s32 $0x3100  }
0x4: {  	s18 =	simm.s32 $0x4100;
	s19 =	simm.s32 $0x17900;
	s20 =	simm.s32 $0x400  }
0x5: {  	s21 =	simm.s32 $0x280000;
	s22 =	simm.s32 $0x1B100;
	s23 =	simm.s32 $0x80  }
0x6: {  	s24 =	simm.s32 $0x1C900;
	s25 =	simm.s32 $0x0;
	s1 =	sand.u32 $0x1, s1  }
0x7: {  	s2 =	sshll.u32 s5, $0x8;
	s4 =	sshrl.u32 s5, $0x2;
	[smem:$0x7FF] =	sst s7  }
0x8: {  	s8 =	sadd.s32 $0x3000, s0;
	s9 =	sadd.s32 $0xD400, s0;
	s13 =	smul.u32 $0x5000, s5  }
0x9: {  	s3 =	sshll.u32 s1, $0x7;
	s29 =	smul.u32 $0x14000, s4;
	_ =	strace $0x80000047  }
0xa: {  	s30 =	ssub.s32 $0x2, s1;
	s1 =	smul.u32 $0x2800, s1;
	s6 =	sor.u32 s3, s2  }
.Ltmp0:
0xb: {  	s4 =	sshll.u32 s4, $0xA;
	s3 =	sand.u32 $0x380, s6;
	(pc) =	sbr.rel .LBB2_1-.Ltmp0, $4  }
0xc: {  	s10 =	sshrl.u32 s30, $0x1;
	s2 =	sor.u32 s29, s3;
	s3 =	sor.u32 s4, s3  }
0xd: {  	s31 =	ssub.s32 s30, s10;
	s2 =	sshrl.u32 s2, $0x3;
	s3 =	sshrl.u32 s3, $0x3  }
0xe: {  	s13 =	sadd.s32 s1, s13;
	s2 =	sadd.s32 s2, s0;
	s0 =	sadd.s32 s3, s0  }
0xf: {  	v0 =	vlaneseq.u32;
	v1 =	vimm.s32 $0xFFFFFFFF;
	v2 =	vimm.f32 $0.0e+00;
	s12 =	smax.u32 s31, $0x1;
	s10 =	sadd.s32 $0x3400, s2;
	s11 =	sadd.s32 $0x3200, s0  }
.LBB2_13:
0x10: {  	[sflag:s14] =	ssyncset.done $0x0  }
0x11: {  	[sflag:s14] =	ssyncadd.s32 $0xFFFFE800  }
.LBB2_14:
0x12: {  	[hbm4b:s10+s23] =	stream.strided.scatter [tilespmem:s19], [sflag:$0x1], $0x2800, s20, s23, $0x38;
	[tilespmem:$0x1C980] =	vst v63  }
0x13: {  	_ =	swait.ge [sflag:s14], $0x2800  }
0x14: {  	s25 =	sadd.s32 $0x1, s25;
	[sflag:s14] =	ssyncset.done $0x0  }
0x15: {  	p0 =	sne.s32 s25, s12;
	[sflag:s14] =	ssyncadd.s32 $0xFFFFD800  }
.Ltmp1:
0x16: {  	[tilespmem:$0x1C900] =	vst v3;
	(pc) =	sbr.rel @!p0 .LBB2_15-.Ltmp1, $4  }
0x17: {  	[hbm4b:s11+s7] =	stream.linear.scatter [tilespmem:s24], [sflag:$0x1], $0x80, $0x38;
	[tilespmem:$0x1C980] =	vst v63  }
0x18: {  	_ =	swait.ge [sflag:s14], $0x80  }
0x19: {  	[sflag:s14] =	ssyncset.done $0x0  }
0x1a: {  	[sflag:s14] =	ssyncadd.s32 $0xFFFFFF80  }
.LBB2_1:
0x1b: {  	s0 =	rddreg [dreg:$0x0]  }
0x1c: {  	[tilespmem:s7], [sflag:$0x1] =	stream.linear.gather [hbm4b:s0+s7], $0x1000, $0x38;
	[tilespmem:$0x1C980] =	vst v63  }
0x1d: {  	_ =	swait.ge [sflag:s14], $0x1000  }
0x1e: {  	[sflag:s14] =	ssyncset.done $0x0  }
0x1f: {  	[sflag:s14] =	ssyncadd.s32 $0xFFFFF000  }
0x20: {  	s29 =	rddreg [dreg:$0x1]  }
0x21: {  	[tilespmem:s15], [sflag:$0x1] =	stream.linear.gather [hbm4b:s29+s7], $0x1000, $0x38;
	[tilespmem:$0x1C980] =	vst v63  }
0x22: {  	_ =	swait.ge [sflag:s14], $0x1000  }
0x23: {  	[sflag:s14] =	ssyncset.done $0x0  }
0x24: {  	[sflag:s14] =	ssyncadd.s32 $0xFFFFF000  }
0x25: {  	[tilespmem:s16], [sflag:$0x1] =	stream.linear.gather [hbm4b:s8+s7], $0x1000, $0x38;
	[tilespmem:$0x1C980] =	vst v63  }
0x26: {  	_ =	swait.ge [sflag:s14], $0x1000  }
0x27: {  	[sflag:s14] =	ssyncset.done $0x0  }
0x28: {  	[sflag:s14] =	ssyncadd.s32 $0xFFFFF000  }
0x29: {  	s30 =	rddreg [dreg:$0x3]  }
0x2a: {  	[tilespmem:s17], [sflag:$0x1] =	stream.linear.gather [hbm4b:s30+s7], $0x1000, $0x38;
	[tilespmem:$0x1C980] =	vst v63  }
0x2b: {  	_ =	swait.ge [sflag:s14], $0x1000  }
0x2c: {  	[sflag:s14] =	ssyncset.done $0x0  }
0x2d: {  	[sflag:s14] =	ssyncadd.s32 $0xFFFFF000  }
0x2e: {  	s31 =	rddreg [dreg:$0x4]  }
0x2f: {  	[tilespmem:s18], [sflag:$0x1] =	stream.linear.gather [hbm4b:s31+s7], $0x10000, $0x38;
	[tilespmem:$0x1C980] =	vst v63  }
0x30: {  	_ =	swait.ge [sflag:s14], $0x10000  }
0x31: {  	[sflag:s14] =	ssyncset.done $0x0  }
0x32: {  	s26 =	simm.s32 $0x0;
	s28 =	simm.s32 $0x0;
	[sflag:s14] =	ssyncadd.s32 $0xFFFF0000  }
.LBB2_2:
0x33: {  	s0 =	sor.u32 s6, s28  }
0x34: {  	v3 =	vmov s0;
	_ =	sdelay $0x2  }
0x35: {  	v6 =	vld [tilespmem:$0x0]  }
0x36: {  	v7 =	vld [tilespmem:$0x1080]  }
0x37: {  	v4 =	vld.idx.msk [tilespmem:v3+s7+$0x0], $0xffff  }
0x38: {  	v5 =	vld.idx.msk [tilespmem:v3+s15+$0x0], $0xffff;
	_ =	sdelay $0x4  }
0x39: {  	v6 =	vsub.f32 v6, v4;
	v7 =	vsub.f32 v7, v5;
	_ =	sdelay $0x1  }
0x3a: {  	v6 =	vmul.f32 v6, v6;
	v7 =	vmul.f32 v7, v7;
	_ =	sdelay $0x1  }
0x3b: {  	s2 =	simm.s32 $0x0;
	v6 =	vadd.f32 v7, v6  }
0x3c: {  	v7 =	vor.u32 s2, v0  }
0x3d: {  	vm1 =	vne.s32 v7, v3;
	vm0 =	vle.f32 v6, $6.250000000e-02  }
0x3e: {  	vm0 =	vmand vm1, vm0  }
0x3f: {  	v6 =	vmpcnt.ones.xlane vm0;
	_ =	sdelay $0x1  }
0x40: {  	(v2sf) =	vpush v6, $0x0;
	_ =	sdelay $0x1  }
0x41: {  	s4 =	simm.s32 $0x40  }
0x42: {  	s31 =	simm.s32 $0x10C0;
	v8 =	vld [tilespmem:s4+$0xFFFFFFD0]  }
0x43: {  	v6 =	vld [tilespmem:s31+$0xFFFFFFD0];
	_ =	sdelay $0x4  }
0x44: {  	v8 =	vsub.f32 v8, v4;
	v6 =	vsub.f32 v6, v5;
	_ =	sdelay $0x1  }
0x45: {  	p0 =	slt.s32 s26, $0x27F0;
	v8 =	vmul.f32 v8, v8;
	v6 =	vmul.f32 v6, v6  }
0x46: {  	s26 =	simm.s32 @!p0 $0x27F0  }
0x47: {  	s3 =	simm.s32 $0x10;
	[tilespmem:s26+$0x14100] =	vst.msk vm0, v7;
	v6 =	vadd.f32 v6, v8  }
0x48: {  	[tilespmem:s26+$0x17900] =	vst.msk vm0, v3;
	v8 =	vor.u32 s3, v0  }
0x49: {  	v7 =	vld [tilespmem:s4+$0xFFFFFFE0];
	vm1 =	vne.s32 v8, v3;
	vm0 =	vle.f32 v6, $6.250000000e-02;
	s5 =	spop (v2sf)  }
0x4a: {  	v9 =	vld [tilespmem:s31+$0xFFFFFFE0];
	vm0 =	vmand vm1, vm0;
	s3 =	sadd.s32 s26, s5  }
0x4b: {  	[tilespmem:s3+$0x14100] =	vst.msk vm0, v8;
	v8 =	vmpcnt.ones.xlane vm0;
	_ =	sdelay $0x1  }
0x4c: {  	(v2sf) =	vpush v8, $0x0;
	_ =	sdelay $0x1  }
0x4d: {  	v7 =	vsub.f32 v7, v4;
	v9 =	vsub.f32 v9, v5;
	_ =	sdelay $0x1  }
0x4e: {  	v7 =	vmul.f32 v7, v7;
	v9 =	vmul.f32 v9, v9;
	_ =	sdelay $0x1  }
0x4f: {  	v7 =	vadd.f32 v9, v7;
	s26 =	simm.s32 $0x20  }
0x50: {  	v6 =	vor.u32 s26, v0;
	[tilespmem:s3+$0x17900] =	vst.msk vm0, v3  }
0x51: {  	vm1 =	vle.f32 v7, $6.250000000e-02;
	vm0 =	vne.s32 v6, v3;
	v7 =	vld [tilespmem:s4+$0xFFFFFFF0]  }
0x52: {  	s1 =	simm.s32 $0x70;
	s29 =	simm.s32 $0xC0;
	vm0 =	vmand vm0, vm1;
	v8 =	vld [tilespmem:s31+$0xFFFFFFF0]  }
0x53: {  	s30 =	simm.s32 $0x1140;
	s0 =	simm.s32 $0x170;
	s26 =	simm.s32 $0xF0;
	v9 =	vmpcnt.ones.xlane vm0  }
.LBB2_3:
0x54: {  	_ = 	snop  }
0x55: {  	p0 =	sne.s32 s0, $0xFF0;
	s2 =	smov.u32 s0;
	s0 =	sadd.s32 $0x80, s0;
	(v2sf) =	vpush v9, $0x0  }
0x56: {  	v7 =	vsub.f32 v7, v4  }
0x57: {  	v8 =	vsub.f32 v8, v5  }
0x58: {  	v7 =	vmul.f32 v7, v7;
	s5 =	spop (v2sf)  }
0x59: {  	s3 =	sadd.s32 s3, s5;
	v8 =	vmul.f32 v8, v8  }
0x5a: {  	s5 =	sadd.s32 $0xFFFFFFC0, s1;
	[tilespmem:s3+$0x14100] =	vst.msk vm0, v6  }
0x5b: {  	v6 =	vor.u32 s5, v0;
	[tilespmem:s3+$0x17900] =	vst.msk vm0, v3;
	v7 =	vadd.f32 v8, v7  }
0x5c: {  	vm0 =	vne.s32 v6, v3;
	v8 =	vld [tilespmem:s4+$0x0]  }
0x5d: {  	v9 =	vld [tilespmem:s31+$0x0];
	vm1 =	vle.f32 v7, $6.250000000e-02  }
0x5e: {  	vm0 =	vmand vm0, vm1  }
0x5f: {  	v7 =	vmpcnt.ones.xlane vm0;
	_ =	sdelay $0x1  }
0x60: {  	v8 =	vsub.f32 v8, v4;
	(v2sf) =	vpush v7, $0x0  }
0x61: {  	v7 =	vsub.f32 v9, v5;
	_ =	sdelay $0x1  }
0x62: {  	v8 =	vmul.f32 v8, v8;
	v7 =	vmul.f32 v7, v7;
	s5 =	spop (v2sf);
	_ =	sdelay $0x1  }
0x63: {  	s3 =	sadd.s32 s3, s5;
	s5 =	sadd.s32 $0xFFFFFFD0, s1;
	v7 =	vadd.f32 v7, v8  }
0x64: {  	[tilespmem:s3+$0x14100] =	vst.msk vm0, v6;
	v6 =	vor.u32 s5, v0  }
0x65: {  	[tilespmem:s3+$0x17900] =	vst.msk vm0, v3;
	vm0 =	vle.f32 v7, $6.250000000e-02;
	vm1 =	vne.s32 v6, v3  }
0x66: {  	v7 =	vld [tilespmem:s4+$0x10];
	vm0 =	vmand vm1, vm0  }
0x67: {  	v8 =	vld [tilespmem:s31+$0x10];
	v9 =	vmpcnt.ones.xlane vm0;
	_ =	sdelay $0x1  }
0x68: {  	(v2sf) =	vpush v9, $0x0;
	_ =	sdelay $0x1  }
0x69: {  	v7 =	vsub.f32 v7, v4  }
0x6a: {  	v8 =	vsub.f32 v8, v5  }
0x6b: {  	v7 =	vmul.f32 v7, v7;
	s5 =	spop (v2sf)  }
0x6c: {  	s3 =	sadd.s32 s3, s5;
	v8 =	vmul.f32 v8, v8  }
0x6d: {  	s5 =	sadd.s32 $0xFFFFFFE0, s1;
	[tilespmem:s3+$0x14100] =	vst.msk vm0, v6  }
0x6e: {  	v6 =	vor.u32 s5, v0;
	[tilespmem:s3+$0x17900] =	vst.msk vm0, v3;
	v7 =	vadd.f32 v8, v7  }
0x6f: {  	vm0 =	vne.s32 v6, v3;
	v8 =	vld [tilespmem:s4+$0x20]  }
0x70: {  	v9 =	vld [tilespmem:s31+$0x20];
	vm1 =	vle.f32 v7, $6.250000000e-02  }
0x71: {  	vm0 =	vmand vm0, vm1  }
0x72: {  	v7 =	vmpcnt.ones.xlane vm0;
	_ =	sdelay $0x1  }
0x73: {  	v8 =	vsub.f32 v8, v4;
	(v2sf) =	vpush v7, $0x0  }
0x74: {  	v7 =	vsub.f32 v9, v5  }
0x75: {  	v8 =	vmul.f32 v8, v8;
	s5 =	spop (v2sf)  }
0x76: {  	s3 =	sadd.s32 s3, s5;
	v7 =	vmul.f32 v7, v7  }
0x77: {  	[tilespmem:s3+$0x14100] =	vst.msk vm0, v6  }
0x78: {  	s5 =	sadd.s32 $0xFFFFFFF0, s1;
	[tilespmem:s3+$0x17900] =	vst.msk vm0, v3;
	v6 =	vadd.f32 v7, v8  }
0x79: {  	v8 =	vor.u32 s5, v0;
	v7 =	vld [tilespmem:s4+$0x30]  }
0x7a: {  	vm1 =	vne.s32 v8, v3;
	v9 =	vld [tilespmem:s31+$0x30];
	vm0 =	vle.f32 v6, $6.250000000e-02  }
0x7b: {  	vm0 =	vmand vm1, vm0  }
0x7c: {  	v6 =	vmpcnt.ones.xlane vm0;
	_ =	sdelay $0x1  }
0x7d: {  	v7 =	vsub.f32 v7, v4;
	(v2sf) =	vpush v6, $0x0  }
0x7e: {  	v6 =	vsub.f32 v9, v5;
	_ =	sdelay $0x1  }
0x7f: {  	v7 =	vmul.f32 v7, v7;
	v6 =	vmul.f32 v6, v6  }
0x80: {  	s5 =	spop (v2sf)  }
0x81: {  	s3 =	sadd.s32 s3, s5;
	v6 =	vadd.f32 v6, v7  }
0x82: {  	v7 =	vor.u32 s1, v0;
	s1 =	smov.u32 s26;
	s26 =	smov.u32 s2;
	[tilespmem:s3+$0x14100] =	vst.msk vm0, v8  }
0x83: {  	vm1 =	vne.s32 v7, v3;
	[tilespmem:s3+$0x17900] =	vst.msk vm0, v3;
	vm0 =	vle.f32 v6, $6.250000000e-02  }
0x84: {  	v6 =	vld [tilespmem:s4+$0x40];
	vm0 =	vmand vm1, vm0;
	s4 =	smov.u32 s29  }
0x85: {  	v8 =	vld [tilespmem:s31+$0x40];
	v9 =	vmpcnt.ones.xlane vm0;
	s31 =	smov.u32 s30;
	_ =	sdelay $0x1  }
0x86: {  	(v2sf) =	vpush v9, $0x0;
	_ =	sdelay $0x1  }
0x87: {  	v6 =	vsub.f32 v6, v4  }
0x88: {  	v8 =	vsub.f32 v8, v5  }
0x89: {  	v6 =	vmul.f32 v6, v6;
	s2 =	spop (v2sf)  }
0x8a: {  	v8 =	vmul.f32 v8, v8;
	s2 =	sadd.s32 s3, s2  }
0x8b: {  	[tilespmem:s2+$0x14100] =	vst.msk vm0, v7  }
0x8c: {  	s3 =	sadd.s32 $0xFFFFFF90, s1;
	v6 =	vadd.f32 v8, v6;
	[tilespmem:s2+$0x17900] =	vst.msk vm0, v3  }
0x8d: {  	v8 =	vor.u32 s3, v0;
	v7 =	vld [tilespmem:s30+$0xFFFFFFD0]  }
0x8e: {  	vm1 =	vne.s32 v8, v3;
	v9 =	vld [tilespmem:s29+$0xFFFFFFD0];
	vm0 =	vle.f32 v6, $6.250000000e-02  }
0x8f: {  	vm0 =	vmand vm1, vm0  }
0x90: {  	v6 =	vmpcnt.ones.xlane vm0;
	_ =	sdelay $0x1  }
0x91: {  	v7 =	vsub.f32 v7, v5;
	(v2sf) =	vpush v6, $0x0  }
0x92: {  	v6 =	vsub.f32 v9, v4  }
0x93: {  	s3 =	spop (v2sf)  }
0x94: {  	v7 =	vmul.f32 v7, v7;
	v6 =	vmul.f32 v6, v6;
	s2 =	sadd.s32 s2, s3;
	_ =	sdelay $0x1  }
0x95: {  	s3 =	sadd.s32 $0xFFFFFFA0, s1;
	[tilespmem:s2+$0x14100] =	vst.msk vm0, v8;
	v6 =	vadd.f32 v7, v6  }
0x96: {  	v7 =	vor.u32 s3, v0;
	[tilespmem:s2+$0x17900] =	vst.msk vm0, v3  }
0x97: {  	vm1 =	vne.s32 v7, v3;
	v8 =	vld [tilespmem:s29+$0xFFFFFFE0];
	vm0 =	vle.f32 v6, $6.250000000e-02  }
0x98: {  	v6 =	vld [tilespmem:s30+$0xFFFFFFE0];
	vm0 =	vmand vm1, vm0  }
0x99: {  	v9 =	vmpcnt.ones.xlane vm0;
	_ =	sdelay $0x1  }
0x9a: {  	(v2sf) =	vpush v9, $0x0  }
0x9b: {  	v8 =	vsub.f32 v8, v4  }
0x9c: {  	v6 =	vsub.f32 v6, v5  }
0x9d: {  	v8 =	vmul.f32 v8, v8  }
0x9e: {  	v9 =	vmul.f32 v6, v6;
	s3 =	spop (v2sf)  }
0x9f: {  	s3 =	sadd.s32 s2, s3;
	s2 =	sadd.s32 $0xFFFFFFB0, s1  }
.Ltmp2:
0xa0: {  	s29 =	sadd.s32 $0x80, s29;
	s30 =	sadd.s32 $0x80, s30;
	[tilespmem:s3+$0x14100] =	vst.msk vm0, v7;
	v6 =	vor.u32 s2, v0;
	v8 =	vadd.f32 v9, v8;
	(pc) =	sbr.rel @p0 .LBB2_3-.Ltmp2, $4  }
0xa1: {  	[tilespmem:s3+$0x17900] =	vst.msk vm0, v3;
	vm0 =	vne.s32 v6, v3  }
0xa2: {  	v7 =	vld [tilespmem:s4+$0xFFFFFFF0];
	vm1 =	vle.f32 v8, $6.250000000e-02  }
0xa3: {  	v8 =	vld [tilespmem:s31+$0xFFFFFFF0];
	vm0 =	vmand vm0, vm1  }
0xa4: {  	v9 =	vmpcnt.ones.xlane vm0  }
0xa5: {  	_ =	sdelay $0x2  }
0xa6: {  	v7 =	vsub.f32 v7, v4;
	v8 =	vsub.f32 v8, v5;
	_ =	sdelay $0x1  }
0xa7: {  	v7 =	vmul.f32 v7, v7;
	v8 =	vmul.f32 v8, v8;
	_ =	sdelay $0x1  }
0xa8: {  	s0 =	sadd.s32 $0xFFFFFFC0, s1;
	v7 =	vadd.f32 v8, v7  }
0xa9: {  	v16 =	vor.u32 s0, v0  }
0xaa: {  	vm1 =	vne.s32 v16, v3;
	vm2 =	vle.f32 v7, $6.250000000e-02  }
0xab: {  	(v2sf) =	vpush v9, $0x0;
	vm1 =	vmand vm1, vm2  }
0xac: {  	v17 =	vmpcnt.ones.xlane vm1  }
0xad: {  	s2 =	spop (v2sf)  }
0xae: {  	s0 =	sadd.s32 s3, s2;
	(v2sf) =	vpush v17, $0x0  }
0xaf: {  	[tilespmem:s0+$0x14100] =	vst.msk vm0, v6  }
0xb0: {  	[tilespmem:s0+$0x17900] =	vst.msk vm0, v3  }
0xb1: {  	v6 =	vld [tilespmem:s4+$0x0]  }
0xb2: {  	v18 =	vld [tilespmem:s31+$0x0];
	_ =	sdelay $0x4  }
0xb3: {  	v6 =	vsub.f32 v6, v4;
	v7 =	vsub.f32 v18, v5;
	_ =	sdelay $0x1  }
0xb4: {  	v6 =	vmul.f32 v6, v6;
	v7 =	vmul.f32 v7, v7  }
0xb5: {  	s2 =	spop (v2sf)  }
0xb6: {  	s3 =	sadd.s32 $0xFFFFFFD0, s1;
	s0 =	sadd.s32 s0, s2;
	v6 =	vadd.f32 v7, v6  }
0xb7: {  	v19 =	vor.u32 s3, v0;
	[tilespmem:s0+$0x14100] =	vst.msk vm1, v16  }
0xb8: {  	vm5 =	vne.s32 v19, v3;
	[tilespmem:s0+$0x17900] =	vst.msk vm1, v3;
	vm4 =	vle.f32 v6, $6.250000000e-02;
	s5 =	spop (v2sf)  }
0xb9: {  	v8 =	vld [tilespmem:s4+$0x10];
	vm0 =	vmand vm5, vm4;
	s0 =	sadd.s32 s0, s5  }
0xba: {  	v20 =	vld [tilespmem:s31+$0x10];
	v21 =	vmpcnt.ones.xlane vm0;
	[tilespmem:s0+$0x14100] =	vst.msk vm0, v19  }
0xbb: {  	[tilespmem:s0+$0x17900] =	vst.msk vm0, v3  }
0xbc: {  	(v2sf) =	vpush v21, $0x0;
	v7 =	vld [tilespmem:s4+$0x20]  }
0xbd: {  	v22 =	vld [tilespmem:s31+$0x20];
	_ =	sdelay $0x1  }
0xbe: {  	v8 =	vsub.f32 v8, v4;
	v6 =	vsub.f32 v20, v5;
	_ =	sdelay $0x1  }
0xbf: {  	v8 =	vmul.f32 v8, v8;
	v6 =	vmul.f32 v6, v6  }
0xc0: {  	v7 =	vsub.f32 v7, v4;
	v9 =	vsub.f32 v22, v5  }
0xc1: {  	s3 =	sadd.s32 $0xFFFFFFE0, s1;
	v6 =	vadd.f32 v6, v8  }
0xc2: {  	v23 =	vor.u32 s3, v0;
	v24 =	vmul.f32 v7, v7;
	v25 =	vmul.f32 v9, v9  }
0xc3: {  	vm6 =	vne.s32 v23, v3;
	vm7 =	vle.f32 v6, $6.250000000e-02  }
0xc4: {  	s5 =	sadd.s32 $0xFFFFFFF0, s1;
	vm0 =	vmand vm6, vm7;
	v6 =	vadd.f32 v25, v24  }
0xc5: {  	v27 =	vor.u32 s5, v0;
	v26 =	vmpcnt.ones.xlane vm0  }
0xc6: {  	vm9 =	vne.s32 v27, v3;
	vm8 =	vle.f32 v6, $6.250000000e-02  }
0xc7: {  	(v2sf) =	vpush v26, $0x0;
	vm1 =	vmand vm9, vm8  }
0xc8: {  	v28 =	vmpcnt.ones.xlane vm1  }
0xc9: {  	s3 =	spop (v2sf)  }
0xca: {  	s0 =	sadd.s32 s0, s3;
	(v2sf) =	vpush v28, $0x0  }
0xcb: {  	[tilespmem:s0+$0x14100] =	vst.msk vm0, v23  }
0xcc: {  	[tilespmem:s0+$0x17900] =	vst.msk vm0, v3  }
0xcd: {  	v29 =	vld [tilespmem:s4+$0x30]  }
0xce: {  	v8 =	vld [tilespmem:s31+$0x30];
	_ =	sdelay $0x4  }
0xcf: {  	v6 =	vsub.f32 v29, v4;
	v8 =	vsub.f32 v8, v5;
	_ =	sdelay $0x1  }
0xd0: {  	v6 =	vmul.f32 v6, v6;
	v8 =	vmul.f32 v8, v8  }
0xd1: {  	s5 =	spop (v2sf)  }
0xd2: {  	s0 =	sadd.s32 s0, s5;
	v6 =	vadd.f32 v8, v6  }
0xd3: {  	v30 =	vor.u32 s1, v0;
	[tilespmem:s0+$0x14100] =	vst.msk vm1, v27  }
0xd4: {  	vm11 =	vne.s32 v30, v3;
	[tilespmem:s0+$0x17900] =	vst.msk vm1, v3;
	vm10 =	vle.f32 v6, $6.250000000e-02;
	s2 =	spop (v2sf)  }
0xd5: {  	v31 =	vld [tilespmem:s4+$0x40];
	vm0 =	vmand vm11, vm10;
	s0 =	sadd.s32 s0, s2  }
0xd6: {  	v32 =	vld [tilespmem:s31+$0x40];
	v33 =	vmpcnt.ones.xlane vm0;
	[tilespmem:s0+$0x14100] =	vst.msk vm0, v30  }
0xd7: {  	[tilespmem:s0+$0x17900] =	vst.msk vm0, v3  }
0xd8: {  	(v2sf) =	vpush v33, $0x0;
	v7 =	vld [tilespmem:s30+$0xFFFFFFD0]  }
0xd9: {  	v34 =	vld [tilespmem:s29+$0xFFFFFFD0];
	_ =	sdelay $0x1  }
0xda: {  	v8 =	vsub.f32 v31, v4;
	v6 =	vsub.f32 v32, v5;
	_ =	sdelay $0x1  }
0xdb: {  	v8 =	vmul.f32 v8, v8;
	v6 =	vmul.f32 v6, v6  }
0xdc: {  	v7 =	vsub.f32 v7, v5;
	v9 =	vsub.f32 v34, v4  }
0xdd: {  	s3 =	sadd.s32 $0xFFFFFF90, s26;
	v6 =	vadd.f32 v6, v8  }
0xde: {  	v35 =	vor.u32 s3, v0;
	v36 =	vmul.f32 v9, v9;
	v7 =	vmul.f32 v7, v7  }
0xdf: {  	vm13 =	vne.s32 v35, v3;
	vm12 =	vle.f32 v6, $6.250000000e-02  }
0xe0: {  	s4 =	sadd.s32 $0xFFFFFFA0, s26;
	vm0 =	vmand vm13, vm12;
	v6 =	vadd.f32 v7, v36  }
0xe1: {  	v38 =	vor.u32 s4, v0;
	v37 =	vmpcnt.ones.xlane vm0  }
0xe2: {  	vm15 =	vne.s32 v38, v3;
	vm14 =	vle.f32 v6, $6.250000000e-02  }
0xe3: {  	(v2sf) =	vpush v37, $0x0;
	vm1 =	vmand vm15, vm14  }
0xe4: {  	v39 =	vmpcnt.ones.xlane vm1  }
0xe5: {  	s5 =	spop (v2sf)  }
0xe6: {  	s0 =	sadd.s32 s0, s5;
	(v2sf) =	vpush v39, $0x0  }
0xe7: {  	[tilespmem:s0+$0x14100] =	vst.msk vm0, v35  }
0xe8: {  	[tilespmem:s0+$0x17900] =	vst.msk vm0, v3  }
0xe9: {  	v40 =	vld [tilespmem:s29+$0xFFFFFFE0]  }
0xea: {  	v8 =	vld [tilespmem:s30+$0xFFFFFFE0];
	_ =	sdelay $0x4  }
0xeb: {  	v6 =	vsub.f32 v40, v4;
	v8 =	vsub.f32 v8, v5;
	_ =	sdelay $0x1  }
0xec: {  	v6 =	vmul.f32 v6, v6;
	v8 =	vmul.f32 v8, v8  }
0xed: {  	s31 =	spop (v2sf)  }
0xee: {  	s2 =	sadd.s32 $0xFFFFFFB0, s26;
	s0 =	sadd.s32 s0, s31;
	v6 =	vadd.f32 v8, v6  }
0xef: {  	v41 =	vor.u32 s2, v0;
	[tilespmem:s0+$0x14100] =	vst.msk vm1, v38  }
0xf0: {  	vm4 =	vne.s32 v41, v3;
	[tilespmem:s0+$0x17900] =	vst.msk vm1, v3;
	vm5 =	vle.f32 v6, $6.250000000e-02;
	s3 =	spop (v2sf)  }
0xf1: {  	v42 =	vld [tilespmem:s29+$0xFFFFFFF0];
	vm0 =	vmand vm4, vm5;
	s0 =	sadd.s32 s0, s3  }
0xf2: {  	v43 =	vld [tilespmem:s30+$0xFFFFFFF0];
	v44 =	vmpcnt.ones.xlane vm0;
	[tilespmem:s0+$0x14100] =	vst.msk vm0, v41  }
0xf3: {  	[tilespmem:s0+$0x17900] =	vst.msk vm0, v3  }
0xf4: {  	(v2sf) =	vpush v44, $0x0;
	v7 =	vld [tilespmem:s29+$0x0]  }
0xf5: {  	v45 =	vld [tilespmem:s30+$0x0];
	_ =	sdelay $0x1  }
0xf6: {  	v8 =	vsub.f32 v42, v4;
	v6 =	vsub.f32 v43, v5;
	_ =	sdelay $0x1  }
0xf7: {  	v8 =	vmul.f32 v8, v8;
	v6 =	vmul.f32 v6, v6  }
0xf8: {  	v7 =	vsub.f32 v7, v4;
	v9 =	vsub.f32 v45, v5  }
0xf9: {  	s4 =	sadd.s32 $0xFFFFFFC0, s26;
	v6 =	vadd.f32 v6, v8  }
0xfa: {  	v46 =	vor.u32 s4, v0;
	v47 =	vmul.f32 v7, v7;
	v48 =	vmul.f32 v9, v9  }
0xfb: {  	vm6 =	vne.s32 v46, v3;
	vm7 =	vle.f32 v6, $6.250000000e-02  }
0xfc: {  	s5 =	sadd.s32 $0xFFFFFFD0, s26;
	vm0 =	vmand vm6, vm7;
	v6 =	vadd.f32 v48, v47  }
0xfd: {  	v50 =	vor.u32 s5, v0;
	v49 =	vmpcnt.ones.xlane vm0  }
0xfe: {  	vm9 =	vne.s32 v50, v3;
	vm8 =	vle.f32 v6, $6.250000000e-02  }
0xff: {  	(v2sf) =	vpush v49, $0x0;
	vm1 =	vmand vm9, vm8  }
0x100: {  	v51 =	vmpcnt.ones.xlane vm1  }
0x101: {  	s31 =	spop (v2sf)  }
0x102: {  	s0 =	sadd.s32 s0, s31;
	(v2sf) =	vpush v51, $0x0  }
0x103: {  	[tilespmem:s0+$0x14100] =	vst.msk vm0, v46  }
0x104: {  	[tilespmem:s0+$0x17900] =	vst.msk vm0, v3  }
0x105: {  	v52 =	vld [tilespmem:s29+$0x10]  }
0x106: {  	v8 =	vld [tilespmem:s30+$0x10];
	_ =	sdelay $0x4  }
0x107: {  	v6 =	vsub.f32 v52, v4;
	v8 =	vsub.f32 v8, v5;
	_ =	sdelay $0x1  }
0x108: {  	v6 =	vmul.f32 v6, v6;
	v8 =	vmul.f32 v8, v8  }
0x109: {  	s2 =	spop (v2sf)  }
0x10a: {  	s3 =	sadd.s32 $0xFFFFFFE0, s26;
	s0 =	sadd.s32 s0, s2;
	v6 =	vadd.f32 v8, v6  }
0x10b: {  	v53 =	vor.u32 s3, v0;
	[tilespmem:s0+$0x14100] =	vst.msk vm1, v50  }
0x10c: {  	vm10 =	vne.s32 v53, v3;
	[tilespmem:s0+$0x17900] =	vst.msk vm1, v3;
	vm11 =	vle.f32 v6, $6.250000000e-02;
	s4 =	spop (v2sf)  }
0x10d: {  	v54 =	vld [tilespmem:s29+$0x20];
	vm0 =	vmand vm10, vm11;
	s0 =	sadd.s32 s0, s4  }
0x10e: {  	v55 =	vld [tilespmem:s30+$0x20];
	[tilespmem:s0+$0x14100] =	vst.msk vm0, v53  }
0x10f: {  	[tilespmem:s0+$0x17900] =	vst.msk vm0, v3  }
0x110: {  	v7 =	vld [tilespmem:s29+$0x30]  }
0x111: {  	v56 =	vld [tilespmem:s30+$0x30];
	_ =	sdelay $0x1  }
0x112: {  	v8 =	vsub.f32 v54, v4  }
0x113: {  	v6 =	vsub.f32 v55, v5  }
0x114: {  	v8 =	vmul.f32 v8, v8  }
0x115: {  	s5 =	sadd.s32 $0xFFFFFFF0, s26;
	v6 =	vmul.f32 v6, v6;
	v57 =	vsub.f32 v7, v4;
	v58 =	vsub.f32 v56, v5  }
0x116: {  	v60 =	vor.u32 s5, v0  }
0x117: {  	v6 =	vadd.f32 v6, v8;
	v4 =	vmul.f32 v57, v57;
	v5 =	vmul.f32 v58, v58  }
0x118: {  	v61 =	vor.u32 s26, v0;
	vm13 =	vne.s32 v60, v3  }
0x119: {  	v59 =	vmpcnt.ones.xlane vm0;
	vm12 =	vle.f32 v6, $6.250000000e-02;
	v4 =	vadd.f32 v5, v4  }
0x11a: {  	vm15 =	vne.s32 v61, v3;
	vm0 =	vmand vm13, vm12  }
0x11b: {  	(v2sf) =	vpush v59, $0x0;
	v62 =	vmpcnt.ones.xlane vm0;
	vm14 =	vle.f32 v4, $6.250000000e-02  }
0x11c: {  	vm1 =	vmand vm15, vm14  }
0x11d: {  	(v2sf) =	vpush v62, $0x0;
	v63 =	vmpcnt.ones.xlane vm1;
	_ =	sdelay $0x1  }
0x11e: {  	(v2sf) =	vpush v63, $0x0;
	_ =	sdelay $0x9  }
0x11f: {  	s28 =	sadd.s32 $0x1, s28  }
0x120: {  	p0 =	sne.s32 s28, $0x80;
	s29 =	spop (v2sf)  }
.Ltmp3:
0x121: {  	s0 =	sadd.s32 s0, s29;
	(pc) =	sbr.rel @p0 .LBB2_2-.Ltmp3, $4  }
0x122: {  	[tilespmem:s0+$0x14100] =	vst.msk vm0, v60;
	s30 =	spop (v2sf)  }
0x123: {  	[tilespmem:s0+$0x17900] =	vst.msk vm0, v3;
	s0 =	sadd.s32 s0, s30  }
0x124: {  	[tilespmem:s0+$0x14100] =	vst.msk vm1, v61;
	s31 =	spop (v2sf)  }
0x125: {  	[tilespmem:s0+$0x17900] =	vst.msk vm1, v3;
	s26 =	sadd.s32 s0, s31  }
0x126: {  	p0 =	slt.s32 s26, $0x27F0;
	s28 =	smov.u32 s26  }
0x127: {  	s28 =	simm.s32 @!p0 $0x27F0  }
0x128: {  	s0 =	sshra.s32 s28, $0x1F  }
0x129: {  	s0 =	sshrl.u32 s0, $0x1C  }
0x12a: {  	s0 =	sadd.s32 s0, s28  }
0x12b: {  	s1 =	sshra.s32 s0, $0x4  }
0x12c: {  	s2 =	sand.u32 $0xFFFFFFF0, s0;
	s1 =	ssub.s32 $0x280, s1  }
0x12d: {  	v3 =	vmov s28;
	v4 =	vor.u32 s2, v0;
	p0 =	sne.s32 s1, $0x1  }
.Ltmp4:
0x12e: {  	vm0 =	vge.s32 v4, v3;
	(pc) =	sbr.rel @!p0 .LBB2_7-.Ltmp4, $2  }
0x12f: {  	_ =	sdelay $0x2  }
0x130: {  	s0 =	sadd.s32 $0xFFFFFFFF, s1;
	s1 =	sadd.s32 $0x10, s2  }
.LBB2_6:
0x131: {  	v5 =	vor.u32 s1, v0;
	p0 =	sne.s32 s0, $0x1;
	s0 =	sadd.s32 $0xFFFFFFFF, s0  }
.Ltmp5:
0x132: {  	[tilespmem:v4+s19+$0x0] =	vst.idx.msk vm0, v1;
	vm0 =	vge.s32 v5, v3;
	v4 =	vmov v5;
	(pc) =	sbr.rel @p0 .LBB2_6-.Ltmp5, $2  }
0x133: {  	_ =	sdelay $0x2  }
0x134: {  	s1 =	sadd.s32 $0x10, s1  }
.LBB2_7:
0x135: {  	_ =	sdelay $0x4  }
0x136: {  	[tilespmem:v4+s19+$0x0] =	vst.idx.msk vm0, v1  }
0x137: {  	[tilespmem:$0x1C580] =	vst v2  }
0x138: {  	[tilespmem:$0x1C590] =	vst v2  }
0x139: {  	[tilespmem:$0x1C5A0] =	vst v2  }
0x13a: {  	[tilespmem:$0x1C5B0] =	vst v2  }
0x13b: {  	[tilespmem:$0x1C5C0] =	vst v2  }
0x13c: {  	[tilespmem:$0x1C5D0] =	vst v2  }
0x13d: {  	[tilespmem:$0x1C5E0] =	vst v2  }
0x13e: {  	[tilespmem:$0x1C5F0] =	vst v2  }
0x13f: {  	[tilespmem:$0x1C600] =	vst v2  }
0x140: {  	[tilespmem:$0x1C610] =	vst v2  }
0x141: {  	[tilespmem:$0x1C620] =	vst v2  }
0x142: {  	[tilespmem:$0x1C630] =	vst v2  }
0x143: {  	[tilespmem:$0x1C640] =	vst v2  }
0x144: {  	[tilespmem:$0x1C650] =	vst v2  }
0x145: {  	[tilespmem:$0x1C660] =	vst v2  }
0x146: {  	[tilespmem:$0x1C670] =	vst v2  }
0x147: {  	[tilespmem:$0x1C680] =	vst v2  }
0x148: {  	[tilespmem:$0x1C690] =	vst v2  }
0x149: {  	[tilespmem:$0x1C6A0] =	vst v2  }
0x14a: {  	[tilespmem:$0x1C6B0] =	vst v2  }
0x14b: {  	[tilespmem:$0x1C6C0] =	vst v2  }
0x14c: {  	[tilespmem:$0x1C6D0] =	vst v2  }
0x14d: {  	[tilespmem:$0x1C6E0] =	vst v2  }
0x14e: {  	[tilespmem:$0x1C6F0] =	vst v2  }
0x14f: {  	[tilespmem:$0x1C700] =	vst v2  }
0x150: {  	[tilespmem:$0x1C710] =	vst v2  }
0x151: {  	[tilespmem:$0x1C720] =	vst v2  }
0x152: {  	[tilespmem:$0x1C730] =	vst v2  }
0x153: {  	[tilespmem:$0x1C740] =	vst v2  }
0x154: {  	[tilespmem:$0x1C750] =	vst v2  }
0x155: {  	[tilespmem:$0x1C760] =	vst v2  }
0x156: {  	[tilespmem:$0x1C770] =	vst v2  }
0x157: {  	[tilespmem:$0x1C780] =	vst v2  }
0x158: {  	[tilespmem:$0x1C790] =	vst v2  }
0x159: {  	[tilespmem:$0x1C7A0] =	vst v2  }
0x15a: {  	[tilespmem:$0x1C7B0] =	vst v2  }
0x15b: {  	[tilespmem:$0x1C7C0] =	vst v2  }
0x15c: {  	[tilespmem:$0x1C7D0] =	vst v2  }
0x15d: {  	[tilespmem:$0x1C7E0] =	vst v2  }
0x15e: {  	[tilespmem:$0x1C7F0] =	vst v2  }
0x15f: {  	[tilespmem:$0x1C800] =	vst v2  }
0x160: {  	[tilespmem:$0x1C810] =	vst v2  }
0x161: {  	[tilespmem:$0x1C820] =	vst v2  }
0x162: {  	s0 =	sadd.s32 $0xF, s28;
	[tilespmem:$0x1C830] =	vst v2  }
0x163: {  	[tilespmem:$0x1C840] =	vst v2;
	s1 =	sand.u32 $0xF, s0  }
0x164: {  	p1 =	slt.s32 s26, $0xFFFFFFF2;
	[tilespmem:$0x1C850] =	vst v2;
	s31 =	sshra.s32 s0, $0x1F;
	p0 =	sne.s32 s1, $0x0  }
0x165: {  	[tilespmem:$0x1C860] =	vst v2;
	s1 =	sshrl.u32 s31, $0x1C;
	p0 =	por !p1, !p0  }
0x166: {  	[tilespmem:$0x1C870] =	vst v2;
	s0 =	sadd.s32 s1, s0;
	s1 =	simm.s32 $0x1;
	p0 =	por !p0, !p0  }
0x167: {  	[tilespmem:$0x1C880] =	vst v2;
	s0 =	sshra.s32 s0, $0x4;
	s1 =	simm.s32 @!p0 $0x0  }
0x168: {  	[tilespmem:$0x1C890] =	vst v2;
	s0 =	ssub.s32 s0, s1  }
0x169: {  	[tilespmem:$0x1C8A0] =	vst v2;
	p0 =	slt.s32 s0, $0x1  }
.Ltmp6:
0x16a: {  	[tilespmem:$0x1C8B0] =	vst v2;
	(pc) =	sbr.rel @p0 .LBB2_10-.Ltmp6, $4  }
0x16b: {  	[tilespmem:$0x1C8C0] =	vst v2  }
0x16c: {  	[tilespmem:$0x1C8D0] =	vst v2  }
0x16d: {  	[tilespmem:$0x1C8E0] =	vst v2  }
0x16e: {  	[tilespmem:$0x1C8F0] =	vst v2  }
0x16f: {  	s1 =	sadd.s32 $0xFFFFFFFF, s0;
	s4 =	simm.s32 $0x0  }
0x170: {  	s29 =	simm.s32 $0x14100;
	s30 =	simm.s32 $0x17900;
	s31 =	smov.u32 s13  }
.LBB2_9:
0x171: {  	v4 =	vld [tilespmem:s29+$0x0];
	_ =	sdelay $0x1  }
0x172: {  	v5 =	vld [tilespmem:s30+$0x0];
	_ =	sdelay $0x2  }
0x173: {  	vm0 =	vgt.s32 v4, $0x0  }
0x174: {  	v4 =	vnsel vm0, $0x0, v4  }
0x175: {  	vm15 =	vgt.s32 v5, $0x0;
	v4 =	vmin.u32 v4, $0xFFF  }
0x176: {  	v5 =	vnsel vm15, $0x0, v5  }
0x177: {  	v5 =	vmin.u32 v5, $0xFFF;
	_ =	sdelay $0x2  }
0x178: {  	v6 =	vld.idx.msk [tilespmem:v4+s7+$0x0], $0xffff  }
0x179: {  	v7 =	vld.idx.msk [tilespmem:v4+s15+$0x0], $0xffff  }
0x17a: {  	v8 =	vld.idx.msk [tilespmem:v5+s7+$0x0], $0xffff  }
0x17b: {  	v9 =	vld.idx.msk [tilespmem:v5+s15+$0x0], $0xffff;
	_ =	sdelay $0x4  }
0x17c: {  	v6 =	vsub.f32 v6, v8;
	v7 =	vsub.f32 v7, v9;
	_ =	sdelay $0x1  }
0x17d: {  	v8 =	vmul.f32 v6, v6;
	v9 =	vmul.f32 v7, v7;
	_ =	sdelay $0x1  }
0x17e: {  	v8 =	vadd.f32 v9, v8;
	_ =	sdelay $0x1  }
0x17f: {  	v8 =	vmax.f32 v8, $9.999999960e-13  }
0x180: {  	v23 =	vshrl.u32 v8, $0x1  }
0x181: {  	v9 =	vadd.s32 $0x1FBD1DF5, v23  }
0x182: {  	(erf) = vrcp.f32 v9;
	_ =	sdelay $0x8  }
0x183: {  	v10 =	vpop (erf)  }
0x184: {  	v10 =	vmul.f32 v10, v8;
	_ =	sdelay $0x1  }
0x185: {  	v9 =	vadd.f32 v9, v10;
	_ =	sdelay $0x1  }
0x186: {  	v9 =	vmul.f32 $5.000000000e-01, v9;
	_ =	sdelay $0x1  }
0x187: {  	(erf) = vrcp.f32 v9;
	_ =	sdelay $0x8  }
0x188: {  	v24 =	vpop (erf)  }
0x189: {  	v10 =	vmul.f32 v24, v8;
	_ =	sdelay $0x1  }
0x18a: {  	v9 =	vadd.f32 v10, v9;
	_ =	sdelay $0x1  }
0x18b: {  	v9 =	vmul.f32 $5.000000000e-01, v9;
	_ =	sdelay $0x1  }
0x18c: {  	(erf) = vrcp.f32 v9;
	_ =	sdelay $0x8  }
0x18d: {  	v25 =	vpop (erf)  }
0x18e: {  	v8 =	vmul.f32 v25, v8;
	_ =	sdelay $0x1  }
0x18f: {  	v8 =	vadd.f32 v8, v9;
	_ =	sdelay $0x1  }
0x190: {  	v8 =	vmul.f32 $5.000000000e-01, v8  }
0x191: {  	v16 =	vld.idx.msk [tilespmem:v4+s16+$0x0], $0xffff  }
0x192: {  	v17 =	vld.idx.msk [tilespmem:v4+s17+$0x0], $0xffff;
	v26 =	vadd.f32 v8, v8;
	v27 =	vmul.f32 v8, v8  }
0x193: {  	v19 =	vld.idx.msk [tilespmem:v5+s17+$0x0], $0xffff  }
0x194: {  	v18 =	vld.idx.msk [tilespmem:v5+s16+$0x0], $0xffff;
	v11 =	vmul.f32 v26, v26;
	v12 =	vmul.f32 $1.984127010e-04, v27  }
0x195: {  	v14 =	vmul.f32 $1.388888920e-03, v27  }
0x196: {  	v13 =	vmul.f32 $1.984127010e-04, v11;
	v12 =	vsub.f32 $8.333333770e-03, v12  }
0x197: {  	v15 =	vmul.f32 $1.388888920e-03, v11;
	v14 =	vsub.f32 $4.166666790e-02, v14  }
0x198: {  	v31 =	vmul.f32 v19, v16;
	v13 =	vsub.f32 $8.333333770e-03, v13;
	v12 =	vmul.f32 v12, v27  }
0x199: {  	v32 =	vmul.f32 v18, v17;
	v15 =	vsub.f32 $4.166666790e-02, v15;
	v14 =	vmul.f32 v14, v27  }
0x19a: {  	s2 =	sand.u32 $0x7, s4;
	v33 =	vmul.f32 v19, v17;
	v13 =	vmul.f32 v13, v11;
	v12 =	vadd.f32 $-1.666666720e-01, v12  }
0x19b: {  	s3 =	sshll.u32 s2, $0x4;
	v34 =	vmul.f32 v18, v16;
	v15 =	vmul.f32 v15, v11;
	v14 =	vadd.f32 $-5.000000000e-01, v14  }
0x19c: {  	[tilespmem:s3+$0x1B100] =	vst v6;
	v35 =	vsub.f32 v31, v32;
	v13 =	vadd.f32 $-1.666666720e-01, v13;
	v12 =	vmul.f32 v12, v27  }
0x19d: {  	[tilespmem:s3+$0x1B180] =	vst v7;
	v6 =	vadd.f32 v33, v34;
	v15 =	vadd.f32 $-5.000000000e-01, v15;
	v10 =	vmul.f32 v14, v27  }
0x19e: {  	[tilespmem:s3+$0x1B480] =	vst v35;
	v13 =	vmul.f32 v13, v11;
	v12 =	vadd.f32 $1.000000000e+00, v12  }
0x19f: {  	[tilespmem:s3+$0x1B500] =	vst v6;
	v11 =	vmul.f32 v15, v11;
	v29 =	vadd.f32 $1.000000000e+00, v10  }
0x1a0: {  	v5 =	vshll.u32 v5, $0x4;
	[tilespmem:s3+$0x1B200] =	vst v8;
	v13 =	vadd.f32 $1.000000000e+00, v13;
	v28 =	vmul.f32 v12, v8  }
0x1a1: {  	v4 =	vshll.u32 v4, $0x4;
	v30 =	vadd.f32 $1.000000000e+00, v11;
	[tilespmem:s3+$0x1B300] =	vst v29  }
0x1a2: {  	v9 =	vmul.f32 v13, v26;
	[tilespmem:s3+$0x1B280] =	vst v28  }
0x1a3: {  	[tilespmem:s3+$0x1B400] =	vst v30  }
0x1a4: {  	[tilespmem:s3+$0x1B380] =	vst v9  }
0x1a5: {  	v6 =	vld.idx.msk [tilespmem:v5+s18+$0x0], $0xffff  }
0x1a6: {  	v7 =	vld.idx.msk [tilespmem:v4+s18+$0x0], $0xffff;
	_ =	sdelay $0x2  }
0x1a7: {  	v36 =	vor.u32 $0x1, v5  }
0x1a8: {  	v37 =	vor.u32 $0x1, v4  }
0x1a9: {  	v7 =	vsub.f32 v7, v6  }
0x1aa: {  	[tilespmem:s3+$0x1BD80] =	vst v6  }
0x1ab: {  	[tilespmem:s3+$0x1B580] =	vst v7  }
0x1ac: {  	v6 =	vld.idx.msk [tilespmem:v36+s18+$0x0], $0xffff  }
0x1ad: {  	v7 =	vld.idx.msk [tilespmem:v37+s18+$0x0], $0xffff;
	_ =	sdelay $0x2  }
0x1ae: {  	v38 =	vor.u32 $0x2, v5  }
0x1af: {  	v39 =	vor.u32 $0x2, v4  }
0x1b0: {  	v7 =	vsub.f32 v7, v6  }
0x1b1: {  	[tilespmem:s3+$0x1BE00] =	vst v6  }
0x1b2: {  	[tilespmem:s3+$0x1B600] =	vst v7  }
0x1b3: {  	v6 =	vld.idx.msk [tilespmem:v38+s18+$0x0], $0xffff  }
0x1b4: {  	v7 =	vld.idx.msk [tilespmem:v39+s18+$0x0], $0xffff;
	_ =	sdelay $0x2  }
0x1b5: {  	v40 =	vor.u32 $0x3, v5  }
0x1b6: {  	v41 =	vor.u32 $0x3, v4  }
0x1b7: {  	v7 =	vsub.f32 v7, v6  }
0x1b8: {  	[tilespmem:s3+$0x1BE80] =	vst v6  }
0x1b9: {  	[tilespmem:s3+$0x1B680] =	vst v7  }
0x1ba: {  	v6 =	vld.idx.msk [tilespmem:v40+s18+$0x0], $0xffff  }
0x1bb: {  	v7 =	vld.idx.msk [tilespmem:v41+s18+$0x0], $0xffff;
	_ =	sdelay $0x2  }
0x1bc: {  	v42 =	vor.u32 $0x4, v5  }
0x1bd: {  	v43 =	vor.u32 $0x4, v4  }
0x1be: {  	v7 =	vsub.f32 v7, v6  }
0x1bf: {  	[tilespmem:s3+$0x1BF00] =	vst v6  }
0x1c0: {  	[tilespmem:s3+$0x1B700] =	vst v7  }
0x1c1: {  	v6 =	vld.idx.msk [tilespmem:v42+s18+$0x0], $0xffff  }
0x1c2: {  	v7 =	vld.idx.msk [tilespmem:v43+s18+$0x0], $0xffff;
	_ =	sdelay $0x2  }
0x1c3: {  	v44 =	vor.u32 $0x5, v5  }
0x1c4: {  	v45 =	vor.u32 $0x5, v4  }
0x1c5: {  	v7 =	vsub.f32 v7, v6  }
0x1c6: {  	[tilespmem:s3+$0x1BF80] =	vst v6  }
0x1c7: {  	[tilespmem:s3+$0x1B780] =	vst v7  }
0x1c8: {  	v6 =	vld.idx.msk [tilespmem:v44+s18+$0x0], $0xffff  }
0x1c9: {  	v7 =	vld.idx.msk [tilespmem:v45+s18+$0x0], $0xffff;
	_ =	sdelay $0x2  }
0x1ca: {  	v46 =	vor.u32 $0x6, v5  }
0x1cb: {  	v47 =	vor.u32 $0x6, v4  }
0x1cc: {  	v7 =	vsub.f32 v7, v6  }
0x1cd: {  	[tilespmem:s3+$0x1C000] =	vst v6  }
0x1ce: {  	[tilespmem:s3+$0x1B800] =	vst v7  }
0x1cf: {  	v6 =	vld.idx.msk [tilespmem:v46+s18+$0x0], $0xffff  }
0x1d0: {  	v7 =	vld.idx.msk [tilespmem:v47+s18+$0x0], $0xffff;
	_ =	sdelay $0x2  }
0x1d1: {  	v48 =	vor.u32 $0x7, v5  }
0x1d2: {  	v49 =	vor.u32 $0x7, v4  }
0x1d3: {  	v7 =	vsub.f32 v7, v6  }
0x1d4: {  	[tilespmem:s3+$0x1C080] =	vst v6  }
0x1d5: {  	[tilespmem:s3+$0x1B880] =	vst v7  }
0x1d6: {  	v6 =	vld.idx.msk [tilespmem:v48+s18+$0x0], $0xffff  }
0x1d7: {  	v7 =	vld.idx.msk [tilespmem:v49+s18+$0x0], $0xffff;
	_ =	sdelay $0x2  }
0x1d8: {  	v50 =	vor.u32 $0x8, v5  }
0x1d9: {  	v51 =	vor.u32 $0x8, v4  }
0x1da: {  	v7 =	vsub.f32 v7, v6  }
0x1db: {  	[tilespmem:s3+$0x1C100] =	vst v6  }
0x1dc: {  	[tilespmem:s3+$0x1B900] =	vst v7  }
0x1dd: {  	v6 =	vld.idx.msk [tilespmem:v50+s18+$0x0], $0xffff  }
0x1de: {  	v7 =	vld.idx.msk [tilespmem:v51+s18+$0x0], $0xffff;
	_ =	sdelay $0x2  }
0x1df: {  	v52 =	vor.u32 $0x9, v5  }
0x1e0: {  	v53 =	vor.u32 $0x9, v4  }
0x1e1: {  	v7 =	vsub.f32 v7, v6  }
0x1e2: {  	[tilespmem:s3+$0x1C180] =	vst v6  }
0x1e3: {  	[tilespmem:s3+$0x1B980] =	vst v7  }
0x1e4: {  	v6 =	vld.idx.msk [tilespmem:v52+s18+$0x0], $0xffff  }
0x1e5: {  	v7 =	vld.idx.msk [tilespmem:v53+s18+$0x0], $0xffff;
	_ =	sdelay $0x2  }
0x1e6: {  	v54 =	vor.u32 $0xA, v5  }
0x1e7: {  	v55 =	vor.u32 $0xA, v4  }
0x1e8: {  	v7 =	vsub.f32 v7, v6  }
0x1e9: {  	[tilespmem:s3+$0x1C200] =	vst v6  }
0x1ea: {  	[tilespmem:s3+$0x1BA00] =	vst v7  }
0x1eb: {  	v6 =	vld.idx.msk [tilespmem:v54+s18+$0x0], $0xffff  }
0x1ec: {  	v7 =	vld.idx.msk [tilespmem:v55+s18+$0x0], $0xffff;
	_ =	sdelay $0x2  }
0x1ed: {  	v56 =	vor.u32 $0xB, v5  }
0x1ee: {  	v57 =	vor.u32 $0xB, v4  }
0x1ef: {  	v7 =	vsub.f32 v7, v6  }
0x1f0: {  	[tilespmem:s3+$0x1C280] =	vst v6  }
0x1f1: {  	[tilespmem:s3+$0x1BA80] =	vst v7  }
0x1f2: {  	v6 =	vld.idx.msk [tilespmem:v56+s18+$0x0], $0xffff  }
0x1f3: {  	v7 =	vld.idx.msk [tilespmem:v57+s18+$0x0], $0xffff;
	_ =	sdelay $0x2  }
0x1f4: {  	v58 =	vor.u32 $0xC, v5  }
0x1f5: {  	v59 =	vor.u32 $0xC, v4  }
0x1f6: {  	v7 =	vsub.f32 v7, v6  }
0x1f7: {  	[tilespmem:s3+$0x1C300] =	vst v6  }
0x1f8: {  	[tilespmem:s3+$0x1BB00] =	vst v7  }
0x1f9: {  	v6 =	vld.idx.msk [tilespmem:v58+s18+$0x0], $0xffff  }
0x1fa: {  	v7 =	vld.idx.msk [tilespmem:v59+s18+$0x0], $0xffff;
	_ =	sdelay $0x2  }
0x1fb: {  	v60 =	vor.u32 $0xD, v5  }
0x1fc: {  	v61 =	vor.u32 $0xD, v4  }
0x1fd: {  	v7 =	vsub.f32 v7, v6  }
0x1fe: {  	[tilespmem:s3+$0x1C380] =	vst v6  }
0x1ff: {  	[tilespmem:s3+$0x1BB80] =	vst v7  }
0x200: {  	v6 =	vld.idx.msk [tilespmem:v60+s18+$0x0], $0xffff  }
0x201: {  	v7 =	vld.idx.msk [tilespmem:v61+s18+$0x0], $0xffff;
	_ =	sdelay $0x2  }
0x202: {  	v62 =	vor.u32 $0xE, v5  }
0x203: {  	v63 =	vor.u32 $0xE, v4  }
0x204: {  	v7 =	vsub.f32 v7, v6  }
0x205: {  	[tilespmem:s3+$0x1C400] =	vst v6  }
0x206: {  	[tilespmem:s3+$0x1BC00] =	vst v7  }
0x207: {  	v6 =	vld.idx.msk [tilespmem:v62+s18+$0x0], $0xffff  }
0x208: {  	v7 =	vld.idx.msk [tilespmem:v63+s18+$0x0], $0xffff;
	_ =	sdelay $0x2  }
0x209: {  	v5 =	vor.u32 $0xF, v5  }
0x20a: {  	v4 =	vor.u32 $0xF, v4  }
0x20b: {  	v7 =	vsub.f32 v7, v6  }
0x20c: {  	[tilespmem:s3+$0x1C480] =	vst v6  }
0x20d: {  	[tilespmem:s3+$0x1BC80] =	vst v7  }
0x20e: {  	v5 =	vld.idx.msk [tilespmem:v5+s18+$0x0], $0xffff  }
0x20f: {  	v4 =	vld.idx.msk [tilespmem:v4+s18+$0x0], $0xffff;
	_ =	sdelay $0x2  }
0x210: {  	p0 =	seq.s32 s1, s4  }
0x211: {  	p1 =	sne.s32 @!p0 s2, $0x7  }
0x212: {  	p0 =	por p0, !p1;
	v4 =	vsub.f32 v4, v5  }
0x213: {  	s2 =	sand.u32 @p0 $0x1FFFFF80, s31;
	[tilespmem:s3+$0x1C500] =	vst v5  }
0x214: {  	s2 =	sadd.s32 @p0 s9, s2;
	[tilespmem:s3+$0x1BD00] =	vst v4  }
0x215: {  	[hbm4b:s2+s20] =	stream.strided.scatter @p0 [tilespmem:s22], [sflag:$0x1], $0x1800, s21, s20, $0x38;
	[tilespmem:$0x1C980] =	vst v63  }
0x216: {  	_ =	swait.ge @p0 [sflag:s14], $0x1800  }
0x217: {  	s4 =	sadd.s32 $0x1, s4;
	[sflag:s14] =	ssyncset.done @p0 $0x0  }
0x218: {  	[sflag:s14] =	ssyncadd.s32 @p0 $0xFFFFE800;
	p0 =	sne.s32 s0, s4  }
.Ltmp7:
0x219: {  	_ = 	snop;
	(pc) =	sbr.rel @p0 .LBB2_9-.Ltmp7, $2  }
0x21a: {  	_ =	sdelay $0x2  }
0x21b: {  	s29 =	sadd.s32 $0x10, s29;
	s30 =	sadd.s32 $0x10, s30;
	s31 =	sadd.s32 $0x10, s31  }
.LBB2_10:
0x21c: {  	[tilespmem:$0x1B100] =	vst v2  }
0x21d: {  	[tilespmem:$0x1B110] =	vst v2  }
0x21e: {  	[tilespmem:$0x1B120] =	vst v2  }
0x21f: {  	[tilespmem:$0x1B130] =	vst v2  }
0x220: {  	[tilespmem:$0x1B140] =	vst v2  }
0x221: {  	[tilespmem:$0x1B150] =	vst v2  }
0x222: {  	[tilespmem:$0x1B160] =	vst v2  }
0x223: {  	[tilespmem:$0x1B170] =	vst v2  }
0x224: {  	[tilespmem:$0x1B180] =	vst v2  }
0x225: {  	[tilespmem:$0x1B190] =	vst v2  }
0x226: {  	[tilespmem:$0x1B1A0] =	vst v2  }
0x227: {  	[tilespmem:$0x1B1B0] =	vst v2  }
0x228: {  	[tilespmem:$0x1B1C0] =	vst v2  }
0x229: {  	[tilespmem:$0x1B1D0] =	vst v2  }
0x22a: {  	[tilespmem:$0x1B1E0] =	vst v2  }
0x22b: {  	[tilespmem:$0x1B1F0] =	vst v2  }
0x22c: {  	[tilespmem:$0x1B200] =	vst v2  }
0x22d: {  	[tilespmem:$0x1B210] =	vst v2  }
0x22e: {  	[tilespmem:$0x1B220] =	vst v2  }
0x22f: {  	[tilespmem:$0x1B230] =	vst v2  }
0x230: {  	[tilespmem:$0x1B240] =	vst v2  }
0x231: {  	[tilespmem:$0x1B250] =	vst v2  }
0x232: {  	[tilespmem:$0x1B260] =	vst v2  }
0x233: {  	[tilespmem:$0x1B270] =	vst v2  }
0x234: {  	[tilespmem:$0x1B280] =	vst v2  }
0x235: {  	[tilespmem:$0x1B290] =	vst v2  }
0x236: {  	[tilespmem:$0x1B2A0] =	vst v2  }
0x237: {  	[tilespmem:$0x1B2B0] =	vst v2  }
0x238: {  	[tilespmem:$0x1B2C0] =	vst v2  }
0x239: {  	[tilespmem:$0x1B2D0] =	vst v2  }
0x23a: {  	[tilespmem:$0x1B2E0] =	vst v2  }
0x23b: {  	[tilespmem:$0x1B2F0] =	vst v2  }
0x23c: {  	[tilespmem:$0x1B300] =	vst v2  }
0x23d: {  	[tilespmem:$0x1B310] =	vst v2  }
0x23e: {  	[tilespmem:$0x1B320] =	vst v2  }
0x23f: {  	[tilespmem:$0x1B330] =	vst v2  }
0x240: {  	[tilespmem:$0x1B340] =	vst v2  }
0x241: {  	[tilespmem:$0x1B350] =	vst v2  }
0x242: {  	[tilespmem:$0x1B360] =	vst v2  }
0x243: {  	[tilespmem:$0x1B370] =	vst v2  }
0x244: {  	[tilespmem:$0x1B380] =	vst v2  }
0x245: {  	[tilespmem:$0x1B390] =	vst v2  }
0x246: {  	[tilespmem:$0x1B3A0] =	vst v2  }
0x247: {  	[tilespmem:$0x1B3B0] =	vst v2  }
0x248: {  	[tilespmem:$0x1B3C0] =	vst v2  }
0x249: {  	[tilespmem:$0x1B3D0] =	vst v2  }
0x24a: {  	[tilespmem:$0x1B3E0] =	vst v2  }
0x24b: {  	[tilespmem:$0x1B3F0] =	vst v2  }
0x24c: {  	[tilespmem:$0x1B400] =	vst v2  }
0x24d: {  	[tilespmem:$0x1B410] =	vst v2  }
0x24e: {  	[tilespmem:$0x1B420] =	vst v2  }
0x24f: {  	[tilespmem:$0x1B430] =	vst v2  }
0x250: {  	[tilespmem:$0x1B440] =	vst v2  }
0x251: {  	[tilespmem:$0x1B450] =	vst v2  }
0x252: {  	[tilespmem:$0x1B460] =	vst v2  }
0x253: {  	[tilespmem:$0x1B470] =	vst v2  }
0x254: {  	[tilespmem:$0x1B480] =	vst v2  }
0x255: {  	[tilespmem:$0x1B490] =	vst v2  }
0x256: {  	[tilespmem:$0x1B4A0] =	vst v2  }
0x257: {  	[tilespmem:$0x1B4B0] =	vst v2  }
0x258: {  	[tilespmem:$0x1B4C0] =	vst v2  }
0x259: {  	[tilespmem:$0x1B4D0] =	vst v2  }
0x25a: {  	[tilespmem:$0x1B4E0] =	vst v2  }
0x25b: {  	[tilespmem:$0x1B4F0] =	vst v2  }
0x25c: {  	[tilespmem:$0x1B500] =	vst v2  }
0x25d: {  	[tilespmem:$0x1B510] =	vst v2  }
0x25e: {  	[tilespmem:$0x1B520] =	vst v2  }
0x25f: {  	[tilespmem:$0x1B530] =	vst v2  }
0x260: {  	[tilespmem:$0x1B540] =	vst v2  }
0x261: {  	[tilespmem:$0x1B550] =	vst v2  }
0x262: {  	[tilespmem:$0x1B560] =	vst v2  }
0x263: {  	[tilespmem:$0x1B570] =	vst v2  }
0x264: {  	[tilespmem:$0x1B580] =	vst v2  }
0x265: {  	[tilespmem:$0x1B590] =	vst v2  }
0x266: {  	[tilespmem:$0x1B5A0] =	vst v2  }
0x267: {  	[tilespmem:$0x1B5B0] =	vst v2  }
0x268: {  	[tilespmem:$0x1B5C0] =	vst v2  }
0x269: {  	[tilespmem:$0x1B5D0] =	vst v2  }
0x26a: {  	[tilespmem:$0x1B5E0] =	vst v2  }
0x26b: {  	[tilespmem:$0x1B5F0] =	vst v2  }
0x26c: {  	[tilespmem:$0x1B600] =	vst v2  }
0x26d: {  	[tilespmem:$0x1B610] =	vst v2  }
0x26e: {  	[tilespmem:$0x1B620] =	vst v2  }
0x26f: {  	[tilespmem:$0x1B630] =	vst v2  }
0x270: {  	[tilespmem:$0x1B640] =	vst v2  }
0x271: {  	[tilespmem:$0x1B650] =	vst v2  }
0x272: {  	[tilespmem:$0x1B660] =	vst v2  }
0x273: {  	[tilespmem:$0x1B670] =	vst v2  }
0x274: {  	[tilespmem:$0x1B680] =	vst v2  }
0x275: {  	[tilespmem:$0x1B690] =	vst v2  }
0x276: {  	[tilespmem:$0x1B6A0] =	vst v2  }
0x277: {  	[tilespmem:$0x1B6B0] =	vst v2  }
0x278: {  	[tilespmem:$0x1B6C0] =	vst v2  }
0x279: {  	[tilespmem:$0x1B6D0] =	vst v2  }
0x27a: {  	[tilespmem:$0x1B6E0] =	vst v2  }
0x27b: {  	[tilespmem:$0x1B6F0] =	vst v2  }
0x27c: {  	[tilespmem:$0x1B700] =	vst v2  }
0x27d: {  	[tilespmem:$0x1B710] =	vst v2  }
0x27e: {  	[tilespmem:$0x1B720] =	vst v2  }
0x27f: {  	[tilespmem:$0x1B730] =	vst v2  }
0x280: {  	[tilespmem:$0x1B740] =	vst v2  }
0x281: {  	[tilespmem:$0x1B750] =	vst v2  }
0x282: {  	[tilespmem:$0x1B760] =	vst v2  }
0x283: {  	[tilespmem:$0x1B770] =	vst v2  }
0x284: {  	[tilespmem:$0x1B780] =	vst v2  }
0x285: {  	[tilespmem:$0x1B790] =	vst v2  }
0x286: {  	[tilespmem:$0x1B7A0] =	vst v2  }
0x287: {  	[tilespmem:$0x1B7B0] =	vst v2  }
0x288: {  	[tilespmem:$0x1B7C0] =	vst v2  }
0x289: {  	[tilespmem:$0x1B7D0] =	vst v2  }
0x28a: {  	[tilespmem:$0x1B7E0] =	vst v2  }
0x28b: {  	[tilespmem:$0x1B7F0] =	vst v2  }
0x28c: {  	[tilespmem:$0x1B800] =	vst v2  }
0x28d: {  	[tilespmem:$0x1B810] =	vst v2  }
0x28e: {  	[tilespmem:$0x1B820] =	vst v2  }
0x28f: {  	[tilespmem:$0x1B830] =	vst v2  }
0x290: {  	[tilespmem:$0x1B840] =	vst v2  }
0x291: {  	[tilespmem:$0x1B850] =	vst v2  }
0x292: {  	[tilespmem:$0x1B860] =	vst v2  }
0x293: {  	[tilespmem:$0x1B870] =	vst v2  }
0x294: {  	[tilespmem:$0x1B880] =	vst v2  }
0x295: {  	[tilespmem:$0x1B890] =	vst v2  }
0x296: {  	[tilespmem:$0x1B8A0] =	vst v2  }
0x297: {  	[tilespmem:$0x1B8B0] =	vst v2  }
0x298: {  	[tilespmem:$0x1B8C0] =	vst v2  }
0x299: {  	[tilespmem:$0x1B8D0] =	vst v2  }
0x29a: {  	[tilespmem:$0x1B8E0] =	vst v2  }
0x29b: {  	[tilespmem:$0x1B8F0] =	vst v2  }
0x29c: {  	[tilespmem:$0x1B900] =	vst v2  }
0x29d: {  	[tilespmem:$0x1B910] =	vst v2  }
0x29e: {  	[tilespmem:$0x1B920] =	vst v2  }
0x29f: {  	[tilespmem:$0x1B930] =	vst v2  }
0x2a0: {  	[tilespmem:$0x1B940] =	vst v2  }
0x2a1: {  	[tilespmem:$0x1B950] =	vst v2  }
0x2a2: {  	[tilespmem:$0x1B960] =	vst v2  }
0x2a3: {  	[tilespmem:$0x1B970] =	vst v2  }
0x2a4: {  	[tilespmem:$0x1B980] =	vst v2  }
0x2a5: {  	[tilespmem:$0x1B990] =	vst v2  }
0x2a6: {  	[tilespmem:$0x1B9A0] =	vst v2  }
0x2a7: {  	[tilespmem:$0x1B9B0] =	vst v2  }
0x2a8: {  	[tilespmem:$0x1B9C0] =	vst v2  }
0x2a9: {  	[tilespmem:$0x1B9D0] =	vst v2  }
0x2aa: {  	[tilespmem:$0x1B9E0] =	vst v2  }
0x2ab: {  	[tilespmem:$0x1B9F0] =	vst v2  }
0x2ac: {  	[tilespmem:$0x1BA00] =	vst v2  }
0x2ad: {  	[tilespmem:$0x1BA10] =	vst v2  }
0x2ae: {  	[tilespmem:$0x1BA20] =	vst v2  }
0x2af: {  	[tilespmem:$0x1BA30] =	vst v2  }
0x2b0: {  	[tilespmem:$0x1BA40] =	vst v2  }
0x2b1: {  	[tilespmem:$0x1BA50] =	vst v2  }
0x2b2: {  	[tilespmem:$0x1BA60] =	vst v2  }
0x2b3: {  	[tilespmem:$0x1BA70] =	vst v2  }
0x2b4: {  	[tilespmem:$0x1BA80] =	vst v2  }
0x2b5: {  	[tilespmem:$0x1BA90] =	vst v2  }
0x2b6: {  	[tilespmem:$0x1BAA0] =	vst v2  }
0x2b7: {  	[tilespmem:$0x1BAB0] =	vst v2  }
0x2b8: {  	[tilespmem:$0x1BAC0] =	vst v2  }
0x2b9: {  	[tilespmem:$0x1BAD0] =	vst v2  }
0x2ba: {  	[tilespmem:$0x1BAE0] =	vst v2  }
0x2bb: {  	[tilespmem:$0x1BAF0] =	vst v2  }
0x2bc: {  	[tilespmem:$0x1BB00] =	vst v2  }
0x2bd: {  	[tilespmem:$0x1BB10] =	vst v2  }
0x2be: {  	[tilespmem:$0x1BB20] =	vst v2  }
0x2bf: {  	[tilespmem:$0x1BB30] =	vst v2  }
0x2c0: {  	[tilespmem:$0x1BB40] =	vst v2  }
0x2c1: {  	[tilespmem:$0x1BB50] =	vst v2  }
0x2c2: {  	[tilespmem:$0x1BB60] =	vst v2  }
0x2c3: {  	[tilespmem:$0x1BB70] =	vst v2  }
0x2c4: {  	[tilespmem:$0x1BB80] =	vst v2  }
0x2c5: {  	[tilespmem:$0x1BB90] =	vst v2  }
0x2c6: {  	[tilespmem:$0x1BBA0] =	vst v2  }
0x2c7: {  	[tilespmem:$0x1BBB0] =	vst v2  }
0x2c8: {  	[tilespmem:$0x1BBC0] =	vst v2  }
0x2c9: {  	[tilespmem:$0x1BBD0] =	vst v2  }
0x2ca: {  	[tilespmem:$0x1BBE0] =	vst v2  }
0x2cb: {  	[tilespmem:$0x1BBF0] =	vst v2  }
0x2cc: {  	[tilespmem:$0x1BC00] =	vst v2  }
0x2cd: {  	[tilespmem:$0x1BC10] =	vst v2  }
0x2ce: {  	[tilespmem:$0x1BC20] =	vst v2  }
0x2cf: {  	[tilespmem:$0x1BC30] =	vst v2  }
0x2d0: {  	[tilespmem:$0x1BC40] =	vst v2  }
0x2d1: {  	[tilespmem:$0x1BC50] =	vst v2  }
0x2d2: {  	[tilespmem:$0x1BC60] =	vst v2  }
0x2d3: {  	[tilespmem:$0x1BC70] =	vst v2  }
0x2d4: {  	[tilespmem:$0x1BC80] =	vst v2  }
0x2d5: {  	[tilespmem:$0x1BC90] =	vst v2  }
0x2d6: {  	[tilespmem:$0x1BCA0] =	vst v2  }
0x2d7: {  	[tilespmem:$0x1BCB0] =	vst v2  }
0x2d8: {  	[tilespmem:$0x1BCC0] =	vst v2  }
0x2d9: {  	[tilespmem:$0x1BCD0] =	vst v2  }
0x2da: {  	[tilespmem:$0x1BCE0] =	vst v2  }
0x2db: {  	[tilespmem:$0x1BCF0] =	vst v2  }
0x2dc: {  	[tilespmem:$0x1BD00] =	vst v2  }
0x2dd: {  	[tilespmem:$0x1BD10] =	vst v2  }
0x2de: {  	[tilespmem:$0x1BD20] =	vst v2  }
0x2df: {  	[tilespmem:$0x1BD30] =	vst v2  }
0x2e0: {  	[tilespmem:$0x1BD40] =	vst v2  }
0x2e1: {  	[tilespmem:$0x1BD50] =	vst v2  }
0x2e2: {  	[tilespmem:$0x1BD60] =	vst v2  }
0x2e3: {  	[tilespmem:$0x1BD70] =	vst v2  }
0x2e4: {  	[tilespmem:$0x1BD80] =	vst v2  }
0x2e5: {  	[tilespmem:$0x1BD90] =	vst v2  }
0x2e6: {  	[tilespmem:$0x1BDA0] =	vst v2  }
0x2e7: {  	[tilespmem:$0x1BDB0] =	vst v2  }
0x2e8: {  	[tilespmem:$0x1BDC0] =	vst v2  }
0x2e9: {  	[tilespmem:$0x1BDD0] =	vst v2  }
0x2ea: {  	[tilespmem:$0x1BDE0] =	vst v2  }
0x2eb: {  	[tilespmem:$0x1BDF0] =	vst v2  }
0x2ec: {  	[tilespmem:$0x1BE00] =	vst v2  }
0x2ed: {  	[tilespmem:$0x1BE10] =	vst v2  }
0x2ee: {  	[tilespmem:$0x1BE20] =	vst v2  }
0x2ef: {  	[tilespmem:$0x1BE30] =	vst v2  }
0x2f0: {  	[tilespmem:$0x1BE40] =	vst v2  }
0x2f1: {  	[tilespmem:$0x1BE50] =	vst v2  }
0x2f2: {  	[tilespmem:$0x1BE60] =	vst v2  }
0x2f3: {  	[tilespmem:$0x1BE70] =	vst v2  }
0x2f4: {  	[tilespmem:$0x1BE80] =	vst v2  }
0x2f5: {  	[tilespmem:$0x1BE90] =	vst v2  }
0x2f6: {  	[tilespmem:$0x1BEA0] =	vst v2  }
0x2f7: {  	[tilespmem:$0x1BEB0] =	vst v2  }
0x2f8: {  	[tilespmem:$0x1BEC0] =	vst v2  }
0x2f9: {  	[tilespmem:$0x1BED0] =	vst v2  }
0x2fa: {  	[tilespmem:$0x1BEE0] =	vst v2  }
0x2fb: {  	[tilespmem:$0x1BEF0] =	vst v2  }
0x2fc: {  	[tilespmem:$0x1BF00] =	vst v2  }
0x2fd: {  	[tilespmem:$0x1BF10] =	vst v2  }
0x2fe: {  	[tilespmem:$0x1BF20] =	vst v2  }
0x2ff: {  	[tilespmem:$0x1BF30] =	vst v2  }
0x300: {  	[tilespmem:$0x1BF40] =	vst v2  }
0x301: {  	[tilespmem:$0x1BF50] =	vst v2  }
0x302: {  	[tilespmem:$0x1BF60] =	vst v2  }
0x303: {  	[tilespmem:$0x1BF70] =	vst v2  }
0x304: {  	[tilespmem:$0x1BF80] =	vst v2  }
0x305: {  	[tilespmem:$0x1BF90] =	vst v2  }
0x306: {  	[tilespmem:$0x1BFA0] =	vst v2  }
0x307: {  	[tilespmem:$0x1BFB0] =	vst v2  }
0x308: {  	[tilespmem:$0x1BFC0] =	vst v2  }
0x309: {  	[tilespmem:$0x1BFD0] =	vst v2  }
0x30a: {  	[tilespmem:$0x1BFE0] =	vst v2  }
0x30b: {  	[tilespmem:$0x1BFF0] =	vst v2  }
0x30c: {  	[tilespmem:$0x1C000] =	vst v2  }
0x30d: {  	[tilespmem:$0x1C010] =	vst v2  }
0x30e: {  	[tilespmem:$0x1C020] =	vst v2  }
0x30f: {  	[tilespmem:$0x1C030] =	vst v2  }
0x310: {  	[tilespmem:$0x1C040] =	vst v2  }
0x311: {  	[tilespmem:$0x1C050] =	vst v2  }
0x312: {  	[tilespmem:$0x1C060] =	vst v2  }
0x313: {  	[tilespmem:$0x1C070] =	vst v2  }
0x314: {  	[tilespmem:$0x1C080] =	vst v2  }
0x315: {  	[tilespmem:$0x1C090] =	vst v2  }
0x316: {  	[tilespmem:$0x1C0A0] =	vst v2  }
0x317: {  	[tilespmem:$0x1C0B0] =	vst v2  }
0x318: {  	[tilespmem:$0x1C0C0] =	vst v2  }
0x319: {  	[tilespmem:$0x1C0D0] =	vst v2  }
0x31a: {  	[tilespmem:$0x1C0E0] =	vst v2  }
0x31b: {  	[tilespmem:$0x1C4F0] =	vst v2  }
0x31c: {  	[tilespmem:$0x1C120] =	vst v2  }
0x31d: {  	[tilespmem:$0x1C130] =	vst v2  }
0x31e: {  	[tilespmem:$0x1C140] =	vst v2  }
0x31f: {  	[tilespmem:$0x1C150] =	vst v2  }
0x320: {  	[tilespmem:$0x1C160] =	vst v2  }
0x321: {  	[tilespmem:$0x1C170] =	vst v2  }
0x322: {  	[tilespmem:$0x1C180] =	vst v2  }
0x323: {  	[tilespmem:$0x1C190] =	vst v2  }
0x324: {  	[tilespmem:$0x1C1A0] =	vst v2  }
0x325: {  	[tilespmem:$0x1C1B0] =	vst v2  }
0x326: {  	[tilespmem:$0x1C1C0] =	vst v2  }
0x327: {  	[tilespmem:$0x1C1D0] =	vst v2  }
0x328: {  	[tilespmem:$0x1C1E0] =	vst v2  }
0x329: {  	[tilespmem:$0x1C1F0] =	vst v2  }
0x32a: {  	[tilespmem:$0x1C200] =	vst v2  }
0x32b: {  	[tilespmem:$0x1C210] =	vst v2  }
0x32c: {  	[tilespmem:$0x1C220] =	vst v2  }
0x32d: {  	[tilespmem:$0x1C230] =	vst v2  }
0x32e: {  	[tilespmem:$0x1C240] =	vst v2  }
0x32f: {  	[tilespmem:$0x1C250] =	vst v2  }
0x330: {  	[tilespmem:$0x1C260] =	vst v2  }
0x331: {  	[tilespmem:$0x1C270] =	vst v2  }
0x332: {  	[tilespmem:$0x1C280] =	vst v2  }
0x333: {  	[tilespmem:$0x1C290] =	vst v2  }
0x334: {  	[tilespmem:$0x1C2A0] =	vst v2  }
0x335: {  	[tilespmem:$0x1C2B0] =	vst v2  }
0x336: {  	[tilespmem:$0x1C2C0] =	vst v2  }
0x337: {  	[tilespmem:$0x1C2D0] =	vst v2  }
0x338: {  	[tilespmem:$0x1C2E0] =	vst v2  }
0x339: {  	[tilespmem:$0x1C2F0] =	vst v2  }
0x33a: {  	[tilespmem:$0x1C300] =	vst v2  }
0x33b: {  	[tilespmem:$0x1C310] =	vst v2  }
0x33c: {  	[tilespmem:$0x1C320] =	vst v2  }
0x33d: {  	[tilespmem:$0x1C330] =	vst v2  }
0x33e: {  	[tilespmem:$0x1C340] =	vst v2  }
0x33f: {  	[tilespmem:$0x1C350] =	vst v2  }
0x340: {  	[tilespmem:$0x1C360] =	vst v2  }
0x341: {  	[tilespmem:$0x1C370] =	vst v2  }
0x342: {  	[tilespmem:$0x1C380] =	vst v2  }
0x343: {  	[tilespmem:$0x1C390] =	vst v2  }
0x344: {  	[tilespmem:$0x1C3A0] =	vst v2  }
0x345: {  	[tilespmem:$0x1C3B0] =	vst v2  }
0x346: {  	[tilespmem:$0x1C3C0] =	vst v2  }
0x347: {  	[tilespmem:$0x1C3D0] =	vst v2  }
0x348: {  	[tilespmem:$0x1C3E0] =	vst v2  }
0x349: {  	[tilespmem:$0x1C3F0] =	vst v2  }
0x34a: {  	[tilespmem:$0x1C400] =	vst v2  }
0x34b: {  	[tilespmem:$0x1C410] =	vst v2  }
0x34c: {  	[tilespmem:$0x1C420] =	vst v2  }
0x34d: {  	[tilespmem:$0x1C430] =	vst v2  }
0x34e: {  	[tilespmem:$0x1C440] =	vst v2  }
0x34f: {  	[tilespmem:$0x1C450] =	vst v2  }
0x350: {  	[tilespmem:$0x1C460] =	vst v2  }
0x351: {  	[tilespmem:$0x1C470] =	vst v2  }
0x352: {  	[tilespmem:$0x1C480] =	vst v2  }
0x353: {  	[tilespmem:$0x1C490] =	vst v2  }
0x354: {  	[tilespmem:$0x1C4A0] =	vst v2  }
0x355: {  	[tilespmem:$0x1C4B0] =	vst v2  }
0x356: {  	[tilespmem:$0x1C4C0] =	vst v2  }
0x357: {  	[tilespmem:$0x1C4D0] =	vst v2;
	s0 =	sadd.s32 $0x7F, s28  }
0x358: {  	[tilespmem:$0x1C4E0] =	vst v2;
	s1 =	sand.u32 $0x7F, s0  }
0x359: {  	s2 =	sshra.s32 s0, $0x1F;
	[tilespmem:$0x1C500] =	vst v2;
	p1 =	sne.s32 s1, $0x0;
	p0 =	slt.s32 s26, $0xFFFFFF82  }
0x35a: {  	[tilespmem:$0x1C510] =	vst v2;
	s31 =	sshrl.u32 s2, $0x19;
	p0 =	por !p0, !p1  }
0x35b: {  	s2 =	simm.s32 $0x1;
	[tilespmem:$0x1C520] =	vst v2;
	p0 =	por !p0, !p0;
	s0 =	sadd.s32 s31, s0  }
0x35c: {  	[tilespmem:$0x1C550] =	vst v2;
	s2 =	simm.s32 @!p0 $0x0;
	s0 =	sshra.s32 s0, $0x7  }
0x35d: {  	[tilespmem:$0x1C530] =	vst v2;
	s0 =	ssub.s32 s0, s2  }
0x35e: {  	[tilespmem:$0x1C540] =	vst v2;
	p0 =	sgt.s32 s0, $0x4F  }
.Ltmp8:
0x35f: {  	[tilespmem:$0x1C110] =	vst v2;
	(pc) =	sbr.rel @p0 .LBB2_14-.Ltmp8, $4  }
0x360: {  	[tilespmem:$0x1C560] =	vst v2  }
0x361: {  	[tilespmem:$0x1C570] =	vst v2  }
0x362: {  	[tilespmem:$0x1C100] =	vst v2  }
0x363: {  	[tilespmem:$0x1C0F0] =	vst v2  }
0x364: {  	s31 =	ssub.s32 $0x50, s0  }
0x365: {  	s1 =	sshll.u32 s0, $0x7;
	p0 =	sne.s32 s31, $0x1  }
.Ltmp9:
0x366: {  	s1 =	sadd.s32 s1, s13;
	(pc) =	sbr.rel @!p0 .LBB2_13-.Ltmp9, $4  }
0x367: {  	s2 =	sand.u32 $0x1FFFFF80, s1  }
0x368: {  	s2 =	sadd.s32 s9, s2  }
0x369: {  	[hbm4b:s2+s20] =	stream.strided.scatter [tilespmem:s22], [sflag:$0x1], $0x1800, s21, s20, $0x38;
	[tilespmem:$0x1C980] =	vst v63  }
0x36a: {  	s0 =	sadd.s32 $0xFFFFFFFF, s31;
	s1 =	sadd.s32 $0x80, s1;
	_ =	swait.ge [sflag:s14], $0x1800  }
.LBB2_12:
0x36b: {  	s2 =	sand.u32 $0x1FFFFF80, s1;
	[sflag:s14] =	ssyncset.done $0x0;
	p0 =	sne.s32 s0, $0x1  }
.Ltmp10:
0x36c: {  	s2 =	sadd.s32 s9, s2;
	[sflag:s14] =	ssyncadd.s32 $0xFFFFE800;
	(pc) =	sbr.rel @p0 .LBB2_12-.Ltmp10, $3  }
0x36d: {  	[hbm4b:s2+s20] =	stream.strided.scatter [tilespmem:s22], [sflag:$0x1], $0x1800, s21, s20, $0x38;
	[tilespmem:$0x1C980] =	vst v63  }
0x36e: {  	s0 =	sadd.s32 $0xFFFFFFFF, s0;
	_ =	sdelay $0x1  }
0x36f: {  	s1 =	sadd.s32 $0x80, s1;
	_ =	swait.ge [sflag:s14], $0x1800  }
.Ltmp11:
0x370: {  	_ = 	snop;
	(pc) =	sbr.rel .LBB2_13-.Ltmp11, $1  }
0x371: {  	_ =	sdelay $0x3  }
.LBB2_15:
0x372: {  	_ =	sfence.sel $0x180000  }
0x373: {  	[bflag:$0x0] =	sbarrier.arrive $0xFFFF  }
0x374: {  	_ =	strace $0x90000047  }
0x375: {  	s0 =	stileid.u32;
	[bflag:$0x2] =	sbarrier.arrive $0xFFFF  }
0x376: {  	p0 =	sne.s32 s0, $0x0;
	s0 =	rddreg [dreg:$0x5]  }
0x377: {  	s0 =	sadd.s32 @!p0 $0x100000, s0  }
0x378: {  	[sflag:s0] =	ssyncadd.tile.s32 @!p0 $0x1;
	_ =	shalt  }
.Lfunc_end2:
_tile_overlayer_lowered:
.L_overlay_start_2:
0x379: {  	(tag) =	ssettag $0x2  }
0x37a: {  	s0 =	rddreg [dreg:$0x0];
	s2 =	stileid.u32  }
0x37b: {  	s1 =	rddreg [dreg:$0x1];
	p0 =	sne.s32 s2, $0x0  }
0x37c: {  	s3 =	rddreg [dreg:$0x2];
	[bflag:$0x3] =	sbarrier.arrive $0xFFFF;
	s2 =	simm.s32 @!p0 $0x1C01  }
0x37d: {  	[timem:s3], [sflag:s2] =	dma.local @!p0 [hbm:s0], s1  }
0x37e: {  	s0 =	simm.s32 @!p0 $0x1  }
0x37f: {  	_ =	swait.ge @!p0 [sflag:s0], s1  }
0x380: {  	s1 =	ssub.s32 @!p0 $0x0, s1;
	[sflag:s0] =	ssyncset.done @!p0 $0x0  }
0x381: {  	[sflag:s0] =	ssyncadd.s32 @!p0 s1  }
0x382: {  	[bflag:$0x3] =	sbarrier.arrive $0xFFFF  }
0x383: {  	_ =	shalt  }

</sc_bundles>
